<compile_context>
chip_gen: v7x
topology: tpu7x:2x2x1
jax: 0.10.2.dev20260603
libtpu: 0.0.44.dev20260713+nightly
codegen_flags: <defaults>
</compile_context>

<pallas_src>
import functools

import jax
import jax.numpy as jnp
from jax import lax
from jax.experimental import pallas as pl
from jax.experimental.pallas import tpu as pltpu
from jax.experimental.pallas import tpu_sc as plsc

_NCELLS = 50000
_NNETS = 10000
_DEG = 16
_EPINS = _NNETS * _DEG
_HID = 128
_HEADS = 4
_HD = _HID // _HEADS


def _sc_gather(table, idx):
    info = plsc.get_sparse_core_info()
    nc, ns = info.num_cores, info.num_subcores
    nw = nc * ns
    b, = idx.shape
    v, d = table.shape
    assert b % (8 * nw) == 0
    bpw = b // nw
    chunk = max(c for c in (bpw, 1000, 800, 512, 400, 256, 200, 128, 64, 40, 8)
                if bpw % c == 0 and c % 8 == 0 and c * (d + 1) <= 130000)
    nchunk = bpw // chunk

    mesh = plsc.VectorSubcoreMesh(core_axis_name="c", subcore_axis_name="s")

    @functools.partial(
        pl.kernel,
        mesh=mesh,
        out_type=jax.ShapeDtypeStruct((b, d), jnp.float32),
        scratch_types=[
            pltpu.VMEM((chunk,), jnp.int32),
            pltpu.VMEM((chunk, d), jnp.float32),
            pltpu.SemaphoreType.DMA,
        ],
    )
    def k(table_hbm, idx_hbm, out_hbm, idx_v, rows_v, sem):
        wid = lax.axis_index("s") * nc + lax.axis_index("c")
        base = wid * bpw
        for i in range(nchunk):
            off = base + i * chunk
            pltpu.sync_copy(idx_hbm.at[pl.ds(off, chunk)], idx_v)
            pltpu.async_copy(table_hbm.at[idx_v], rows_v, sem).wait()
            pltpu.sync_copy(rows_v, out_hbm.at[pl.ds(off, chunk)])

    return k(table, idx)


def _enc_kernel(x_ref, w_ref, b_ref, o_ref):
    o_ref[...] = jnp.tanh(
        jnp.dot(x_ref[...], w_ref[...], preferred_element_type=jnp.float32)
        + b_ref[...]
    )


def _encode(x, w, bias, bx):
    n, _ = x.shape
    h = w.shape[1]
    return pl.pallas_call(
        _enc_kernel,
        grid=(n // bx,),
        in_specs=[
            pl.BlockSpec((bx, x.shape[1]), lambda i: (i, 0)),
            pl.BlockSpec(w.shape, lambda i: (0, 0)),
            pl.BlockSpec((1, h), lambda i: (0, 0)),
        ],
        out_specs=pl.BlockSpec((bx, h), lambda i: (i, 0)),
        out_shape=jax.ShapeDtypeStruct((n, h), jnp.float32),
    )(x, w, bias.reshape(1, h))


def _table_kernel(hc_ref, cs_ref, w_ref, o_ref):
    t = jnp.dot(hc_ref[...], w_ref[...], preferred_element_type=jnp.float32)
    bx = t.shape[0]
    o_ref[...] = jnp.concatenate(
        [t[:, :4], cs_ref[...], jnp.zeros((bx, 122), jnp.float32)], axis=1
    )


def _cell_table(hc, cell_size, w8):
    bx = 1000
    return pl.pallas_call(
        _table_kernel,
        grid=(_NCELLS // bx,),
        in_specs=[
            pl.BlockSpec((bx, _HID), lambda i: (i, 0)),
            pl.BlockSpec((bx, 2), lambda i: (i, 0)),
            pl.BlockSpec((_HID, 8), lambda i: (0, 0)),
        ],
        out_specs=pl.BlockSpec((bx, _HID), lambda i: (i, 0)),
        out_shape=jax.ShapeDtypeStruct((_NCELLS, _HID), jnp.float32),
    )(hc, cell_size, w8)


def _msg_kernel(hn_ref, hp_ref, wew_ref, bew_ref, o_ref):
    ew = jnp.tanh(
        jnp.sum(hp_ref[...] * wew_ref[...], axis=1, keepdims=True)
        + bew_ref[0, 0])
    rows = lax.broadcasted_iota(jnp.int32, (3200, 200), 0) // _DEG
    cols = lax.broadcasted_iota(jnp.int32, (3200, 200), 1)
    rep = (rows == cols).astype(jnp.float32)
    o_ref[...] = jnp.dot(rep, hn_ref[...],
                         preferred_element_type=jnp.float32) * ew


def _messages(hn, hp, wew_t, bew):
    bx, bn = 3200, 200
    return pl.pallas_call(
        _msg_kernel,
        grid=(_EPINS // bx,),
        in_specs=[
            pl.BlockSpec((bn, _HID), lambda i: (i, 0)),
            pl.BlockSpec((bx, 16), lambda i: (i, 0)),
            pl.BlockSpec((1, 16), lambda i: (0, 0)),
            pl.BlockSpec((1, 1), lambda i: (0, 0)),
        ],
        out_specs=pl.BlockSpec((bx, _HID), lambda i: (i, 0)),
        out_shape=jax.ShapeDtypeStruct((_EPINS, _HID), jnp.float32),
    )(hn, hp, wew_t, bew.reshape(1, 1))


def _attn_kernel(hcg_ref, hp_ref, wqc_ref, wqp_ref, bq_ref, wkc_ref, wkp_ref,
                 bk_ref, wvc_ref, wvp_ref, bv_ref, o_ref):
    hcg = hcg_ref[...]
    hp = hp_ref[...]
    q = (jnp.dot(hcg, wqc_ref[...], preferred_element_type=jnp.float32)
         + jnp.dot(hp, wqp_ref[...], preferred_element_type=jnp.float32)
         + bq_ref[...])
    k = (jnp.dot(hcg, wkc_ref[...], preferred_element_type=jnp.float32)
         + jnp.dot(hp, wkp_ref[...], preferred_element_type=jnp.float32)
         + bk_ref[...])
    v = (jnp.dot(hcg, wvc_ref[...], preferred_element_type=jnp.float32)
         + jnp.dot(hp, wvp_ref[...], preferred_element_type=jnp.float32)
         + bv_ref[...])
    rows = lax.broadcasted_iota(jnp.int32, (128, 128), 0) // _DEG
    cols = lax.broadcasted_iota(jnp.int32, (128, 128), 1) // _DEG
    mask = rows == cols
    outs = []
    scale = _HD ** -0.5
    for h in range(_HEADS):
        qh = q[:, h * _HD:(h + 1) * _HD] * scale
        kh = k[:, h * _HD:(h + 1) * _HD]
        vh = v[:, h * _HD:(h + 1) * _HD]
        s = lax.dot_general(qh, kh, (((1,), (1,)), ((), ())),
                            preferred_element_type=jnp.float32)
        s = jnp.where(mask, s, -1e30)
        m = jnp.max(s, axis=1, keepdims=True)
        e = jnp.exp(s - m)
        e = jnp.where(mask, e, 0.0)
        a = e / jnp.sum(e, axis=1, keepdims=True)
        outs.append(jnp.dot(a, vh, preferred_element_type=jnp.float32))
    attn = jnp.concatenate(outs, axis=1)
    o_ref[...] = jnp.mean(attn.reshape(8, _DEG, _HID), axis=1)


def _attention(hcg, hp, wqc, wqp, bq, wkc, wkp, bk, wvc, wvp, bv):
    nb = 8
    grid = _NNETS // nb
    wfull = lambda s: pl.BlockSpec(s, lambda i: (0, 0))
    return pl.pallas_call(
        _attn_kernel,
        grid=(grid,),
        in_specs=[
            pl.BlockSpec((nb * _DEG, _HID), lambda i: (i, 0)),
            pl.BlockSpec((nb * _DEG, 16), lambda i: (i, 0)),
            wfull((_HID, _HID)), wfull((16, _HID)), wfull((1, _HID)),
            wfull((_HID, _HID)), wfull((16, _HID)), wfull((1, _HID)),
            wfull((_HID, _HID)), wfull((16, _HID)), wfull((1, _HID)),
        ],
        out_specs=pl.BlockSpec((nb, _HID), lambda i: (i, 0)),
        out_shape=jax.ShapeDtypeStruct((_NNETS, _HID), jnp.float32),
    )(hcg, hp, wqc, wqp, bq, wkc, wkp, bk, wvc, wvp, bv)


_CB = 400
_CK = 512


def _scatter_kernel(salign_ref, nchunk_ref, msg_ref, src_ref,
                    hc_ref, wself_ref, wneigh_ref, bs_ref,
                    o_ref, msg_v, src_v, acc_v, s1, s3):
    b = pl.program_id(0)
    acc_v[...] = jnp.zeros((_CB, 136), jnp.float32)
    base_cell = b * _CB
    start = salign_ref[b]
    nch = nchunk_ref[b]

    def body(i, _):
        off = start + i * _CK
        c1 = pltpu.make_async_copy(msg_ref.at[pl.ds(off, _CK)], msg_v, s1)
        c3 = pltpu.make_async_copy(src_ref.at[pl.ds(off, _CK)], src_v, s3)
        c1.start(); c3.start()
        c1.wait(); c3.wait()
        msg = jnp.concatenate(
            [msg_v[...], jnp.ones((_CK, 8), jnp.float32)], axis=1)
        local = src_v[...] - base_cell
        onehot = (local == lax.broadcasted_iota(jnp.int32, (1, _CB), 1)
                  ).astype(jnp.float32)
        acc_v[...] += lax.dot_general(
            onehot, msg, (((0,), (0,)), ((), ())),
            preferred_element_type=jnp.float32)
        return 0

    lax.fori_loop(0, nch, body, 0)
    agg = acc_v[:, :_HID]
    indeg = jnp.clip(acc_v[:, _HID:_HID + 1], 1.0, None)
    o_ref[...] = (
        jnp.dot(hc_ref[...], wself_ref[...], preferred_element_type=jnp.float32)
        + jnp.dot(agg / indeg, wneigh_ref[...],
                  preferred_element_type=jnp.float32)
        + bs_ref[...]
    )


def _sage_update(salign, nchunks, msg_s, src_s, hc, wself, wneigh, bsage):
    grid = _NCELLS // _CB
    wfull = lambda s: pl.BlockSpec(s, lambda b, *_: (0, 0))
    anyspec = pl.BlockSpec(memory_space=pl.ANY)
    return pl.pallas_call(
        _scatter_kernel,
        grid_spec=pltpu.PrefetchScalarGridSpec(
            num_scalar_prefetch=2,
            grid=(grid,),
            in_specs=[
                anyspec, anyspec,
                pl.BlockSpec((_CB, _HID), lambda b, *_: (b, 0)),
                wfull((_HID, _HID)), wfull((_HID, _HID)), wfull((1, _HID)),
            ],
            out_specs=pl.BlockSpec((_CB, _HID), lambda b, *_: (b, 0)),
            scratch_shapes=[
                pltpu.VMEM((_CK, _HID), jnp.float32),
                pltpu.VMEM((_CK, 1), jnp.int32),
                pltpu.VMEM((_CB, 136), jnp.float32),
                pltpu.SemaphoreType.DMA,
                pltpu.SemaphoreType.DMA,
            ],
        ),
        out_shape=jax.ShapeDtypeStruct((_NCELLS, _HID), jnp.float32),
    )(salign, nchunks, msg_s, src_s, hc, wself, wneigh,
      bsage.reshape(1, _HID))


def _readout_kernel(ts_ref, td_ref, bdis_ref, bang_ref, o_ref):
    ts = ts_ref[...]
    td = td_ref[...]
    dis_lin = ts[:, 0:1] + td[:, 1:2] + bdis_ref[0, 0]
    edis = jnp.exp(-2.0 + 15.0 * jnp.tanh(dis_lin))
    ang = jnp.tanh(ts[:, 2:3] + td[:, 3:4] + bang_ref[0, 0]) * 4.0
    b0 = (ts[:, 4:5] + td[:, 4:5]) * 0.5
    b1 = (ts[:, 5:6] + td[:, 5:6]) * 0.5
    pi = 3.14159265358979323846
    tmp = jnp.minimum(jnp.abs(b0 / (jnp.cos(ang * pi) + 1e-4)),
                      jnp.abs(b1 / (jnp.sin(ang * pi) + 1e-4)))
    bx = ts.shape[0]
    o_ref[...] = jnp.concatenate(
        [edis + tmp, ang, jnp.zeros((bx, 14), jnp.float32)], axis=1)


def _readout(ts, td, bdis, bang):
    n = ts.shape[0]
    bx = 1024
    return pl.pallas_call(
        _readout_kernel,
        grid=(n // bx,),
        in_specs=[
            pl.BlockSpec((bx, _HID), lambda i: (i, 0)),
            pl.BlockSpec((bx, _HID), lambda i: (i, 0)),
            pl.BlockSpec((1, 1), lambda i: (0, 0)),
            pl.BlockSpec((1, 1), lambda i: (0, 0)),
        ],
        out_specs=pl.BlockSpec((bx, 16), lambda i: (i, 0)),
        out_shape=jax.ShapeDtypeStruct((n, 16), jnp.float32),
    )(ts, td, bdis.reshape(1, 1), bang.reshape(1, 1))


@jax.jit
def kernel(cell_feat, net_feat, pin_feat, cell_size, Wc, bc, Wn, bn, Wp, bp,
           Wew, bew, Wq, bq, Wk, bk, Wv, bv, Wself, Wneigh, bsage, Wdis, bdis,
           Wang, bang, pins_src, pins_dst, pt_src, pt_dst):
    pins_src = pins_src.astype(jnp.int32)

    perm = jnp.argsort(pins_src)
    src_s = pins_src[perm]
    cell_edges = jnp.arange(0, _NCELLS + _CB, _CB, dtype=jnp.int32)
    bounds = jnp.searchsorted(src_s, cell_edges).astype(jnp.int32)
    salign = (bounds[:-1] // 8) * 8
    nchunks = (bounds[1:] - salign + _CK - 1) // _CK
    pad = jnp.full((_CK + 8,), 2 ** 30, jnp.int32)
    src_pad = jnp.concatenate([src_s, pad]).reshape(-1, 1)

    hc = _encode(cell_feat, Wc, bc, 1000)
    hp = _encode(pin_feat, Wp, bp, 2000)
    perm32 = perm.astype(jnp.int32)

    for l in range(2):
        wqc, wqp = Wq[l][:_HID], Wq[l][_HID:]
        wkc, wkp = Wk[l][:_HID], Wk[l][_HID:]
        wvc, wvp = Wv[l][:_HID], Wv[l][_HID:]
        hcg = _sc_gather(hc, pins_src)
        hn = _attention(hcg, hp, wqc, wqp, bq[l].reshape(1, _HID),
                        wkc, wkp, bk[l].reshape(1, _HID),
                        wvc, wvp, bv[l].reshape(1, _HID))
        msg = _messages(hn, hp, Wew.reshape(1, 16), bew)
        msg_s = _sc_gather(msg, perm32)
        msg_pad = jnp.concatenate(
            [msg_s, jnp.zeros((_CK + 8, _HID), jnp.float32)], axis=0)
        hc = _sage_update(salign, nchunks, msg_pad, src_pad, hc,
                          Wself[l], Wneigh[l], bsage[l])

    w8 = jnp.concatenate(
        [Wdis[:_HID], Wdis[_HID:], Wang[:_HID], Wang[_HID:],
         jnp.zeros((_HID, 4), jnp.float32)], axis=1)
    tab = _cell_table(hc, cell_size, w8)
    npad = 204800
    pts = jnp.concatenate(
        [pt_src.astype(jnp.int32),
         jnp.zeros((npad - pt_src.shape[0],), jnp.int32)])
    ptd = jnp.concatenate(
        [pt_dst.astype(jnp.int32),
         jnp.zeros((npad - pt_dst.shape[0],), jnp.int32)])
    ts = _sc_gather(tab, pts)
    td = _sc_gather(tab, ptd)
    out = _readout(ts, td, bdis, bang)
    n = pt_src.shape[0]
    return out[:n, 0], out[:n, 1]

# --- scband reference (transcript-rebuilt; emitter-appended) ---
"""Pipeline reference for scband-place-gnn-56959856280353 (READ-ONLY COPY).

The authoritative reference and input builder live on the scoring server;
editing this copy changes nothing except your own understanding.
"""

import jax, jax.numpy as jnp
import numpy as np

N_CELLS = 50000
N_NETS = 10000
DEG = 16
E_PINS = N_NETS * DEG
E_PT = 200000
RAW_C = 16
RAW_N = 16
RAW_P = 8
HID = 128
HID_P = 16
HEADS = 4
HD = HID // HEADS
LAYERS = 2


def _nrm(k, shape):
    return jax.random.normal(k, shape, jnp.float32) * 0.05


def setup_inputs() -> dict:
    kit = iter(jax.random.split(jax.random.key(0), 64))
    d = {}
    d['cell_feat'] = jax.random.normal(next(kit), (N_CELLS, RAW_C), jnp.float32)
    d['net_feat'] = jax.random.normal(next(kit), (N_NETS, RAW_N), jnp.float32)
    d['pin_feat'] = jax.random.normal(next(kit), (E_PINS, RAW_P), jnp.float32)
    d['cell_size'] = jax.random.uniform(next(kit), (N_CELLS, 2), jnp.float32) * 4.0 + 0.5
    d['Wc'] = _nrm(next(kit), (RAW_C, HID)); d['bc'] = jnp.zeros((HID,), jnp.float32)
    d['Wn'] = _nrm(next(kit), (RAW_N, HID)); d['bn'] = jnp.zeros((HID,), jnp.float32)
    d['Wp'] = _nrm(next(kit), (RAW_P, HID_P)); d['bp'] = jnp.zeros((HID_P,), jnp.float32)
    d['Wew'] = _nrm(next(kit), (HID_P, 1)); d['bew'] = jnp.zeros((1,), jnp.float32)
    d['Wq'] = _nrm(next(kit), (LAYERS, HID + HID_P, HID)); d['bq'] = jnp.zeros((LAYERS, HID), jnp.float32)
    d['Wk'] = _nrm(next(kit), (LAYERS, HID + HID_P, HID)); d['bk'] = jnp.zeros((LAYERS, HID), jnp.float32)
    d['Wv'] = _nrm(next(kit), (LAYERS, HID + HID_P, HID)); d['bv'] = jnp.zeros((LAYERS, HID), jnp.float32)
    d['Wself'] = _nrm(next(kit), (LAYERS, HID, HID))
    d['Wneigh'] = _nrm(next(kit), (LAYERS, HID, HID))
    d['bsage'] = jnp.zeros((LAYERS, HID), jnp.float32)
    d['Wdis'] = _nrm(next(kit), (2 * HID, 1)); d['bdis'] = jnp.zeros((1,), jnp.float32)
    d['Wang'] = _nrm(next(kit), (2 * HID, 1)); d['bang'] = jnp.zeros((1,), jnp.float32)
    d['pins_src'] = jax.random.randint(next(kit), (E_PINS,), 0, N_CELLS)
    d['pins_dst'] = jnp.repeat(jnp.arange(N_NETS), DEG)
    d['pt_src'] = jax.random.randint(next(kit), (E_PT,), 0, N_CELLS)
    d['pt_dst'] = jax.random.randint(next(kit), (E_PT,), 0, N_CELLS)
    return d


def _fwd(cell_feat, net_feat, pin_feat, cell_size, Wc, bc, Wn, bn, Wp, bp, Wew, bew,
         Wq, bq, Wk, bk, Wv, bv, Wself, Wneigh, bsage, Wdis, bdis, Wang, bang,
         pins_src, pins_dst, pt_src, pt_dst):
    hc = jnp.tanh(cell_feat @ Wc + bc)
    hn = jnp.tanh(net_feat @ Wn + bn)
    hp = jnp.tanh(pin_feat @ Wp + bp)
    ew = jnp.tanh(hp @ Wew + bew)  # [E_PINS, 1]
    indeg = jnp.clip(jax.ops.segment_sum(jnp.ones((E_PINS,), jnp.float32), pins_src, num_segments=N_CELLS), 1.0, None)
    for l in range(LAYERS):
        # 'pins' etype: HyperEdgeConv (cell -> net), per-net multi-head attention over incident pins
        e_data = jnp.concatenate([hc[pins_src], hp], axis=1)  # edge_update_func concat
        q = e_data @ Wq[l] + bq[l]
        k = e_data @ Wk[l] + bk[l]
        v = e_data @ Wv[l] + bv[l]
        qh = q.reshape(N_NETS, DEG, HEADS, HD).transpose(0, 2, 1, 3) * (HD ** -0.5)
        kh = k.reshape(N_NETS, DEG, HEADS, HD).transpose(0, 2, 3, 1)
        vh = v.reshape(N_NETS, DEG, HEADS, HD).transpose(0, 2, 1, 3)
        aw = jax.nn.softmax(qh @ kh, axis=-1)  # dropout = identity (eval mode)
        attn = (aw @ vh).transpose(0, 2, 1, 3).reshape(N_NETS, DEG, HID)
        hn = attn.mean(axis=1)  # [N_NETS, HID]
        # 'pinned' etype: SAGEConv mean (net -> cell) with tanh edge weights
        msg = hn[pins_dst] * ew  # u_mul_e
        agg = jax.ops.segment_sum(msg, pins_src, num_segments=N_CELLS) / indeg[:, None]
        hc = hc @ Wself[l] + agg @ Wneigh[l] + bsage[l]
    # 'points-to' readout
    pair = jnp.concatenate([hc[pt_src], hc[pt_dst]], axis=-1)
    edge_dis_ = jnp.exp(-2.0 + 15.0 * jnp.tanh(pair @ Wdis + bdis)).reshape(-1)
    edge_angle = jnp.tanh(pair @ Wang + bang).reshape(-1) * 4.0
    bound = (cell_size[pt_src] + cell_size[pt_dst]) / 2.0
    eps = jnp.ones_like(edge_angle) * 1e-4
    tmp = jnp.minimum(jnp.abs(bound[:, 0] / (jnp.cos(edge_angle * np.pi) + eps)),
                      jnp.abs(bound[:, 1] / (jnp.sin(edge_angle * np.pi) + eps)))
    edge_dis = edge_dis_ + tmp
    return (edge_dis, edge_angle)


def reference(cell_feat, net_feat, pin_feat, cell_size, Wc, bc, Wn, bn, Wp, bp, Wew, bew,
              Wq, bq, Wk, bk, Wv, bv, Wself, Wneigh, bsage, Wdis, bdis, Wang, bang,
              pins_src, pins_dst, pt_src, pt_dst):
    return _fwd(cell_feat, net_feat, pin_feat, cell_size, Wc, bc, Wn, bn, Wp, bp, Wew, bew,
                Wq, bq, Wk, bk, Wv, bv, Wself, Wneigh, bsage, Wdis, bdis, Wang, bang,
                pins_src, pins_dst, pt_src, pt_dst)

if __name__ == "__main__":
    import jax
    _d = setup_inputs()
    print(jax.jit(kernel)(*tuple(_d.values())))

</pallas_src>

<mosaic_0001>
#map = affine_map<(d0, d1) -> (0, 0)>
#map1 = affine_map<(d0, d1) -> (0)>
module attributes {stable_mosaic.version = 14 : i64} {
  func.func @k(%arg0: i32, %arg1: i32, %arg2: memref<50000x128xf32, #tpu.memory_space<hbm>>, %arg3: memref<160000xi32, #tpu.memory_space<hbm>>, %arg4: memref<160000x128xf32, #tpu.memory_space<hbm>>, %arg5: memref<1000xi32, #tpu.memory_space<vmem>>, %arg6: memref<1000x128xf32, #tpu.memory_space<vmem>>, %arg7: memref<!tpu.dma_semaphore, #tpu.memory_space<semaphore_mem>>) attributes {dimension_semantics = [#tpu.dimension_semantics<core_parallel>, #tpu.dimension_semantics<subcore_parallel>], iteration_bounds = array<i64: 2, 16>, scalar_prefetch = 0 : i64, scratch_operands = 3 : i64, tpu.core_type = #tpu.core_type<sc_vector_subcore>, window_params = [{transform_indices = #map}, {transform_indices = #map1}, {transform_indices = #map}]} {
    %mul3A = arith.constant 2 : i32
    %mul3A_0 = arith.muli %arg1, %mul3A : i32
    %add3A = arith.addi %mul3A_0, %arg0 : i32
    %mul3A_1 = arith.constant 5000 : i32
    %mul3A_2 = arith.muli %add3A, %mul3A_1 : i32
    %add3A_3 = arith.constant 0 : i32
    %add3A_4 = arith.addi %mul3A_2, %add3A_3 : i32
    "tpu.region"() ({
      %run_scoped3A = tpu.sem_alloc : memref<!tpu.dma_semaphore, #tpu.memory_space<semaphore_mem>>
      %dma_start3A_41 = tpu.memref_slice %arg3[%add3A_4] : memref<160000xi32, #tpu.memory_space<hbm>> -> memref<1000xi32, #tpu.memory_space<hbm>>
      %dma_start3A_42 = tpu.memref_slice %arg3[%add3A_4] : memref<160000xi32, #tpu.memory_space<hbm>> -> memref<1000xi32, #tpu.memory_space<hbm>>
      tpu.enqueue_dma source(%dma_start3A_42 : memref<1000xi32, #tpu.memory_space<hbm>>) target(%arg5 : memref<1000xi32, #tpu.memory_space<vmem>>) target_semaphore(%run_scoped3A : memref<!tpu.dma_semaphore, #tpu.memory_space<semaphore_mem>>)
      %dma_wait3A_43 = tpu.memref_slice %arg3[%add3A_4] : memref<160000xi32, #tpu.memory_space<hbm>> -> memref<1000xi32, #tpu.memory_space<hbm>>
      %dma_wait3A_44 = tpu.memref_slice %arg3[%add3A_4] : memref<160000xi32, #tpu.memory_space<hbm>> -> memref<1000xi32, #tpu.memory_space<hbm>>
      tpu.wait_dma2 semaphore(%run_scoped3A : memref<!tpu.dma_semaphore, #tpu.memory_space<semaphore_mem>>) src(%dma_wait3A_44 : memref<1000xi32, #tpu.memory_space<hbm>>) dst(%arg5 : memref<1000xi32, #tpu.memory_space<vmem>>)
      tpu.yield
    }) : () -> ()
    %dma_start3A = arith.constant 0 : i32
    %dma_start3A_5 = arith.constant 0 : i32
    %dma_start3A_6 = tpu.memref_slice %arg2[%dma_start3A, %dma_start3A_5] : memref<50000x128xf32, #tpu.memory_space<hbm>> -> memref<50000x128xf32, #tpu.memory_space<hbm>>
    tpu.enqueue_indirect_dma source(%dma_start3A_6 : memref<50000x128xf32, #tpu.memory_space<hbm>>) target(%arg6 : memref<1000x128xf32, #tpu.memory_space<vmem>>) offsets(%arg5 : memref<1000xi32, #tpu.memory_space<vmem>>) semaphore(%arg7 : memref<!tpu.dma_semaphore, #tpu.memory_space<semaphore_mem>>)
    %dma_wait3A = arith.constant 0 : i32
    %dma_wait3A_7 = arith.constant 0 : i32
    %dma_wait3A_8 = tpu.memref_slice %arg2[%dma_wait3A, %dma_wait3A_7] : memref<50000x128xf32, #tpu.memory_space<hbm>> -> memref<50000x128xf32, #tpu.memory_space<hbm>>
    tpu.wait_indirect_dma semaphore(%arg7 : memref<!tpu.dma_semaphore, #tpu.memory_space<semaphore_mem>>) src(%dma_wait3A_8 : memref<50000x128xf32, #tpu.memory_space<hbm>>) dst(%arg6 : memref<1000x128xf32, #tpu.memory_space<vmem>>)
    "tpu.region"() ({
      %run_scoped3A = tpu.sem_alloc : memref<!tpu.dma_semaphore, #tpu.memory_space<semaphore_mem>>
      %dma_start3A_41 = arith.constant 0 : i32
      %dma_start3A_42 = tpu.memref_slice %arg4[%add3A_4, %dma_start3A_41] : memref<160000x128xf32, #tpu.memory_space<hbm>> -> memref<1000x128xf32, #tpu.memory_space<hbm>>
      %dma_start3A_43 = arith.constant 0 : i32
      %dma_start3A_44 = tpu.memref_slice %arg4[%add3A_4, %dma_start3A_43] : memref<160000x128xf32, #tpu.memory_space<hbm>> -> memref<1000x128xf32, #tpu.memory_space<hbm>>
      tpu.enqueue_dma source(%arg6 : memref<1000x128xf32, #tpu.memory_space<vmem>>) target(%dma_start3A_44 : memref<1000x128xf32, #tpu.memory_space<hbm>>) target_semaphore(%run_scoped3A : memref<!tpu.dma_semaphore, #tpu.memory_space<semaphore_mem>>)
      %dma_wait3A_45 = arith.constant 0 : i32
      %dma_wait3A_46 = tpu.memref_slice %arg4[%add3A_4, %dma_wait3A_45] : memref<160000x128xf32, #tpu.memory_space<hbm>> -> memref<1000x128xf32, #tpu.memory_space<hbm>>
      %dma_wait3A_47 = arith.constant 0 : i32
      %dma_wait3A_48 = tpu.memref_slice %arg4[%add3A_4, %dma_wait3A_47] : memref<160000x128xf32, #tpu.memory_space<hbm>> -> memref<1000x128xf32, #tpu.memory_space<hbm>>
      tpu.wait_dma2 semaphore(%run_scoped3A : memref<!tpu.dma_semaphore, #tpu.memory_space<semaphore_mem>>) src(%arg6 : memref<1000x128xf32, #tpu.memory_space<vmem>>) dst(%dma_wait3A_48 : memref<1000x128xf32, #tpu.memory_space<hbm>>)
      tpu.yield
    }) : () -> ()
    %add3A_9 = arith.constant 1000 : i32
    %add3A_10 = arith.addi %mul3A_2, %add3A_9 : i32
    "tpu.region"() ({
      %run_scoped3A = tpu.sem_alloc : memref<!tpu.dma_semaphore, #tpu.memory_space<semaphore_mem>>
      %dma_start3A_41 = tpu.memref_slice %arg3[%add3A_10] : memref<160000xi32, #tpu.memory_space<hbm>> -> memref<1000xi32, #tpu.memory_space<hbm>>
      %dma_start3A_42 = tpu.memref_slice %arg3[%add3A_10] : memref<160000xi32, #tpu.memory_space<hbm>> -> memref<1000xi32, #tpu.memory_space<hbm>>
      tpu.enqueue_dma source(%dma_start3A_42 : memref<1000xi32, #tpu.memory_space<hbm>>) target(%arg5 : memref<1000xi32, #tpu.memory_space<vmem>>) target_semaphore(%run_scoped3A : memref<!tpu.dma_semaphore, #tpu.memory_space<semaphore_mem>>)
      %dma_wait3A_43 = tpu.memref_slice %arg3[%add3A_10] : memref<160000xi32, #tpu.memory_space<hbm>> -> memref<1000xi32, #tpu.memory_space<hbm>>
      %dma_wait3A_44 = tpu.memref_slice %arg3[%add3A_10] : memref<160000xi32, #tpu.memory_space<hbm>> -> memref<1000xi32, #tpu.memory_space<hbm>>
      tpu.wait_dma2 semaphore(%run_scoped3A : memref<!tpu.dma_semaphore, #tpu.memory_space<semaphore_mem>>) src(%dma_wait3A_44 : memref<1000xi32, #tpu.memory_space<hbm>>) dst(%arg5 : memref<1000xi32, #tpu.memory_space<vmem>>)
      tpu.yield
    }) : () -> ()
    %dma_start3A_11 = arith.constant 0 : i32
    %dma_start3A_12 = arith.constant 0 : i32
    %dma_start3A_13 = tpu.memref_slice %arg2[%dma_start3A_11, %dma_start3A_12] : memref<50000x128xf32, #tpu.memory_space<hbm>> -> memref<50000x128xf32, #tpu.memory_space<hbm>>
    tpu.enqueue_indirect_dma source(%dma_start3A_13 : memref<50000x128xf32, #tpu.memory_space<hbm>>) target(%arg6 : memref<1000x128xf32, #tpu.memory_space<vmem>>) offsets(%arg5 : memref<1000xi32, #tpu.memory_space<vmem>>) semaphore(%arg7 : memref<!tpu.dma_semaphore, #tpu.memory_space<semaphore_mem>>)
    %dma_wait3A_14 = arith.constant 0 : i32
    %dma_wait3A_15 = arith.constant 0 : i32
    %dma_wait3A_16 = tpu.memref_slice %arg2[%dma_wait3A_14, %dma_wait3A_15] : memref<50000x128xf32, #tpu.memory_space<hbm>> -> memref<50000x128xf32, #tpu.memory_space<hbm>>
    tpu.wait_indirect_dma semaphore(%arg7 : memref<!tpu.dma_semaphore, #tpu.memory_space<semaphore_mem>>) src(%dma_wait3A_16 : memref<50000x128xf32, #tpu.memory_space<hbm>>) dst(%arg6 : memref<1000x128xf32, #tpu.memory_space<vmem>>)
    "tpu.region"() ({
      %run_scoped3A = tpu.sem_alloc : memref<!tpu.dma_semaphore, #tpu.memory_space<semaphore_mem>>
      %dma_start3A_41 = arith.constant 0 : i32
      %dma_start3A_42 = tpu.memref_slice %arg4[%add3A_10, %dma_start3A_41] : memref<160000x128xf32, #tpu.memory_space<hbm>> -> memref<1000x128xf32, #tpu.memory_space<hbm>>
      %dma_start3A_43 = arith.constant 0 : i32
      %dma_start3A_44 = tpu.memref_slice %arg4[%add3A_10, %dma_start3A_43] : memref<160000x128xf32, #tpu.memory_space<hbm>> -> memref<1000x128xf32, #tpu.memory_space<hbm>>
      tpu.enqueue_dma source(%arg6 : memref<1000x128xf32, #tpu.memory_space<vmem>>) target(%dma_start3A_44 : memref<1000x128xf32, #tpu.memory_space<hbm>>) target_semaphore(%run_scoped3A : memref<!tpu.dma_semaphore, #tpu.memory_space<semaphore_mem>>)
      %dma_wait3A_45 = arith.constant 0 : i32
      %dma_wait3A_46 = tpu.memref_slice %arg4[%add3A_10, %dma_wait3A_45] : memref<160000x128xf32, #tpu.memory_space<hbm>> -> memref<1000x128xf32, #tpu.memory_space<hbm>>
      %dma_wait3A_47 = arith.constant 0 : i32
      %dma_wait3A_48 = tpu.memref_slice %arg4[%add3A_10, %dma_wait3A_47] : memref<160000x128xf32, #tpu.memory_space<hbm>> -> memref<1000x128xf32, #tpu.memory_space<hbm>>
      tpu.wait_dma2 semaphore(%run_scoped3A : memref<!tpu.dma_semaphore, #tpu.memory_space<semaphore_mem>>) src(%arg6 : memref<1000x128xf32, #tpu.memory_space<vmem>>) dst(%dma_wait3A_48 : memref<1000x128xf32, #tpu.memory_space<hbm>>)
      tpu.yield
    }) : () -> ()
    %add3A_17 = arith.constant 2000 : i32
    %add3A_18 = arith.addi %mul3A_2, %add3A_17 : i32
    "tpu.region"() ({
      %run_scoped3A = tpu.sem_alloc : memref<!tpu.dma_semaphore, #tpu.memory_space<semaphore_mem>>
      %dma_start3A_41 = tpu.memref_slice %arg3[%add3A_18] : memref<160000xi32, #tpu.memory_space<hbm>> -> memref<1000xi32, #tpu.memory_space<hbm>>
      %dma_start3A_42 = tpu.memref_slice %arg3[%add3A_18] : memref<160000xi32, #tpu.memory_space<hbm>> -> memref<1000xi32, #tpu.memory_space<hbm>>
      tpu.enqueue_dma source(%dma_start3A_42 : memref<1000xi32, #tpu.memory_space<hbm>>) target(%arg5 : memref<1000xi32, #tpu.memory_space<vmem>>) target_semaphore(%run_scoped3A : memref<!tpu.dma_semaphore, #tpu.memory_space<semaphore_mem>>)
      %dma_wait3A_43 = tpu.memref_slice %arg3[%add3A_18] : memref<160000xi32, #tpu.memory_space<hbm>> -> memref<1000xi32, #tpu.memory_space<hbm>>
      %dma_wait3A_44 = tpu.memref_slice %arg3[%add3A_18] : memref<160000xi32, #tpu.memory_space<hbm>> -> memref<1000xi32, #tpu.memory_space<hbm>>
      tpu.wait_dma2 semaphore(%run_scoped3A : memref<!tpu.dma_semaphore, #tpu.memory_space<semaphore_mem>>) src(%dma_wait3A_44 : memref<1000xi32, #tpu.memory_space<hbm>>) dst(%arg5 : memref<1000xi32, #tpu.memory_space<vmem>>)
      tpu.yield
    }) : () -> ()
    %dma_start3A_19 = arith.constant 0 : i32
    %dma_start3A_20 = arith.constant 0 : i32
    %dma_start3A_21 = tpu.memref_slice %arg2[%dma_start3A_19, %dma_start3A_20] : memref<50000x128xf32, #tpu.memory_space<hbm>> -> memref<50000x128xf32, #tpu.memory_space<hbm>>
    tpu.enqueue_indirect_dma source(%dma_start3A_21 : memref<50000x128xf32, #tpu.memory_space<hbm>>) target(%arg6 : memref<1000x128xf32, #tpu.memory_space<vmem>>) offsets(%arg5 : memref<1000xi32, #tpu.memory_space<vmem>>) semaphore(%arg7 : memref<!tpu.dma_semaphore, #tpu.memory_space<semaphore_mem>>)
    %dma_wait3A_22 = arith.constant 0 : i32
    %dma_wait3A_23 = arith.constant 0 : i32
    %dma_wait3A_24 = tpu.memref_slice %arg2[%dma_wait3A_22, %dma_wait3A_23] : memref<50000x128xf32, #tpu.memory_space<hbm>> -> memref<50000x128xf32, #tpu.memory_space<hbm>>
    tpu.wait_indirect_dma semaphore(%arg7 : memref<!tpu.dma_semaphore, #tpu.memory_space<semaphore_mem>>) src(%dma_wait3A_24 : memref<50000x128xf32, #tpu.memory_space<hbm>>) dst(%arg6 : memref<1000x128xf32, #tpu.memory_space<vmem>>)
    "tpu.region"() ({
      %run_scoped3A = tpu.sem_alloc : memref<!tpu.dma_semaphore, #tpu.memory_space<semaphore_mem>>
      %dma_start3A_41 = arith.constant 0 : i32
      %dma_start3A_42 = tpu.memref_slice %arg4[%add3A_18, %dma_start3A_41] : memref<160000x128xf32, #tpu.memory_space<hbm>> -> memref<1000x128xf32, #tpu.memory_space<hbm>>
      %dma_start3A_43 = arith.constant 0 : i32
      %dma_start3A_44 = tpu.memref_slice %arg4[%add3A_18, %dma_start3A_43] : memref<160000x128xf32, #tpu.memory_space<hbm>> -> memref<1000x128xf32, #tpu.memory_space<hbm>>
      tpu.enqueue_dma source(%arg6 : memref<1000x128xf32, #tpu.memory_space<vmem>>) target(%dma_start3A_44 : memref<1000x128xf32, #tpu.memory_space<hbm>>) target_semaphore(%run_scoped3A : memref<!tpu.dma_semaphore, #tpu.memory_space<semaphore_mem>>)
      %dma_wait3A_45 = arith.constant 0 : i32
      %dma_wait3A_46 = tpu.memref_slice %arg4[%add3A_18, %dma_wait3A_45] : memref<160000x128xf32, #tpu.memory_space<hbm>> -> memref<1000x128xf32, #tpu.memory_space<hbm>>
      %dma_wait3A_47 = arith.constant 0 : i32
      %dma_wait3A_48 = tpu.memref_slice %arg4[%add3A_18, %dma_wait3A_47] : memref<160000x128xf32, #tpu.memory_space<hbm>> -> memref<1000x128xf32, #tpu.memory_space<hbm>>
      tpu.wait_dma2 semaphore(%run_scoped3A : memref<!tpu.dma_semaphore, #tpu.memory_space<semaphore_mem>>) src(%arg6 : memref<1000x128xf32, #tpu.memory_space<vmem>>) dst(%dma_wait3A_48 : memref<1000x128xf32, #tpu.memory_space<hbm>>)
      tpu.yield
    }) : () -> ()
    %add3A_25 = arith.constant 3000 : i32
    %add3A_26 = arith.addi %mul3A_2, %add3A_25 : i32
    "tpu.region"() ({
      %run_scoped3A = tpu.sem_alloc : memref<!tpu.dma_semaphore, #tpu.memory_space<semaphore_mem>>
      %dma_start3A_41 = tpu.memref_slice %arg3[%add3A_26] : memref<160000xi32, #tpu.memory_space<hbm>> -> memref<1000xi32, #tpu.memory_space<hbm>>
      %dma_start3A_42 = tpu.memref_slice %arg3[%add3A_26] : memref<160000xi32, #tpu.memory_space<hbm>> -> memref<1000xi32, #tpu.memory_space<hbm>>
      tpu.enqueue_dma source(%dma_start3A_42 : memref<1000xi32, #tpu.memory_space<hbm>>) target(%arg5 : memref<1000xi32, #tpu.memory_space<vmem>>) target_semaphore(%run_scoped3A : memref<!tpu.dma_semaphore, #tpu.memory_space<semaphore_mem>>)
      %dma_wait3A_43 = tpu.memref_slice %arg3[%add3A_26] : memref<160000xi32, #tpu.memory_space<hbm>> -> memref<1000xi32, #tpu.memory_space<hbm>>
      %dma_wait3A_44 = tpu.memref_slice %arg3[%add3A_26] : memref<160000xi32, #tpu.memory_space<hbm>> -> memref<1000xi32, #tpu.memory_space<hbm>>
      tpu.wait_dma2 semaphore(%run_scoped3A : memref<!tpu.dma_semaphore, #tpu.memory_space<semaphore_mem>>) src(%dma_wait3A_44 : memref<1000xi32, #tpu.memory_space<hbm>>) dst(%arg5 : memref<1000xi32, #tpu.memory_space<vmem>>)
      tpu.yield
    }) : () -> ()
    %dma_start3A_27 = arith.constant 0 : i32
    %dma_start3A_28 = arith.constant 0 : i32
    %dma_start3A_29 = tpu.memref_slice %arg2[%dma_start3A_27, %dma_start3A_28] : memref<50000x128xf32, #tpu.memory_space<hbm>> -> memref<50000x128xf32, #tpu.memory_space<hbm>>
    tpu.enqueue_indirect_dma source(%dma_start3A_29 : memref<50000x128xf32, #tpu.memory_space<hbm>>) target(%arg6 : memref<1000x128xf32, #tpu.memory_space<vmem>>) offsets(%arg5 : memref<1000xi32, #tpu.memory_space<vmem>>) semaphore(%arg7 : memref<!tpu.dma_semaphore, #tpu.memory_space<semaphore_mem>>)
    %dma_wait3A_30 = arith.constant 0 : i32
    %dma_wait3A_31 = arith.constant 0 : i32
    %dma_wait3A_32 = tpu.memref_slice %arg2[%dma_wait3A_30, %dma_wait3A_31] : memref<50000x128xf32, #tpu.memory_space<hbm>> -> memref<50000x128xf32, #tpu.memory_space<hbm>>
    tpu.wait_indirect_dma semaphore(%arg7 : memref<!tpu.dma_semaphore, #tpu.memory_space<semaphore_mem>>) src(%dma_wait3A_32 : memref<50000x128xf32, #tpu.memory_space<hbm>>) dst(%arg6 : memref<1000x128xf32, #tpu.memory_space<vmem>>)
    "tpu.region"() ({
      %run_scoped3A = tpu.sem_alloc : memref<!tpu.dma_semaphore, #tpu.memory_space<semaphore_mem>>
      %dma_start3A_41 = arith.constant 0 : i32
      %dma_start3A_42 = tpu.memref_slice %arg4[%add3A_26, %dma_start3A_41] : memref<160000x128xf32, #tpu.memory_space<hbm>> -> memref<1000x128xf32, #tpu.memory_space<hbm>>
      %dma_start3A_43 = arith.constant 0 : i32
      %dma_start3A_44 = tpu.memref_slice %arg4[%add3A_26, %dma_start3A_43] : memref<160000x128xf32, #tpu.memory_space<hbm>> -> memref<1000x128xf32, #tpu.memory_space<hbm>>
      tpu.enqueue_dma source(%arg6 : memref<1000x128xf32, #tpu.memory_space<vmem>>) target(%dma_start3A_44 : memref<1000x128xf32, #tpu.memory_space<hbm>>) target_semaphore(%run_scoped3A : memref<!tpu.dma_semaphore, #tpu.memory_space<semaphore_mem>>)
      %dma_wait3A_45 = arith.constant 0 : i32
      %dma_wait3A_46 = tpu.memref_slice %arg4[%add3A_26, %dma_wait3A_45] : memref<160000x128xf32, #tpu.memory_space<hbm>> -> memref<1000x128xf32, #tpu.memory_space<hbm>>
      %dma_wait3A_47 = arith.constant 0 : i32
      %dma_wait3A_48 = tpu.memref_slice %arg4[%add3A_26, %dma_wait3A_47] : memref<160000x128xf32, #tpu.memory_space<hbm>> -> memref<1000x128xf32, #tpu.memory_space<hbm>>
      tpu.wait_dma2 semaphore(%run_scoped3A : memref<!tpu.dma_semaphore, #tpu.memory_space<semaphore_mem>>) src(%arg6 : memref<1000x128xf32, #tpu.memory_space<vmem>>) dst(%dma_wait3A_48 : memref<1000x128xf32, #tpu.memory_space<hbm>>)
      tpu.yield
    }) : () -> ()
    %add3A_33 = arith.constant 4000 : i32
    %add3A_34 = arith.addi %mul3A_2, %add3A_33 : i32
    "tpu.region"() ({
      %run_scoped3A = tpu.sem_alloc : memref<!tpu.dma_semaphore, #tpu.memory_space<semaphore_mem>>
      %dma_start3A_41 = tpu.memref_slice %arg3[%add3A_34] : memref<160000xi32, #tpu.memory_space<hbm>> -> memref<1000xi32, #tpu.memory_space<hbm>>
      %dma_start3A_42 = tpu.memref_slice %arg3[%add3A_34] : memref<160000xi32, #tpu.memory_space<hbm>> -> memref<1000xi32, #tpu.memory_space<hbm>>
      tpu.enqueue_dma source(%dma_start3A_42 : memref<1000xi32, #tpu.memory_space<hbm>>) target(%arg5 : memref<1000xi32, #tpu.memory_space<vmem>>) target_semaphore(%run_scoped3A : memref<!tpu.dma_semaphore, #tpu.memory_space<semaphore_mem>>)
      %dma_wait3A_43 = tpu.memref_slice %arg3[%add3A_34] : memref<160000xi32, #tpu.memory_space<hbm>> -> memref<1000xi32, #tpu.memory_space<hbm>>
      %dma_wait3A_44 = tpu.memref_slice %arg3[%add3A_34] : memref<160000xi32, #tpu.memory_space<hbm>> -> memref<1000xi32, #tpu.memory_space<hbm>>
      tpu.wait_dma2 semaphore(%run_scoped3A : memref<!tpu.dma_semaphore, #tpu.memory_space<semaphore_mem>>) src(%dma_wait3A_44 : memref<1000xi32, #tpu.memory_space<hbm>>) dst(%arg5 : memref<1000xi32, #tpu.memory_space<vmem>>)
      tpu.yield
    }) : () -> ()
    %dma_start3A_35 = arith.constant 0 : i32
    %dma_start3A_36 = arith.constant 0 : i32
    %dma_start3A_37 = tpu.memref_slice %arg2[%dma_start3A_35, %dma_start3A_36] : memref<50000x128xf32, #tpu.memory_space<hbm>> -> memref<50000x128xf32, #tpu.memory_space<hbm>>
    tpu.enqueue_indirect_dma source(%dma_start3A_37 : memref<50000x128xf32, #tpu.memory_space<hbm>>) target(%arg6 : memref<1000x128xf32, #tpu.memory_space<vmem>>) offsets(%arg5 : memref<1000xi32, #tpu.memory_space<vmem>>) semaphore(%arg7 : memref<!tpu.dma_semaphore, #tpu.memory_space<semaphore_mem>>)
    %dma_wait3A_38 = arith.constant 0 : i32
    %dma_wait3A_39 = arith.constant 0 : i32
    %dma_wait3A_40 = tpu.memref_slice %arg2[%dma_wait3A_38, %dma_wait3A_39] : memref<50000x128xf32, #tpu.memory_space<hbm>> -> memref<50000x128xf32, #tpu.memory_space<hbm>>
    tpu.wait_indirect_dma semaphore(%arg7 : memref<!tpu.dma_semaphore, #tpu.memory_space<semaphore_mem>>) src(%dma_wait3A_40 : memref<50000x128xf32, #tpu.memory_space<hbm>>) dst(%arg6 : memref<1000x128xf32, #tpu.memory_space<vmem>>)
    "tpu.region"() ({
      %run_scoped3A = tpu.sem_alloc : memref<!tpu.dma_semaphore, #tpu.memory_space<semaphore_mem>>
      %dma_start3A_41 = arith.constant 0 : i32
      %dma_start3A_42 = tpu.memref_slice %arg4[%add3A_34, %dma_start3A_41] : memref<160000x128xf32, #tpu.memory_space<hbm>> -> memref<1000x128xf32, #tpu.memory_space<hbm>>
      %dma_start3A_43 = arith.constant 0 : i32
      %dma_start3A_44 = tpu.memref_slice %arg4[%add3A_34, %dma_start3A_43] : memref<160000x128xf32, #tpu.memory_space<hbm>> -> memref<1000x128xf32, #tpu.memory_space<hbm>>
      tpu.enqueue_dma source(%arg6 : memref<1000x128xf32, #tpu.memory_space<vmem>>) target(%dma_start3A_44 : memref<1000x128xf32, #tpu.memory_space<hbm>>) target_semaphore(%run_scoped3A : memref<!tpu.dma_semaphore, #tpu.memory_space<semaphore_mem>>)
      %dma_wait3A_45 = arith.constant 0 : i32
      %dma_wait3A_46 = tpu.memref_slice %arg4[%add3A_34, %dma_wait3A_45] : memref<160000x128xf32, #tpu.memory_space<hbm>> -> memref<1000x128xf32, #tpu.memory_space<hbm>>
      %dma_wait3A_47 = arith.constant 0 : i32
      %dma_wait3A_48 = tpu.memref_slice %arg4[%add3A_34, %dma_wait3A_47] : memref<160000x128xf32, #tpu.memory_space<hbm>> -> memref<1000x128xf32, #tpu.memory_space<hbm>>
      tpu.wait_dma2 semaphore(%run_scoped3A : memref<!tpu.dma_semaphore, #tpu.memory_space<semaphore_mem>>) src(%arg6 : memref<1000x128xf32, #tpu.memory_space<vmem>>) dst(%dma_wait3A_48 : memref<1000x128xf32, #tpu.memory_space<hbm>>)
      tpu.yield
    }) : () -> ()
    return
  }
}

#map = affine_map<(d0, d1) -> (0, 0)>
#map1 = affine_map<(d0, d1) -> (0)>
module attributes {stable_mosaic.version = 14 : i64} {
  func.func @k(%arg0: i32, %arg1: i32, %arg2: memref<50000x128xf32, #tpu.memory_space<hbm>>, %arg3: memref<160000xi32, #tpu.memory_space<hbm>>, %arg4: memref<160000x128xf32, #tpu.memory_space<hbm>>, %arg5: memref<1000xi32, #tpu.memory_space<vmem>>, %arg6: memref<1000x128xf32, #tpu.memory_space<vmem>>, %arg7: memref<!tpu.dma_semaphore, #tpu.memory_space<semaphore_mem>>) attributes {dimension_semantics = [#tpu.dimension_semantics<core_parallel>, #tpu.dimension_semantics<subcore_parallel>], iteration_bounds = array<i64: 2, 16>, scalar_prefetch = 0 : i64, scratch_operands = 3 : i64, tpu.core_type = #tpu.core_type<sc_vector_subcore>, window_params = [{transform_indices = #map}, {transform_indices = #map1}, {transform_indices = #map}]} {
    %mul3A = arith.constant 2 : i32
    %mul3A_0 = arith.muli %arg1, %mul3A : i32
    %add3A = arith.addi %mul3A_0, %arg0 : i32
    %mul3A_1 = arith.constant 5000 : i32
    %mul3A_2 = arith.muli %add3A, %mul3A_1 : i32
    %add3A_3 = arith.constant 0 : i32
    %add3A_4 = arith.addi %mul3A_2, %add3A_3 : i32
    "tpu.region"() ({
      %run_scoped3A = tpu.sem_alloc : memref<!tpu.dma_semaphore, #tpu.memory_space<semaphore_mem>>
      %dma_start3A_41 = tpu.memref_slice %arg3[%add3A_4] : memref<160000xi32, #tpu.memory_space<hbm>> -> memref<1000xi32, #tpu.memory_space<hbm>>
      %dma_start3A_42 = tpu.memref_slice %arg3[%add3A_4] : memref<160000xi32, #tpu.memory_space<hbm>> -> memref<1000xi32, #tpu.memory_space<hbm>>
      tpu.enqueue_dma source(%dma_start3A_42 : memref<1000xi32, #tpu.memory_space<hbm>>) target(%arg5 : memref<1000xi32, #tpu.memory_space<vmem>>) target_semaphore(%run_scoped3A : memref<!tpu.dma_semaphore, #tpu.memory_space<semaphore_mem>>)
      %dma_wait3A_43 = tpu.memref_slice %arg3[%add3A_4] : memref<160000xi32, #tpu.memory_space<hbm>> -> memref<1000xi32, #tpu.memory_space<hbm>>
      %dma_wait3A_44 = tpu.memref_slice %arg3[%add3A_4] : memref<160000xi32, #tpu.memory_space<hbm>> -> memref<1000xi32, #tpu.memory_space<hbm>>
      tpu.wait_dma2 semaphore(%run_scoped3A : memref<!tpu.dma_semaphore, #tpu.memory_space<semaphore_mem>>) src(%dma_wait3A_44 : memref<1000xi32, #tpu.memory_space<hbm>>) dst(%arg5 : memref<1000xi32, #tpu.memory_space<vmem>>)
      tpu.yield
    }) : () -> ()
    %dma_start3A = arith.constant 0 : i32
    %dma_start3A_5 = arith.constant 0 : i32
    %dma_start3A_6 = tpu.memref_slice %arg2[%dma_start3A, %dma_start3A_5] : memref<50000x128xf32, #tpu.memory_space<hbm>> -> memref<50000x128xf32, #tpu.memory_space<hbm>>
    tpu.enqueue_indirect_dma source(%dma_start3A_6 : memref<50000x128xf32, #tpu.memory_space<hbm>>) target(%arg6 : memref<1000x128xf32, #tpu.memory_space<vmem>>) offsets(%arg5 : memref<1000xi32, #tpu.memory_space<vmem>>) semaphore(%arg7 : memref<!tpu.dma_semaphore, #tpu.memory_space<semaphore_mem>>)
    %dma_wait3A = arith.constant 0 : i32
    %dma_wait3A_7 = arith.constant 0 : i32
    %dma_wait3A_8 = tpu.memref_slice %arg2[%dma_wait3A, %dma_wait3A_7] : memref<50000x128xf32, #tpu.memory_space<hbm>> -> memref<50000x128xf32, #tpu.memory_space<hbm>>
    tpu.wait_indirect_dma semaphore(%arg7 : memref<!tpu.dma_semaphore, #tpu.memory_space<semaphore_mem>>) src(%dma_wait3A_8 : memref<50000x128xf32, #tpu.memory_space<hbm>>) dst(%arg6 : memref<1000x128xf32, #tpu.memory_space<vmem>>)
    "tpu.region"() ({
      %run_scoped3A = tpu.sem_alloc : memref<!tpu.dma_semaphore, #tpu.memory_space<semaphore_mem>>
      %dma_start3A_41 = arith.constant 0 : i32
      %dma_start3A_42 = tpu.memref_slice %arg4[%add3A_4, %dma_start3A_41] : memref<160000x128xf32, #tpu.memory_space<hbm>> -> memref<1000x128xf32, #tpu.memory_space<hbm>>
      %dma_start3A_43 = arith.constant 0 : i32
      %dma_start3A_44 = tpu.memref_slice %arg4[%add3A_4, %dma_start3A_43] : memref<160000x128xf32, #tpu.memory_space<hbm>> -> memref<1000x128xf32, #tpu.memory_space<hbm>>
      tpu.enqueue_dma source(%arg6 : memref<1000x128xf32, #tpu.memory_space<vmem>>) target(%dma_start3A_44 : memref<1000x128xf32, #tpu.memory_space<hbm>>) target_semaphore(%run_scoped3A : memref<!tpu.dma_semaphore, #tpu.memory_space<semaphore_mem>>)
      %dma_wait3A_45 = arith.constant 0 : i32
      %dma_wait3A_46 = tpu.memref_slice %arg4[%add3A_4, %dma_wait3A_45] : memref<160000x128xf32, #tpu.memory_space<hbm>> -> memref<1000x128xf32, #tpu.memory_space<hbm>>
      %dma_wait3A_47 = arith.constant 0 : i32
      %dma_wait3A_48 = tpu.memref_slice %arg4[%add3A_4, %dma_wait3A_47] : memref<160000x128xf32, #tpu.memory_space<hbm>> -> memref<1000x128xf32, #tpu.memory_space<hbm>>
      tpu.wait_dma2 semaphore(%run_scoped3A : memref<!tpu.dma_semaphore, #tpu.memory_space<semaphore_mem>>) src(%arg6 : memref<1000x128xf32, #tpu.memory_space<vmem>>) dst(%dma_wait3A_48 : memref<1000x128xf32, #tpu.memory_space<hbm>>)
      tpu.yield
    }) : () -> ()
    %add3A_9 = arith.constant 1000 : i32
    %add3A_10 = arith.addi %mul3A_2, %add3A_9 : i32
    "tpu.region"() ({
      %run_scoped3A = tpu.sem_alloc : memref<!tpu.dma_semaphore, #tpu.memory_space<semaphore_mem>>
      %dma_start3A_41 = tpu.memref_slice %arg3[%add3A_10] : memref<160000xi32, #tpu.memory_space<hbm>> -> memref<1000xi32, #tpu.memory_space<hbm>>
      %dma_start3A_42 = tpu.memref_slice %arg3[%add3A_10] : memref<160000xi32, #tpu.memory_space<hbm>> -> memref<1000xi32, #tpu.memory_space<hbm>>
      tpu.enqueue_dma source(%dma_start3A_42 : memref<1000xi32, #tpu.memory_space<hbm>>) target(%arg5 : memref<1000xi32, #tpu.memory_space<vmem>>) target_semaphore(%run_scoped3A : memref<!tpu.dma_semaphore, #tpu.memory_space<semaphore_mem>>)
      %dma_wait3A_43 = tpu.memref_slice %arg3[%add3A_10] : memref<160000xi32, #tpu.memory_space<hbm>> -> memref<1000xi32, #tpu.memory_space<hbm>>
      %dma_wait3A_44 = tpu.memref_slice %arg3[%add3A_10] : memref<160000xi32, #tpu.memory_space<hbm>> -> memref<1000xi32, #tpu.memory_space<hbm>>
      tpu.wait_dma2 semaphore(%run_scoped3A : memref<!tpu.dma_semaphore, #tpu.memory_space<semaphore_mem>>) src(%dma_wait3A_44 : memref<1000xi32, #tpu.memory_space<hbm>>) dst(%arg5 : memref<1000xi32, #tpu.memory_space<vmem>>)
      tpu.yield
    }) : () -> ()
    %dma_start3A_11 = arith.constant 0 : i32
    %dma_start3A_12 = arith.constant 0 : i32
    %dma_start3A_13 = tpu.memref_slice %arg2[%dma_start3A_11, %dma_start3A_12] : memref<50000x128xf32, #tpu.memory_space<hbm>> -> memref<50000x128xf32, #tpu.memory_space<hbm>>
    tpu.enqueue_indirect_dma source(%dma_start3A_13 : memref<50000x128xf32, #tpu.memory_space<hbm>>) target(%arg6 : memref<1000x128xf32, #tpu.memory_space<vmem>>) offsets(%arg5 : memref<1000xi32, #tpu.memory_space<vmem>>) semaphore(%arg7 : memref<!tpu.dma_semaphore, #tpu.memory_space<semaphore_mem>>)
    %dma_wait3A_14 = arith.constant 0 : i32
    %dma_wait3A_15 = arith.constant 0 : i32
    %dma_wait3A_16 = tpu.memref_slice %arg2[%dma_wait3A_14, %dma_wait3A_15] : memref<50000x128xf32, #tpu.memory_space<hbm>> -> memref<50000x128xf32, #tpu.memory_space<hbm>>
    tpu.wait_indirect_dma semaphore(%arg7 : memref<!tpu.dma_semaphore, #tpu.memory_space<semaphore_mem>>) src(%dma_wait3A_16 : memref<50000x128xf32, #tpu.memory_space<hbm>>) dst(%arg6 : memref<1000x128xf32, #tpu.memory_space<vmem>>)
    "tpu.region"() ({
      %run_scoped3A = tpu.sem_alloc : memref<!tpu.dma_semaphore, #tpu.memory_space<semaphore_mem>>
      %dma_start3A_41 = arith.constant 0 : i32
      %dma_start3A_42 = tpu.memref_slice %arg4[%add3A_10, %dma_start3A_41] : memref<160000x128xf32, #tpu.memory_space<hbm>> -> memref<1000x128xf32, #tpu.memory_space<hbm>>
      %dma_start3A_43 = arith.constant 0 : i32
      %dma_start3A_44 = tpu.memref_slice %arg4[%add3A_10, %dma_start3A_43] : memref<160000x128xf32, #tpu.memory_space<hbm>> -> memref<1000x128xf32, #tpu.memory_space<hbm>>
      tpu.enqueue_dma source(%arg6 : memref<1000x128xf32, #tpu.memory_space<vmem>>) target(%dma_start3A_44 : memref<1000x128xf32, #tpu.memory_space<hbm>>) target_semaphore(%run_scoped3A : memref<!tpu.dma_semaphore, #tpu.memory_space<semaphore_mem>>)
      %dma_wait3A_45 = arith.constant 0 : i32
      %dma_wait3A_46 = tpu.memref_slice %arg4[%add3A_10, %dma_wait3A_45] : memref<160000x128xf32, #tpu.memory_space<hbm>> -> memref<1000x128xf32, #tpu.memory_space<hbm>>
      %dma_wait3A_47 = arith.constant 0 : i32
      %dma_wait3A_48 = tpu.memref_slice %arg4[%add3A_10, %dma_wait3A_47] : memref<160000x128xf32, #tpu.memory_space<hbm>> -> memref<1000x128xf32, #tpu.memory_space<hbm>>
      tpu.wait_dma2 semaphore(%run_scoped3A : memref<!tpu.dma_semaphore, #tpu.memory_space<semaphore_mem>>) src(%arg6 : memref<1000x128xf32, #tpu.memory_space<vmem>>) dst(%dma_wait3A_48 : memref<1000x128xf32, #tpu.memory_space<hbm>>)
      tpu.yield
    }) : () -> ()
    %add3A_17 = arith.constant 2000 : i32
    %add3A_18 = arith.addi %mul3A_2, %add3A_17 : i32
    "tpu.region"() ({
      %run_scoped3A = tpu.sem_alloc : memref<!tpu.dma_semaphore, #tpu.memory_space<semaphore_mem>>
      %dma_start3A_41 = tpu.memref_slice %arg3[%add3A_18] : memref<160000xi32, #tpu.memory_space<hbm>> -> memref<1000xi32, #tpu.memory_space<hbm>>
      %dma_start3A_42 = tpu.memref_slice %arg3[%add3A_18] : memref<160000xi32, #tpu.memory_space<hbm>> -> memref<1000xi32, #tpu.memory_space<hbm>>
      tpu.enqueue_dma source(%dma_start3A_42 : memref<1000xi32, #tpu.memory_space<hbm>>) target(%arg5 : memref<1000xi32, #tpu.memory_space<vmem>>) target_semaphore(%run_scoped3A : memref<!tpu.dma_semaphore, #tpu.memory_space<semaphore_mem>>)
      %dma_wait3A_43 = tpu.memref_slice %arg3[%add3A_18] : memref<160000xi32, #tpu.memory_space<hbm>> -> memref<1000xi32, #tpu.memory_space<hbm>>
      %dma_wait3A_44 = tpu.memref_slice %arg3[%add3A_18] : memref<160000xi32, #tpu.memory_space<hbm>> -> memref<1000xi32, #tpu.memory_space<hbm>>
      tpu.wait_dma2 semaphore(%run_scoped3A : memref<!tpu.dma_semaphore, #tpu.memory_space<semaphore_mem>>) src(%dma_wait3A_44 : memref<1000xi32, #tpu.memory_space<hbm>>) dst(%arg5 : memref<1000xi32, #tpu.memory_space<vmem>>)
      tpu.yield
    }) : () -> ()
    %dma_start3A_19 = arith.constant 0 : i32
    %dma_start3A_20 = arith.constant 0 : i32
    %dma_start3A_21 = tpu.memref_slice %arg2[%dma_start3A_19, %dma_start3A_20] : memref<50000x128xf32, #tpu.memory_space<hbm>> -> memref<50000x128xf32, #tpu.memory_space<hbm>>
    tpu.enqueue_indirect_dma source(%dma_start3A_21 : memref<50000x128xf32, #tpu.memory_space<hbm>>) target(%arg6 : memref<1000x128xf32, #tpu.memory_space<vmem>>) offsets(%arg5 : memref<1000xi32, #tpu.memory_space<vmem>>) semaphore(%arg7 : memref<!tpu.dma_semaphore, #tpu.memory_space<semaphore_mem>>)
    %dma_wait3A_22 = arith.constant 0 : i32
    %dma_wait3A_23 = arith.constant 0 : i32
    %dma_wait3A_24 = tpu.memref_slice %arg2[%dma_wait3A_22, %dma_wait3A_23] : memref<50000x128xf32, #tpu.memory_space<hbm>> -> memref<50000x128xf32, #tpu.memory_space<hbm>>
    tpu.wait_indirect_dma semaphore(%arg7 : memref<!tpu.dma_semaphore, #tpu.memory_space<semaphore_mem>>) src(%dma_wait3A_24 : memref<50000x128xf32, #tpu.memory_space<hbm>>) dst(%arg6 : memref<1000x128xf32, #tpu.memory_space<vmem>>)
    "tpu.region"() ({
      %run_scoped3A = tpu.sem_alloc : memref<!tpu.dma_semaphore, #tpu.memory_space<semaphore_mem>>
      %dma_start3A_41 = arith.constant 0 : i32
      %dma_start3A_42 = tpu.memref_slice %arg4[%add3A_18, %dma_start3A_41] : memref<160000x128xf32, #tpu.memory_space<hbm>> -> memref<1000x128xf32, #tpu.memory_space<hbm>>
      %dma_start3A_43 = arith.constant 0 : i32
      %dma_start3A_44 = tpu.memref_slice %arg4[%add3A_18, %dma_start3A_43] : memref<160000x128xf32, #tpu.memory_space<hbm>> -> memref<1000x128xf32, #tpu.memory_space<hbm>>
      tpu.enqueue_dma source(%arg6 : memref<1000x128xf32, #tpu.memory_space<vmem>>) target(%dma_start3A_44 : memref<1000x128xf32, #tpu.memory_space<hbm>>) target_semaphore(%run_scoped3A : memref<!tpu.dma_semaphore, #tpu.memory_space<semaphore_mem>>)
      %dma_wait3A_45 = arith.constant 0 : i32
      %dma_wait3A_46 = tpu.memref_slice %arg4[%add3A_18, %dma_wait3A_45] : memref<160000x128xf32, #tpu.memory_space<hbm>> -> memref<1000x128xf32, #tpu.memory_space<hbm>>
      %dma_wait3A_47 = arith.constant 0 : i32
      %dma_wait3A_48 = tpu.memref_slice %arg4[%add3A_18, %dma_wait3A_47] : memref<160000x128xf32, #tpu.memory_space<hbm>> -> memref<1000x128xf32, #tpu.memory_space<hbm>>
      tpu.wait_dma2 semaphore(%run_scoped3A : memref<!tpu.dma_semaphore, #tpu.memory_space<semaphore_mem>>) src(%arg6 : memref<1000x128xf32, #tpu.memory_space<vmem>>) dst(%dma_wait3A_48 : memref<1000x128xf32, #tpu.memory_space<hbm>>)
      tpu.yield
    }) : () -> ()
    %add3A_25 = arith.constant 3000 : i32
    %add3A_26 = arith.addi %mul3A_2, %add3A_25 : i32
    "tpu.region"() ({
      %run_scoped3A = tpu.sem_alloc : memref<!tpu.dma_semaphore, #tpu.memory_space<semaphore_mem>>
      %dma_start3A_41 = tpu.memref_slice %arg3[%add3A_26] : memref<160000xi32, #tpu.memory_space<hbm>> -> memref<1000xi32, #tpu.memory_space<hbm>>
      %dma_start3A_42 = tpu.memref_slice %arg3[%add3A_26] : memref<160000xi32, #tpu.memory_space<hbm>> -> memref<1000xi32, #tpu.memory_space<hbm>>
      tpu.enqueue_dma source(%dma_start3A_42 : memref<1000xi32, #tpu.memory_space<hbm>>) target(%arg5 : memref<1000xi32, #tpu.memory_space<vmem>>) target_semaphore(%run_scoped3A : memref<!tpu.dma_semaphore, #tpu.memory_space<semaphore_mem>>)
      %dma_wait3A_43 = tpu.memref_slice %arg3[%add3A_26] : memref<160000xi32, #tpu.memory_space<hbm>> -> memref<1000xi32, #tpu.memory_space<hbm>>
      %dma_wait3A_44 = tpu.memref_slice %arg3[%add3A_26] : memref<160000xi32, #tpu.memory_space<hbm>> -> memref<1000xi32, #tpu.memory_space<hbm>>
      tpu.wait_dma2 semaphore(%run_scoped3A : memref<!tpu.dma_semaphore, #tpu.memory_space<semaphore_mem>>) src(%dma_wait3A_44 : memref<1000xi32, #tpu.memory_space<hbm>>) dst(%arg5 : memref<1000xi32, #tpu.memory_space<vmem>>)
      tpu.yield
    }) : () -> ()
    %dma_start3A_27 = arith.constant 0 : i32
    %dma_start3A_28 = arith.constant 0 : i32
    %dma_start3A_29 = tpu.memref_slice %arg2[%dma_start3A_27, %dma_start3A_28] : memref<50000x128xf32, #tpu.memory_space<hbm>> -> memref<50000x128xf32, #tpu.memory_space<hbm>>
    tpu.enqueue_indirect_dma source(%dma_start3A_29 : memref<50000x128xf32, #tpu.memory_space<hbm>>) target(%arg6 : memref<1000x128xf32, #tpu.memory_space<vmem>>) offsets(%arg5 : memref<1000xi32, #tpu.memory_space<vmem>>) semaphore(%arg7 : memref<!tpu.dma_semaphore, #tpu.memory_space<semaphore_mem>>)
    %dma_wait3A_30 = arith.constant 0 : i32
    %dma_wait3A_31 = arith.constant 0 : i32
    %dma_wait3A_32 = tpu.memref_slice %arg2[%dma_wait3A_30, %dma_wait3A_31] : memref<50000x128xf32, #tpu.memory_space<hbm>> -> memref<50000x128xf32, #tpu.memory_space<hbm>>
    tpu.wait_indirect_dma semaphore(%arg7 : memref<!tpu.dma_semaphore, #tpu.memory_space<semaphore_mem>>) src(%dma_wait3A_32 : memref<50000x128xf32, #tpu.memory_space<hbm>>) dst(%arg6 : memref<1000x128xf32, #tpu.memory_space<vmem>>)
    "tpu.region"() ({
      %run_scoped3A = tpu.sem_alloc : memref<!tpu.dma_semaphore, #tpu.memory_space<semaphore_mem>>
      %dma_start3A_41 = arith.constant 0 : i32
      %dma_start3A_42 = tpu.memref_slice %arg4[%add3A_26, %dma_start3A_41] : memref<160000x128xf32, #tpu.memory_space<hbm>> -> memref<1000x128xf32, #tpu.memory_space<hbm>>
      %dma_start3A_43 = arith.constant 0 : i32
      %dma_start3A_44 = tpu.memref_slice %arg4[%add3A_26, %dma_start3A_43] : memref<160000x128xf32, #tpu.memory_space<hbm>> -> memref<1000x128xf32, #tpu.memory_space<hbm>>
      tpu.enqueue_dma source(%arg6 : memref<1000x128xf32, #tpu.memory_space<vmem>>) target(%dma_start3A_44 : memref<1000x128xf32, #tpu.memory_space<hbm>>) target_semaphore(%run_scoped3A : memref<!tpu.dma_semaphore, #tpu.memory_space<semaphore_mem>>)
      %dma_wait3A_45 = arith.constant 0 : i32
      %dma_wait3A_46 = tpu.memref_slice %arg4[%add3A_26, %dma_wait3A_45] : memref<160000x128xf32, #tpu.memory_space<hbm>> -> memref<1000x128xf32, #tpu.memory_space<hbm>>
      %dma_wait3A_47 = arith.constant 0 : i32
      %dma_wait3A_48 = tpu.memref_slice %arg4[%add3A_26, %dma_wait3A_47] : memref<160000x128xf32, #tpu.memory_space<hbm>> -> memref<1000x128xf32, #tpu.memory_space<hbm>>
      tpu.wait_dma2 semaphore(%run_scoped3A : memref<!tpu.dma_semaphore, #tpu.memory_space<semaphore_mem>>) src(%arg6 : memref<1000x128xf32, #tpu.memory_space<vmem>>) dst(%dma_wait3A_48 : memref<1000x128xf32, #tpu.memory_space<hbm>>)
      tpu.yield
    }) : () -> ()
    %add3A_33 = arith.constant 4000 : i32
    %add3A_34 = arith.addi %mul3A_2, %add3A_33 : i32
    "tpu.region"() ({
      %run_scoped3A = tpu.sem_alloc : memref<!tpu.dma_semaphore, #tpu.memory_space<semaphore_mem>>
      %dma_start3A_41 = tpu.memref_slice %arg3[%add3A_34] : memref<160000xi32, #tpu.memory_space<hbm>> -> memref<1000xi32, #tpu.memory_space<hbm>>
      %dma_start3A_42 = tpu.memref_slice %arg3[%add3A_34] : memref<160000xi32, #tpu.memory_space<hbm>> -> memref<1000xi32, #tpu.memory_space<hbm>>
      tpu.enqueue_dma source(%dma_start3A_42 : memref<1000xi32, #tpu.memory_space<hbm>>) target(%arg5 : memref<1000xi32, #tpu.memory_space<vmem>>) target_semaphore(%run_scoped3A : memref<!tpu.dma_semaphore, #tpu.memory_space<semaphore_mem>>)
      %dma_wait3A_43 = tpu.memref_slice %arg3[%add3A_34] : memref<160000xi32, #tpu.memory_space<hbm>> -> memref<1000xi32, #tpu.memory_space<hbm>>
      %dma_wait3A_44 = tpu.memref_slice %arg3[%add3A_34] : memref<160000xi32, #tpu.memory_space<hbm>> -> memref<1000xi32, #tpu.memory_space<hbm>>
      tpu.wait_dma2 semaphore(%run_scoped3A : memref<!tpu.dma_semaphore, #tpu.memory_space<semaphore_mem>>) src(%dma_wait3A_44 : memref<1000xi32, #tpu.memory_space<hbm>>) dst(%arg5 : memref<1000xi32, #tpu.memory_space<vmem>>)
      tpu.yield
    }) : () -> ()
    %dma_start3A_35 = arith.constant 0 : i32
    %dma_start3A_36 = arith.constant 0 : i32
    %dma_start3A_37 = tpu.memref_slice %arg2[%dma_start3A_35, %dma_start3A_36] : memref<50000x128xf32, #tpu.memory_space<hbm>> -> memref<50000x128xf32, #tpu.memory_space<hbm>>
    tpu.enqueue_indirect_dma source(%dma_start3A_37 : memref<50000x128xf32, #tpu.memory_space<hbm>>) target(%arg6 : memref<1000x128xf32, #tpu.memory_space<vmem>>) offsets(%arg5 : memref<1000xi32, #tpu.memory_space<vmem>>) semaphore(%arg7 : memref<!tpu.dma_semaphore, #tpu.memory_space<semaphore_mem>>)
    %dma_wait3A_38 = arith.constant 0 : i32
    %dma_wait3A_39 = arith.constant 0 : i32
    %dma_wait3A_40 = tpu.memref_slice %arg2[%dma_wait3A_38, %dma_wait3A_39] : memref<50000x128xf32, #tpu.memory_space<hbm>> -> memref<50000x128xf32, #tpu.memory_space<hbm>>
    tpu.wait_indirect_dma semaphore(%arg7 : memref<!tpu.dma_semaphore, #tpu.memory_space<semaphore_mem>>) src(%dma_wait3A_40 : memref<50000x128xf32, #tpu.memory_space<hbm>>) dst(%arg6 : memref<1000x128xf32, #tpu.memory_space<vmem>>)
    "tpu.region"() ({
      %run_scoped3A = tpu.sem_alloc : memref<!tpu.dma_semaphore, #tpu.memory_space<semaphore_mem>>
      %dma_start3A_41 = arith.constant 0 : i32
      %dma_start3A_42 = tpu.memref_slice %arg4[%add3A_34, %dma_start3A_41] : memref<160000x128xf32, #tpu.memory_space<hbm>> -> memref<1000x128xf32, #tpu.memory_space<hbm>>
      %dma_start3A_43 = arith.constant 0 : i32
      %dma_start3A_44 = tpu.memref_slice %arg4[%add3A_34, %dma_start3A_43] : memref<160000x128xf32, #tpu.memory_space<hbm>> -> memref<1000x128xf32, #tpu.memory_space<hbm>>
      tpu.enqueue_dma source(%arg6 : memref<1000x128xf32, #tpu.memory_space<vmem>>) target(%dma_start3A_44 : memref<1000x128xf32, #tpu.memory_space<hbm>>) target_semaphore(%run_scoped3A : memref<!tpu.dma_semaphore, #tpu.memory_space<semaphore_mem>>)
      %dma_wait3A_45 = arith.constant 0 : i32
      %dma_wait3A_46 = tpu.memref_slice %arg4[%add3A_34, %dma_wait3A_45] : memref<160000x128xf32, #tpu.memory_space<hbm>> -> memref<1000x128xf32, #tpu.memory_space<hbm>>
      %dma_wait3A_47 = arith.constant 0 : i32
      %dma_wait3A_48 = tpu.memref_slice %arg4[%add3A_34, %dma_wait3A_47] : memref<160000x128xf32, #tpu.memory_space<hbm>> -> memref<1000x128xf32, #tpu.memory_space<hbm>>
      tpu.wait_dma2 semaphore(%run_scoped3A : memref<!tpu.dma_semaphore, #tpu.memory_space<semaphore_mem>>) src(%arg6 : memref<1000x128xf32, #tpu.memory_space<vmem>>) dst(%dma_wait3A_48 : memref<1000x128xf32, #tpu.memory_space<hbm>>)
      tpu.yield
    }) : () -> ()
    return
  }
}

#map = affine_map<(d0, d1) -> (0, 0)>
#map1 = affine_map<(d0, d1) -> (0)>
module attributes {stable_mosaic.version = 14 : i64} {
  func.func @k(%arg0: i32, %arg1: i32, %arg2: memref<160000x128xf32, #tpu.memory_space<hbm>>, %arg3: memref<160000xi32, #tpu.memory_space<hbm>>, %arg4: memref<160000x128xf32, #tpu.memory_space<hbm>>, %arg5: memref<1000xi32, #tpu.memory_space<vmem>>, %arg6: memref<1000x128xf32, #tpu.memory_space<vmem>>, %arg7: memref<!tpu.dma_semaphore, #tpu.memory_space<semaphore_mem>>) attributes {dimension_semantics = [#tpu.dimension_semantics<core_parallel>, #tpu.dimension_semantics<subcore_parallel>], iteration_bounds = array<i64: 2, 16>, scalar_prefetch = 0 : i64, scratch_operands = 3 : i64, tpu.core_type = #tpu.core_type<sc_vector_subcore>, window_params = [{transform_indices = #map}, {transform_indices = #map1}, {transform_indices = #map}]} {
    %mul3A = arith.constant 2 : i32
    %mul3A_0 = arith.muli %arg1, %mul3A : i32
    %add3A = arith.addi %mul3A_0, %arg0 : i32
    %mul3A_1 = arith.constant 5000 : i32
    %mul3A_2 = arith.muli %add3A, %mul3A_1 : i32
    %add3A_3 = arith.constant 0 : i32
    %add3A_4 = arith.addi %mul3A_2, %add3A_3 : i32
    "tpu.region"() ({
      %run_scoped3A = tpu.sem_alloc : memref<!tpu.dma_semaphore, #tpu.memory_space<semaphore_mem>>
      %dma_start3A_41 = tpu.memref_slice %arg3[%add3A_4] : memref<160000xi32, #tpu.memory_space<hbm>> -> memref<1000xi32, #tpu.memory_space<hbm>>
      %dma_start3A_42 = tpu.memref_slice %arg3[%add3A_4] : memref<160000xi32, #tpu.memory_space<hbm>> -> memref<1000xi32, #tpu.memory_space<hbm>>
      tpu.enqueue_dma source(%dma_start3A_42 : memref<1000xi32, #tpu.memory_space<hbm>>) target(%arg5 : memref<1000xi32, #tpu.memory_space<vmem>>) target_semaphore(%run_scoped3A : memref<!tpu.dma_semaphore, #tpu.memory_space<semaphore_mem>>)
      %dma_wait3A_43 = tpu.memref_slice %arg3[%add3A_4] : memref<160000xi32, #tpu.memory_space<hbm>> -> memref<1000xi32, #tpu.memory_space<hbm>>
      %dma_wait3A_44 = tpu.memref_slice %arg3[%add3A_4] : memref<160000xi32, #tpu.memory_space<hbm>> -> memref<1000xi32, #tpu.memory_space<hbm>>
      tpu.wait_dma2 semaphore(%run_scoped3A : memref<!tpu.dma_semaphore, #tpu.memory_space<semaphore_mem>>) src(%dma_wait3A_44 : memref<1000xi32, #tpu.memory_space<hbm>>) dst(%arg5 : memref<1000xi32, #tpu.memory_space<vmem>>)
      tpu.yield
    }) : () -> ()
    %dma_start3A = arith.constant 0 : i32
    %dma_start3A_5 = arith.constant 0 : i32
    %dma_start3A_6 = tpu.memref_slice %arg2[%dma_start3A, %dma_start3A_5] : memref<160000x128xf32, #tpu.memory_space<hbm>> -> memref<160000x128xf32, #tpu.memory_space<hbm>>
    tpu.enqueue_indirect_dma source(%dma_start3A_6 : memref<160000x128xf32, #tpu.memory_space<hbm>>) target(%arg6 : memref<1000x128xf32, #tpu.memory_space<vmem>>) offsets(%arg5 : memref<1000xi32, #tpu.memory_space<vmem>>) semaphore(%arg7 : memref<!tpu.dma_semaphore, #tpu.memory_space<semaphore_mem>>)
    %dma_wait3A = arith.constant 0 : i32
    %dma_wait3A_7 = arith.constant 0 : i32
    %dma_wait3A_8 = tpu.memref_slice %arg2[%dma_wait3A, %dma_wait3A_7] : memref<160000x128xf32, #tpu.memory_space<hbm>> -> memref<160000x128xf32, #tpu.memory_space<hbm>>
    tpu.wait_indirect_dma semaphore(%arg7 : memref<!tpu.dma_semaphore, #tpu.memory_space<semaphore_mem>>) src(%dma_wait3A_8 : memref<160000x128xf32, #tpu.memory_space<hbm>>) dst(%arg6 : memref<1000x128xf32, #tpu.memory_space<vmem>>)
    "tpu.region"() ({
      %run_scoped3A = tpu.sem_alloc : memref<!tpu.dma_semaphore, #tpu.memory_space<semaphore_mem>>
      %dma_start3A_41 = arith.constant 0 : i32
      %dma_start3A_42 = tpu.memref_slice %arg4[%add3A_4, %dma_start3A_41] : memref<160000x128xf32, #tpu.memory_space<hbm>> -> memref<1000x128xf32, #tpu.memory_space<hbm>>
      %dma_start3A_43 = arith.constant 0 : i32
      %dma_start3A_44 = tpu.memref_slice %arg4[%add3A_4, %dma_start3A_43] : memref<160000x128xf32, #tpu.memory_space<hbm>> -> memref<1000x128xf32, #tpu.memory_space<hbm>>
      tpu.enqueue_dma source(%arg6 : memref<1000x128xf32, #tpu.memory_space<vmem>>) target(%dma_start3A_44 : memref<1000x128xf32, #tpu.memory_space<hbm>>) target_semaphore(%run_scoped3A : memref<!tpu.dma_semaphore, #tpu.memory_space<semaphore_mem>>)
      %dma_wait3A_45 = arith.constant 0 : i32
      %dma_wait3A_46 = tpu.memref_slice %arg4[%add3A_4, %dma_wait3A_45] : memref<160000x128xf32, #tpu.memory_space<hbm>> -> memref<1000x128xf32, #tpu.memory_space<hbm>>
      %dma_wait3A_47 = arith.constant 0 : i32
      %dma_wait3A_48 = tpu.memref_slice %arg4[%add3A_4, %dma_wait3A_47] : memref<160000x128xf32, #tpu.memory_space<hbm>> -> memref<1000x128xf32, #tpu.memory_space<hbm>>
      tpu.wait_dma2 semaphore(%run_scoped3A : memref<!tpu.dma_semaphore, #tpu.memory_space<semaphore_mem>>) src(%arg6 : memref<1000x128xf32, #tpu.memory_space<vmem>>) dst(%dma_wait3A_48 : memref<1000x128xf32, #tpu.memory_space<hbm>>)
      tpu.yield
    }) : () -> ()
    %add3A_9 = arith.constant 1000 : i32
    %add3A_10 = arith.addi %mul3A_2, %add3A_9 : i32
    "tpu.region"() ({
      %run_scoped3A = tpu.sem_alloc : memref<!tpu.dma_semaphore, #tpu.memory_space<semaphore_mem>>
      %dma_start3A_41 = tpu.memref_slice %arg3[%add3A_10] : memref<160000xi32, #tpu.memory_space<hbm>> -> memref<1000xi32, #tpu.memory_space<hbm>>
      %dma_start3A_42 = tpu.memref_slice %arg3[%add3A_10] : memref<160000xi32, #tpu.memory_space<hbm>> -> memref<1000xi32, #tpu.memory_space<hbm>>
      tpu.enqueue_dma source(%dma_start3A_42 : memref<1000xi32, #tpu.memory_space<hbm>>) target(%arg5 : memref<1000xi32, #tpu.memory_space<vmem>>) target_semaphore(%run_scoped3A : memref<!tpu.dma_semaphore, #tpu.memory_space<semaphore_mem>>)
      %dma_wait3A_43 = tpu.memref_slice %arg3[%add3A_10] : memref<160000xi32, #tpu.memory_space<hbm>> -> memref<1000xi32, #tpu.memory_space<hbm>>
      %dma_wait3A_44 = tpu.memref_slice %arg3[%add3A_10] : memref<160000xi32, #tpu.memory_space<hbm>> -> memref<1000xi32, #tpu.memory_space<hbm>>
      tpu.wait_dma2 semaphore(%run_scoped3A : memref<!tpu.dma_semaphore, #tpu.memory_space<semaphore_mem>>) src(%dma_wait3A_44 : memref<1000xi32, #tpu.memory_space<hbm>>) dst(%arg5 : memref<1000xi32, #tpu.memory_space<vmem>>)
      tpu.yield
    }) : () -> ()
    %dma_start3A_11 = arith.constant 0 : i32
    %dma_start3A_12 = arith.constant 0 : i32
    %dma_start3A_13 = tpu.memref_slice %arg2[%dma_start3A_11, %dma_start3A_12] : memref<160000x128xf32, #tpu.memory_space<hbm>> -> memref<160000x128xf32, #tpu.memory_space<hbm>>
    tpu.enqueue_indirect_dma source(%dma_start3A_13 : memref<160000x128xf32, #tpu.memory_space<hbm>>) target(%arg6 : memref<1000x128xf32, #tpu.memory_space<vmem>>) offsets(%arg5 : memref<1000xi32, #tpu.memory_space<vmem>>) semaphore(%arg7 : memref<!tpu.dma_semaphore, #tpu.memory_space<semaphore_mem>>)
    %dma_wait3A_14 = arith.constant 0 : i32
    %dma_wait3A_15 = arith.constant 0 : i32
    %dma_wait3A_16 = tpu.memref_slice %arg2[%dma_wait3A_14, %dma_wait3A_15] : memref<160000x128xf32, #tpu.memory_space<hbm>> -> memref<160000x128xf32, #tpu.memory_space<hbm>>
    tpu.wait_indirect_dma semaphore(%arg7 : memref<!tpu.dma_semaphore, #tpu.memory_space<semaphore_mem>>) src(%dma_wait3A_16 : memref<160000x128xf32, #tpu.memory_space<hbm>>) dst(%arg6 : memref<1000x128xf32, #tpu.memory_space<vmem>>)
    "tpu.region"() ({
      %run_scoped3A = tpu.sem_alloc : memref<!tpu.dma_semaphore, #tpu.memory_space<semaphore_mem>>
      %dma_start3A_41 = arith.constant 0 : i32
      %dma_start3A_42 = tpu.memref_slice %arg4[%add3A_10, %dma_start3A_41] : memref<160000x128xf32, #tpu.memory_space<hbm>> -> memref<1000x128xf32, #tpu.memory_space<hbm>>
      %dma_start3A_43 = arith.constant 0 : i32
      %dma_start3A_44 = tpu.memref_slice %arg4[%add3A_10, %dma_start3A_43] : memref<160000x128xf32, #tpu.memory_space<hbm>> -> memref<1000x128xf32, #tpu.memory_space<hbm>>
      tpu.enqueue_dma source(%arg6 : memref<1000x128xf32, #tpu.memory_space<vmem>>) target(%dma_start3A_44 : memref<1000x128xf32, #tpu.memory_space<hbm>>) target_semaphore(%run_scoped3A : memref<!tpu.dma_semaphore, #tpu.memory_space<semaphore_mem>>)
      %dma_wait3A_45 = arith.constant 0 : i32
      %dma_wait3A_46 = tpu.memref_slice %arg4[%add3A_10, %dma_wait3A_45] : memref<160000x128xf32, #tpu.memory_space<hbm>> -> memref<1000x128xf32, #tpu.memory_space<hbm>>
      %dma_wait3A_47 = arith.constant 0 : i32
      %dma_wait3A_48 = tpu.memref_slice %arg4[%add3A_10, %dma_wait3A_47] : memref<160000x128xf32, #tpu.memory_space<hbm>> -> memref<1000x128xf32, #tpu.memory_space<hbm>>
      tpu.wait_dma2 semaphore(%run_scoped3A : memref<!tpu.dma_semaphore, #tpu.memory_space<semaphore_mem>>) src(%arg6 : memref<1000x128xf32, #tpu.memory_space<vmem>>) dst(%dma_wait3A_48 : memref<1000x128xf32, #tpu.memory_space<hbm>>)
      tpu.yield
    }) : () -> ()
    %add3A_17 = arith.constant 2000 : i32
    %add3A_18 = arith.addi %mul3A_2, %add3A_17 : i32
    "tpu.region"() ({
      %run_scoped3A = tpu.sem_alloc : memref<!tpu.dma_semaphore, #tpu.memory_space<semaphore_mem>>
      %dma_start3A_41 = tpu.memref_slice %arg3[%add3A_18] : memref<160000xi32, #tpu.memory_space<hbm>> -> memref<1000xi32, #tpu.memory_space<hbm>>
      %dma_start3A_42 = tpu.memref_slice %arg3[%add3A_18] : memref<160000xi32, #tpu.memory_space<hbm>> -> memref<1000xi32, #tpu.memory_space<hbm>>
      tpu.enqueue_dma source(%dma_start3A_42 : memref<1000xi32, #tpu.memory_space<hbm>>) target(%arg5 : memref<1000xi32, #tpu.memory_space<vmem>>) target_semaphore(%run_scoped3A : memref<!tpu.dma_semaphore, #tpu.memory_space<semaphore_mem>>)
      %dma_wait3A_43 = tpu.memref_slice %arg3[%add3A_18] : memref<160000xi32, #tpu.memory_space<hbm>> -> memref<1000xi32, #tpu.memory_space<hbm>>
      %dma_wait3A_44 = tpu.memref_slice %arg3[%add3A_18] : memref<160000xi32, #tpu.memory_space<hbm>> -> memref<1000xi32, #tpu.memory_space<hbm>>
      tpu.wait_dma2 semaphore(%run_scoped3A : memref<!tpu.dma_semaphore, #tpu.memory_space<semaphore_mem>>) src(%dma_wait3A_44 : memref<1000xi32, #tpu.memory_space<hbm>>) dst(%arg5 : memref<1000xi32, #tpu.memory_space<vmem>>)
      tpu.yield
    }) : () -> ()
    %dma_start3A_19 = arith.constant 0 : i32
    %dma_start3A_20 = arith.constant 0 : i32
    %dma_start3A_21 = tpu.memref_slice %arg2[%dma_start3A_19, %dma_start3A_20] : memref<160000x128xf32, #tpu.memory_space<hbm>> -> memref<160000x128xf32, #tpu.memory_space<hbm>>
    tpu.enqueue_indirect_dma source(%dma_start3A_21 : memref<160000x128xf32, #tpu.memory_space<hbm>>) target(%arg6 : memref<1000x128xf32, #tpu.memory_space<vmem>>) offsets(%arg5 : memref<1000xi32, #tpu.memory_space<vmem>>) semaphore(%arg7 : memref<!tpu.dma_semaphore, #tpu.memory_space<semaphore_mem>>)
    %dma_wait3A_22 = arith.constant 0 : i32
    %dma_wait3A_23 = arith.constant 0 : i32
    %dma_wait3A_24 = tpu.memref_slice %arg2[%dma_wait3A_22, %dma_wait3A_23] : memref<160000x128xf32, #tpu.memory_space<hbm>> -> memref<160000x128xf32, #tpu.memory_space<hbm>>
    tpu.wait_indirect_dma semaphore(%arg7 : memref<!tpu.dma_semaphore, #tpu.memory_space<semaphore_mem>>) src(%dma_wait3A_24 : memref<160000x128xf32, #tpu.memory_space<hbm>>) dst(%arg6 : memref<1000x128xf32, #tpu.memory_space<vmem>>)
    "tpu.region"() ({
      %run_scoped3A = tpu.sem_alloc : memref<!tpu.dma_semaphore, #tpu.memory_space<semaphore_mem>>
      %dma_start3A_41 = arith.constant 0 : i32
      %dma_start3A_42 = tpu.memref_slice %arg4[%add3A_18, %dma_start3A_41] : memref<160000x128xf32, #tpu.memory_space<hbm>> -> memref<1000x128xf32, #tpu.memory_space<hbm>>
      %dma_start3A_43 = arith.constant 0 : i32
      %dma_start3A_44 = tpu.memref_slice %arg4[%add3A_18, %dma_start3A_43] : memref<160000x128xf32, #tpu.memory_space<hbm>> -> memref<1000x128xf32, #tpu.memory_space<hbm>>
      tpu.enqueue_dma source(%arg6 : memref<1000x128xf32, #tpu.memory_space<vmem>>) target(%dma_start3A_44 : memref<1000x128xf32, #tpu.memory_space<hbm>>) target_semaphore(%run_scoped3A : memref<!tpu.dma_semaphore, #tpu.memory_space<semaphore_mem>>)
      %dma_wait3A_45 = arith.constant 0 : i32
      %dma_wait3A_46 = tpu.memref_slice %arg4[%add3A_18, %dma_wait3A_45] : memref<160000x128xf32, #tpu.memory_space<hbm>> -> memref<1000x128xf32, #tpu.memory_space<hbm>>
      %dma_wait3A_47 = arith.constant 0 : i32
      %dma_wait3A_48 = tpu.memref_slice %arg4[%add3A_18, %dma_wait3A_47] : memref<160000x128xf32, #tpu.memory_space<hbm>> -> memref<1000x128xf32, #tpu.memory_space<hbm>>
      tpu.wait_dma2 semaphore(%run_scoped3A : memref<!tpu.dma_semaphore, #tpu.memory_space<semaphore_mem>>) src(%arg6 : memref<1000x128xf32, #tpu.memory_space<vmem>>) dst(%dma_wait3A_48 : memref<1000x128xf32, #tpu.memory_space<hbm>>)
      tpu.yield
    }) : () -> ()
    %add3A_25 = arith.constant 3000 : i32
    %add3A_26 = arith.addi %mul3A_2, %add3A_25 : i32
    "tpu.region"() ({
      %run_scoped3A = tpu.sem_alloc : memref<!tpu.dma_semaphore, #tpu.memory_space<semaphore_mem>>
      %dma_start3A_41 = tpu.memref_slice %arg3[%add3A_26] : memref<160000xi32, #tpu.memory_space<hbm>> -> memref<1000xi32, #tpu.memory_space<hbm>>
      %dma_start3A_42 = tpu.memref_slice %arg3[%add3A_26] : memref<160000xi32, #tpu.memory_space<hbm>> -> memref<1000xi32, #tpu.memory_space<hbm>>
      tpu.enqueue_dma source(%dma_start3A_42 : memref<1000xi32, #tpu.memory_space<hbm>>) target(%arg5 : memref<1000xi32, #tpu.memory_space<vmem>>) target_semaphore(%run_scoped3A : memref<!tpu.dma_semaphore, #tpu.memory_space<semaphore_mem>>)
      %dma_wait3A_43 = tpu.memref_slice %arg3[%add3A_26] : memref<160000xi32, #tpu.memory_space<hbm>> -> memref<1000xi32, #tpu.memory_space<hbm>>
      %dma_wait3A_44 = tpu.memref_slice %arg3[%add3A_26] : memref<160000xi32, #tpu.memory_space<hbm>> -> memref<1000xi32, #tpu.memory_space<hbm>>
      tpu.wait_dma2 semaphore(%run_scoped3A : memref<!tpu.dma_semaphore, #tpu.memory_space<semaphore_mem>>) src(%dma_wait3A_44 : memref<1000xi32, #tpu.memory_space<hbm>>) dst(%arg5 : memref<1000xi32, #tpu.memory_space<vmem>>)
      tpu.yield
    }) : () -> ()
    %dma_start3A_27 = arith.constant 0 : i32
    %dma_start3A_28 = arith.constant 0 : i32
    %dma_start3A_29 = tpu.memref_slice %arg2[%dma_start3A_27, %dma_start3A_28] : memref<160000x128xf32, #tpu.memory_space<hbm>> -> memref<160000x128xf32, #tpu.memory_space<hbm>>
    tpu.enqueue_indirect_dma source(%dma_start3A_29 : memref<160000x128xf32, #tpu.memory_space<hbm>>) target(%arg6 : memref<1000x128xf32, #tpu.memory_space<vmem>>) offsets(%arg5 : memref<1000xi32, #tpu.memory_space<vmem>>) semaphore(%arg7 : memref<!tpu.dma_semaphore, #tpu.memory_space<semaphore_mem>>)
    %dma_wait3A_30 = arith.constant 0 : i32
    %dma_wait3A_31 = arith.constant 0 : i32
    %dma_wait3A_32 = tpu.memref_slice %arg2[%dma_wait3A_30, %dma_wait3A_31] : memref<160000x128xf32, #tpu.memory_space<hbm>> -> memref<160000x128xf32, #tpu.memory_space<hbm>>
    tpu.wait_indirect_dma semaphore(%arg7 : memref<!tpu.dma_semaphore, #tpu.memory_space<semaphore_mem>>) src(%dma_wait3A_32 : memref<160000x128xf32, #tpu.memory_space<hbm>>) dst(%arg6 : memref<1000x128xf32, #tpu.memory_space<vmem>>)
    "tpu.region"() ({
      %run_scoped3A = tpu.sem_alloc : memref<!tpu.dma_semaphore, #tpu.memory_space<semaphore_mem>>
      %dma_start3A_41 = arith.constant 0 : i32
      %dma_start3A_42 = tpu.memref_slice %arg4[%add3A_26, %dma_start3A_41] : memref<160000x128xf32, #tpu.memory_space<hbm>> -> memref<1000x128xf32, #tpu.memory_space<hbm>>
      %dma_start3A_43 = arith.constant 0 : i32
      %dma_start3A_44 = tpu.memref_slice %arg4[%add3A_26, %dma_start3A_43] : memref<160000x128xf32, #tpu.memory_space<hbm>> -> memref<1000x128xf32, #tpu.memory_space<hbm>>
      tpu.enqueue_dma source(%arg6 : memref<1000x128xf32, #tpu.memory_space<vmem>>) target(%dma_start3A_44 : memref<1000x128xf32, #tpu.memory_space<hbm>>) target_semaphore(%run_scoped3A : memref<!tpu.dma_semaphore, #tpu.memory_space<semaphore_mem>>)
      %dma_wait3A_45 = arith.constant 0 : i32
      %dma_wait3A_46 = tpu.memref_slice %arg4[%add3A_26, %dma_wait3A_45] : memref<160000x128xf32, #tpu.memory_space<hbm>> -> memref<1000x128xf32, #tpu.memory_space<hbm>>
      %dma_wait3A_47 = arith.constant 0 : i32
      %dma_wait3A_48 = tpu.memref_slice %arg4[%add3A_26, %dma_wait3A_47] : memref<160000x128xf32, #tpu.memory_space<hbm>> -> memref<1000x128xf32, #tpu.memory_space<hbm>>
      tpu.wait_dma2 semaphore(%run_scoped3A : memref<!tpu.dma_semaphore, #tpu.memory_space<semaphore_mem>>) src(%arg6 : memref<1000x128xf32, #tpu.memory_space<vmem>>) dst(%dma_wait3A_48 : memref<1000x128xf32, #tpu.memory_space<hbm>>)
      tpu.yield
    }) : () -> ()
    %add3A_33 = arith.constant 4000 : i32
    %add3A_34 = arith.addi %mul3A_2, %add3A_33 : i32
    "tpu.region"() ({
      %run_scoped3A = tpu.sem_alloc : memref<!tpu.dma_semaphore, #tpu.memory_space<semaphore_mem>>
      %dma_start3A_41 = tpu.memref_slice %arg3[%add3A_34] : memref<160000xi32, #tpu.memory_space<hbm>> -> memref<1000xi32, #tpu.memory_space<hbm>>
      %dma_start3A_42 = tpu.memref_slice %arg3[%add3A_34] : memref<160000xi32, #tpu.memory_space<hbm>> -> memref<1000xi32, #tpu.memory_space<hbm>>
      tpu.enqueue_dma source(%dma_start3A_42 : memref<1000xi32, #tpu.memory_space<hbm>>) target(%arg5 : memref<1000xi32, #tpu.memory_space<vmem>>) target_semaphore(%run_scoped3A : memref<!tpu.dma_semaphore, #tpu.memory_space<semaphore_mem>>)
      %dma_wait3A_43 = tpu.memref_slice %arg3[%add3A_34] : memref<160000xi32, #tpu.memory_space<hbm>> -> memref<1000xi32, #tpu.memory_space<hbm>>
      %dma_wait3A_44 = tpu.memref_slice %arg3[%add3A_34] : memref<160000xi32, #tpu.memory_space<hbm>> -> memref<1000xi32, #tpu.memory_space<hbm>>
      tpu.wait_dma2 semaphore(%run_scoped3A : memref<!tpu.dma_semaphore, #tpu.memory_space<semaphore_mem>>) src(%dma_wait3A_44 : memref<1000xi32, #tpu.memory_space<hbm>>) dst(%arg5 : memref<1000xi32, #tpu.memory_space<vmem>>)
      tpu.yield
    }) : () -> ()
    %dma_start3A_35 = arith.constant 0 : i32
    %dma_start3A_36 = arith.constant 0 : i32
    %dma_start3A_37 = tpu.memref_slice %arg2[%dma_start3A_35, %dma_start3A_36] : memref<160000x128xf32, #tpu.memory_space<hbm>> -> memref<160000x128xf32, #tpu.memory_space<hbm>>
    tpu.enqueue_indirect_dma source(%dma_start3A_37 : memref<160000x128xf32, #tpu.memory_space<hbm>>) target(%arg6 : memref<1000x128xf32, #tpu.memory_space<vmem>>) offsets(%arg5 : memref<1000xi32, #tpu.memory_space<vmem>>) semaphore(%arg7 : memref<!tpu.dma_semaphore, #tpu.memory_space<semaphore_mem>>)
    %dma_wait3A_38 = arith.constant 0 : i32
    %dma_wait3A_39 = arith.constant 0 : i32
    %dma_wait3A_40 = tpu.memref_slice %arg2[%dma_wait3A_38, %dma_wait3A_39] : memref<160000x128xf32, #tpu.memory_space<hbm>> -> memref<160000x128xf32, #tpu.memory_space<hbm>>
    tpu.wait_indirect_dma semaphore(%arg7 : memref<!tpu.dma_semaphore, #tpu.memory_space<semaphore_mem>>) src(%dma_wait3A_40 : memref<160000x128xf32, #tpu.memory_space<hbm>>) dst(%arg6 : memref<1000x128xf32, #tpu.memory_space<vmem>>)
    "tpu.region"() ({
      %run_scoped3A = tpu.sem_alloc : memref<!tpu.dma_semaphore, #tpu.memory_space<semaphore_mem>>
      %dma_start3A_41 = arith.constant 0 : i32
      %dma_start3A_42 = tpu.memref_slice %arg4[%add3A_34, %dma_start3A_41] : memref<160000x128xf32, #tpu.memory_space<hbm>> -> memref<1000x128xf32, #tpu.memory_space<hbm>>
      %dma_start3A_43 = arith.constant 0 : i32
      %dma_start3A_44 = tpu.memref_slice %arg4[%add3A_34, %dma_start3A_43] : memref<160000x128xf32, #tpu.memory_space<hbm>> -> memref<1000x128xf32, #tpu.memory_space<hbm>>
      tpu.enqueue_dma source(%arg6 : memref<1000x128xf32, #tpu.memory_space<vmem>>) target(%dma_start3A_44 : memref<1000x128xf32, #tpu.memory_space<hbm>>) target_semaphore(%run_scoped3A : memref<!tpu.dma_semaphore, #tpu.memory_space<semaphore_mem>>)
      %dma_wait3A_45 = arith.constant 0 : i32
      %dma_wait3A_46 = tpu.memref_slice %arg4[%add3A_34, %dma_wait3A_45] : memref<160000x128xf32, #tpu.memory_space<hbm>> -> memref<1000x128xf32, #tpu.memory_space<hbm>>
      %dma_wait3A_47 = arith.constant 0 : i32
      %dma_wait3A_48 = tpu.memref_slice %arg4[%add3A_34, %dma_wait3A_47] : memref<160000x128xf32, #tpu.memory_space<hbm>> -> memref<1000x128xf32, #tpu.memory_space<hbm>>
      tpu.wait_dma2 semaphore(%run_scoped3A : memref<!tpu.dma_semaphore, #tpu.memory_space<semaphore_mem>>) src(%arg6 : memref<1000x128xf32, #tpu.memory_space<vmem>>) dst(%dma_wait3A_48 : memref<1000x128xf32, #tpu.memory_space<hbm>>)
      tpu.yield
    }) : () -> ()
    return
  }
}

#map = affine_map<(d0, d1) -> (0, 0)>
#map1 = affine_map<(d0, d1) -> (0)>
module attributes {stable_mosaic.version = 14 : i64} {
  func.func @k(%arg0: i32, %arg1: i32, %arg2: memref<160000x128xf32, #tpu.memory_space<hbm>>, %arg3: memref<160000xi32, #tpu.memory_space<hbm>>, %arg4: memref<160000x128xf32, #tpu.memory_space<hbm>>, %arg5: memref<1000xi32, #tpu.memory_space<vmem>>, %arg6: memref<1000x128xf32, #tpu.memory_space<vmem>>, %arg7: memref<!tpu.dma_semaphore, #tpu.memory_space<semaphore_mem>>) attributes {dimension_semantics = [#tpu.dimension_semantics<core_parallel>, #tpu.dimension_semantics<subcore_parallel>], iteration_bounds = array<i64: 2, 16>, scalar_prefetch = 0 : i64, scratch_operands = 3 : i64, tpu.core_type = #tpu.core_type<sc_vector_subcore>, window_params = [{transform_indices = #map}, {transform_indices = #map1}, {transform_indices = #map}]} {
    %mul3A = arith.constant 2 : i32
    %mul3A_0 = arith.muli %arg1, %mul3A : i32
    %add3A = arith.addi %mul3A_0, %arg0 : i32
    %mul3A_1 = arith.constant 5000 : i32
    %mul3A_2 = arith.muli %add3A, %mul3A_1 : i32
    %add3A_3 = arith.constant 0 : i32
    %add3A_4 = arith.addi %mul3A_2, %add3A_3 : i32
    "tpu.region"() ({
      %run_scoped3A = tpu.sem_alloc : memref<!tpu.dma_semaphore, #tpu.memory_space<semaphore_mem>>
      %dma_start3A_41 = tpu.memref_slice %arg3[%add3A_4] : memref<160000xi32, #tpu.memory_space<hbm>> -> memref<1000xi32, #tpu.memory_space<hbm>>
      %dma_start3A_42 = tpu.memref_slice %arg3[%add3A_4] : memref<160000xi32, #tpu.memory_space<hbm>> -> memref<1000xi32, #tpu.memory_space<hbm>>
      tpu.enqueue_dma source(%dma_start3A_42 : memref<1000xi32, #tpu.memory_space<hbm>>) target(%arg5 : memref<1000xi32, #tpu.memory_space<vmem>>) target_semaphore(%run_scoped3A : memref<!tpu.dma_semaphore, #tpu.memory_space<semaphore_mem>>)
      %dma_wait3A_43 = tpu.memref_slice %arg3[%add3A_4] : memref<160000xi32, #tpu.memory_space<hbm>> -> memref<1000xi32, #tpu.memory_space<hbm>>
      %dma_wait3A_44 = tpu.memref_slice %arg3[%add3A_4] : memref<160000xi32, #tpu.memory_space<hbm>> -> memref<1000xi32, #tpu.memory_space<hbm>>
      tpu.wait_dma2 semaphore(%run_scoped3A : memref<!tpu.dma_semaphore, #tpu.memory_space<semaphore_mem>>) src(%dma_wait3A_44 : memref<1000xi32, #tpu.memory_space<hbm>>) dst(%arg5 : memref<1000xi32, #tpu.memory_space<vmem>>)
      tpu.yield
    }) : () -> ()
    %dma_start3A = arith.constant 0 : i32
    %dma_start3A_5 = arith.constant 0 : i32
    %dma_start3A_6 = tpu.memref_slice %arg2[%dma_start3A, %dma_start3A_5] : memref<160000x128xf32, #tpu.memory_space<hbm>> -> memref<160000x128xf32, #tpu.memory_space<hbm>>
    tpu.enqueue_indirect_dma source(%dma_start3A_6 : memref<160000x128xf32, #tpu.memory_space<hbm>>) target(%arg6 : memref<1000x128xf32, #tpu.memory_space<vmem>>) offsets(%arg5 : memref<1000xi32, #tpu.memory_space<vmem>>) semaphore(%arg7 : memref<!tpu.dma_semaphore, #tpu.memory_space<semaphore_mem>>)
    %dma_wait3A = arith.constant 0 : i32
    %dma_wait3A_7 = arith.constant 0 : i32
    %dma_wait3A_8 = tpu.memref_slice %arg2[%dma_wait3A, %dma_wait3A_7] : memref<160000x128xf32, #tpu.memory_space<hbm>> -> memref<160000x128xf32, #tpu.memory_space<hbm>>
    tpu.wait_indirect_dma semaphore(%arg7 : memref<!tpu.dma_semaphore, #tpu.memory_space<semaphore_mem>>) src(%dma_wait3A_8 : memref<160000x128xf32, #tpu.memory_space<hbm>>) dst(%arg6 : memref<1000x128xf32, #tpu.memory_space<vmem>>)
    "tpu.region"() ({
      %run_scoped3A = tpu.sem_alloc : memref<!tpu.dma_semaphore, #tpu.memory_space<semaphore_mem>>
      %dma_start3A_41 = arith.constant 0 : i32
      %dma_start3A_42 = tpu.memref_slice %arg4[%add3A_4, %dma_start3A_41] : memref<160000x128xf32, #tpu.memory_space<hbm>> -> memref<1000x128xf32, #tpu.memory_space<hbm>>
      %dma_start3A_43 = arith.constant 0 : i32
      %dma_start3A_44 = tpu.memref_slice %arg4[%add3A_4, %dma_start3A_43] : memref<160000x128xf32, #tpu.memory_space<hbm>> -> memref<1000x128xf32, #tpu.memory_space<hbm>>
      tpu.enqueue_dma source(%arg6 : memref<1000x128xf32, #tpu.memory_space<vmem>>) target(%dma_start3A_44 : memref<1000x128xf32, #tpu.memory_space<hbm>>) target_semaphore(%run_scoped3A : memref<!tpu.dma_semaphore, #tpu.memory_space<semaphore_mem>>)
      %dma_wait3A_45 = arith.constant 0 : i32
      %dma_wait3A_46 = tpu.memref_slice %arg4[%add3A_4, %dma_wait3A_45] : memref<160000x128xf32, #tpu.memory_space<hbm>> -> memref<1000x128xf32, #tpu.memory_space<hbm>>
      %dma_wait3A_47 = arith.constant 0 : i32
      %dma_wait3A_48 = tpu.memref_slice %arg4[%add3A_4, %dma_wait3A_47] : memref<160000x128xf32, #tpu.memory_space<hbm>> -> memref<1000x128xf32, #tpu.memory_space<hbm>>
      tpu.wait_dma2 semaphore(%run_scoped3A : memref<!tpu.dma_semaphore, #tpu.memory_space<semaphore_mem>>) src(%arg6 : memref<1000x128xf32, #tpu.memory_space<vmem>>) dst(%dma_wait3A_48 : memref<1000x128xf32, #tpu.memory_space<hbm>>)
      tpu.yield
    }) : () -> ()
    %add3A_9 = arith.constant 1000 : i32
    %add3A_10 = arith.addi %mul3A_2, %add3A_9 : i32
    "tpu.region"() ({
      %run_scoped3A = tpu.sem_alloc : memref<!tpu.dma_semaphore, #tpu.memory_space<semaphore_mem>>
      %dma_start3A_41 = tpu.memref_slice %arg3[%add3A_10] : memref<160000xi32, #tpu.memory_space<hbm>> -> memref<1000xi32, #tpu.memory_space<hbm>>
      %dma_start3A_42 = tpu.memref_slice %arg3[%add3A_10] : memref<160000xi32, #tpu.memory_space<hbm>> -> memref<1000xi32, #tpu.memory_space<hbm>>
      tpu.enqueue_dma source(%dma_start3A_42 : memref<1000xi32, #tpu.memory_space<hbm>>) target(%arg5 : memref<1000xi32, #tpu.memory_space<vmem>>) target_semaphore(%run_scoped3A : memref<!tpu.dma_semaphore, #tpu.memory_space<semaphore_mem>>)
      %dma_wait3A_43 = tpu.memref_slice %arg3[%add3A_10] : memref<160000xi32, #tpu.memory_space<hbm>> -> memref<1000xi32, #tpu.memory_space<hbm>>
      %dma_wait3A_44 = tpu.memref_slice %arg3[%add3A_10] : memref<160000xi32, #tpu.memory_space<hbm>> -> memref<1000xi32, #tpu.memory_space<hbm>>
      tpu.wait_dma2 semaphore(%run_scoped3A : memref<!tpu.dma_semaphore, #tpu.memory_space<semaphore_mem>>) src(%dma_wait3A_44 : memref<1000xi32, #tpu.memory_space<hbm>>) dst(%arg5 : memref<1000xi32, #tpu.memory_space<vmem>>)
      tpu.yield
    }) : () -> ()
    %dma_start3A_11 = arith.constant 0 : i32
    %dma_start3A_12 = arith.constant 0 : i32
    %dma_start3A_13 = tpu.memref_slice %arg2[%dma_start3A_11, %dma_start3A_12] : memref<160000x128xf32, #tpu.memory_space<hbm>> -> memref<160000x128xf32, #tpu.memory_space<hbm>>
    tpu.enqueue_indirect_dma source(%dma_start3A_13 : memref<160000x128xf32, #tpu.memory_space<hbm>>) target(%arg6 : memref<1000x128xf32, #tpu.memory_space<vmem>>) offsets(%arg5 : memref<1000xi32, #tpu.memory_space<vmem>>) semaphore(%arg7 : memref<!tpu.dma_semaphore, #tpu.memory_space<semaphore_mem>>)
    %dma_wait3A_14 = arith.constant 0 : i32
    %dma_wait3A_15 = arith.constant 0 : i32
    %dma_wait3A_16 = tpu.memref_slice %arg2[%dma_wait3A_14, %dma_wait3A_15] : memref<160000x128xf32, #tpu.memory_space<hbm>> -> memref<160000x128xf32, #tpu.memory_space<hbm>>
    tpu.wait_indirect_dma semaphore(%arg7 : memref<!tpu.dma_semaphore, #tpu.memory_space<semaphore_mem>>) src(%dma_wait3A_16 : memref<160000x128xf32, #tpu.memory_space<hbm>>) dst(%arg6 : memref<1000x128xf32, #tpu.memory_space<vmem>>)
    "tpu.region"() ({
      %run_scoped3A = tpu.sem_alloc : memref<!tpu.dma_semaphore, #tpu.memory_space<semaphore_mem>>
      %dma_start3A_41 = arith.constant 0 : i32
      %dma_start3A_42 = tpu.memref_slice %arg4[%add3A_10, %dma_start3A_41] : memref<160000x128xf32, #tpu.memory_space<hbm>> -> memref<1000x128xf32, #tpu.memory_space<hbm>>
      %dma_start3A_43 = arith.constant 0 : i32
      %dma_start3A_44 = tpu.memref_slice %arg4[%add3A_10, %dma_start3A_43] : memref<160000x128xf32, #tpu.memory_space<hbm>> -> memref<1000x128xf32, #tpu.memory_space<hbm>>
      tpu.enqueue_dma source(%arg6 : memref<1000x128xf32, #tpu.memory_space<vmem>>) target(%dma_start3A_44 : memref<1000x128xf32, #tpu.memory_space<hbm>>) target_semaphore(%run_scoped3A : memref<!tpu.dma_semaphore, #tpu.memory_space<semaphore_mem>>)
      %dma_wait3A_45 = arith.constant 0 : i32
      %dma_wait3A_46 = tpu.memref_slice %arg4[%add3A_10, %dma_wait3A_45] : memref<160000x128xf32, #tpu.memory_space<hbm>> -> memref<1000x128xf32, #tpu.memory_space<hbm>>
      %dma_wait3A_47 = arith.constant 0 : i32
      %dma_wait3A_48 = tpu.memref_slice %arg4[%add3A_10, %dma_wait3A_47] : memref<160000x128xf32, #tpu.memory_space<hbm>> -> memref<1000x128xf32, #tpu.memory_space<hbm>>
      tpu.wait_dma2 semaphore(%run_scoped3A : memref<!tpu.dma_semaphore, #tpu.memory_space<semaphore_mem>>) src(%arg6 : memref<1000x128xf32, #tpu.memory_space<vmem>>) dst(%dma_wait3A_48 : memref<1000x128xf32, #tpu.memory_space<hbm>>)
      tpu.yield
    }) : () -> ()
    %add3A_17 = arith.constant 2000 : i32
    %add3A_18 = arith.addi %mul3A_2, %add3A_17 : i32
    "tpu.region"() ({
      %run_scoped3A = tpu.sem_alloc : memref<!tpu.dma_semaphore, #tpu.memory_space<semaphore_mem>>
      %dma_start3A_41 = tpu.memref_slice %arg3[%add3A_18] : memref<160000xi32, #tpu.memory_space<hbm>> -> memref<1000xi32, #tpu.memory_space<hbm>>
      %dma_start3A_42 = tpu.memref_slice %arg3[%add3A_18] : memref<160000xi32, #tpu.memory_space<hbm>> -> memref<1000xi32, #tpu.memory_space<hbm>>
      tpu.enqueue_dma source(%dma_start3A_42 : memref<1000xi32, #tpu.memory_space<hbm>>) target(%arg5 : memref<1000xi32, #tpu.memory_space<vmem>>) target_semaphore(%run_scoped3A : memref<!tpu.dma_semaphore, #tpu.memory_space<semaphore_mem>>)
      %dma_wait3A_43 = tpu.memref_slice %arg3[%add3A_18] : memref<160000xi32, #tpu.memory_space<hbm>> -> memref<1000xi32, #tpu.memory_space<hbm>>
      %dma_wait3A_44 = tpu.memref_slice %arg3[%add3A_18] : memref<160000xi32, #tpu.memory_space<hbm>> -> memref<1000xi32, #tpu.memory_space<hbm>>
      tpu.wait_dma2 semaphore(%run_scoped3A : memref<!tpu.dma_semaphore, #tpu.memory_space<semaphore_mem>>) src(%dma_wait3A_44 : memref<1000xi32, #tpu.memory_space<hbm>>) dst(%arg5 : memref<1000xi32, #tpu.memory_space<vmem>>)
      tpu.yield
    }) : () -> ()
    %dma_start3A_19 = arith.constant 0 : i32
    %dma_start3A_20 = arith.constant 0 : i32
    %dma_start3A_21 = tpu.memref_slice %arg2[%dma_start3A_19, %dma_start3A_20] : memref<160000x128xf32, #tpu.memory_space<hbm>> -> memref<160000x128xf32, #tpu.memory_space<hbm>>
    tpu.enqueue_indirect_dma source(%dma_start3A_21 : memref<160000x128xf32, #tpu.memory_space<hbm>>) target(%arg6 : memref<1000x128xf32, #tpu.memory_space<vmem>>) offsets(%arg5 : memref<1000xi32, #tpu.memory_space<vmem>>) semaphore(%arg7 : memref<!tpu.dma_semaphore, #tpu.memory_space<semaphore_mem>>)
    %dma_wait3A_22 = arith.constant 0 : i32
    %dma_wait3A_23 = arith.constant 0 : i32
    %dma_wait3A_24 = tpu.memref_slice %arg2[%dma_wait3A_22, %dma_wait3A_23] : memref<160000x128xf32, #tpu.memory_space<hbm>> -> memref<160000x128xf32, #tpu.memory_space<hbm>>
    tpu.wait_indirect_dma semaphore(%arg7 : memref<!tpu.dma_semaphore, #tpu.memory_space<semaphore_mem>>) src(%dma_wait3A_24 : memref<160000x128xf32, #tpu.memory_space<hbm>>) dst(%arg6 : memref<1000x128xf32, #tpu.memory_space<vmem>>)
    "tpu.region"() ({
      %run_scoped3A = tpu.sem_alloc : memref<!tpu.dma_semaphore, #tpu.memory_space<semaphore_mem>>
      %dma_start3A_41 = arith.constant 0 : i32
      %dma_start3A_42 = tpu.memref_slice %arg4[%add3A_18, %dma_start3A_41] : memref<160000x128xf32, #tpu.memory_space<hbm>> -> memref<1000x128xf32, #tpu.memory_space<hbm>>
      %dma_start3A_43 = arith.constant 0 : i32
      %dma_start3A_44 = tpu.memref_slice %arg4[%add3A_18, %dma_start3A_43] : memref<160000x128xf32, #tpu.memory_space<hbm>> -> memref<1000x128xf32, #tpu.memory_space<hbm>>
      tpu.enqueue_dma source(%arg6 : memref<1000x128xf32, #tpu.memory_space<vmem>>) target(%dma_start3A_44 : memref<1000x128xf32, #tpu.memory_space<hbm>>) target_semaphore(%run_scoped3A : memref<!tpu.dma_semaphore, #tpu.memory_space<semaphore_mem>>)
      %dma_wait3A_45 = arith.constant 0 : i32
      %dma_wait3A_46 = tpu.memref_slice %arg4[%add3A_18, %dma_wait3A_45] : memref<160000x128xf32, #tpu.memory_space<hbm>> -> memref<1000x128xf32, #tpu.memory_space<hbm>>
      %dma_wait3A_47 = arith.constant 0 : i32
      %dma_wait3A_48 = tpu.memref_slice %arg4[%add3A_18, %dma_wait3A_47] : memref<160000x128xf32, #tpu.memory_space<hbm>> -> memref<1000x128xf32, #tpu.memory_space<hbm>>
      tpu.wait_dma2 semaphore(%run_scoped3A : memref<!tpu.dma_semaphore, #tpu.memory_space<semaphore_mem>>) src(%arg6 : memref<1000x128xf32, #tpu.memory_space<vmem>>) dst(%dma_wait3A_48 : memref<1000x128xf32, #tpu.memory_space<hbm>>)
      tpu.yield
    }) : () -> ()
    %add3A_25 = arith.constant 3000 : i32
    %add3A_26 = arith.addi %mul3A_2, %add3A_25 : i32
    "tpu.region"() ({
      %run_scoped3A = tpu.sem_alloc : memref<!tpu.dma_semaphore, #tpu.memory_space<semaphore_mem>>
      %dma_start3A_41 = tpu.memref_slice %arg3[%add3A_26] : memref<160000xi32, #tpu.memory_space<hbm>> -> memref<1000xi32, #tpu.memory_space<hbm>>
      %dma_start3A_42 = tpu.memref_slice %arg3[%add3A_26] : memref<160000xi32, #tpu.memory_space<hbm>> -> memref<1000xi32, #tpu.memory_space<hbm>>
      tpu.enqueue_dma source(%dma_start3A_42 : memref<1000xi32, #tpu.memory_space<hbm>>) target(%arg5 : memref<1000xi32, #tpu.memory_space<vmem>>) target_semaphore(%run_scoped3A : memref<!tpu.dma_semaphore, #tpu.memory_space<semaphore_mem>>)
      %dma_wait3A_43 = tpu.memref_slice %arg3[%add3A_26] : memref<160000xi32, #tpu.memory_space<hbm>> -> memref<1000xi32, #tpu.memory_space<hbm>>
      %dma_wait3A_44 = tpu.memref_slice %arg3[%add3A_26] : memref<160000xi32, #tpu.memory_space<hbm>> -> memref<1000xi32, #tpu.memory_space<hbm>>
      tpu.wait_dma2 semaphore(%run_scoped3A : memref<!tpu.dma_semaphore, #tpu.memory_space<semaphore_mem>>) src(%dma_wait3A_44 : memref<1000xi32, #tpu.memory_space<hbm>>) dst(%arg5 : memref<1000xi32, #tpu.memory_space<vmem>>)
      tpu.yield
    }) : () -> ()
    %dma_start3A_27 = arith.constant 0 : i32
    %dma_start3A_28 = arith.constant 0 : i32
    %dma_start3A_29 = tpu.memref_slice %arg2[%dma_start3A_27, %dma_start3A_28] : memref<160000x128xf32, #tpu.memory_space<hbm>> -> memref<160000x128xf32, #tpu.memory_space<hbm>>
    tpu.enqueue_indirect_dma source(%dma_start3A_29 : memref<160000x128xf32, #tpu.memory_space<hbm>>) target(%arg6 : memref<1000x128xf32, #tpu.memory_space<vmem>>) offsets(%arg5 : memref<1000xi32, #tpu.memory_space<vmem>>) semaphore(%arg7 : memref<!tpu.dma_semaphore, #tpu.memory_space<semaphore_mem>>)
    %dma_wait3A_30 = arith.constant 0 : i32
    %dma_wait3A_31 = arith.constant 0 : i32
    %dma_wait3A_32 = tpu.memref_slice %arg2[%dma_wait3A_30, %dma_wait3A_31] : memref<160000x128xf32, #tpu.memory_space<hbm>> -> memref<160000x128xf32, #tpu.memory_space<hbm>>
    tpu.wait_indirect_dma semaphore(%arg7 : memref<!tpu.dma_semaphore, #tpu.memory_space<semaphore_mem>>) src(%dma_wait3A_32 : memref<160000x128xf32, #tpu.memory_space<hbm>>) dst(%arg6 : memref<1000x128xf32, #tpu.memory_space<vmem>>)
    "tpu.region"() ({
      %run_scoped3A = tpu.sem_alloc : memref<!tpu.dma_semaphore, #tpu.memory_space<semaphore_mem>>
      %dma_start3A_41 = arith.constant 0 : i32
      %dma_start3A_42 = tpu.memref_slice %arg4[%add3A_26, %dma_start3A_41] : memref<160000x128xf32, #tpu.memory_space<hbm>> -> memref<1000x128xf32, #tpu.memory_space<hbm>>
      %dma_start3A_43 = arith.constant 0 : i32
      %dma_start3A_44 = tpu.memref_slice %arg4[%add3A_26, %dma_start3A_43] : memref<160000x128xf32, #tpu.memory_space<hbm>> -> memref<1000x128xf32, #tpu.memory_space<hbm>>
      tpu.enqueue_dma source(%arg6 : memref<1000x128xf32, #tpu.memory_space<vmem>>) target(%dma_start3A_44 : memref<1000x128xf32, #tpu.memory_space<hbm>>) target_semaphore(%run_scoped3A : memref<!tpu.dma_semaphore, #tpu.memory_space<semaphore_mem>>)
      %dma_wait3A_45 = arith.constant 0 : i32
      %dma_wait3A_46 = tpu.memref_slice %arg4[%add3A_26, %dma_wait3A_45] : memref<160000x128xf32, #tpu.memory_space<hbm>> -> memref<1000x128xf32, #tpu.memory_space<hbm>>
      %dma_wait3A_47 = arith.constant 0 : i32
      %dma_wait3A_48 = tpu.memref_slice %arg4[%add3A_26, %dma_wait3A_47] : memref<160000x128xf32, #tpu.memory_space<hbm>> -> memref<1000x128xf32, #tpu.memory_space<hbm>>
      tpu.wait_dma2 semaphore(%run_scoped3A : memref<!tpu.dma_semaphore, #tpu.memory_space<semaphore_mem>>) src(%arg6 : memref<1000x128xf32, #tpu.memory_space<vmem>>) dst(%dma_wait3A_48 : memref<1000x128xf32, #tpu.memory_space<hbm>>)
      tpu.yield
    }) : () -> ()
    %add3A_33 = arith.constant 4000 : i32
    %add3A_34 = arith.addi %mul3A_2, %add3A_33 : i32
    "tpu.region"() ({
      %run_scoped3A = tpu.sem_alloc : memref<!tpu.dma_semaphore, #tpu.memory_space<semaphore_mem>>
      %dma_start3A_41 = tpu.memref_slice %arg3[%add3A_34] : memref<160000xi32, #tpu.memory_space<hbm>> -> memref<1000xi32, #tpu.memory_space<hbm>>
      %dma_start3A_42 = tpu.memref_slice %arg3[%add3A_34] : memref<160000xi32, #tpu.memory_space<hbm>> -> memref<1000xi32, #tpu.memory_space<hbm>>
      tpu.enqueue_dma source(%dma_start3A_42 : memref<1000xi32, #tpu.memory_space<hbm>>) target(%arg5 : memref<1000xi32, #tpu.memory_space<vmem>>) target_semaphore(%run_scoped3A : memref<!tpu.dma_semaphore, #tpu.memory_space<semaphore_mem>>)
      %dma_wait3A_43 = tpu.memref_slice %arg3[%add3A_34] : memref<160000xi32, #tpu.memory_space<hbm>> -> memref<1000xi32, #tpu.memory_space<hbm>>
      %dma_wait3A_44 = tpu.memref_slice %arg3[%add3A_34] : memref<160000xi32, #tpu.memory_space<hbm>> -> memref<1000xi32, #tpu.memory_space<hbm>>
      tpu.wait_dma2 semaphore(%run_scoped3A : memref<!tpu.dma_semaphore, #tpu.memory_space<semaphore_mem>>) src(%dma_wait3A_44 : memref<1000xi32, #tpu.memory_space<hbm>>) dst(%arg5 : memref<1000xi32, #tpu.memory_space<vmem>>)
      tpu.yield
    }) : () -> ()
    %dma_start3A_35 = arith.constant 0 : i32
    %dma_start3A_36 = arith.constant 0 : i32
    %dma_start3A_37 = tpu.memref_slice %arg2[%dma_start3A_35, %dma_start3A_36] : memref<160000x128xf32, #tpu.memory_space<hbm>> -> memref<160000x128xf32, #tpu.memory_space<hbm>>
    tpu.enqueue_indirect_dma source(%dma_start3A_37 : memref<160000x128xf32, #tpu.memory_space<hbm>>) target(%arg6 : memref<1000x128xf32, #tpu.memory_space<vmem>>) offsets(%arg5 : memref<1000xi32, #tpu.memory_space<vmem>>) semaphore(%arg7 : memref<!tpu.dma_semaphore, #tpu.memory_space<semaphore_mem>>)
    %dma_wait3A_38 = arith.constant 0 : i32
    %dma_wait3A_39 = arith.constant 0 : i32
    %dma_wait3A_40 = tpu.memref_slice %arg2[%dma_wait3A_38, %dma_wait3A_39] : memref<160000x128xf32, #tpu.memory_space<hbm>> -> memref<160000x128xf32, #tpu.memory_space<hbm>>
    tpu.wait_indirect_dma semaphore(%arg7 : memref<!tpu.dma_semaphore, #tpu.memory_space<semaphore_mem>>) src(%dma_wait3A_40 : memref<160000x128xf32, #tpu.memory_space<hbm>>) dst(%arg6 : memref<1000x128xf32, #tpu.memory_space<vmem>>)
    "tpu.region"() ({
      %run_scoped3A = tpu.sem_alloc : memref<!tpu.dma_semaphore, #tpu.memory_space<semaphore_mem>>
      %dma_start3A_41 = arith.constant 0 : i32
      %dma_start3A_42 = tpu.memref_slice %arg4[%add3A_34, %dma_start3A_41] : memref<160000x128xf32, #tpu.memory_space<hbm>> -> memref<1000x128xf32, #tpu.memory_space<hbm>>
      %dma_start3A_43 = arith.constant 0 : i32
      %dma_start3A_44 = tpu.memref_slice %arg4[%add3A_34, %dma_start3A_43] : memref<160000x128xf32, #tpu.memory_space<hbm>> -> memref<1000x128xf32, #tpu.memory_space<hbm>>
      tpu.enqueue_dma source(%arg6 : memref<1000x128xf32, #tpu.memory_space<vmem>>) target(%dma_start3A_44 : memref<1000x128xf32, #tpu.memory_space<hbm>>) target_semaphore(%run_scoped3A : memref<!tpu.dma_semaphore, #tpu.memory_space<semaphore_mem>>)
      %dma_wait3A_45 = arith.constant 0 : i32
      %dma_wait3A_46 = tpu.memref_slice %arg4[%add3A_34, %dma_wait3A_45] : memref<160000x128xf32, #tpu.memory_space<hbm>> -> memref<1000x128xf32, #tpu.memory_space<hbm>>
      %dma_wait3A_47 = arith.constant 0 : i32
      %dma_wait3A_48 = tpu.memref_slice %arg4[%add3A_34, %dma_wait3A_47] : memref<160000x128xf32, #tpu.memory_space<hbm>> -> memref<1000x128xf32, #tpu.memory_space<hbm>>
      tpu.wait_dma2 semaphore(%run_scoped3A : memref<!tpu.dma_semaphore, #tpu.memory_space<semaphore_mem>>) src(%arg6 : memref<1000x128xf32, #tpu.memory_space<vmem>>) dst(%dma_wait3A_48 : memref<1000x128xf32, #tpu.memory_space<hbm>>)
      tpu.yield
    }) : () -> ()
    return
  }
}

#map = affine_map<(d0, d1) -> (0, 0)>
#map1 = affine_map<(d0, d1) -> (0)>
module attributes {stable_mosaic.version = 14 : i64} {
  func.func @k(%arg0: i32, %arg1: i32, %arg2: memref<50000x128xf32, #tpu.memory_space<hbm>>, %arg3: memref<204800xi32, #tpu.memory_space<hbm>>, %arg4: memref<204800x128xf32, #tpu.memory_space<hbm>>, %arg5: memref<800xi32, #tpu.memory_space<vmem>>, %arg6: memref<800x128xf32, #tpu.memory_space<vmem>>, %arg7: memref<!tpu.dma_semaphore, #tpu.memory_space<semaphore_mem>>) attributes {dimension_semantics = [#tpu.dimension_semantics<core_parallel>, #tpu.dimension_semantics<subcore_parallel>], iteration_bounds = array<i64: 2, 16>, scalar_prefetch = 0 : i64, scratch_operands = 3 : i64, tpu.core_type = #tpu.core_type<sc_vector_subcore>, window_params = [{transform_indices = #map}, {transform_indices = #map1}, {transform_indices = #map}]} {
    %mul3A = arith.constant 2 : i32
    %mul3A_0 = arith.muli %arg1, %mul3A : i32
    %add3A = arith.addi %mul3A_0, %arg0 : i32
    %mul3A_1 = arith.constant 6400 : i32
    %mul3A_2 = arith.muli %add3A, %mul3A_1 : i32
    %add3A_3 = arith.constant 0 : i32
    %add3A_4 = arith.addi %mul3A_2, %add3A_3 : i32
    "tpu.region"() ({
      %run_scoped3A = tpu.sem_alloc : memref<!tpu.dma_semaphore, #tpu.memory_space<semaphore_mem>>
      %dma_start3A_65 = tpu.memref_slice %arg3[%add3A_4] : memref<204800xi32, #tpu.memory_space<hbm>> -> memref<800xi32, #tpu.memory_space<hbm>>
      %dma_start3A_66 = tpu.memref_slice %arg3[%add3A_4] : memref<204800xi32, #tpu.memory_space<hbm>> -> memref<800xi32, #tpu.memory_space<hbm>>
      tpu.enqueue_dma source(%dma_start3A_66 : memref<800xi32, #tpu.memory_space<hbm>>) target(%arg5 : memref<800xi32, #tpu.memory_space<vmem>>) target_semaphore(%run_scoped3A : memref<!tpu.dma_semaphore, #tpu.memory_space<semaphore_mem>>)
      %dma_wait3A_67 = tpu.memref_slice %arg3[%add3A_4] : memref<204800xi32, #tpu.memory_space<hbm>> -> memref<800xi32, #tpu.memory_space<hbm>>
      %dma_wait3A_68 = tpu.memref_slice %arg3[%add3A_4] : memref<204800xi32, #tpu.memory_space<hbm>> -> memref<800xi32, #tpu.memory_space<hbm>>
      tpu.wait_dma2 semaphore(%run_scoped3A : memref<!tpu.dma_semaphore, #tpu.memory_space<semaphore_mem>>) src(%dma_wait3A_68 : memref<800xi32, #tpu.memory_space<hbm>>) dst(%arg5 : memref<800xi32, #tpu.memory_space<vmem>>)
      tpu.yield
    }) : () -> ()
    %dma_start3A = arith.constant 0 : i32
    %dma_start3A_5 = arith.constant 0 : i32
    %dma_start3A_6 = tpu.memref_slice %arg2[%dma_start3A, %dma_start3A_5] : memref<50000x128xf32, #tpu.memory_space<hbm>> -> memref<50000x128xf32, #tpu.memory_space<hbm>>
    tpu.enqueue_indirect_dma source(%dma_start3A_6 : memref<50000x128xf32, #tpu.memory_space<hbm>>) target(%arg6 : memref<800x128xf32, #tpu.memory_space<vmem>>) offsets(%arg5 : memref<800xi32, #tpu.memory_space<vmem>>) semaphore(%arg7 : memref<!tpu.dma_semaphore, #tpu.memory_space<semaphore_mem>>)
    %dma_wait3A = arith.constant 0 : i32
    %dma_wait3A_7 = arith.constant 0 : i32
    %dma_wait3A_8 = tpu.memref_slice %arg2[%dma_wait3A, %dma_wait3A_7] : memref<50000x128xf32, #tpu.memory_space<hbm>> -> memref<50000x128xf32, #tpu.memory_space<hbm>>
    tpu.wait_indirect_dma semaphore(%arg7 : memref<!tpu.dma_semaphore, #tpu.memory_space<semaphore_mem>>) src(%dma_wait3A_8 : memref<50000x128xf32, #tpu.memory_space<hbm>>) dst(%arg6 : memref<800x128xf32, #tpu.memory_space<vmem>>)
    "tpu.region"() ({
      %run_scoped3A = tpu.sem_alloc : memref<!tpu.dma_semaphore, #tpu.memory_space<semaphore_mem>>
      %dma_start3A_65 = arith.constant 0 : i32
      %dma_start3A_66 = tpu.memref_slice %arg4[%add3A_4, %dma_start3A_65] : memref<204800x128xf32, #tpu.memory_space<hbm>> -> memref<800x128xf32, #tpu.memory_space<hbm>>
      %dma_start3A_67 = arith.constant 0 : i32
      %dma_start3A_68 = tpu.memref_slice %arg4[%add3A_4, %dma_start3A_67] : memref<204800x128xf32, #tpu.memory_space<hbm>> -> memref<800x128xf32, #tpu.memory_space<hbm>>
      tpu.enqueue_dma source(%arg6 : memref<800x128xf32, #tpu.memory_space<vmem>>) target(%dma_start3A_68 : memref<800x128xf32, #tpu.memory_space<hbm>>) target_semaphore(%run_scoped3A : memref<!tpu.dma_semaphore, #tpu.memory_space<semaphore_mem>>)
      %dma_wait3A_69 = arith.constant 0 : i32
      %dma_wait3A_70 = tpu.memref_slice %arg4[%add3A_4, %dma_wait3A_69] : memref<204800x128xf32, #tpu.memory_space<hbm>> -> memref<800x128xf32, #tpu.memory_space<hbm>>
      %dma_wait3A_71 = arith.constant 0 : i32
      %dma_wait3A_72 = tpu.memref_slice %arg4[%add3A_4, %dma_wait3A_71] : memref<204800x128xf32, #tpu.memory_space<hbm>> -> memref<800x128xf32, #tpu.memory_space<hbm>>
      tpu.wait_dma2 semaphore(%run_scoped3A : memref<!tpu.dma_semaphore, #tpu.memory_space<semaphore_mem>>) src(%arg6 : memref<800x128xf32, #tpu.memory_space<vmem>>) dst(%dma_wait3A_72 : memref<800x128xf32, #tpu.memory_space<hbm>>)
      tpu.yield
    }) : () -> ()
    %add3A_9 = arith.constant 800 : i32
    %add3A_10 = arith.addi %mul3A_2, %add3A_9 : i32
    "tpu.region"() ({
      %run_scoped3A = tpu.sem_alloc : memref<!tpu.dma_semaphore, #tpu.memory_space<semaphore_mem>>
      %dma_start3A_65 = tpu.memref_slice %arg3[%add3A_10] : memref<204800xi32, #tpu.memory_space<hbm>> -> memref<800xi32, #tpu.memory_space<hbm>>
      %dma_start3A_66 = tpu.memref_slice %arg3[%add3A_10] : memref<204800xi32, #tpu.memory_space<hbm>> -> memref<800xi32, #tpu.memory_space<hbm>>
      tpu.enqueue_dma source(%dma_start3A_66 : memref<800xi32, #tpu.memory_space<hbm>>) target(%arg5 : memref<800xi32, #tpu.memory_space<vmem>>) target_semaphore(%run_scoped3A : memref<!tpu.dma_semaphore, #tpu.memory_space<semaphore_mem>>)
      %dma_wait3A_67 = tpu.memref_slice %arg3[%add3A_10] : memref<204800xi32, #tpu.memory_space<hbm>> -> memref<800xi32, #tpu.memory_space<hbm>>
      %dma_wait3A_68 = tpu.memref_slice %arg3[%add3A_10] : memref<204800xi32, #tpu.memory_space<hbm>> -> memref<800xi32, #tpu.memory_space<hbm>>
      tpu.wait_dma2 semaphore(%run_scoped3A : memref<!tpu.dma_semaphore, #tpu.memory_space<semaphore_mem>>) src(%dma_wait3A_68 : memref<800xi32, #tpu.memory_space<hbm>>) dst(%arg5 : memref<800xi32, #tpu.memory_space<vmem>>)
      tpu.yield
    }) : () -> ()
    %dma_start3A_11 = arith.constant 0 : i32
    %dma_start3A_12 = arith.constant 0 : i32
    %dma_start3A_13 = tpu.memref_slice %arg2[%dma_start3A_11, %dma_start3A_12] : memref<50000x128xf32, #tpu.memory_space<hbm>> -> memref<50000x128xf32, #tpu.memory_space<hbm>>
    tpu.enqueue_indirect_dma source(%dma_start3A_13 : memref<50000x128xf32, #tpu.memory_space<hbm>>) target(%arg6 : memref<800x128xf32, #tpu.memory_space<vmem>>) offsets(%arg5 : memref<800xi32, #tpu.memory_space<vmem>>) semaphore(%arg7 : memref<!tpu.dma_semaphore, #tpu.memory_space<semaphore_mem>>)
    %dma_wait3A_14 = arith.constant 0 : i32
    %dma_wait3A_15 = arith.constant 0 : i32
    %dma_wait3A_16 = tpu.memref_slice %arg2[%dma_wait3A_14, %dma_wait3A_15] : memref<50000x128xf32, #tpu.memory_space<hbm>> -> memref<50000x128xf32, #tpu.memory_space<hbm>>
    tpu.wait_indirect_dma semaphore(%arg7 : memref<!tpu.dma_semaphore, #tpu.memory_space<semaphore_mem>>) src(%dma_wait3A_16 : memref<50000x128xf32, #tpu.memory_space<hbm>>) dst(%arg6 : memref<800x128xf32, #tpu.memory_space<vmem>>)
    "tpu.region"() ({
      %run_scoped3A = tpu.sem_alloc : memref<!tpu.dma_semaphore, #tpu.memory_space<semaphore_mem>>
      %dma_start3A_65 = arith.constant 0 : i32
      %dma_start3A_66 = tpu.memref_slice %arg4[%add3A_10, %dma_start3A_65] : memref<204800x128xf32, #tpu.memory_space<hbm>> -> memref<800x128xf32, #tpu.memory_space<hbm>>
      %dma_start3A_67 = arith.constant 0 : i32
      %dma_start3A_68 = tpu.memref_slice %arg4[%add3A_10, %dma_start3A_67] : memref<204800x128xf32, #tpu.memory_space<hbm>> -> memref<800x128xf32, #tpu.memory_space<hbm>>
      tpu.enqueue_dma source(%arg6 : memref<800x128xf32, #tpu.memory_space<vmem>>) target(%dma_start3A_68 : memref<800x128xf32, #tpu.memory_space<hbm>>) target_semaphore(%run_scoped3A : memref<!tpu.dma_semaphore, #tpu.memory_space<semaphore_mem>>)
      %dma_wait3A_69 = arith.constant 0 : i32
      %dma_wait3A_70 = tpu.memref_slice %arg4[%add3A_10, %dma_wait3A_69] : memref<204800x128xf32, #tpu.memory_space<hbm>> -> memref<800x128xf32, #tpu.memory_space<hbm>>
      %dma_wait3A_71 = arith.constant 0 : i32
      %dma_wait3A_72 = tpu.memref_slice %arg4[%add3A_10, %dma_wait3A_71] : memref<204800x128xf32, #tpu.memory_space<hbm>> -> memref<800x128xf32, #tpu.memory_space<hbm>>
      tpu.wait_dma2 semaphore(%run_scoped3A : memref<!tpu.dma_semaphore, #tpu.memory_space<semaphore_mem>>) src(%arg6 : memref<800x128xf32, #tpu.memory_space<vmem>>) dst(%dma_wait3A_72 : memref<800x128xf32, #tpu.memory_space<hbm>>)
      tpu.yield
    }) : () -> ()
    %add3A_17 = arith.constant 1600 : i32
    %add3A_18 = arith.addi %mul3A_2, %add3A_17 : i32
    "tpu.region"() ({
      %run_scoped3A = tpu.sem_alloc : memref<!tpu.dma_semaphore, #tpu.memory_space<semaphore_mem>>
      %dma_start3A_65 = tpu.memref_slice %arg3[%add3A_18] : memref<204800xi32, #tpu.memory_space<hbm>> -> memref<800xi32, #tpu.memory_space<hbm>>
      %dma_start3A_66 = tpu.memref_slice %arg3[%add3A_18] : memref<204800xi32, #tpu.memory_space<hbm>> -> memref<800xi32, #tpu.memory_space<hbm>>
      tpu.enqueue_dma source(%dma_start3A_66 : memref<800xi32, #tpu.memory_space<hbm>>) target(%arg5 : memref<800xi32, #tpu.memory_space<vmem>>) target_semaphore(%run_scoped3A : memref<!tpu.dma_semaphore, #tpu.memory_space<semaphore_mem>>)
      %dma_wait3A_67 = tpu.memref_slice %arg3[%add3A_18] : memref<204800xi32, #tpu.memory_space<hbm>> -> memref<800xi32, #tpu.memory_space<hbm>>
      %dma_wait3A_68 = tpu.memref_slice %arg3[%add3A_18] : memref<204800xi32, #tpu.memory_space<hbm>> -> memref<800xi32, #tpu.memory_space<hbm>>
      tpu.wait_dma2 semaphore(%run_scoped3A : memref<!tpu.dma_semaphore, #tpu.memory_space<semaphore_mem>>) src(%dma_wait3A_68 : memref<800xi32, #tpu.memory_space<hbm>>) dst(%arg5 : memref<800xi32, #tpu.memory_space<vmem>>)
      tpu.yield
    }) : () -> ()
    %dma_start3A_19 = arith.constant 0 : i32
    %dma_start3A_20 = arith.constant 0 : i32
    %dma_start3A_21 = tpu.memref_slice %arg2[%dma_start3A_19, %dma_start3A_20] : memref<50000x128xf32, #tpu.memory_space<hbm>> -> memref<50000x128xf32, #tpu.memory_space<hbm>>
    tpu.enqueue_indirect_dma source(%dma_start3A_21 : memref<50000x128xf32, #tpu.memory_space<hbm>>) target(%arg6 : memref<800x128xf32, #tpu.memory_space<vmem>>) offsets(%arg5 : memref<800xi32, #tpu.memory_space<vmem>>) semaphore(%arg7 : memref<!tpu.dma_semaphore, #tpu.memory_space<semaphore_mem>>)
    %dma_wait3A_22 = arith.constant 0 : i32
    %dma_wait3A_23 = arith.constant 0 : i32
    %dma_wait3A_24 = tpu.memref_slice %arg2[%dma_wait3A_22, %dma_wait3A_23] : memref<50000x128xf32, #tpu.memory_space<hbm>> -> memref<50000x128xf32, #tpu.memory_space<hbm>>
    tpu.wait_indirect_dma semaphore(%arg7 : memref<!tpu.dma_semaphore, #tpu.memory_space<semaphore_mem>>) src(%dma_wait3A_24 : memref<50000x128xf32, #tpu.memory_space<hbm>>) dst(%arg6 : memref<800x128xf32, #tpu.memory_space<vmem>>)
    "tpu.region"() ({
      %run_scoped3A = tpu.sem_alloc : memref<!tpu.dma_semaphore, #tpu.memory_space<semaphore_mem>>
      %dma_start3A_65 = arith.constant 0 : i32
      %dma_start3A_66 = tpu.memref_slice %arg4[%add3A_18, %dma_start3A_65] : memref<204800x128xf32, #tpu.memory_space<hbm>> -> memref<800x128xf32, #tpu.memory_space<hbm>>
      %dma_start3A_67 = arith.constant 0 : i32
      %dma_start3A_68 = tpu.memref_slice %arg4[%add3A_18, %dma_start3A_67] : memref<204800x128xf32, #tpu.memory_space<hbm>> -> memref<800x128xf32, #tpu.memory_space<hbm>>
      tpu.enqueue_dma source(%arg6 : memref<800x128xf32, #tpu.memory_space<vmem>>) target(%dma_start3A_68 : memref<800x128xf32, #tpu.memory_space<hbm>>) target_semaphore(%run_scoped3A : memref<!tpu.dma_semaphore, #tpu.memory_space<semaphore_mem>>)
      %dma_wait3A_69 = arith.constant 0 : i32
      %dma_wait3A_70 = tpu.memref_slice %arg4[%add3A_18, %dma_wait3A_69] : memref<204800x128xf32, #tpu.memory_space<hbm>> -> memref<800x128xf32, #tpu.memory_space<hbm>>
      %dma_wait3A_71 = arith.constant 0 : i32
      %dma_wait3A_72 = tpu.memref_slice %arg4[%add3A_18, %dma_wait3A_71] : memref<204800x128xf32, #tpu.memory_space<hbm>> -> memref<800x128xf32, #tpu.memory_space<hbm>>
      tpu.wait_dma2 semaphore(%run_scoped3A : memref<!tpu.dma_semaphore, #tpu.memory_space<semaphore_mem>>) src(%arg6 : memref<800x128xf32, #tpu.memory_space<vmem>>) dst(%dma_wait3A_72 : memref<800x128xf32, #tpu.memory_space<hbm>>)
      tpu.yield
    }) : () -> ()
    %add3A_25 = arith.constant 2400 : i32
    %add3A_26 = arith.addi %mul3A_2, %add3A_25 : i32
    "tpu.region"() ({
      %run_scoped3A = tpu.sem_alloc : memref<!tpu.dma_semaphore, #tpu.memory_space<semaphore_mem>>
      %dma_start3A_65 = tpu.memref_slice %arg3[%add3A_26] : memref<204800xi32, #tpu.memory_space<hbm>> -> memref<800xi32, #tpu.memory_space<hbm>>
      %dma_start3A_66 = tpu.memref_slice %arg3[%add3A_26] : memref<204800xi32, #tpu.memory_space<hbm>> -> memref<800xi32, #tpu.memory_space<hbm>>
      tpu.enqueue_dma source(%dma_start3A_66 : memref<800xi32, #tpu.memory_space<hbm>>) target(%arg5 : memref<800xi32, #tpu.memory_space<vmem>>) target_semaphore(%run_scoped3A : memref<!tpu.dma_semaphore, #tpu.memory_space<semaphore_mem>>)
      %dma_wait3A_67 = tpu.memref_slice %arg3[%add3A_26] : memref<204800xi32, #tpu.memory_space<hbm>> -> memref<800xi32, #tpu.memory_space<hbm>>
      %dma_wait3A_68 = tpu.memref_slice %arg3[%add3A_26] : memref<204800xi32, #tpu.memory_space<hbm>> -> memref<800xi32, #tpu.memory_space<hbm>>
      tpu.wait_dma2 semaphore(%run_scoped3A : memref<!tpu.dma_semaphore, #tpu.memory_space<semaphore_mem>>) src(%dma_wait3A_68 : memref<800xi32, #tpu.memory_space<hbm>>) dst(%arg5 : memref<800xi32, #tpu.memory_space<vmem>>)
      tpu.yield
    }) : () -> ()
    %dma_start3A_27 = arith.constant 0 : i32
    %dma_start3A_28 = arith.constant 0 : i32
    %dma_start3A_29 = tpu.memref_slice %arg2[%dma_start3A_27, %dma_start3A_28] : memref<50000x128xf32, #tpu.memory_space<hbm>> -> memref<50000x128xf32, #tpu.memory_space<hbm>>
    tpu.enqueue_indirect_dma source(%dma_start3A_29 : memref<50000x128xf32, #tpu.memory_space<hbm>>) target(%arg6 : memref<800x128xf32, #tpu.memory_space<vmem>>) offsets(%arg5 : memref<800xi32, #tpu.memory_space<vmem>>) semaphore(%arg7 : memref<!tpu.dma_semaphore, #tpu.memory_space<semaphore_mem>>)
    %dma_wait3A_30 = arith.constant 0 : i32
    %dma_wait3A_31 = arith.constant 0 : i32
    %dma_wait3A_32 = tpu.memref_slice %arg2[%dma_wait3A_30, %dma_wait3A_31] : memref<50000x128xf32, #tpu.memory_space<hbm>> -> memref<50000x128xf32, #tpu.memory_space<hbm>>
    tpu.wait_indirect_dma semaphore(%arg7 : memref<!tpu.dma_semaphore, #tpu.memory_space<semaphore_mem>>) src(%dma_wait3A_32 : memref<50000x128xf32, #tpu.memory_space<hbm>>) dst(%arg6 : memref<800x128xf32, #tpu.memory_space<vmem>>)
    "tpu.region"() ({
      %run_scoped3A = tpu.sem_alloc : memref<!tpu.dma_semaphore, #tpu.memory_space<semaphore_mem>>
      %dma_start3A_65 = arith.constant 0 : i32
      %dma_start3A_66 = tpu.memref_slice %arg4[%add3A_26, %dma_start3A_65] : memref<204800x128xf32, #tpu.memory_space<hbm>> -> memref<800x128xf32, #tpu.memory_space<hbm>>
      %dma_start3A_67 = arith.constant 0 : i32
      %dma_start3A_68 = tpu.memref_slice %arg4[%add3A_26, %dma_start3A_67] : memref<204800x128xf32, #tpu.memory_space<hbm>> -> memref<800x128xf32, #tpu.memory_space<hbm>>
      tpu.enqueue_dma source(%arg6 : memref<800x128xf32, #tpu.memory_space<vmem>>) target(%dma_start3A_68 : memref<800x128xf32, #tpu.memory_space<hbm>>) target_semaphore(%run_scoped3A : memref<!tpu.dma_semaphore, #tpu.memory_space<semaphore_mem>>)
      %dma_wait3A_69 = arith.constant 0 : i32
      %dma_wait3A_70 = tpu.memref_slice %arg4[%add3A_26, %dma_wait3A_69] : memref<204800x128xf32, #tpu.memory_space<hbm>> -> memref<800x128xf32, #tpu.memory_space<hbm>>
      %dma_wait3A_71 = arith.constant 0 : i32
      %dma_wait3A_72 = tpu.memref_slice %arg4[%add3A_26, %dma_wait3A_71] : memref<204800x128xf32, #tpu.memory_space<hbm>> -> memref<800x128xf32, #tpu.memory_space<hbm>>
      tpu.wait_dma2 semaphore(%run_scoped3A : memref<!tpu.dma_semaphore, #tpu.memory_space<semaphore_mem>>) src(%arg6 : memref<800x128xf32, #tpu.memory_space<vmem>>) dst(%dma_wait3A_72 : memref<800x128xf32, #tpu.memory_space<hbm>>)
      tpu.yield
    }) : () -> ()
    %add3A_33 = arith.constant 3200 : i32
    %add3A_34 = arith.addi %mul3A_2, %add3A_33 : i32
    "tpu.region"() ({
      %run_scoped3A = tpu.sem_alloc : memref<!tpu.dma_semaphore, #tpu.memory_space<semaphore_mem>>
      %dma_start3A_65 = tpu.memref_slice %arg3[%add3A_34] : memref<204800xi32, #tpu.memory_space<hbm>> -> memref<800xi32, #tpu.memory_space<hbm>>
      %dma_start3A_66 = tpu.memref_slice %arg3[%add3A_34] : memref<204800xi32, #tpu.memory_space<hbm>> -> memref<800xi32, #tpu.memory_space<hbm>>
      tpu.enqueue_dma source(%dma_start3A_66 : memref<800xi32, #tpu.memory_space<hbm>>) target(%arg5 : memref<800xi32, #tpu.memory_space<vmem>>) target_semaphore(%run_scoped3A : memref<!tpu.dma_semaphore, #tpu.memory_space<semaphore_mem>>)
      %dma_wait3A_67 = tpu.memref_slice %arg3[%add3A_34] : memref<204800xi32, #tpu.memory_space<hbm>> -> memref<800xi32, #tpu.memory_space<hbm>>
      %dma_wait3A_68 = tpu.memref_slice %arg3[%add3A_34] : memref<204800xi32, #tpu.memory_space<hbm>> -> memref<800xi32, #tpu.memory_space<hbm>>
      tpu.wait_dma2 semaphore(%run_scoped3A : memref<!tpu.dma_semaphore, #tpu.memory_space<semaphore_mem>>) src(%dma_wait3A_68 : memref<800xi32, #tpu.memory_space<hbm>>) dst(%arg5 : memref<800xi32, #tpu.memory_space<vmem>>)
      tpu.yield
    }) : () -> ()
    %dma_start3A_35 = arith.constant 0 : i32
    %dma_start3A_36 = arith.constant 0 : i32
    %dma_start3A_37 = tpu.memref_slice %arg2[%dma_start3A_35, %dma_start3A_36] : memref<50000x128xf32, #tpu.memory_space<hbm>> -> memref<50000x128xf32, #tpu.memory_space<hbm>>
    tpu.enqueue_indirect_dma source(%dma_start3A_37 : memref<50000x128xf32, #tpu.memory_space<hbm>>) target(%arg6 : memref<800x128xf32, #tpu.memory_space<vmem>>) offsets(%arg5 : memref<800xi32, #tpu.memory_space<vmem>>) semaphore(%arg7 : memref<!tpu.dma_semaphore, #tpu.memory_space<semaphore_mem>>)
    %dma_wait3A_38 = arith.constant 0 : i32
    %dma_wait3A_39 = arith.constant 0 : i32
    %dma_wait3A_40 = tpu.memref_slice %arg2[%dma_wait3A_38, %dma_wait3A_39] : memref<50000x128xf32, #tpu.memory_space<hbm>> -> memref<50000x128xf32, #tpu.memory_space<hbm>>
    tpu.wait_indirect_dma semaphore(%arg7 : memref<!tpu.dma_semaphore, #tpu.memory_space<semaphore_mem>>) src(%dma_wait3A_40 : memref<50000x128xf32, #tpu.memory_space<hbm>>) dst(%arg6 : memref<800x128xf32, #tpu.memory_space<vmem>>)
    "tpu.region"() ({
      %run_scoped3A = tpu.sem_alloc : memref<!tpu.dma_semaphore, #tpu.memory_space<semaphore_mem>>
      %dma_start3A_65 = arith.constant 0 : i32
      %dma_start3A_66 = tpu.memref_slice %arg4[%add3A_34, %dma_start3A_65] : memref<204800x128xf32, #tpu.memory_space<hbm>> -> memref<800x128xf32, #tpu.memory_space<hbm>>
      %dma_start3A_67 = arith.constant 0 : i32
      %dma_start3A_68 = tpu.memref_slice %arg4[%add3A_34, %dma_start3A_67] : memref<204800x128xf32, #tpu.memory_space<hbm>> -> memref<800x128xf32, #tpu.memory_space<hbm>>
      tpu.enqueue_dma source(%arg6 : memref<800x128xf32, #tpu.memory_space<vmem>>) target(%dma_start3A_68 : memref<800x128xf32, #tpu.memory_space<hbm>>) target_semaphore(%run_scoped3A : memref<!tpu.dma_semaphore, #tpu.memory_space<semaphore_mem>>)
      %dma_wait3A_69 = arith.constant 0 : i32
      %dma_wait3A_70 = tpu.memref_slice %arg4[%add3A_34, %dma_wait3A_69] : memref<204800x128xf32, #tpu.memory_space<hbm>> -> memref<800x128xf32, #tpu.memory_space<hbm>>
      %dma_wait3A_71 = arith.constant 0 : i32
      %dma_wait3A_72 = tpu.memref_slice %arg4[%add3A_34, %dma_wait3A_71] : memref<204800x128xf32, #tpu.memory_space<hbm>> -> memref<800x128xf32, #tpu.memory_space<hbm>>
      tpu.wait_dma2 semaphore(%run_scoped3A : memref<!tpu.dma_semaphore, #tpu.memory_space<semaphore_mem>>) src(%arg6 : memref<800x128xf32, #tpu.memory_space<vmem>>) dst(%dma_wait3A_72 : memref<800x128xf32, #tpu.memory_space<hbm>>)
      tpu.yield
    }) : () -> ()
    %add3A_41 = arith.constant 4000 : i32
    %add3A_42 = arith.addi %mul3A_2, %add3A_41 : i32
    "tpu.region"() ({
      %run_scoped3A = tpu.sem_alloc : memref<!tpu.dma_semaphore, #tpu.memory_space<semaphore_mem>>
      %dma_start3A_65 = tpu.memref_slice %arg3[%add3A_42] : memref<204800xi32, #tpu.memory_space<hbm>> -> memref<800xi32, #tpu.memory_space<hbm>>
      %dma_start3A_66 = tpu.memref_slice %arg3[%add3A_42] : memref<204800xi32, #tpu.memory_space<hbm>> -> memref<800xi32, #tpu.memory_space<hbm>>
      tpu.enqueue_dma source(%dma_start3A_66 : memref<800xi32, #tpu.memory_space<hbm>>) target(%arg5 : memref<800xi32, #tpu.memory_space<vmem>>) target_semaphore(%run_scoped3A : memref<!tpu.dma_semaphore, #tpu.memory_space<semaphore_mem>>)
      %dma_wait3A_67 = tpu.memref_slice %arg3[%add3A_42] : memref<204800xi32, #tpu.memory_space<hbm>> -> memref<800xi32, #tpu.memory_space<hbm>>
      %dma_wait3A_68 = tpu.memref_slice %arg3[%add3A_42] : memref<204800xi32, #tpu.memory_space<hbm>> -> memref<800xi32, #tpu.memory_space<hbm>>
      tpu.wait_dma2 semaphore(%run_scoped3A : memref<!tpu.dma_semaphore, #tpu.memory_space<semaphore_mem>>) src(%dma_wait3A_68 : memref<800xi32, #tpu.memory_space<hbm>>) dst(%arg5 : memref<800xi32, #tpu.memory_space<vmem>>)
      tpu.yield
    }) : () -> ()
    %dma_start3A_43 = arith.constant 0 : i32
    %dma_start3A_44 = arith.constant 0 : i32
    %dma_start3A_45 = tpu.memref_slice %arg2[%dma_start3A_43, %dma_start3A_44] : memref<50000x128xf32, #tpu.memory_space<hbm>> -> memref<50000x128xf32, #tpu.memory_space<hbm>>
    tpu.enqueue_indirect_dma source(%dma_start3A_45 : memref<50000x128xf32, #tpu.memory_space<hbm>>) target(%arg6 : memref<800x128xf32, #tpu.memory_space<vmem>>) offsets(%arg5 : memref<800xi32, #tpu.memory_space<vmem>>) semaphore(%arg7 : memref<!tpu.dma_semaphore, #tpu.memory_space<semaphore_mem>>)
    %dma_wait3A_46 = arith.constant 0 : i32
    %dma_wait3A_47 = arith.constant 0 : i32
    %dma_wait3A_48 = tpu.memref_slice %arg2[%dma_wait3A_46, %dma_wait3A_47] : memref<50000x128xf32, #tpu.memory_space<hbm>> -> memref<50000x128xf32, #tpu.memory_space<hbm>>
    tpu.wait_indirect_dma semaphore(%arg7 : memref<!tpu.dma_semaphore, #tpu.memory_space<semaphore_mem>>) src(%dma_wait3A_48 : memref<50000x128xf32, #tpu.memory_space<hbm>>) dst(%arg6 : memref<800x128xf32, #tpu.memory_space<vmem>>)
    "tpu.region"() ({
      %run_scoped3A = tpu.sem_alloc : memref<!tpu.dma_semaphore, #tpu.memory_space<semaphore_mem>>
      %dma_start3A_65 = arith.constant 0 : i32
      %dma_start3A_66 = tpu.memref_slice %arg4[%add3A_42, %dma_start3A_65] : memref<204800x128xf32, #tpu.memory_space<hbm>> -> memref<800x128xf32, #tpu.memory_space<hbm>>
      %dma_start3A_67 = arith.constant 0 : i32
      %dma_start3A_68 = tpu.memref_slice %arg4[%add3A_42, %dma_start3A_67] : memref<204800x128xf32, #tpu.memory_space<hbm>> -> memref<800x128xf32, #tpu.memory_space<hbm>>
      tpu.enqueue_dma source(%arg6 : memref<800x128xf32, #tpu.memory_space<vmem>>) target(%dma_start3A_68 : memref<800x128xf32, #tpu.memory_space<hbm>>) target_semaphore(%run_scoped3A : memref<!tpu.dma_semaphore, #tpu.memory_space<semaphore_mem>>)
      %dma_wait3A_69 = arith.constant 0 : i32
      %dma_wait3A_70 = tpu.memref_slice %arg4[%add3A_42, %dma_wait3A_69] : memref<204800x128xf32, #tpu.memory_space<hbm>> -> memref<800x128xf32, #tpu.memory_space<hbm>>
      %dma_wait3A_71 = arith.constant 0 : i32
      %dma_wait3A_72 = tpu.memref_slice %arg4[%add3A_42, %dma_wait3A_71] : memref<204800x128xf32, #tpu.memory_space<hbm>> -> memref<800x128xf32, #tpu.memory_space<hbm>>
      tpu.wait_dma2 semaphore(%run_scoped3A : memref<!tpu.dma_semaphore, #tpu.memory_space<semaphore_mem>>) src(%arg6 : memref<800x128xf32, #tpu.memory_space<vmem>>) dst(%dma_wait3A_72 : memref<800x128xf32, #tpu.memory_space<hbm>>)
      tpu.yield
    }) : () -> ()
    %add3A_49 = arith.constant 4800 : i32
    %add3A_50 = arith.addi %mul3A_2, %add3A_49 : i32
    "tpu.region"() ({
      %run_scoped3A = tpu.sem_alloc : memref<!tpu.dma_semaphore, #tpu.memory_space<semaphore_mem>>
      %dma_start3A_65 = tpu.memref_slice %arg3[%add3A_50] : memref<204800xi32, #tpu.memory_space<hbm>> -> memref<800xi32, #tpu.memory_space<hbm>>
      %dma_start3A_66 = tpu.memref_slice %arg3[%add3A_50] : memref<204800xi32, #tpu.memory_space<hbm>> -> memref<800xi32, #tpu.memory_space<hbm>>
      tpu.enqueue_dma source(%dma_start3A_66 : memref<800xi32, #tpu.memory_space<hbm>>) target(%arg5 : memref<800xi32, #tpu.memory_space<vmem>>) target_semaphore(%run_scoped3A : memref<!tpu.dma_semaphore, #tpu.memory_space<semaphore_mem>>)
      %dma_wait3A_67 = tpu.memref_slice %arg3[%add3A_50] : memref<204800xi32, #tpu.memory_space<hbm>> -> memref<800xi32, #tpu.memory_space<hbm>>
      %dma_wait3A_68 = tpu.memref_slice %arg3[%add3A_50] : memref<204800xi32, #tpu.memory_space<hbm>> -> memref<800xi32, #tpu.memory_space<hbm>>
      tpu.wait_dma2 semaphore(%run_scoped3A : memref<!tpu.dma_semaphore, #tpu.memory_space<semaphore_mem>>) src(%dma_wait3A_68 : memref<800xi32, #tpu.memory_space<hbm>>) dst(%arg5 : memref<800xi32, #tpu.memory_space<vmem>>)
      tpu.yield
    }) : () -> ()
    %dma_start3A_51 = arith.constant 0 : i32
    %dma_start3A_52 = arith.constant 0 : i32
    %dma_start3A_53 = tpu.memref_slice %arg2[%dma_start3A_51, %dma_start3A_52] : memref<50000x128xf32, #tpu.memory_space<hbm>> -> memref<50000x128xf32, #tpu.memory_space<hbm>>
    tpu.enqueue_indirect_dma source(%dma_start3A_53 : memref<50000x128xf32, #tpu.memory_space<hbm>>) target(%arg6 : memref<800x128xf32, #tpu.memory_space<vmem>>) offsets(%arg5 : memref<800xi32, #tpu.memory_space<vmem>>) semaphore(%arg7 : memref<!tpu.dma_semaphore, #tpu.memory_space<semaphore_mem>>)
    %dma_wait3A_54 = arith.constant 0 : i32
    %dma_wait3A_55 = arith.constant 0 : i32
    %dma_wait3A_56 = tpu.memref_slice %arg2[%dma_wait3A_54, %dma_wait3A_55] : memref<50000x128xf32, #tpu.memory_space<hbm>> -> memref<50000x128xf32, #tpu.memory_space<hbm>>
    tpu.wait_indirect_dma semaphore(%arg7 : memref<!tpu.dma_semaphore, #tpu.memory_space<semaphore_mem>>) src(%dma_wait3A_56 : memref<50000x128xf32, #tpu.memory_space<hbm>>) dst(%arg6 : memref<800x128xf32, #tpu.memory_space<vmem>>)
    "tpu.region"() ({
      %run_scoped3A = tpu.sem_alloc : memref<!tpu.dma_semaphore, #tpu.memory_space<semaphore_mem>>
      %dma_start3A_65 = arith.constant 0 : i32
      %dma_start3A_66 = tpu.memref_slice %arg4[%add3A_50, %dma_start3A_65] : memref<204800x128xf32, #tpu.memory_space<hbm>> -> memref<800x128xf32, #tpu.memory_space<hbm>>
      %dma_start3A_67 = arith.constant 0 : i32
      %dma_start3A_68 = tpu.memref_slice %arg4[%add3A_50, %dma_start3A_67] : memref<204800x128xf32, #tpu.memory_space<hbm>> -> memref<800x128xf32, #tpu.memory_space<hbm>>
      tpu.enqueue_dma source(%arg6 : memref<800x128xf32, #tpu.memory_space<vmem>>) target(%dma_start3A_68 : memref<800x128xf32, #tpu.memory_space<hbm>>) target_semaphore(%run_scoped3A : memref<!tpu.dma_semaphore, #tpu.memory_space<semaphore_mem>>)
      %dma_wait3A_69 = arith.constant 0 : i32
      %dma_wait3A_70 = tpu.memref_slice %arg4[%add3A_50, %dma_wait3A_69] : memref<204800x128xf32, #tpu.memory_space<hbm>> -> memref<800x128xf32, #tpu.memory_space<hbm>>
      %dma_wait3A_71 = arith.constant 0 : i32
      %dma_wait3A_72 = tpu.memref_slice %arg4[%add3A_50, %dma_wait3A_71] : memref<204800x128xf32, #tpu.memory_space<hbm>> -> memref<800x128xf32, #tpu.memory_space<hbm>>
      tpu.wait_dma2 semaphore(%run_scoped3A : memref<!tpu.dma_semaphore, #tpu.memory_space<semaphore_mem>>) src(%arg6 : memref<800x128xf32, #tpu.memory_space<vmem>>) dst(%dma_wait3A_72 : memref<800x128xf32, #tpu.memory_space<hbm>>)
      tpu.yield
    }) : () -> ()
    %add3A_57 = arith.constant 5600 : i32
    %add3A_58 = arith.addi %mul3A_2, %add3A_57 : i32
    "tpu.region"() ({
      %run_scoped3A = tpu.sem_alloc : memref<!tpu.dma_semaphore, #tpu.memory_space<semaphore_mem>>
      %dma_start3A_65 = tpu.memref_slice %arg3[%add3A_58] : memref<204800xi32, #tpu.memory_space<hbm>> -> memref<800xi32, #tpu.memory_space<hbm>>
      %dma_start3A_66 = tpu.memref_slice %arg3[%add3A_58] : memref<204800xi32, #tpu.memory_space<hbm>> -> memref<800xi32, #tpu.memory_space<hbm>>
      tpu.enqueue_dma source(%dma_start3A_66 : memref<800xi32, #tpu.memory_space<hbm>>) target(%arg5 : memref<800xi32, #tpu.memory_space<vmem>>) target_semaphore(%run_scoped3A : memref<!tpu.dma_semaphore, #tpu.memory_space<semaphore_mem>>)
      %dma_wait3A_67 = tpu.memref_slice %arg3[%add3A_58] : memref<204800xi32, #tpu.memory_space<hbm>> -> memref<800xi32, #tpu.memory_space<hbm>>
      %dma_wait3A_68 = tpu.memref_slice %arg3[%add3A_58] : memref<204800xi32, #tpu.memory_space<hbm>> -> memref<800xi32, #tpu.memory_space<hbm>>
      tpu.wait_dma2 semaphore(%run_scoped3A : memref<!tpu.dma_semaphore, #tpu.memory_space<semaphore_mem>>) src(%dma_wait3A_68 : memref<800xi32, #tpu.memory_space<hbm>>) dst(%arg5 : memref<800xi32, #tpu.memory_space<vmem>>)
      tpu.yield
    }) : () -> ()
    %dma_start3A_59 = arith.constant 0 : i32
    %dma_start3A_60 = arith.constant 0 : i32
    %dma_start3A_61 = tpu.memref_slice %arg2[%dma_start3A_59, %dma_start3A_60] : memref<50000x128xf32, #tpu.memory_space<hbm>> -> memref<50000x128xf32, #tpu.memory_space<hbm>>
    tpu.enqueue_indirect_dma source(%dma_start3A_61 : memref<50000x128xf32, #tpu.memory_space<hbm>>) target(%arg6 : memref<800x128xf32, #tpu.memory_space<vmem>>) offsets(%arg5 : memref<800xi32, #tpu.memory_space<vmem>>) semaphore(%arg7 : memref<!tpu.dma_semaphore, #tpu.memory_space<semaphore_mem>>)
    %dma_wait3A_62 = arith.constant 0 : i32
    %dma_wait3A_63 = arith.constant 0 : i32
    %dma_wait3A_64 = tpu.memref_slice %arg2[%dma_wait3A_62, %dma_wait3A_63] : memref<50000x128xf32, #tpu.memory_space<hbm>> -> memref<50000x128xf32, #tpu.memory_space<hbm>>
    tpu.wait_indirect_dma semaphore(%arg7 : memref<!tpu.dma_semaphore, #tpu.memory_space<semaphore_mem>>) src(%dma_wait3A_64 : memref<50000x128xf32, #tpu.memory_space<hbm>>) dst(%arg6 : memref<800x128xf32, #tpu.memory_space<vmem>>)
    "tpu.region"() ({
      %run_scoped3A = tpu.sem_alloc : memref<!tpu.dma_semaphore, #tpu.memory_space<semaphore_mem>>
      %dma_start3A_65 = arith.constant 0 : i32
      %dma_start3A_66 = tpu.memref_slice %arg4[%add3A_58, %dma_start3A_65] : memref<204800x128xf32, #tpu.memory_space<hbm>> -> memref<800x128xf32, #tpu.memory_space<hbm>>
      %dma_start3A_67 = arith.constant 0 : i32
      %dma_start3A_68 = tpu.memref_slice %arg4[%add3A_58, %dma_start3A_67] : memref<204800x128xf32, #tpu.memory_space<hbm>> -> memref<800x128xf32, #tpu.memory_space<hbm>>
      tpu.enqueue_dma source(%arg6 : memref<800x128xf32, #tpu.memory_space<vmem>>) target(%dma_start3A_68 : memref<800x128xf32, #tpu.memory_space<hbm>>) target_semaphore(%run_scoped3A : memref<!tpu.dma_semaphore, #tpu.memory_space<semaphore_mem>>)
      %dma_wait3A_69 = arith.constant 0 : i32
      %dma_wait3A_70 = tpu.memref_slice %arg4[%add3A_58, %dma_wait3A_69] : memref<204800x128xf32, #tpu.memory_space<hbm>> -> memref<800x128xf32, #tpu.memory_space<hbm>>
      %dma_wait3A_71 = arith.constant 0 : i32
      %dma_wait3A_72 = tpu.memref_slice %arg4[%add3A_58, %dma_wait3A_71] : memref<204800x128xf32, #tpu.memory_space<hbm>> -> memref<800x128xf32, #tpu.memory_space<hbm>>
      tpu.wait_dma2 semaphore(%run_scoped3A : memref<!tpu.dma_semaphore, #tpu.memory_space<semaphore_mem>>) src(%arg6 : memref<800x128xf32, #tpu.memory_space<vmem>>) dst(%dma_wait3A_72 : memref<800x128xf32, #tpu.memory_space<hbm>>)
      tpu.yield
    }) : () -> ()
    return
  }
}

#map = affine_map<(d0, d1) -> (0, 0)>
#map1 = affine_map<(d0, d1) -> (0)>
module attributes {stable_mosaic.version = 14 : i64} {
  func.func @k(%arg0: i32, %arg1: i32, %arg2: memref<50000x128xf32, #tpu.memory_space<hbm>>, %arg3: memref<204800xi32, #tpu.memory_space<hbm>>, %arg4: memref<204800x128xf32, #tpu.memory_space<hbm>>, %arg5: memref<800xi32, #tpu.memory_space<vmem>>, %arg6: memref<800x128xf32, #tpu.memory_space<vmem>>, %arg7: memref<!tpu.dma_semaphore, #tpu.memory_space<semaphore_mem>>) attributes {dimension_semantics = [#tpu.dimension_semantics<core_parallel>, #tpu.dimension_semantics<subcore_parallel>], iteration_bounds = array<i64: 2, 16>, scalar_prefetch = 0 : i64, scratch_operands = 3 : i64, tpu.core_type = #tpu.core_type<sc_vector_subcore>, window_params = [{transform_indices = #map}, {transform_indices = #map1}, {transform_indices = #map}]} {
    %mul3A = arith.constant 2 : i32
    %mul3A_0 = arith.muli %arg1, %mul3A : i32
    %add3A = arith.addi %mul3A_0, %arg0 : i32
    %mul3A_1 = arith.constant 6400 : i32
    %mul3A_2 = arith.muli %add3A, %mul3A_1 : i32
    %add3A_3 = arith.constant 0 : i32
    %add3A_4 = arith.addi %mul3A_2, %add3A_3 : i32
    "tpu.region"() ({
      %run_scoped3A = tpu.sem_alloc : memref<!tpu.dma_semaphore, #tpu.memory_space<semaphore_mem>>
      %dma_start3A_65 = tpu.memref_slice %arg3[%add3A_4] : memref<204800xi32, #tpu.memory_space<hbm>> -> memref<800xi32, #tpu.memory_space<hbm>>
      %dma_start3A_66 = tpu.memref_slice %arg3[%add3A_4] : memref<204800xi32, #tpu.memory_space<hbm>> -> memref<800xi32, #tpu.memory_space<hbm>>
      tpu.enqueue_dma source(%dma_start3A_66 : memref<800xi32, #tpu.memory_space<hbm>>) target(%arg5 : memref<800xi32, #tpu.memory_space<vmem>>) target_semaphore(%run_scoped3A : memref<!tpu.dma_semaphore, #tpu.memory_space<semaphore_mem>>)
      %dma_wait3A_67 = tpu.memref_slice %arg3[%add3A_4] : memref<204800xi32, #tpu.memory_space<hbm>> -> memref<800xi32, #tpu.memory_space<hbm>>
      %dma_wait3A_68 = tpu.memref_slice %arg3[%add3A_4] : memref<204800xi32, #tpu.memory_space<hbm>> -> memref<800xi32, #tpu.memory_space<hbm>>
      tpu.wait_dma2 semaphore(%run_scoped3A : memref<!tpu.dma_semaphore, #tpu.memory_space<semaphore_mem>>) src(%dma_wait3A_68 : memref<800xi32, #tpu.memory_space<hbm>>) dst(%arg5 : memref<800xi32, #tpu.memory_space<vmem>>)
      tpu.yield
    }) : () -> ()
    %dma_start3A = arith.constant 0 : i32
    %dma_start3A_5 = arith.constant 0 : i32
    %dma_start3A_6 = tpu.memref_slice %arg2[%dma_start3A, %dma_start3A_5] : memref<50000x128xf32, #tpu.memory_space<hbm>> -> memref<50000x128xf32, #tpu.memory_space<hbm>>
    tpu.enqueue_indirect_dma source(%dma_start3A_6 : memref<50000x128xf32, #tpu.memory_space<hbm>>) target(%arg6 : memref<800x128xf32, #tpu.memory_space<vmem>>) offsets(%arg5 : memref<800xi32, #tpu.memory_space<vmem>>) semaphore(%arg7 : memref<!tpu.dma_semaphore, #tpu.memory_space<semaphore_mem>>)
    %dma_wait3A = arith.constant 0 : i32
    %dma_wait3A_7 = arith.constant 0 : i32
    %dma_wait3A_8 = tpu.memref_slice %arg2[%dma_wait3A, %dma_wait3A_7] : memref<50000x128xf32, #tpu.memory_space<hbm>> -> memref<50000x128xf32, #tpu.memory_space<hbm>>
    tpu.wait_indirect_dma semaphore(%arg7 : memref<!tpu.dma_semaphore, #tpu.memory_space<semaphore_mem>>) src(%dma_wait3A_8 : memref<50000x128xf32, #tpu.memory_space<hbm>>) dst(%arg6 : memref<800x128xf32, #tpu.memory_space<vmem>>)
    "tpu.region"() ({
      %run_scoped3A = tpu.sem_alloc : memref<!tpu.dma_semaphore, #tpu.memory_space<semaphore_mem>>
      %dma_start3A_65 = arith.constant 0 : i32
      %dma_start3A_66 = tpu.memref_slice %arg4[%add3A_4, %dma_start3A_65] : memref<204800x128xf32, #tpu.memory_space<hbm>> -> memref<800x128xf32, #tpu.memory_space<hbm>>
      %dma_start3A_67 = arith.constant 0 : i32
      %dma_start3A_68 = tpu.memref_slice %arg4[%add3A_4, %dma_start3A_67] : memref<204800x128xf32, #tpu.memory_space<hbm>> -> memref<800x128xf32, #tpu.memory_space<hbm>>
      tpu.enqueue_dma source(%arg6 : memref<800x128xf32, #tpu.memory_space<vmem>>) target(%dma_start3A_68 : memref<800x128xf32, #tpu.memory_space<hbm>>) target_semaphore(%run_scoped3A : memref<!tpu.dma_semaphore, #tpu.memory_space<semaphore_mem>>)
      %dma_wait3A_69 = arith.constant 0 : i32
      %dma_wait3A_70 = tpu.memref_slice %arg4[%add3A_4, %dma_wait3A_69] : memref<204800x128xf32, #tpu.memory_space<hbm>> -> memref<800x128xf32, #tpu.memory_space<hbm>>
      %dma_wait3A_71 = arith.constant 0 : i32
      %dma_wait3A_72 = tpu.memref_slice %arg4[%add3A_4, %dma_wait3A_71] : memref<204800x128xf32, #tpu.memory_space<hbm>> -> memref<800x128xf32, #tpu.memory_space<hbm>>
      tpu.wait_dma2 semaphore(%run_scoped3A : memref<!tpu.dma_semaphore, #tpu.memory_space<semaphore_mem>>) src(%arg6 : memref<800x128xf32, #tpu.memory_space<vmem>>) dst(%dma_wait3A_72 : memref<800x128xf32, #tpu.memory_space<hbm>>)
      tpu.yield
    }) : () -> ()
    %add3A_9 = arith.constant 800 : i32
    %add3A_10 = arith.addi %mul3A_2, %add3A_9 : i32
    "tpu.region"() ({
      %run_scoped3A = tpu.sem_alloc : memref<!tpu.dma_semaphore, #tpu.memory_space<semaphore_mem>>
      %dma_start3A_65 = tpu.memref_slice %arg3[%add3A_10] : memref<204800xi32, #tpu.memory_space<hbm>> -> memref<800xi32, #tpu.memory_space<hbm>>
      %dma_start3A_66 = tpu.memref_slice %arg3[%add3A_10] : memref<204800xi32, #tpu.memory_space<hbm>> -> memref<800xi32, #tpu.memory_space<hbm>>
      tpu.enqueue_dma source(%dma_start3A_66 : memref<800xi32, #tpu.memory_space<hbm>>) target(%arg5 : memref<800xi32, #tpu.memory_space<vmem>>) target_semaphore(%run_scoped3A : memref<!tpu.dma_semaphore, #tpu.memory_space<semaphore_mem>>)
      %dma_wait3A_67 = tpu.memref_slice %arg3[%add3A_10] : memref<204800xi32, #tpu.memory_space<hbm>> -> memref<800xi32, #tpu.memory_space<hbm>>
      %dma_wait3A_68 = tpu.memref_slice %arg3[%add3A_10] : memref<204800xi32, #tpu.memory_space<hbm>> -> memref<800xi32, #tpu.memory_space<hbm>>
      tpu.wait_dma2 semaphore(%run_scoped3A : memref<!tpu.dma_semaphore, #tpu.memory_space<semaphore_mem>>) src(%dma_wait3A_68 : memref<800xi32, #tpu.memory_space<hbm>>) dst(%arg5 : memref<800xi32, #tpu.memory_space<vmem>>)
      tpu.yield
    }) : () -> ()
    %dma_start3A_11 = arith.constant 0 : i32
    %dma_start3A_12 = arith.constant 0 : i32
    %dma_start3A_13 = tpu.memref_slice %arg2[%dma_start3A_11, %dma_start3A_12] : memref<50000x128xf32, #tpu.memory_space<hbm>> -> memref<50000x128xf32, #tpu.memory_space<hbm>>
    tpu.enqueue_indirect_dma source(%dma_start3A_13 : memref<50000x128xf32, #tpu.memory_space<hbm>>) target(%arg6 : memref<800x128xf32, #tpu.memory_space<vmem>>) offsets(%arg5 : memref<800xi32, #tpu.memory_space<vmem>>) semaphore(%arg7 : memref<!tpu.dma_semaphore, #tpu.memory_space<semaphore_mem>>)
    %dma_wait3A_14 = arith.constant 0 : i32
    %dma_wait3A_15 = arith.constant 0 : i32
    %dma_wait3A_16 = tpu.memref_slice %arg2[%dma_wait3A_14, %dma_wait3A_15] : memref<50000x128xf32, #tpu.memory_space<hbm>> -> memref<50000x128xf32, #tpu.memory_space<hbm>>
    tpu.wait_indirect_dma semaphore(%arg7 : memref<!tpu.dma_semaphore, #tpu.memory_space<semaphore_mem>>) src(%dma_wait3A_16 : memref<50000x128xf32, #tpu.memory_space<hbm>>) dst(%arg6 : memref<800x128xf32, #tpu.memory_space<vmem>>)
    "tpu.region"() ({
      %run_scoped3A = tpu.sem_alloc : memref<!tpu.dma_semaphore, #tpu.memory_space<semaphore_mem>>
      %dma_start3A_65 = arith.constant 0 : i32
      %dma_start3A_66 = tpu.memref_slice %arg4[%add3A_10, %dma_start3A_65] : memref<204800x128xf32, #tpu.memory_space<hbm>> -> memref<800x128xf32, #tpu.memory_space<hbm>>
      %dma_start3A_67 = arith.constant 0 : i32
      %dma_start3A_68 = tpu.memref_slice %arg4[%add3A_10, %dma_start3A_67] : memref<204800x128xf32, #tpu.memory_space<hbm>> -> memref<800x128xf32, #tpu.memory_space<hbm>>
      tpu.enqueue_dma source(%arg6 : memref<800x128xf32, #tpu.memory_space<vmem>>) target(%dma_start3A_68 : memref<800x128xf32, #tpu.memory_space<hbm>>) target_semaphore(%run_scoped3A : memref<!tpu.dma_semaphore, #tpu.memory_space<semaphore_mem>>)
      %dma_wait3A_69 = arith.constant 0 : i32
      %dma_wait3A_70 = tpu.memref_slice %arg4[%add3A_10, %dma_wait3A_69] : memref<204800x128xf32, #tpu.memory_space<hbm>> -> memref<800x128xf32, #tpu.memory_space<hbm>>
      %dma_wait3A_71 = arith.constant 0 : i32
      %dma_wait3A_72 = tpu.memref_slice %arg4[%add3A_10, %dma_wait3A_71] : memref<204800x128xf32, #tpu.memory_space<hbm>> -> memref<800x128xf32, #tpu.memory_space<hbm>>
      tpu.wait_dma2 semaphore(%run_scoped3A : memref<!tpu.dma_semaphore, #tpu.memory_space<semaphore_mem>>) src(%arg6 : memref<800x128xf32, #tpu.memory_space<vmem>>) dst(%dma_wait3A_72 : memref<800x128xf32, #tpu.memory_space<hbm>>)
      tpu.yield
    }) : () -> ()
    %add3A_17 = arith.constant 1600 : i32
    %add3A_18 = arith.addi %mul3A_2, %add3A_17 : i32
    "tpu.region"() ({
      %run_scoped3A = tpu.sem_alloc : memref<!tpu.dma_semaphore, #tpu.memory_space<semaphore_mem>>
      %dma_start3A_65 = tpu.memref_slice %arg3[%add3A_18] : memref<204800xi32, #tpu.memory_space<hbm>> -> memref<800xi32, #tpu.memory_space<hbm>>
      %dma_start3A_66 = tpu.memref_slice %arg3[%add3A_18] : memref<204800xi32, #tpu.memory_space<hbm>> -> memref<800xi32, #tpu.memory_space<hbm>>
      tpu.enqueue_dma source(%dma_start3A_66 : memref<800xi32, #tpu.memory_space<hbm>>) target(%arg5 : memref<800xi32, #tpu.memory_space<vmem>>) target_semaphore(%run_scoped3A : memref<!tpu.dma_semaphore, #tpu.memory_space<semaphore_mem>>)
      %dma_wait3A_67 = tpu.memref_slice %arg3[%add3A_18] : memref<204800xi32, #tpu.memory_space<hbm>> -> memref<800xi32, #tpu.memory_space<hbm>>
      %dma_wait3A_68 = tpu.memref_slice %arg3[%add3A_18] : memref<204800xi32, #tpu.memory_space<hbm>> -> memref<800xi32, #tpu.memory_space<hbm>>
      tpu.wait_dma2 semaphore(%run_scoped3A : memref<!tpu.dma_semaphore, #tpu.memory_space<semaphore_mem>>) src(%dma_wait3A_68 : memref<800xi32, #tpu.memory_space<hbm>>) dst(%arg5 : memref<800xi32, #tpu.memory_space<vmem>>)
      tpu.yield
    }) : () -> ()
    %dma_start3A_19 = arith.constant 0 : i32
    %dma_start3A_20 = arith.constant 0 : i32
    %dma_start3A_21 = tpu.memref_slice %arg2[%dma_start3A_19, %dma_start3A_20] : memref<50000x128xf32, #tpu.memory_space<hbm>> -> memref<50000x128xf32, #tpu.memory_space<hbm>>
    tpu.enqueue_indirect_dma source(%dma_start3A_21 : memref<50000x128xf32, #tpu.memory_space<hbm>>) target(%arg6 : memref<800x128xf32, #tpu.memory_space<vmem>>) offsets(%arg5 : memref<800xi32, #tpu.memory_space<vmem>>) semaphore(%arg7 : memref<!tpu.dma_semaphore, #tpu.memory_space<semaphore_mem>>)
    %dma_wait3A_22 = arith.constant 0 : i32
    %dma_wait3A_23 = arith.constant 0 : i32
    %dma_wait3A_24 = tpu.memref_slice %arg2[%dma_wait3A_22, %dma_wait3A_23] : memref<50000x128xf32, #tpu.memory_space<hbm>> -> memref<50000x128xf32, #tpu.memory_space<hbm>>
    tpu.wait_indirect_dma semaphore(%arg7 : memref<!tpu.dma_semaphore, #tpu.memory_space<semaphore_mem>>) src(%dma_wait3A_24 : memref<50000x128xf32, #tpu.memory_space<hbm>>) dst(%arg6 : memref<800x128xf32, #tpu.memory_space<vmem>>)
    "tpu.region"() ({
      %run_scoped3A = tpu.sem_alloc : memref<!tpu.dma_semaphore, #tpu.memory_space<semaphore_mem>>
      %dma_start3A_65 = arith.constant 0 : i32
      %dma_start3A_66 = tpu.memref_slice %arg4[%add3A_18, %dma_start3A_65] : memref<204800x128xf32, #tpu.memory_space<hbm>> -> memref<800x128xf32, #tpu.memory_space<hbm>>
      %dma_start3A_67 = arith.constant 0 : i32
      %dma_start3A_68 = tpu.memref_slice %arg4[%add3A_18, %dma_start3A_67] : memref<204800x128xf32, #tpu.memory_space<hbm>> -> memref<800x128xf32, #tpu.memory_space<hbm>>
      tpu.enqueue_dma source(%arg6 : memref<800x128xf32, #tpu.memory_space<vmem>>) target(%dma_start3A_68 : memref<800x128xf32, #tpu.memory_space<hbm>>) target_semaphore(%run_scoped3A : memref<!tpu.dma_semaphore, #tpu.memory_space<semaphore_mem>>)
      %dma_wait3A_69 = arith.constant 0 : i32
      %dma_wait3A_70 = tpu.memref_slice %arg4[%add3A_18, %dma_wait3A_69] : memref<204800x128xf32, #tpu.memory_space<hbm>> -> memref<800x128xf32, #tpu.memory_space<hbm>>
      %dma_wait3A_71 = arith.constant 0 : i32
      %dma_wait3A_72 = tpu.memref_slice %arg4[%add3A_18, %dma_wait3A_71] : memref<204800x128xf32, #tpu.memory_space<hbm>> -> memref<800x128xf32, #tpu.memory_space<hbm>>
      tpu.wait_dma2 semaphore(%run_scoped3A : memref<!tpu.dma_semaphore, #tpu.memory_space<semaphore_mem>>) src(%arg6 : memref<800x128xf32, #tpu.memory_space<vmem>>) dst(%dma_wait3A_72 : memref<800x128xf32, #tpu.memory_space<hbm>>)
      tpu.yield
    }) : () -> ()
    %add3A_25 = arith.constant 2400 : i32
    %add3A_26 = arith.addi %mul3A_2, %add3A_25 : i32
    "tpu.region"() ({
      %run_scoped3A = tpu.sem_alloc : memref<!tpu.dma_semaphore, #tpu.memory_space<semaphore_mem>>
      %dma_start3A_65 = tpu.memref_slice %arg3[%add3A_26] : memref<204800xi32, #tpu.memory_space<hbm>> -> memref<800xi32, #tpu.memory_space<hbm>>
      %dma_start3A_66 = tpu.memref_slice %arg3[%add3A_26] : memref<204800xi32, #tpu.memory_space<hbm>> -> memref<800xi32, #tpu.memory_space<hbm>>
      tpu.enqueue_dma source(%dma_start3A_66 : memref<800xi32, #tpu.memory_space<hbm>>) target(%arg5 : memref<800xi32, #tpu.memory_space<vmem>>) target_semaphore(%run_scoped3A : memref<!tpu.dma_semaphore, #tpu.memory_space<semaphore_mem>>)
      %dma_wait3A_67 = tpu.memref_slice %arg3[%add3A_26] : memref<204800xi32, #tpu.memory_space<hbm>> -> memref<800xi32, #tpu.memory_space<hbm>>
      %dma_wait3A_68 = tpu.memref_slice %arg3[%add3A_26] : memref<204800xi32, #tpu.memory_space<hbm>> -> memref<800xi32, #tpu.memory_space<hbm>>
      tpu.wait_dma2 semaphore(%run_scoped3A : memref<!tpu.dma_semaphore, #tpu.memory_space<semaphore_mem>>) src(%dma_wait3A_68 : memref<800xi32, #tpu.memory_space<hbm>>) dst(%arg5 : memref<800xi32, #tpu.memory_space<vmem>>)
      tpu.yield
    }) : () -> ()
    %dma_start3A_27 = arith.constant 0 : i32
    %dma_start3A_28 = arith.constant 0 : i32
    %dma_start3A_29 = tpu.memref_slice %arg2[%dma_start3A_27, %dma_start3A_28] : memref<50000x128xf32, #tpu.memory_space<hbm>> -> memref<50000x128xf32, #tpu.memory_space<hbm>>
    tpu.enqueue_indirect_dma source(%dma_start3A_29 : memref<50000x128xf32, #tpu.memory_space<hbm>>) target(%arg6 : memref<800x128xf32, #tpu.memory_space<vmem>>) offsets(%arg5 : memref<800xi32, #tpu.memory_space<vmem>>) semaphore(%arg7 : memref<!tpu.dma_semaphore, #tpu.memory_space<semaphore_mem>>)
    %dma_wait3A_30 = arith.constant 0 : i32
    %dma_wait3A_31 = arith.constant 0 : i32
    %dma_wait3A_32 = tpu.memref_slice %arg2[%dma_wait3A_30, %dma_wait3A_31] : memref<50000x128xf32, #tpu.memory_space<hbm>> -> memref<50000x128xf32, #tpu.memory_space<hbm>>
    tpu.wait_indirect_dma semaphore(%arg7 : memref<!tpu.dma_semaphore, #tpu.memory_space<semaphore_mem>>) src(%dma_wait3A_32 : memref<50000x128xf32, #tpu.memory_space<hbm>>) dst(%arg6 : memref<800x128xf32, #tpu.memory_space<vmem>>)
    "tpu.region"() ({
      %run_scoped3A = tpu.sem_alloc : memref<!tpu.dma_semaphore, #tpu.memory_space<semaphore_mem>>
      %dma_start3A_65 = arith.constant 0 : i32
      %dma_start3A_66 = tpu.memref_slice %arg4[%add3A_26, %dma_start3A_65] : memref<204800x128xf32, #tpu.memory_space<hbm>> -> memref<800x128xf32, #tpu.memory_space<hbm>>
      %dma_start3A_67 = arith.constant 0 : i32
      %dma_start3A_68 = tpu.memref_slice %arg4[%add3A_26, %dma_start3A_67] : memref<204800x128xf32, #tpu.memory_space<hbm>> -> memref<800x128xf32, #tpu.memory_space<hbm>>
      tpu.enqueue_dma source(%arg6 : memref<800x128xf32, #tpu.memory_space<vmem>>) target(%dma_start3A_68 : memref<800x128xf32, #tpu.memory_space<hbm>>) target_semaphore(%run_scoped3A : memref<!tpu.dma_semaphore, #tpu.memory_space<semaphore_mem>>)
      %dma_wait3A_69 = arith.constant 0 : i32
      %dma_wait3A_70 = tpu.memref_slice %arg4[%add3A_26, %dma_wait3A_69] : memref<204800x128xf32, #tpu.memory_space<hbm>> -> memref<800x128xf32, #tpu.memory_space<hbm>>
      %dma_wait3A_71 = arith.constant 0 : i32
      %dma_wait3A_72 = tpu.memref_slice %arg4[%add3A_26, %dma_wait3A_71] : memref<204800x128xf32, #tpu.memory_space<hbm>> -> memref<800x128xf32, #tpu.memory_space<hbm>>
      tpu.wait_dma2 semaphore(%run_scoped3A : memref<!tpu.dma_semaphore, #tpu.memory_space<semaphore_mem>>) src(%arg6 : memref<800x128xf32, #tpu.memory_space<vmem>>) dst(%dma_wait3A_72 : memref<800x128xf32, #tpu.memory_space<hbm>>)
      tpu.yield
    }) : () -> ()
    %add3A_33 = arith.constant 3200 : i32
    %add3A_34 = arith.addi %mul3A_2, %add3A_33 : i32
    "tpu.region"() ({
      %run_scoped3A = tpu.sem_alloc : memref<!tpu.dma_semaphore, #tpu.memory_space<semaphore_mem>>
      %dma_start3A_65 = tpu.memref_slice %arg3[%add3A_34] : memref<204800xi32, #tpu.memory_space<hbm>> -> memref<800xi32, #tpu.memory_space<hbm>>
      %dma_start3A_66 = tpu.memref_slice %arg3[%add3A_34] : memref<204800xi32, #tpu.memory_space<hbm>> -> memref<800xi32, #tpu.memory_space<hbm>>
      tpu.enqueue_dma source(%dma_start3A_66 : memref<800xi32, #tpu.memory_space<hbm>>) target(%arg5 : memref<800xi32, #tpu.memory_space<vmem>>) target_semaphore(%run_scoped3A : memref<!tpu.dma_semaphore, #tpu.memory_space<semaphore_mem>>)
      %dma_wait3A_67 = tpu.memref_slice %arg3[%add3A_34] : memref<204800xi32, #tpu.memory_space<hbm>> -> memref<800xi32, #tpu.memory_space<hbm>>
      %dma_wait3A_68 = tpu.memref_slice %arg3[%add3A_34] : memref<204800xi32, #tpu.memory_space<hbm>> -> memref<800xi32, #tpu.memory_space<hbm>>
      tpu.wait_dma2 semaphore(%run_scoped3A : memref<!tpu.dma_semaphore, #tpu.memory_space<semaphore_mem>>) src(%dma_wait3A_68 : memref<800xi32, #tpu.memory_space<hbm>>) dst(%arg5 : memref<800xi32, #tpu.memory_space<vmem>>)
      tpu.yield
    }) : () -> ()
    %dma_start3A_35 = arith.constant 0 : i32
    %dma_start3A_36 = arith.constant 0 : i32
    %dma_start3A_37 = tpu.memref_slice %arg2[%dma_start3A_35, %dma_start3A_36] : memref<50000x128xf32, #tpu.memory_space<hbm>> -> memref<50000x128xf32, #tpu.memory_space<hbm>>
    tpu.enqueue_indirect_dma source(%dma_start3A_37 : memref<50000x128xf32, #tpu.memory_space<hbm>>) target(%arg6 : memref<800x128xf32, #tpu.memory_space<vmem>>) offsets(%arg5 : memref<800xi32, #tpu.memory_space<vmem>>) semaphore(%arg7 : memref<!tpu.dma_semaphore, #tpu.memory_space<semaphore_mem>>)
    %dma_wait3A_38 = arith.constant 0 : i32
    %dma_wait3A_39 = arith.constant 0 : i32
    %dma_wait3A_40 = tpu.memref_slice %arg2[%dma_wait3A_38, %dma_wait3A_39] : memref<50000x128xf32, #tpu.memory_space<hbm>> -> memref<50000x128xf32, #tpu.memory_space<hbm>>
    tpu.wait_indirect_dma semaphore(%arg7 : memref<!tpu.dma_semaphore, #tpu.memory_space<semaphore_mem>>) src(%dma_wait3A_40 : memref<50000x128xf32, #tpu.memory_space<hbm>>) dst(%arg6 : memref<800x128xf32, #tpu.memory_space<vmem>>)
    "tpu.region"() ({
      %run_scoped3A = tpu.sem_alloc : memref<!tpu.dma_semaphore, #tpu.memory_space<semaphore_mem>>
      %dma_start3A_65 = arith.constant 0 : i32
      %dma_start3A_66 = tpu.memref_slice %arg4[%add3A_34, %dma_start3A_65] : memref<204800x128xf32, #tpu.memory_space<hbm>> -> memref<800x128xf32, #tpu.memory_space<hbm>>
      %dma_start3A_67 = arith.constant 0 : i32
      %dma_start3A_68 = tpu.memref_slice %arg4[%add3A_34, %dma_start3A_67] : memref<204800x128xf32, #tpu.memory_space<hbm>> -> memref<800x128xf32, #tpu.memory_space<hbm>>
      tpu.enqueue_dma source(%arg6 : memref<800x128xf32, #tpu.memory_space<vmem>>) target(%dma_start3A_68 : memref<800x128xf32, #tpu.memory_space<hbm>>) target_semaphore(%run_scoped3A : memref<!tpu.dma_semaphore, #tpu.memory_space<semaphore_mem>>)
      %dma_wait3A_69 = arith.constant 0 : i32
      %dma_wait3A_70 = tpu.memref_slice %arg4[%add3A_34, %dma_wait3A_69] : memref<204800x128xf32, #tpu.memory_space<hbm>> -> memref<800x128xf32, #tpu.memory_space<hbm>>
      %dma_wait3A_71 = arith.constant 0 : i32
      %dma_wait3A_72 = tpu.memref_slice %arg4[%add3A_34, %dma_wait3A_71] : memref<204800x128xf32, #tpu.memory_space<hbm>> -> memref<800x128xf32, #tpu.memory_space<hbm>>
      tpu.wait_dma2 semaphore(%run_scoped3A : memref<!tpu.dma_semaphore, #tpu.memory_space<semaphore_mem>>) src(%arg6 : memref<800x128xf32, #tpu.memory_space<vmem>>) dst(%dma_wait3A_72 : memref<800x128xf32, #tpu.memory_space<hbm>>)
      tpu.yield
    }) : () -> ()
    %add3A_41 = arith.constant 4000 : i32
    %add3A_42 = arith.addi %mul3A_2, %add3A_41 : i32
    "tpu.region"() ({
      %run_scoped3A = tpu.sem_alloc : memref<!tpu.dma_semaphore, #tpu.memory_space<semaphore_mem>>
      %dma_start3A_65 = tpu.memref_slice %arg3[%add3A_42] : memref<204800xi32, #tpu.memory_space<hbm>> -> memref<800xi32, #tpu.memory_space<hbm>>
      %dma_start3A_66 = tpu.memref_slice %arg3[%add3A_42] : memref<204800xi32, #tpu.memory_space<hbm>> -> memref<800xi32, #tpu.memory_space<hbm>>
      tpu.enqueue_dma source(%dma_start3A_66 : memref<800xi32, #tpu.memory_space<hbm>>) target(%arg5 : memref<800xi32, #tpu.memory_space<vmem>>) target_semaphore(%run_scoped3A : memref<!tpu.dma_semaphore, #tpu.memory_space<semaphore_mem>>)
      %dma_wait3A_67 = tpu.memref_slice %arg3[%add3A_42] : memref<204800xi32, #tpu.memory_space<hbm>> -> memref<800xi32, #tpu.memory_space<hbm>>
      %dma_wait3A_68 = tpu.memref_slice %arg3[%add3A_42] : memref<204800xi32, #tpu.memory_space<hbm>> -> memref<800xi32, #tpu.memory_space<hbm>>
      tpu.wait_dma2 semaphore(%run_scoped3A : memref<!tpu.dma_semaphore, #tpu.memory_space<semaphore_mem>>) src(%dma_wait3A_68 : memref<800xi32, #tpu.memory_space<hbm>>) dst(%arg5 : memref<800xi32, #tpu.memory_space<vmem>>)
      tpu.yield
    }) : () -> ()
    %dma_start3A_43 = arith.constant 0 : i32
    %dma_start3A_44 = arith.constant 0 : i32
    %dma_start3A_45 = tpu.memref_slice %arg2[%dma_start3A_43, %dma_start3A_44] : memref<50000x128xf32, #tpu.memory_space<hbm>> -> memref<50000x128xf32, #tpu.memory_space<hbm>>
    tpu.enqueue_indirect_dma source(%dma_start3A_45 : memref<50000x128xf32, #tpu.memory_space<hbm>>) target(%arg6 : memref<800x128xf32, #tpu.memory_space<vmem>>) offsets(%arg5 : memref<800xi32, #tpu.memory_space<vmem>>) semaphore(%arg7 : memref<!tpu.dma_semaphore, #tpu.memory_space<semaphore_mem>>)
    %dma_wait3A_46 = arith.constant 0 : i32
    %dma_wait3A_47 = arith.constant 0 : i32
    %dma_wait3A_48 = tpu.memref_slice %arg2[%dma_wait3A_46, %dma_wait3A_47] : memref<50000x128xf32, #tpu.memory_space<hbm>> -> memref<50000x128xf32, #tpu.memory_space<hbm>>
    tpu.wait_indirect_dma semaphore(%arg7 : memref<!tpu.dma_semaphore, #tpu.memory_space<semaphore_mem>>) src(%dma_wait3A_48 : memref<50000x128xf32, #tpu.memory_space<hbm>>) dst(%arg6 : memref<800x128xf32, #tpu.memory_space<vmem>>)
    "tpu.region"() ({
      %run_scoped3A = tpu.sem_alloc : memref<!tpu.dma_semaphore, #tpu.memory_space<semaphore_mem>>
      %dma_start3A_65 = arith.constant 0 : i32
      %dma_start3A_66 = tpu.memref_slice %arg4[%add3A_42, %dma_start3A_65] : memref<204800x128xf32, #tpu.memory_space<hbm>> -> memref<800x128xf32, #tpu.memory_space<hbm>>
      %dma_start3A_67 = arith.constant 0 : i32
      %dma_start3A_68 = tpu.memref_slice %arg4[%add3A_42, %dma_start3A_67] : memref<204800x128xf32, #tpu.memory_space<hbm>> -> memref<800x128xf32, #tpu.memory_space<hbm>>
      tpu.enqueue_dma source(%arg6 : memref<800x128xf32, #tpu.memory_space<vmem>>) target(%dma_start3A_68 : memref<800x128xf32, #tpu.memory_space<hbm>>) target_semaphore(%run_scoped3A : memref<!tpu.dma_semaphore, #tpu.memory_space<semaphore_mem>>)
      %dma_wait3A_69 = arith.constant 0 : i32
      %dma_wait3A_70 = tpu.memref_slice %arg4[%add3A_42, %dma_wait3A_69] : memref<204800x128xf32, #tpu.memory_space<hbm>> -> memref<800x128xf32, #tpu.memory_space<hbm>>
      %dma_wait3A_71 = arith.constant 0 : i32
      %dma_wait3A_72 = tpu.memref_slice %arg4[%add3A_42, %dma_wait3A_71] : memref<204800x128xf32, #tpu.memory_space<hbm>> -> memref<800x128xf32, #tpu.memory_space<hbm>>
      tpu.wait_dma2 semaphore(%run_scoped3A : memref<!tpu.dma_semaphore, #tpu.memory_space<semaphore_mem>>) src(%arg6 : memref<800x128xf32, #tpu.memory_space<vmem>>) dst(%dma_wait3A_72 : memref<800x128xf32, #tpu.memory_space<hbm>>)
      tpu.yield
    }) : () -> ()
    %add3A_49 = arith.constant 4800 : i32
    %add3A_50 = arith.addi %mul3A_2, %add3A_49 : i32
    "tpu.region"() ({
      %run_scoped3A = tpu.sem_alloc : memref<!tpu.dma_semaphore, #tpu.memory_space<semaphore_mem>>
      %dma_start3A_65 = tpu.memref_slice %arg3[%add3A_50] : memref<204800xi32, #tpu.memory_space<hbm>> -> memref<800xi32, #tpu.memory_space<hbm>>
      %dma_start3A_66 = tpu.memref_slice %arg3[%add3A_50] : memref<204800xi32, #tpu.memory_space<hbm>> -> memref<800xi32, #tpu.memory_space<hbm>>
      tpu.enqueue_dma source(%dma_start3A_66 : memref<800xi32, #tpu.memory_space<hbm>>) target(%arg5 : memref<800xi32, #tpu.memory_space<vmem>>) target_semaphore(%run_scoped3A : memref<!tpu.dma_semaphore, #tpu.memory_space<semaphore_mem>>)
      %dma_wait3A_67 = tpu.memref_slice %arg3[%add3A_50] : memref<204800xi32, #tpu.memory_space<hbm>> -> memref<800xi32, #tpu.memory_space<hbm>>
      %dma_wait3A_68 = tpu.memref_slice %arg3[%add3A_50] : memref<204800xi32, #tpu.memory_space<hbm>> -> memref<800xi32, #tpu.memory_space<hbm>>
      tpu.wait_dma2 semaphore(%run_scoped3A : memref<!tpu.dma_semaphore, #tpu.memory_space<semaphore_mem>>) src(%dma_wait3A_68 : memref<800xi32, #tpu.memory_space<hbm>>) dst(%arg5 : memref<800xi32, #tpu.memory_space<vmem>>)
      tpu.yield
    }) : () -> ()
    %dma_start3A_51 = arith.constant 0 : i32
    %dma_start3A_52 = arith.constant 0 : i32
    %dma_start3A_53 = tpu.memref_slice %arg2[%dma_start3A_51, %dma_start3A_52] : memref<50000x128xf32, #tpu.memory_space<hbm>> -> memref<50000x128xf32, #tpu.memory_space<hbm>>
    tpu.enqueue_indirect_dma source(%dma_start3A_53 : memref<50000x128xf32, #tpu.memory_space<hbm>>) target(%arg6 : memref<800x128xf32, #tpu.memory_space<vmem>>) offsets(%arg5 : memref<800xi32, #tpu.memory_space<vmem>>) semaphore(%arg7 : memref<!tpu.dma_semaphore, #tpu.memory_space<semaphore_mem>>)
    %dma_wait3A_54 = arith.constant 0 : i32
    %dma_wait3A_55 = arith.constant 0 : i32
    %dma_wait3A_56 = tpu.memref_slice %arg2[%dma_wait3A_54, %dma_wait3A_55] : memref<50000x128xf32, #tpu.memory_space<hbm>> -> memref<50000x128xf32, #tpu.memory_space<hbm>>
    tpu.wait_indirect_dma semaphore(%arg7 : memref<!tpu.dma_semaphore, #tpu.memory_space<semaphore_mem>>) src(%dma_wait3A_56 : memref<50000x128xf32, #tpu.memory_space<hbm>>) dst(%arg6 : memref<800x128xf32, #tpu.memory_space<vmem>>)
    "tpu.region"() ({
      %run_scoped3A = tpu.sem_alloc : memref<!tpu.dma_semaphore, #tpu.memory_space<semaphore_mem>>
      %dma_start3A_65 = arith.constant 0 : i32
      %dma_start3A_66 = tpu.memref_slice %arg4[%add3A_50, %dma_start3A_65] : memref<204800x128xf32, #tpu.memory_space<hbm>> -> memref<800x128xf32, #tpu.memory_space<hbm>>
      %dma_start3A_67 = arith.constant 0 : i32
      %dma_start3A_68 = tpu.memref_slice %arg4[%add3A_50, %dma_start3A_67] : memref<204800x128xf32, #tpu.memory_space<hbm>> -> memref<800x128xf32, #tpu.memory_space<hbm>>
      tpu.enqueue_dma source(%arg6 : memref<800x128xf32, #tpu.memory_space<vmem>>) target(%dma_start3A_68 : memref<800x128xf32, #tpu.memory_space<hbm>>) target_semaphore(%run_scoped3A : memref<!tpu.dma_semaphore, #tpu.memory_space<semaphore_mem>>)
      %dma_wait3A_69 = arith.constant 0 : i32
      %dma_wait3A_70 = tpu.memref_slice %arg4[%add3A_50, %dma_wait3A_69] : memref<204800x128xf32, #tpu.memory_space<hbm>> -> memref<800x128xf32, #tpu.memory_space<hbm>>
      %dma_wait3A_71 = arith.constant 0 : i32
      %dma_wait3A_72 = tpu.memref_slice %arg4[%add3A_50, %dma_wait3A_71] : memref<204800x128xf32, #tpu.memory_space<hbm>> -> memref<800x128xf32, #tpu.memory_space<hbm>>
      tpu.wait_dma2 semaphore(%run_scoped3A : memref<!tpu.dma_semaphore, #tpu.memory_space<semaphore_mem>>) src(%arg6 : memref<800x128xf32, #tpu.memory_space<vmem>>) dst(%dma_wait3A_72 : memref<800x128xf32, #tpu.memory_space<hbm>>)
      tpu.yield
    }) : () -> ()
    %add3A_57 = arith.constant 5600 : i32
    %add3A_58 = arith.addi %mul3A_2, %add3A_57 : i32
    "tpu.region"() ({
      %run_scoped3A = tpu.sem_alloc : memref<!tpu.dma_semaphore, #tpu.memory_space<semaphore_mem>>
      %dma_start3A_65 = tpu.memref_slice %arg3[%add3A_58] : memref<204800xi32, #tpu.memory_space<hbm>> -> memref<800xi32, #tpu.memory_space<hbm>>
      %dma_start3A_66 = tpu.memref_slice %arg3[%add3A_58] : memref<204800xi32, #tpu.memory_space<hbm>> -> memref<800xi32, #tpu.memory_space<hbm>>
      tpu.enqueue_dma source(%dma_start3A_66 : memref<800xi32, #tpu.memory_space<hbm>>) target(%arg5 : memref<800xi32, #tpu.memory_space<vmem>>) target_semaphore(%run_scoped3A : memref<!tpu.dma_semaphore, #tpu.memory_space<semaphore_mem>>)
      %dma_wait3A_67 = tpu.memref_slice %arg3[%add3A_58] : memref<204800xi32, #tpu.memory_space<hbm>> -> memref<800xi32, #tpu.memory_space<hbm>>
      %dma_wait3A_68 = tpu.memref_slice %arg3[%add3A_58] : memref<204800xi32, #tpu.memory_space<hbm>> -> memref<800xi32, #tpu.memory_space<hbm>>
      tpu.wait_dma2 semaphore(%run_scoped3A : memref<!tpu.dma_semaphore, #tpu.memory_space<semaphore_mem>>) src(%dma_wait3A_68 : memref<800xi32, #tpu.memory_space<hbm>>) dst(%arg5 : memref<800xi32, #tpu.memory_space<vmem>>)
      tpu.yield
    }) : () -> ()
    %dma_start3A_59 = arith.constant 0 : i32
    %dma_start3A_60 = arith.constant 0 : i32
    %dma_start3A_61 = tpu.memref_slice %arg2[%dma_start3A_59, %dma_start3A_60] : memref<50000x128xf32, #tpu.memory_space<hbm>> -> memref<50000x128xf32, #tpu.memory_space<hbm>>
    tpu.enqueue_indirect_dma source(%dma_start3A_61 : memref<50000x128xf32, #tpu.memory_space<hbm>>) target(%arg6 : memref<800x128xf32, #tpu.memory_space<vmem>>) offsets(%arg5 : memref<800xi32, #tpu.memory_space<vmem>>) semaphore(%arg7 : memref<!tpu.dma_semaphore, #tpu.memory_space<semaphore_mem>>)
    %dma_wait3A_62 = arith.constant 0 : i32
    %dma_wait3A_63 = arith.constant 0 : i32
    %dma_wait3A_64 = tpu.memref_slice %arg2[%dma_wait3A_62, %dma_wait3A_63] : memref<50000x128xf32, #tpu.memory_space<hbm>> -> memref<50000x128xf32, #tpu.memory_space<hbm>>
    tpu.wait_indirect_dma semaphore(%arg7 : memref<!tpu.dma_semaphore, #tpu.memory_space<semaphore_mem>>) src(%dma_wait3A_64 : memref<50000x128xf32, #tpu.memory_space<hbm>>) dst(%arg6 : memref<800x128xf32, #tpu.memory_space<vmem>>)
    "tpu.region"() ({
      %run_scoped3A = tpu.sem_alloc : memref<!tpu.dma_semaphore, #tpu.memory_space<semaphore_mem>>
      %dma_start3A_65 = arith.constant 0 : i32
      %dma_start3A_66 = tpu.memref_slice %arg4[%add3A_58, %dma_start3A_65] : memref<204800x128xf32, #tpu.memory_space<hbm>> -> memref<800x128xf32, #tpu.memory_space<hbm>>
      %dma_start3A_67 = arith.constant 0 : i32
      %dma_start3A_68 = tpu.memref_slice %arg4[%add3A_58, %dma_start3A_67] : memref<204800x128xf32, #tpu.memory_space<hbm>> -> memref<800x128xf32, #tpu.memory_space<hbm>>
      tpu.enqueue_dma source(%arg6 : memref<800x128xf32, #tpu.memory_space<vmem>>) target(%dma_start3A_68 : memref<800x128xf32, #tpu.memory_space<hbm>>) target_semaphore(%run_scoped3A : memref<!tpu.dma_semaphore, #tpu.memory_space<semaphore_mem>>)
      %dma_wait3A_69 = arith.constant 0 : i32
      %dma_wait3A_70 = tpu.memref_slice %arg4[%add3A_58, %dma_wait3A_69] : memref<204800x128xf32, #tpu.memory_space<hbm>> -> memref<800x128xf32, #tpu.memory_space<hbm>>
      %dma_wait3A_71 = arith.constant 0 : i32
      %dma_wait3A_72 = tpu.memref_slice %arg4[%add3A_58, %dma_wait3A_71] : memref<204800x128xf32, #tpu.memory_space<hbm>> -> memref<800x128xf32, #tpu.memory_space<hbm>>
      tpu.wait_dma2 semaphore(%run_scoped3A : memref<!tpu.dma_semaphore, #tpu.memory_space<semaphore_mem>>) src(%arg6 : memref<800x128xf32, #tpu.memory_space<vmem>>) dst(%dma_wait3A_72 : memref<800x128xf32, #tpu.memory_space<hbm>>)
      tpu.yield
    }) : () -> ()
    return
  }
}

module attributes {stable_mosaic.version = 14 : i64} {
  func.func @_enc_kernel(%arg0: i32, %arg1: memref<1000x16xf32, #tpu.memory_space<vmem>>, %arg2: memref<16x128xf32, #tpu.memory_space<vmem>>, %arg3: memref<1x128xf32, #tpu.memory_space<vmem>>, %arg4: memref<1000x128xf32, #tpu.memory_space<vmem>>) attributes {dimension_semantics = [#tpu.dimension_semantics<arbitrary>], iteration_bounds = array<i64: 50>, scalar_prefetch = 0 : i64, scratch_operands = 0 : i64, tpu.core_type = #tpu.core_type<tc>, window_params = [{transform_indices = @transform_0, window_bounds = array<i64: 1000, 16>}, {pipeline_mode = #tpu.pipeline_mode<synchronous>, transform_indices = @transform_1, window_bounds = array<i64: 16, 128>}, {pipeline_mode = #tpu.pipeline_mode<synchronous>, transform_indices = @transform_2, window_bounds = array<i64: 1, 128>}, {transform_indices = @transform_3, window_bounds = array<i64: 1000, 128>}]} {
    %get3A = arith.constant 0 : index
    %get3A_0 = arith.constant 0 : index
    %get3A_1 = vector.load %arg1[%get3A, %get3A_0] : memref<1000x16xf32, #tpu.memory_space<vmem>>, vector<1000x16xf32>
    %get3A_2 = arith.constant 0 : index
    %get3A_3 = arith.constant 0 : index
    %get3A_4 = vector.load %arg2[%get3A_2, %get3A_3] : memref<16x128xf32, #tpu.memory_space<vmem>>, vector<16x128xf32>
    %dot_general3A = arith.constant dense<0.000000e+00> : vector<1000x128xf32>
    %dot_general3A_5 = tpu.matmul %get3A_1, %get3A_4, %dot_general3A {dimension_numbers = #tpu.dot_dimension_numbers<[1], [0], [0], [1], [0, 0, 1, 1], [], []>, transpose_lhs_hint = false} : vector<1000x16xf32>, vector<16x128xf32>, vector<1000x128xf32> -> vector<1000x128xf32>
    %get3A_6 = arith.constant 0 : index
    %get3A_7 = arith.constant 0 : index
    %get3A_8 = vector.load %arg3[%get3A_6, %get3A_7] : memref<1x128xf32, #tpu.memory_space<vmem>>, vector<1x128xf32>
    %add3A = vector.broadcast %get3A_8 : vector<1x128xf32> to vector<1000x128xf32>
    %add3A_9 = arith.addf %dot_general3A_5, %add3A : vector<1000x128xf32>
    %tanh3A = math.tanh %add3A_9 : vector<1000x128xf32>
    %swap3A = arith.constant 0 : index
    %swap3A_10 = arith.constant 0 : index
    %swap3A_11 = vector.load %arg4[%swap3A, %swap3A_10] : memref<1000x128xf32, #tpu.memory_space<vmem>>, vector<1000x128xf32>
    tpu.vector_store %arg4[%swap3A, %swap3A_10], %tanh3A {strides = array<i32>} : memref<1000x128xf32, #tpu.memory_space<vmem>>, vector<1000x128xf32>,
    return
  }
  func.func @transform_0(%arg0: i32) -> (i32, i32) {
    %c0_i32 = arith.constant 0 : i32
    %c0_i32_0 = arith.constant 0 : i32
    return %arg0, %c0_i32 : i32, i32
  }
  func.func @transform_1(%arg0: i32) -> (i32, i32) {
    %c0_i32 = arith.constant 0 : i32
    %c0_i32_0 = arith.constant 0 : i32
    %c0_i32_1 = arith.constant 0 : i32
    return %c0_i32, %c0_i32_0 : i32, i32
  }
  func.func @transform_2(%arg0: i32) -> (i32, i32) {
    %c0_i32 = arith.constant 0 : i32
    %c0_i32_0 = arith.constant 0 : i32
    %c0_i32_1 = arith.constant 0 : i32
    return %c0_i32, %c0_i32_0 : i32, i32
  }
  func.func @transform_3(%arg0: i32) -> (i32, i32) {
    %c0_i32 = arith.constant 0 : i32
    %c0_i32_0 = arith.constant 0 : i32
    return %arg0, %c0_i32 : i32, i32
  }
}

module attributes {stable_mosaic.version = 14 : i64} {
  func.func @_enc_kernel(%arg0: i32, %arg1: memref<2000x8xf32, #tpu.memory_space<vmem>>, %arg2: memref<8x16xf32, #tpu.memory_space<vmem>>, %arg3: memref<1x16xf32, #tpu.memory_space<vmem>>, %arg4: memref<2000x16xf32, #tpu.memory_space<vmem>>) attributes {dimension_semantics = [#tpu.dimension_semantics<arbitrary>], iteration_bounds = array<i64: 80>, scalar_prefetch = 0 : i64, scratch_operands = 0 : i64, tpu.core_type = #tpu.core_type<tc>, window_params = [{transform_indices = @transform_0, window_bounds = array<i64: 2000, 8>}, {pipeline_mode = #tpu.pipeline_mode<synchronous>, transform_indices = @transform_1, window_bounds = array<i64: 8, 16>}, {pipeline_mode = #tpu.pipeline_mode<synchronous>, transform_indices = @transform_2, window_bounds = array<i64: 1, 16>}, {transform_indices = @transform_3, window_bounds = array<i64: 2000, 16>}]} {
    %get3A = arith.constant 0 : index
    %get3A_0 = arith.constant 0 : index
    %get3A_1 = vector.load %arg1[%get3A, %get3A_0] : memref<2000x8xf32, #tpu.memory_space<vmem>>, vector<2000x8xf32>
    %get3A_2 = arith.constant 0 : index
    %get3A_3 = arith.constant 0 : index
    %get3A_4 = vector.load %arg2[%get3A_2, %get3A_3] : memref<8x16xf32, #tpu.memory_space<vmem>>, vector<8x16xf32>
    %dot_general3A = arith.constant dense<0.000000e+00> : vector<2000x16xf32>
    %dot_general3A_5 = tpu.matmul %get3A_1, %get3A_4, %dot_general3A {dimension_numbers = #tpu.dot_dimension_numbers<[1], [0], [0], [1], [0, 0, 1, 1], [], []>, transpose_lhs_hint = false} : vector<2000x8xf32>, vector<8x16xf32>, vector<2000x16xf32> -> vector<2000x16xf32>
    %get3A_6 = arith.constant 0 : index
    %get3A_7 = arith.constant 0 : index
    %get3A_8 = vector.load %arg3[%get3A_6, %get3A_7] : memref<1x16xf32, #tpu.memory_space<vmem>>, vector<1x16xf32>
    %add3A = vector.broadcast %get3A_8 : vector<1x16xf32> to vector<2000x16xf32>
    %add3A_9 = arith.addf %dot_general3A_5, %add3A : vector<2000x16xf32>
    %tanh3A = math.tanh %add3A_9 : vector<2000x16xf32>
    %swap3A = arith.constant 0 : index
    %swap3A_10 = arith.constant 0 : index
    %swap3A_11 = vector.load %arg4[%swap3A, %swap3A_10] : memref<2000x16xf32, #tpu.memory_space<vmem>>, vector<2000x16xf32>
    tpu.vector_store %arg4[%swap3A, %swap3A_10], %tanh3A {strides = array<i32>} : memref<2000x16xf32, #tpu.memory_space<vmem>>, vector<2000x16xf32>,
    return
  }
  func.func @transform_0(%arg0: i32) -> (i32, i32) {
    %c0_i32 = arith.constant 0 : i32
    %c0_i32_0 = arith.constant 0 : i32
    return %arg0, %c0_i32 : i32, i32
  }
  func.func @transform_1(%arg0: i32) -> (i32, i32) {
    %c0_i32 = arith.constant 0 : i32
    %c0_i32_0 = arith.constant 0 : i32
    %c0_i32_1 = arith.constant 0 : i32
    return %c0_i32, %c0_i32_0 : i32, i32
  }
  func.func @transform_2(%arg0: i32) -> (i32, i32) {
    %c0_i32 = arith.constant 0 : i32
    %c0_i32_0 = arith.constant 0 : i32
    %c0_i32_1 = arith.constant 0 : i32
    return %c0_i32, %c0_i32_0 : i32, i32
  }
  func.func @transform_3(%arg0: i32) -> (i32, i32) {
    %c0_i32 = arith.constant 0 : i32
    %c0_i32_0 = arith.constant 0 : i32
    return %arg0, %c0_i32 : i32, i32
  }
}

module attributes {stable_mosaic.version = 14 : i64} {
  func.func @_attn_kernel(%arg0: i32, %arg1: memref<128x128xf32, #tpu.memory_space<vmem>>, %arg2: memref<128x16xf32, #tpu.memory_space<vmem>>, %arg3: memref<128x128xf32, #tpu.memory_space<vmem>>, %arg4: memref<16x128xf32, #tpu.memory_space<vmem>>, %arg5: memref<1x128xf32, #tpu.memory_space<vmem>>, %arg6: memref<128x128xf32, #tpu.memory_space<vmem>>, %arg7: memref<16x128xf32, #tpu.memory_space<vmem>>, %arg8: memref<1x128xf32, #tpu.memory_space<vmem>>, %arg9: memref<128x128xf32, #tpu.memory_space<vmem>>, %arg10: memref<16x128xf32, #tpu.memory_space<vmem>>, %arg11: memref<1x128xf32, #tpu.memory_space<vmem>>, %arg12: memref<8x128xf32, #tpu.memory_space<vmem>>) attributes {dimension_semantics = [#tpu.dimension_semantics<arbitrary>], iteration_bounds = array<i64: 1250>, scalar_prefetch = 0 : i64, scratch_operands = 0 : i64, tpu.core_type = #tpu.core_type<tc>, window_params = [{transform_indices = @transform_0, window_bounds = array<i64: 128, 128>}, {transform_indices = @transform_1, window_bounds = array<i64: 128, 16>}, {pipeline_mode = #tpu.pipeline_mode<synchronous>, transform_indices = @transform_2, window_bounds = array<i64: 128, 128>}, {pipeline_mode = #tpu.pipeline_mode<synchronous>, transform_indices = @transform_3, window_bounds = array<i64: 16, 128>}, {pipeline_mode = #tpu.pipeline_mode<synchronous>, transform_indices = @transform_4, window_bounds = array<i64: 1, 128>}, {pipeline_mode = #tpu.pipeline_mode<synchronous>, transform_indices = @transform_5, window_bounds = array<i64: 128, 128>}, {pipeline_mode = #tpu.pipeline_mode<synchronous>, transform_indices = @transform_6, window_bounds = array<i64: 16, 128>}, {pipeline_mode = #tpu.pipeline_mode<synchronous>, transform_indices = @transform_7, window_bounds = array<i64: 1, 128>}, {pipeline_mode = #tpu.pipeline_mode<synchronous>, transform_indices = @transform_8, window_bounds = array<i64: 128, 128>}, {pipeline_mode = #tpu.pipeline_mode<synchronous>, transform_indices = @transform_9, window_bounds = array<i64: 16, 128>}, {pipeline_mode = #tpu.pipeline_mode<synchronous>, transform_indices = @transform_10, window_bounds = array<i64: 1, 128>}, {transform_indices = @transform_11, window_bounds = array<i64: 8, 128>}]} {
    %get3A = arith.constant 0 : index
    %get3A_0 = arith.constant 0 : index
    %get3A_1 = vector.load %arg1[%get3A, %get3A_0] : memref<128x128xf32, #tpu.memory_space<vmem>>, vector<128x128xf32>
    %get3A_2 = arith.constant 0 : index
    %get3A_3 = arith.constant 0 : index
    %get3A_4 = vector.load %arg2[%get3A_2, %get3A_3] : memref<128x16xf32, #tpu.memory_space<vmem>>, vector<128x16xf32>
    %get3A_5 = arith.constant 0 : index
    %get3A_6 = arith.constant 0 : index
    %get3A_7 = vector.load %arg3[%get3A_5, %get3A_6] : memref<128x128xf32, #tpu.memory_space<vmem>>, vector<128x128xf32>
    %dot_general3A = arith.constant dense<0.000000e+00> : vector<128x128xf32>
    %dot_general3A_8 = tpu.matmul %get3A_1, %get3A_7, %dot_general3A {dimension_numbers = #tpu.dot_dimension_numbers<[1], [0], [0], [1], [0, 0, 1, 1], [], []>, transpose_lhs_hint = false} : vector<128x128xf32>, vector<128x128xf32>, vector<128x128xf32> -> vector<128x128xf32>
    %get3A_9 = arith.constant 0 : index
    %get3A_10 = arith.constant 0 : index
    %get3A_11 = vector.load %arg4[%get3A_9, %get3A_10] : memref<16x128xf32, #tpu.memory_space<vmem>>, vector<16x128xf32>
    %dot_general3A_12 = arith.constant dense<0.000000e+00> : vector<128x128xf32>
    %dot_general3A_13 = tpu.matmul %get3A_4, %get3A_11, %dot_general3A_12 {dimension_numbers = #tpu.dot_dimension_numbers<[1], [0], [0], [1], [0, 0, 1, 1], [], []>, transpose_lhs_hint = false} : vector<128x16xf32>, vector<16x128xf32>, vector<128x128xf32> -> vector<128x128xf32>
    %add3A = arith.addf %dot_general3A_8, %dot_general3A_13 : vector<128x128xf32>
    %get3A_14 = arith.constant 0 : index
    %get3A_15 = arith.constant 0 : index
    %get3A_16 = vector.load %arg5[%get3A_14, %get3A_15] : memref<1x128xf32, #tpu.memory_space<vmem>>, vector<1x128xf32>
    %add3A_17 = vector.broadcast %get3A_16 : vector<1x128xf32> to vector<128x128xf32>
    %add3A_18 = arith.addf %add3A, %add3A_17 : vector<128x128xf32>
    %get3A_19 = arith.constant 0 : index
    %get3A_20 = arith.constant 0 : index
    %get3A_21 = vector.load %arg6[%get3A_19, %get3A_20] : memref<128x128xf32, #tpu.memory_space<vmem>>, vector<128x128xf32>
    %dot_general3A_22 = arith.constant dense<0.000000e+00> : vector<128x128xf32>
    %dot_general3A_23 = tpu.matmul %get3A_1, %get3A_21, %dot_general3A_22 {dimension_numbers = #tpu.dot_dimension_numbers<[1], [0], [0], [1], [0, 0, 1, 1], [], []>, transpose_lhs_hint = false} : vector<128x128xf32>, vector<128x128xf32>, vector<128x128xf32> -> vector<128x128xf32>
    %get3A_24 = arith.constant 0 : index
    %get3A_25 = arith.constant 0 : index
    %get3A_26 = vector.load %arg7[%get3A_24, %get3A_25] : memref<16x128xf32, #tpu.memory_space<vmem>>, vector<16x128xf32>
    %dot_general3A_27 = arith.constant dense<0.000000e+00> : vector<128x128xf32>
    %dot_general3A_28 = tpu.matmul %get3A_4, %get3A_26, %dot_general3A_27 {dimension_numbers = #tpu.dot_dimension_numbers<[1], [0], [0], [1], [0, 0, 1, 1], [], []>, transpose_lhs_hint = false} : vector<128x16xf32>, vector<16x128xf32>, vector<128x128xf32> -> vector<128x128xf32>
    %add3A_29 = arith.addf %dot_general3A_23, %dot_general3A_28 : vector<128x128xf32>
    %get3A_30 = arith.constant 0 : index
    %get3A_31 = arith.constant 0 : index
    %get3A_32 = vector.load %arg8[%get3A_30, %get3A_31] : memref<1x128xf32, #tpu.memory_space<vmem>>, vector<1x128xf32>
    %add3A_33 = vector.broadcast %get3A_32 : vector<1x128xf32> to vector<128x128xf32>
    %add3A_34 = arith.addf %add3A_29, %add3A_33 : vector<128x128xf32>
    %get3A_35 = arith.constant 0 : index
    %get3A_36 = arith.constant 0 : index
    %get3A_37 = vector.load %arg9[%get3A_35, %get3A_36] : memref<128x128xf32, #tpu.memory_space<vmem>>, vector<128x128xf32>
    %dot_general3A_38 = arith.constant dense<0.000000e+00> : vector<128x128xf32>
    %dot_general3A_39 = tpu.matmul %get3A_1, %get3A_37, %dot_general3A_38 {dimension_numbers = #tpu.dot_dimension_numbers<[1], [0], [0], [1], [0, 0, 1, 1], [], []>, transpose_lhs_hint = false} : vector<128x128xf32>, vector<128x128xf32>, vector<128x128xf32> -> vector<128x128xf32>
    %get3A_40 = arith.constant 0 : index
    %get3A_41 = arith.constant 0 : index
    %get3A_42 = vector.load %arg10[%get3A_40, %get3A_41] : memref<16x128xf32, #tpu.memory_space<vmem>>, vector<16x128xf32>
    %dot_general3A_43 = arith.constant dense<0.000000e+00> : vector<128x128xf32>
    %dot_general3A_44 = tpu.matmul %get3A_4, %get3A_42, %dot_general3A_43 {dimension_numbers = #tpu.dot_dimension_numbers<[1], [0], [0], [1], [0, 0, 1, 1], [], []>, transpose_lhs_hint = false} : vector<128x16xf32>, vector<16x128xf32>, vector<128x128xf32> -> vector<128x128xf32>
    %add3A_45 = arith.addf %dot_general3A_39, %dot_general3A_44 : vector<128x128xf32>
    %get3A_46 = arith.constant 0 : index
    %get3A_47 = arith.constant 0 : index
    %get3A_48 = vector.load %arg11[%get3A_46, %get3A_47] : memref<1x128xf32, #tpu.memory_space<vmem>>, vector<1x128xf32>
    %add3A_49 = vector.broadcast %get3A_48 : vector<1x128xf32> to vector<128x128xf32>
    %add3A_50 = arith.addf %add3A_45, %add3A_49 : vector<128x128xf32>
    %iota3A = tpu.iota {dimensions = array<i32: 0>} : vector<128x128xi32>
    %jit3A = arith.constant 16 : i32
    %div3A = vector.broadcast %jit3A : i32 to vector<128x128xi32>
    %div3A_51 = arith.divsi %iota3A, %div3A : vector<128x128xi32>
    %sign3A = arith.constant 0 : i32
    %sign3A_52 = vector.broadcast %sign3A : i32 to vector<128x128xi32>
    %sign3A_53 = arith.cmpi sgt, %iota3A, %sign3A_52 : vector<128x128xi32>
    %sign3A_54 = arith.extui %sign3A_53 : vector<128x128xi1> to vector<128x128xi32>
    %sign3A_55 = arith.constant 0 : i32
    %sign3A_56 = vector.broadcast %sign3A_55 : i32 to vector<128x128xi32>
    %sign3A_57 = arith.cmpi slt, %iota3A, %sign3A_56 : vector<128x128xi32>
    %sign3A_58 = arith.extui %sign3A_57 : vector<128x128xi1> to vector<128x128xi32>
    %sign3A_59 = arith.subi %sign3A_54, %sign3A_58 : vector<128x128xi32>
    %sign3A_60 = arith.constant 0 : i32
    %sign3A_61 = arith.cmpi sgt, %jit3A, %sign3A_60 : i32
    %sign3A_62 = arith.extui %sign3A_61 : i1 to i32
    %sign3A_63 = arith.constant 0 : i32
    %sign3A_64 = arith.cmpi slt, %jit3A, %sign3A_63 : i32
    %sign3A_65 = arith.extui %sign3A_64 : i1 to i32
    %sign3A_66 = arith.subi %sign3A_62, %sign3A_65 : i32
    %ne3A = vector.broadcast %sign3A_66 : i32 to vector<128x128xi32>
    %ne3A_67 = arith.cmpi ne, %sign3A_59, %ne3A : vector<128x128xi32>
    %rem3A = vector.broadcast %jit3A : i32 to vector<128x128xi32>
    %rem3A_68 = arith.remsi %iota3A, %rem3A : vector<128x128xi32>
    %ne3A_69 = arith.constant 0 : i32
    %ne3A_70 = vector.broadcast %ne3A_69 : i32 to vector<128x128xi32>
    %ne3A_71 = arith.cmpi ne, %rem3A_68, %ne3A_70 : vector<128x128xi32>
    %and3A = arith.andi %ne3A_67, %ne3A_71 : vector<128x128xi1>
    %sub3A = arith.constant 1 : i32
    %sub3A_72 = vector.broadcast %sub3A : i32 to vector<128x128xi32>
    %sub3A_73 = arith.subi %div3A_51, %sub3A_72 : vector<128x128xi32>
    %select_n3A = arith.select %and3A, %sub3A_73, %div3A_51 : vector<128x128xi1>, vector<128x128xi32>
    %iota3A_74 = tpu.iota {dimensions = array<i32: 1>} : vector<128x128xi32>
    %jit3A_75 = arith.constant 16 : i32
    %div3A_76 = vector.broadcast %jit3A_75 : i32 to vector<128x128xi32>
    %div3A_77 = arith.divsi %iota3A_74, %div3A_76 : vector<128x128xi32>
    %sign3A_78 = arith.constant 0 : i32
    %sign3A_79 = vector.broadcast %sign3A_78 : i32 to vector<128x128xi32>
    %sign3A_80 = arith.cmpi sgt, %iota3A_74, %sign3A_79 : vector<128x128xi32>
    %sign3A_81 = arith.extui %sign3A_80 : vector<128x128xi1> to vector<128x128xi32>
    %sign3A_82 = arith.constant 0 : i32
    %sign3A_83 = vector.broadcast %sign3A_82 : i32 to vector<128x128xi32>
    %sign3A_84 = arith.cmpi slt, %iota3A_74, %sign3A_83 : vector<128x128xi32>
    %sign3A_85 = arith.extui %sign3A_84 : vector<128x128xi1> to vector<128x128xi32>
    %sign3A_86 = arith.subi %sign3A_81, %sign3A_85 : vector<128x128xi32>
    %sign3A_87 = arith.constant 0 : i32
    %sign3A_88 = arith.cmpi sgt, %jit3A_75, %sign3A_87 : i32
    %sign3A_89 = arith.extui %sign3A_88 : i1 to i32
    %sign3A_90 = arith.constant 0 : i32
    %sign3A_91 = arith.cmpi slt, %jit3A_75, %sign3A_90 : i32
    %sign3A_92 = arith.extui %sign3A_91 : i1 to i32
    %sign3A_93 = arith.subi %sign3A_89, %sign3A_92 : i32
    %ne3A_94 = vector.broadcast %sign3A_93 : i32 to vector<128x128xi32>
    %ne3A_95 = arith.cmpi ne, %sign3A_86, %ne3A_94 : vector<128x128xi32>
    %rem3A_96 = vector.broadcast %jit3A_75 : i32 to vector<128x128xi32>
    %rem3A_97 = arith.remsi %iota3A_74, %rem3A_96 : vector<128x128xi32>
    %ne3A_98 = arith.constant 0 : i32
    %ne3A_99 = vector.broadcast %ne3A_98 : i32 to vector<128x128xi32>
    %ne3A_100 = arith.cmpi ne, %rem3A_97, %ne3A_99 : vector<128x128xi32>
    %and3A_101 = arith.andi %ne3A_95, %ne3A_100 : vector<128x128xi1>
    %sub3A_102 = arith.constant 1 : i32
    %sub3A_103 = vector.broadcast %sub3A_102 : i32 to vector<128x128xi32>
    %sub3A_104 = arith.subi %div3A_77, %sub3A_103 : vector<128x128xi32>
    %select_n3A_105 = arith.select %and3A_101, %sub3A_104, %div3A_77 : vector<128x128xi1>, vector<128x128xi32>
    %eq3A = arith.cmpi eq, %select_n3A, %select_n3A_105 : vector<128x128xi32>
    %slice3A = vector.extract_strided_slice %add3A_18 {offsets = [0, 0], sizes = [128, 32], strides = [1, 1]} : vector<128x128xf32> to vector<128x32xf32>
    %mul3A = arith.constant 0.176776692 : f32
    %mul3A_106 = vector.broadcast %mul3A : f32 to vector<128x32xf32>
    %mul3A_107 = arith.mulf %slice3A, %mul3A_106 : vector<128x32xf32>
    %slice3A_108 = vector.extract_strided_slice %add3A_34 {offsets = [0, 0], sizes = [128, 32], strides = [1, 1]} : vector<128x128xf32> to vector<128x32xf32>
    %slice3A_109 = vector.extract_strided_slice %add3A_50 {offsets = [0, 0], sizes = [128, 32], strides = [1, 1]} : vector<128x128xf32> to vector<128x32xf32>
    %dot_general3A_110 = arith.constant dense<0.000000e+00> : vector<128x128xf32>
    %dot_general3A_111 = tpu.matmul %mul3A_107, %slice3A_108, %dot_general3A_110 {dimension_numbers = #tpu.dot_dimension_numbers<[1], [1], [0], [0], [0, 0, 1, 0], [], []>, transpose_lhs_hint = false} : vector<128x32xf32>, vector<128x32xf32>, vector<128x128xf32> -> vector<128x128xf32>
    %jit3A_112 = arith.constant -1.000000e+30 : f32
    %broadcast_in_dim3A = vector.broadcast %jit3A_112 : f32 to vector<128x128xf32>
    %select_n3A_113 = arith.select %eq3A, %dot_general3A_111, %broadcast_in_dim3A : vector<128x128xi1>, vector<128x128xf32>
    %reduce_max3A = arith.constant dense<0xFF800000> : vector<128xf32>
    %reduce_max3A_114 = vector.multi_reduction <maximumf>, %select_n3A_113, %reduce_max3A [1] : vector<128x128xf32> to vector<128xf32>
    %broadcast_in_dim3A_115 = vector.shape_cast %reduce_max3A_114 : vector<128xf32> to vector<128x1xf32>
    %sub3A_116 = vector.broadcast %broadcast_in_dim3A_115 : vector<128x1xf32> to vector<128x128xf32>
    %sub3A_117 = arith.subf %select_n3A_113, %sub3A_116 : vector<128x128xf32>
    %exp3A = math.exp %sub3A_117 : vector<128x128xf32>
    %jit3A_118 = arith.constant 0.000000e+00 : f32
    %broadcast_in_dim3A_119 = vector.broadcast %jit3A_118 : f32 to vector<128x128xf32>
    %select_n3A_120 = arith.select %eq3A, %exp3A, %broadcast_in_dim3A_119 : vector<128x128xi1>, vector<128x128xf32>
    %reduce_sum3A = arith.constant dense<0.000000e+00> : vector<128xf32>
    %reduce_sum3A_121 = vector.multi_reduction <add>, %select_n3A_120, %reduce_sum3A [1] : vector<128x128xf32> to vector<128xf32>
    %broadcast_in_dim3A_122 = vector.shape_cast %reduce_sum3A_121 : vector<128xf32> to vector<128x1xf32>
    %div3A_123 = vector.broadcast %broadcast_in_dim3A_122 : vector<128x1xf32> to vector<128x128xf32>
    %div3A_124 = arith.divf %select_n3A_120, %div3A_123 : vector<128x128xf32>
    %dot_general3A_125 = arith.constant dense<0.000000e+00> : vector<128x32xf32>
    %dot_general3A_126 = tpu.matmul %div3A_124, %slice3A_109, %dot_general3A_125 {dimension_numbers = #tpu.dot_dimension_numbers<[1], [0], [0], [1], [0, 0, 1, 1], [], []>, transpose_lhs_hint = false} : vector<128x128xf32>, vector<128x32xf32>, vector<128x32xf32> -> vector<128x32xf32>
    %slice3A_127 = vector.extract_strided_slice %add3A_18 {offsets = [0, 32], sizes = [128, 32], strides = [1, 1]} : vector<128x128xf32> to vector<128x32xf32>
    %mul3A_128 = arith.constant 0.176776692 : f32
    %mul3A_129 = vector.broadcast %mul3A_128 : f32 to vector<128x32xf32>
    %mul3A_130 = arith.mulf %slice3A_127, %mul3A_129 : vector<128x32xf32>
    %slice3A_131 = vector.extract_strided_slice %add3A_34 {offsets = [0, 32], sizes = [128, 32], strides = [1, 1]} : vector<128x128xf32> to vector<128x32xf32>
    %slice3A_132 = vector.extract_strided_slice %add3A_50 {offsets = [0, 32], sizes = [128, 32], strides = [1, 1]} : vector<128x128xf32> to vector<128x32xf32>
    %dot_general3A_133 = arith.constant dense<0.000000e+00> : vector<128x128xf32>
    %dot_general3A_134 = tpu.matmul %mul3A_130, %slice3A_131, %dot_general3A_133 {dimension_numbers = #tpu.dot_dimension_numbers<[1], [1], [0], [0], [0, 0, 1, 0], [], []>, transpose_lhs_hint = false} : vector<128x32xf32>, vector<128x32xf32>, vector<128x128xf32> -> vector<128x128xf32>
    %jit3A_135 = arith.constant -1.000000e+30 : f32
    %broadcast_in_dim3A_136 = vector.broadcast %jit3A_135 : f32 to vector<128x128xf32>
    %select_n3A_137 = arith.select %eq3A, %dot_general3A_134, %broadcast_in_dim3A_136 : vector<128x128xi1>, vector<128x128xf32>
    %reduce_max3A_138 = arith.constant dense<0xFF800000> : vector<128xf32>
    %reduce_max3A_139 = vector.multi_reduction <maximumf>, %select_n3A_137, %reduce_max3A_138 [1] : vector<128x128xf32> to vector<128xf32>
    %broadcast_in_dim3A_140 = vector.shape_cast %reduce_max3A_139 : vector<128xf32> to vector<128x1xf32>
    %sub3A_141 = vector.broadcast %broadcast_in_dim3A_140 : vector<128x1xf32> to vector<128x128xf32>
    %sub3A_142 = arith.subf %select_n3A_137, %sub3A_141 : vector<128x128xf32>
    %exp3A_143 = math.exp %sub3A_142 : vector<128x128xf32>
    %jit3A_144 = arith.constant 0.000000e+00 : f32
    %broadcast_in_dim3A_145 = vector.broadcast %jit3A_144 : f32 to vector<128x128xf32>
    %select_n3A_146 = arith.select %eq3A, %exp3A_143, %broadcast_in_dim3A_145 : vector<128x128xi1>, vector<128x128xf32>
    %reduce_sum3A_147 = arith.constant dense<0.000000e+00> : vector<128xf32>
    %reduce_sum3A_148 = vector.multi_reduction <add>, %select_n3A_146, %reduce_sum3A_147 [1] : vector<128x128xf32> to vector<128xf32>
    %broadcast_in_dim3A_149 = vector.shape_cast %reduce_sum3A_148 : vector<128xf32> to vector<128x1xf32>
    %div3A_150 = vector.broadcast %broadcast_in_dim3A_149 : vector<128x1xf32> to vector<128x128xf32>
    %div3A_151 = arith.divf %select_n3A_146, %div3A_150 : vector<128x128xf32>
    %dot_general3A_152 = arith.constant dense<0.000000e+00> : vector<128x32xf32>
    %dot_general3A_153 = tpu.matmul %div3A_151, %slice3A_132, %dot_general3A_152 {dimension_numbers = #tpu.dot_dimension_numbers<[1], [0], [0], [1], [0, 0, 1, 1], [], []>, transpose_lhs_hint = false} : vector<128x128xf32>, vector<128x32xf32>, vector<128x32xf32> -> vector<128x32xf32>
    %slice3A_154 = vector.extract_strided_slice %add3A_18 {offsets = [0, 64], sizes = [128, 32], strides = [1, 1]} : vector<128x128xf32> to vector<128x32xf32>
    %mul3A_155 = arith.constant 0.176776692 : f32
    %mul3A_156 = vector.broadcast %mul3A_155 : f32 to vector<128x32xf32>
    %mul3A_157 = arith.mulf %slice3A_154, %mul3A_156 : vector<128x32xf32>
    %slice3A_158 = vector.extract_strided_slice %add3A_34 {offsets = [0, 64], sizes = [128, 32], strides = [1, 1]} : vector<128x128xf32> to vector<128x32xf32>
    %slice3A_159 = vector.extract_strided_slice %add3A_50 {offsets = [0, 64], sizes = [128, 32], strides = [1, 1]} : vector<128x128xf32> to vector<128x32xf32>
    %dot_general3A_160 = arith.constant dense<0.000000e+00> : vector<128x128xf32>
    %dot_general3A_161 = tpu.matmul %mul3A_157, %slice3A_158, %dot_general3A_160 {dimension_numbers = #tpu.dot_dimension_numbers<[1], [1], [0], [0], [0, 0, 1, 0], [], []>, transpose_lhs_hint = false} : vector<128x32xf32>, vector<128x32xf32>, vector<128x128xf32> -> vector<128x128xf32>
    %jit3A_162 = arith.constant -1.000000e+30 : f32
    %broadcast_in_dim3A_163 = vector.broadcast %jit3A_162 : f32 to vector<128x128xf32>
    %select_n3A_164 = arith.select %eq3A, %dot_general3A_161, %broadcast_in_dim3A_163 : vector<128x128xi1>, vector<128x128xf32>
    %reduce_max3A_165 = arith.constant dense<0xFF800000> : vector<128xf32>
    %reduce_max3A_166 = vector.multi_reduction <maximumf>, %select_n3A_164, %reduce_max3A_165 [1] : vector<128x128xf32> to vector<128xf32>
    %broadcast_in_dim3A_167 = vector.shape_cast %reduce_max3A_166 : vector<128xf32> to vector<128x1xf32>
    %sub3A_168 = vector.broadcast %broadcast_in_dim3A_167 : vector<128x1xf32> to vector<128x128xf32>
    %sub3A_169 = arith.subf %select_n3A_164, %sub3A_168 : vector<128x128xf32>
    %exp3A_170 = math.exp %sub3A_169 : vector<128x128xf32>
    %jit3A_171 = arith.constant 0.000000e+00 : f32
    %broadcast_in_dim3A_172 = vector.broadcast %jit3A_171 : f32 to vector<128x128xf32>
    %select_n3A_173 = arith.select %eq3A, %exp3A_170, %broadcast_in_dim3A_172 : vector<128x128xi1>, vector<128x128xf32>
    %reduce_sum3A_174 = arith.constant dense<0.000000e+00> : vector<128xf32>
    %reduce_sum3A_175 = vector.multi_reduction <add>, %select_n3A_173, %reduce_sum3A_174 [1] : vector<128x128xf32> to vector<128xf32>
    %broadcast_in_dim3A_176 = vector.shape_cast %reduce_sum3A_175 : vector<128xf32> to vector<128x1xf32>
    %div3A_177 = vector.broadcast %broadcast_in_dim3A_176 : vector<128x1xf32> to vector<128x128xf32>
    %div3A_178 = arith.divf %select_n3A_173, %div3A_177 : vector<128x128xf32>
    %dot_general3A_179 = arith.constant dense<0.000000e+00> : vector<128x32xf32>
    %dot_general3A_180 = tpu.matmul %div3A_178, %slice3A_159, %dot_general3A_179 {dimension_numbers = #tpu.dot_dimension_numbers<[1], [0], [0], [1], [0, 0, 1, 1], [], []>, transpose_lhs_hint = false} : vector<128x128xf32>, vector<128x32xf32>, vector<128x32xf32> -> vector<128x32xf32>
    %slice3A_181 = vector.extract_strided_slice %add3A_18 {offsets = [0, 96], sizes = [128, 32], strides = [1, 1]} : vector<128x128xf32> to vector<128x32xf32>
    %mul3A_182 = arith.constant 0.176776692 : f32
    %mul3A_183 = vector.broadcast %mul3A_182 : f32 to vector<128x32xf32>
    %mul3A_184 = arith.mulf %slice3A_181, %mul3A_183 : vector<128x32xf32>
    %slice3A_185 = vector.extract_strided_slice %add3A_34 {offsets = [0, 96], sizes = [128, 32], strides = [1, 1]} : vector<128x128xf32> to vector<128x32xf32>
    %slice3A_186 = vector.extract_strided_slice %add3A_50 {offsets = [0, 96], sizes = [128, 32], strides = [1, 1]} : vector<128x128xf32> to vector<128x32xf32>
    %dot_general3A_187 = arith.constant dense<0.000000e+00> : vector<128x128xf32>
    %dot_general3A_188 = tpu.matmul %mul3A_184, %slice3A_185, %dot_general3A_187 {dimension_numbers = #tpu.dot_dimension_numbers<[1], [1], [0], [0], [0, 0, 1, 0], [], []>, transpose_lhs_hint = false} : vector<128x32xf32>, vector<128x32xf32>, vector<128x128xf32> -> vector<128x128xf32>
    %jit3A_189 = arith.constant -1.000000e+30 : f32
    %broadcast_in_dim3A_190 = vector.broadcast %jit3A_189 : f32 to vector<128x128xf32>
    %select_n3A_191 = arith.select %eq3A, %dot_general3A_188, %broadcast_in_dim3A_190 : vector<128x128xi1>, vector<128x128xf32>
    %reduce_max3A_192 = arith.constant dense<0xFF800000> : vector<128xf32>
    %reduce_max3A_193 = vector.multi_reduction <maximumf>, %select_n3A_191, %reduce_max3A_192 [1] : vector<128x128xf32> to vector<128xf32>
    %broadcast_in_dim3A_194 = vector.shape_cast %reduce_max3A_193 : vector<128xf32> to vector<128x1xf32>
    %sub3A_195 = vector.broadcast %broadcast_in_dim3A_194 : vector<128x1xf32> to vector<128x128xf32>
    %sub3A_196 = arith.subf %select_n3A_191, %sub3A_195 : vector<128x128xf32>
    %exp3A_197 = math.exp %sub3A_196 : vector<128x128xf32>
    %jit3A_198 = arith.constant 0.000000e+00 : f32
    %broadcast_in_dim3A_199 = vector.broadcast %jit3A_198 : f32 to vector<128x128xf32>
    %select_n3A_200 = arith.select %eq3A, %exp3A_197, %broadcast_in_dim3A_199 : vector<128x128xi1>, vector<128x128xf32>
    %reduce_sum3A_201 = arith.constant dense<0.000000e+00> : vector<128xf32>
    %reduce_sum3A_202 = vector.multi_reduction <add>, %select_n3A_200, %reduce_sum3A_201 [1] : vector<128x128xf32> to vector<128xf32>
    %broadcast_in_dim3A_203 = vector.shape_cast %reduce_sum3A_202 : vector<128xf32> to vector<128x1xf32>
    %div3A_204 = vector.broadcast %broadcast_in_dim3A_203 : vector<128x1xf32> to vector<128x128xf32>
    %div3A_205 = arith.divf %select_n3A_200, %div3A_204 : vector<128x128xf32>
    %dot_general3A_206 = arith.constant dense<0.000000e+00> : vector<128x32xf32>
    %dot_general3A_207 = tpu.matmul %div3A_205, %slice3A_186, %dot_general3A_206 {dimension_numbers = #tpu.dot_dimension_numbers<[1], [0], [0], [1], [0, 0, 1, 1], [], []>, transpose_lhs_hint = false} : vector<128x128xf32>, vector<128x32xf32>, vector<128x32xf32> -> vector<128x32xf32>
    %concatenate3A = tpu.concatenate %dot_general3A_126, %dot_general3A_153, %dot_general3A_180, %dot_general3A_207 in 1 : vector<128x32xf32>, vector<128x32xf32>, vector<128x32xf32>, vector<128x32xf32> -> vector<128x128xf32>
    %reshape3A = vector.shape_cast %concatenate3A : vector<128x128xf32> to vector<8x16x128xf32>
    %reduce_sum3A_208 = arith.constant dense<0.000000e+00> : vector<8x128xf32>
    %reduce_sum3A_209 = vector.multi_reduction <add>, %reshape3A, %reduce_sum3A_208 [1] : vector<8x16x128xf32> to vector<8x128xf32>
    %div3A_210 = arith.constant 1.600000e+01 : f32
    %div3A_211 = vector.broadcast %div3A_210 : f32 to vector<8x128xf32>
    %div3A_212 = arith.divf %reduce_sum3A_209, %div3A_211 : vector<8x128xf32>
    %swap3A = arith.constant 0 : index
    %swap3A_213 = arith.constant 0 : index
    %swap3A_214 = vector.load %arg12[%swap3A, %swap3A_213] : memref<8x128xf32, #tpu.memory_space<vmem>>, vector<8x128xf32>
    tpu.vector_store %arg12[%swap3A, %swap3A_213], %div3A_212 {strides = array<i32>} : memref<8x128xf32, #tpu.memory_space<vmem>>, vector<8x128xf32>,
    return
  }
  func.func @transform_0(%arg0: i32) -> (i32, i32) {
    %c0_i32 = arith.constant 0 : i32
    %c0_i32_0 = arith.constant 0 : i32
    return %arg0, %c0_i32 : i32, i32
  }
  func.func @transform_1(%arg0: i32) -> (i32, i32) {
    %c0_i32 = arith.constant 0 : i32
    %c0_i32_0 = arith.constant 0 : i32
    return %arg0, %c0_i32 : i32, i32
  }
  func.func @transform_2(%arg0: i32) -> (i32, i32) {
    %c0_i32 = arith.constant 0 : i32
    %c0_i32_0 = arith.constant 0 : i32
    %c0_i32_1 = arith.constant 0 : i32
    return %c0_i32, %c0_i32_0 : i32, i32
  }
  func.func @transform_3(%arg0: i32) -> (i32, i32) {
    %c0_i32 = arith.constant 0 : i32
    %c0_i32_0 = arith.constant 0 : i32
    %c0_i32_1 = arith.constant 0 : i32
    return %c0_i32, %c0_i32_0 : i32, i32
  }
  func.func @transform_4(%arg0: i32) -> (i32, i32) {
    %c0_i32 = arith.constant 0 : i32
    %c0_i32_0 = arith.constant 0 : i32
    %c0_i32_1 = arith.constant 0 : i32
    return %c0_i32, %c0_i32_0 : i32, i32
  }
  func.func @transform_5(%arg0: i32) -> (i32, i32) {
    %c0_i32 = arith.constant 0 : i32
    %c0_i32_0 = arith.constant 0 : i32
    %c0_i32_1 = arith.constant 0 : i32
    return %c0_i32, %c0_i32_0 : i32, i32
  }
  func.func @transform_6(%arg0: i32) -> (i32, i32) {
    %c0_i32 = arith.constant 0 : i32
    %c0_i32_0 = arith.constant 0 : i32
    %c0_i32_1 = arith.constant 0 : i32
    return %c0_i32, %c0_i32_0 : i32, i32
  }
  func.func @transform_7(%arg0: i32) -> (i32, i32) {
    %c0_i32 = arith.constant 0 : i32
    %c0_i32_0 = arith.constant 0 : i32
    %c0_i32_1 = arith.constant 0 : i32
    return %c0_i32, %c0_i32_0 : i32, i32
  }
  func.func @transform_8(%arg0: i32) -> (i32, i32) {
    %c0_i32 = arith.constant 0 : i32
    %c0_i32_0 = arith.constant 0 : i32
    %c0_i32_1 = arith.constant 0 : i32
    return %c0_i32, %c0_i32_0 : i32, i32
  }
  func.func @transform_9(%arg0: i32) -> (i32, i32) {
    %c0_i32 = arith.constant 0 : i32
    %c0_i32_0 = arith.constant 0 : i32
    %c0_i32_1 = arith.constant 0 : i32
    return %c0_i32, %c0_i32_0 : i32, i32
  }
  func.func @transform_10(%arg0: i32) -> (i32, i32) {
    %c0_i32 = arith.constant 0 : i32
    %c0_i32_0 = arith.constant 0 : i32
    %c0_i32_1 = arith.constant 0 : i32
    return %c0_i32, %c0_i32_0 : i32, i32
  }
  func.func @transform_11(%arg0: i32) -> (i32, i32) {
    %c0_i32 = arith.constant 0 : i32
    %c0_i32_0 = arith.constant 0 : i32
    return %arg0, %c0_i32 : i32, i32
  }
}

module attributes {stable_mosaic.version = 14 : i64} {
  func.func @_msg_kernel(%arg0: i32, %arg1: memref<200x128xf32, #tpu.memory_space<vmem>>, %arg2: memref<3200x16xf32, #tpu.memory_space<vmem>>, %arg3: memref<1x16xf32, #tpu.memory_space<vmem>>, %arg4: memref<1x1xf32, #tpu.memory_space<vmem>>, %arg5: memref<3200x128xf32, #tpu.memory_space<vmem>>) attributes {dimension_semantics = [#tpu.dimension_semantics<arbitrary>], iteration_bounds = array<i64: 50>, scalar_prefetch = 0 : i64, scratch_operands = 0 : i64, tpu.core_type = #tpu.core_type<tc>, window_params = [{transform_indices = @transform_0, window_bounds = array<i64: 200, 128>}, {transform_indices = @transform_1, window_bounds = array<i64: 3200, 16>}, {pipeline_mode = #tpu.pipeline_mode<synchronous>, transform_indices = @transform_2, window_bounds = array<i64: 1, 16>}, {pipeline_mode = #tpu.pipeline_mode<synchronous>, transform_indices = @transform_3, window_bounds = array<i64: 1, 1>}, {transform_indices = @transform_4, window_bounds = array<i64: 3200, 128>}]} {
    %get3A = arith.constant 0 : index
    %get3A_0 = arith.constant 0 : index
    %get3A_1 = vector.load %arg2[%get3A, %get3A_0] : memref<3200x16xf32, #tpu.memory_space<vmem>>, vector<3200x16xf32>
    %get3A_2 = arith.constant 0 : index
    %get3A_3 = arith.constant 0 : index
    %get3A_4 = vector.load %arg3[%get3A_2, %get3A_3] : memref<1x16xf32, #tpu.memory_space<vmem>>, vector<1x16xf32>
    %mul3A = vector.broadcast %get3A_4 : vector<1x16xf32> to vector<3200x16xf32>
    %mul3A_5 = arith.mulf %get3A_1, %mul3A : vector<3200x16xf32>
    %reduce_sum3A = arith.constant dense<0.000000e+00> : vector<3200xf32>
    %reduce_sum3A_6 = vector.multi_reduction <add>, %mul3A_5, %reduce_sum3A [1] : vector<3200x16xf32> to vector<3200xf32>
    %broadcast_in_dim3A = vector.shape_cast %reduce_sum3A_6 : vector<3200xf32> to vector<3200x1xf32>
    %get3A_7 = arith.constant 0 : index
    %get3A_8 = arith.constant 0 : index
    %get3A_9 = vector.load %arg4[%get3A_7, %get3A_8] : memref<1x1xf32, #tpu.memory_space<vmem>>, vector<1x1xf32>
    %get3A_10 = vector.extract %get3A_9[0, 0] : f32 from vector<1x1xf32>
    %add3A = vector.broadcast %get3A_10 : f32 to vector<3200x1xf32>
    %add3A_11 = arith.addf %broadcast_in_dim3A, %add3A : vector<3200x1xf32>
    %tanh3A = math.tanh %add3A_11 : vector<3200x1xf32>
    %iota3A = tpu.iota {dimensions = array<i32: 0>} : vector<3200x200xi32>
    %jit3A = arith.constant 16 : i32
    %div3A = vector.broadcast %jit3A : i32 to vector<3200x200xi32>
    %div3A_12 = arith.divsi %iota3A, %div3A : vector<3200x200xi32>
    %sign3A = arith.constant 0 : i32
    %sign3A_13 = vector.broadcast %sign3A : i32 to vector<3200x200xi32>
    %sign3A_14 = arith.cmpi sgt, %iota3A, %sign3A_13 : vector<3200x200xi32>
    %sign3A_15 = arith.extui %sign3A_14 : vector<3200x200xi1> to vector<3200x200xi32>
    %sign3A_16 = arith.constant 0 : i32
    %sign3A_17 = vector.broadcast %sign3A_16 : i32 to vector<3200x200xi32>
    %sign3A_18 = arith.cmpi slt, %iota3A, %sign3A_17 : vector<3200x200xi32>
    %sign3A_19 = arith.extui %sign3A_18 : vector<3200x200xi1> to vector<3200x200xi32>
    %sign3A_20 = arith.subi %sign3A_15, %sign3A_19 : vector<3200x200xi32>
    %sign3A_21 = arith.constant 0 : i32
    %sign3A_22 = arith.cmpi sgt, %jit3A, %sign3A_21 : i32
    %sign3A_23 = arith.extui %sign3A_22 : i1 to i32
    %sign3A_24 = arith.constant 0 : i32
    %sign3A_25 = arith.cmpi slt, %jit3A, %sign3A_24 : i32
    %sign3A_26 = arith.extui %sign3A_25 : i1 to i32
    %sign3A_27 = arith.subi %sign3A_23, %sign3A_26 : i32
    %ne3A = vector.broadcast %sign3A_27 : i32 to vector<3200x200xi32>
    %ne3A_28 = arith.cmpi ne, %sign3A_20, %ne3A : vector<3200x200xi32>
    %rem3A = vector.broadcast %jit3A : i32 to vector<3200x200xi32>
    %rem3A_29 = arith.remsi %iota3A, %rem3A : vector<3200x200xi32>
    %ne3A_30 = arith.constant 0 : i32
    %ne3A_31 = vector.broadcast %ne3A_30 : i32 to vector<3200x200xi32>
    %ne3A_32 = arith.cmpi ne, %rem3A_29, %ne3A_31 : vector<3200x200xi32>
    %and3A = arith.andi %ne3A_28, %ne3A_32 : vector<3200x200xi1>
    %sub3A = arith.constant 1 : i32
    %sub3A_33 = vector.broadcast %sub3A : i32 to vector<3200x200xi32>
    %sub3A_34 = arith.subi %div3A_12, %sub3A_33 : vector<3200x200xi32>
    %select_n3A = arith.select %and3A, %sub3A_34, %div3A_12 : vector<3200x200xi1>, vector<3200x200xi32>
    %iota3A_35 = tpu.iota {dimensions = array<i32: 1>} : vector<3200x200xi32>
    %eq3A = arith.cmpi eq, %select_n3A, %iota3A_35 : vector<3200x200xi32>
    %convert_element_type3A = arith.extui %eq3A : vector<3200x200xi1> to vector<3200x200xi32>
    %convert_element_type3A_36 = arith.sitofp %convert_element_type3A : vector<3200x200xi32> to vector<3200x200xf32>
    %get3A_37 = arith.constant 0 : index
    %get3A_38 = arith.constant 0 : index
    %get3A_39 = vector.load %arg1[%get3A_37, %get3A_38] : memref<200x128xf32, #tpu.memory_space<vmem>>, vector<200x128xf32>
    %dot_general3A = arith.constant dense<0.000000e+00> : vector<3200x128xf32>
    %dot_general3A_40 = tpu.matmul %convert_element_type3A_36, %get3A_39, %dot_general3A {dimension_numbers = #tpu.dot_dimension_numbers<[1], [0], [0], [1], [0, 0, 1, 1], [], []>, transpose_lhs_hint = false} : vector<3200x200xf32>, vector<200x128xf32>, vector<3200x128xf32> -> vector<3200x128xf32>
    %mul3A_41 = vector.broadcast %tanh3A : vector<3200x1xf32> to vector<3200x128xf32>
    %mul3A_42 = arith.mulf %dot_general3A_40, %mul3A_41 : vector<3200x128xf32>
    %swap3A = arith.constant 0 : index
    %swap3A_43 = arith.constant 0 : index
    %swap3A_44 = vector.load %arg5[%swap3A, %swap3A_43] : memref<3200x128xf32, #tpu.memory_space<vmem>>, vector<3200x128xf32>
    tpu.vector_store %arg5[%swap3A, %swap3A_43], %mul3A_42 {strides = array<i32>} : memref<3200x128xf32, #tpu.memory_space<vmem>>, vector<3200x128xf32>,
    return
  }
  func.func @transform_0(%arg0: i32) -> (i32, i32) {
    %c0_i32 = arith.constant 0 : i32
    %c0_i32_0 = arith.constant 0 : i32
    return %arg0, %c0_i32 : i32, i32
  }
  func.func @transform_1(%arg0: i32) -> (i32, i32) {
    %c0_i32 = arith.constant 0 : i32
    %c0_i32_0 = arith.constant 0 : i32
    return %arg0, %c0_i32 : i32, i32
  }
  func.func @transform_2(%arg0: i32) -> (i32, i32) {
    %c0_i32 = arith.constant 0 : i32
    %c0_i32_0 = arith.constant 0 : i32
    %c0_i32_1 = arith.constant 0 : i32
    return %c0_i32, %c0_i32_0 : i32, i32
  }
  func.func @transform_3(%arg0: i32) -> (i32, i32) {
    %c0_i32 = arith.constant 0 : i32
    %c0_i32_0 = arith.constant 0 : i32
    %c0_i32_1 = arith.constant 0 : i32
    return %c0_i32, %c0_i32_0 : i32, i32
  }
  func.func @transform_4(%arg0: i32) -> (i32, i32) {
    %c0_i32 = arith.constant 0 : i32
    %c0_i32_0 = arith.constant 0 : i32
    return %arg0, %c0_i32 : i32, i32
  }
}

module attributes {stable_mosaic.version = 14 : i64} {
  func.func @_scatter_kernel(%arg0: i32, %arg1: memref<125xi32, #tpu.memory_space<smem>>, %arg2: memref<125xi32, #tpu.memory_space<smem>>, %arg3: memref<160520x128xf32, #tpu.memory_space<any>>, %arg4: memref<160520x1xi32, #tpu.memory_space<any>>, %arg5: memref<400x128xf32, #tpu.memory_space<vmem>>, %arg6: memref<128x128xf32, #tpu.memory_space<vmem>>, %arg7: memref<128x128xf32, #tpu.memory_space<vmem>>, %arg8: memref<1x128xf32, #tpu.memory_space<vmem>>, %arg9: memref<400x128xf32, #tpu.memory_space<vmem>>, %arg10: memref<512x128xf32, #tpu.memory_space<vmem>>, %arg11: memref<512x1xi32, #tpu.memory_space<vmem>>, %arg12: memref<400x136xf32, #tpu.memory_space<vmem>>, %arg13: memref<!tpu.dma_semaphore, #tpu.memory_space<semaphore_mem>>, %arg14: memref<!tpu.dma_semaphore, #tpu.memory_space<semaphore_mem>>) attributes {dimension_semantics = [#tpu.dimension_semantics<arbitrary>], iteration_bounds = array<i64: 125>, scalar_prefetch = 2 : i64, scratch_operands = 5 : i64, tpu.core_type = #tpu.core_type<tc>, window_params = [{}, {}, {transform_indices = @transform_2, window_bounds = array<i64: 400, 128>}, {pipeline_mode = #tpu.pipeline_mode<synchronous>, transform_indices = @transform_3, window_bounds = array<i64: 128, 128>}, {pipeline_mode = #tpu.pipeline_mode<synchronous>, transform_indices = @transform_4, window_bounds = array<i64: 128, 128>}, {pipeline_mode = #tpu.pipeline_mode<synchronous>, transform_indices = @transform_5, window_bounds = array<i64: 1, 128>}, {transform_indices = @transform_6, window_bounds = array<i64: 400, 128>}]} {
    %broadcast_in_dim3A = arith.constant 0.000000e+00 : f32
    %broadcast_in_dim3A_0 = vector.broadcast %broadcast_in_dim3A : f32 to vector<400x136xf32>
    %swap3A = arith.constant 0 : index
    %swap3A_1 = arith.constant 0 : index
    %swap3A_2 = vector.load %arg12[%swap3A, %swap3A_1] : memref<400x136xf32, #tpu.memory_space<vmem>>, vector<400x136xf32>
    tpu.vector_store %arg12[%swap3A, %swap3A_1], %broadcast_in_dim3A_0 {strides = array<i32>} : memref<400x136xf32, #tpu.memory_space<vmem>>, vector<400x136xf32>,
    %mul3A = arith.constant 400 : i32
    %mul3A_3 = arith.muli %arg0, %mul3A : i32
    %get3A = arith.index_cast %arg0 : i32 to index
    %get3A_4 = memref.load %arg1[%get3A] : memref<125xi32, #tpu.memory_space<smem>>
    %get3A_5 = arith.index_cast %arg0 : i32 to index
    %get3A_6 = memref.load %arg2[%get3A_5] : memref<125xi32, #tpu.memory_space<smem>>
    %while3A = arith.constant 0 : i32
    %while3A_7 = arith.constant 0 : i32
    %while3A_8 = arith.subi %get3A_6, %while3A : i32
    %while3A_9 = arith.addi %while3A, %while3A_8 : i32
    %while3A_10 = arith.constant 1 : i32
    %while3A_11 = arith.divsi %while3A_8, %while3A_10 : i32
    %while3A_12 = arith.muli %while3A_11, %while3A_10 : i32
    %while3A_13 = arith.addi %while3A, %while3A_12 : i32
    %while3A_14 = arith.constant 1 : i32
    %while3A_15 = scf.for %while3A_46 = %while3A to %while3A_13 step %while3A_14 iter_args(%while3A_47 = %while3A_7) -> (i32)  : i32 {
      %mul3A_48 = arith.constant 512 : i32
      %mul3A_49 = arith.muli %while3A_46, %mul3A_48 : i32
      %add3A_50 = arith.addi %get3A_4, %mul3A_49 : i32
      %dma_start3A = arith.constant 0 : i32
      %dma_start3A_51 = tpu.memref_slice %arg3[%add3A_50, %dma_start3A] : memref<160520x128xf32, #tpu.memory_space<any>> -> memref<512x128xf32, #tpu.memory_space<any>>
      tpu.enqueue_dma source(%dma_start3A_51 : memref<512x128xf32, #tpu.memory_space<any>>) target(%arg10 : memref<512x128xf32, #tpu.memory_space<vmem>>) target_semaphore(%arg13 : memref<!tpu.dma_semaphore, #tpu.memory_space<semaphore_mem>>)
      %dma_start3A_52 = arith.constant 0 : i32
      %dma_start3A_53 = tpu.memref_slice %arg4[%add3A_50, %dma_start3A_52] : memref<160520x1xi32, #tpu.memory_space<any>> -> memref<512x1xi32, #tpu.memory_space<any>>
      tpu.enqueue_dma source(%dma_start3A_53 : memref<512x1xi32, #tpu.memory_space<any>>) target(%arg11 : memref<512x1xi32, #tpu.memory_space<vmem>>) target_semaphore(%arg14 : memref<!tpu.dma_semaphore, #tpu.memory_space<semaphore_mem>>)
      %dma_wait3A = arith.constant 0 : i32
      %dma_wait3A_54 = tpu.memref_slice %arg3[%add3A_50, %dma_wait3A] : memref<160520x128xf32, #tpu.memory_space<any>> -> memref<512x128xf32, #tpu.memory_space<any>>
      tpu.wait_dma2 semaphore(%arg13 : memref<!tpu.dma_semaphore, #tpu.memory_space<semaphore_mem>>) src(%dma_wait3A_54 : memref<512x128xf32, #tpu.memory_space<any>>) dst(%arg10 : memref<512x128xf32, #tpu.memory_space<vmem>>)
      %dma_wait3A_55 = arith.constant 0 : i32
      %dma_wait3A_56 = tpu.memref_slice %arg4[%add3A_50, %dma_wait3A_55] : memref<160520x1xi32, #tpu.memory_space<any>> -> memref<512x1xi32, #tpu.memory_space<any>>
      tpu.wait_dma2 semaphore(%arg14 : memref<!tpu.dma_semaphore, #tpu.memory_space<semaphore_mem>>) src(%dma_wait3A_56 : memref<512x1xi32, #tpu.memory_space<any>>) dst(%arg11 : memref<512x1xi32, #tpu.memory_space<vmem>>)
      %get3A_57 = arith.constant 0 : index
      %get3A_58 = arith.constant 0 : index
      %get3A_59 = vector.load %arg10[%get3A_57, %get3A_58] : memref<512x128xf32, #tpu.memory_space<vmem>>, vector<512x128xf32>
      %broadcast_in_dim3A_60 = arith.constant 1.000000e+00 : f32
      %broadcast_in_dim3A_61 = vector.broadcast %broadcast_in_dim3A_60 : f32 to vector<512x8xf32>
      %concatenate3A = tpu.concatenate %get3A_59, %broadcast_in_dim3A_61 in 1 : vector<512x128xf32>, vector<512x8xf32> -> vector<512x136xf32>
      %get3A_62 = arith.constant 0 : index
      %get3A_63 = arith.constant 0 : index
      %get3A_64 = vector.load %arg11[%get3A_62, %get3A_63] : memref<512x1xi32, #tpu.memory_space<vmem>>, vector<512x1xi32>
      %sub3A = vector.broadcast %mul3A_3 : i32 to vector<512x1xi32>
      %sub3A_65 = arith.subi %get3A_64, %sub3A : vector<512x1xi32>
      %iota3A = tpu.iota {dimensions = array<i32: 1>} : vector<1x400xi32>
      %eq3A = vector.broadcast %sub3A_65 : vector<512x1xi32> to vector<512x400xi32>
      %eq3A_66 = vector.broadcast %iota3A : vector<1x400xi32> to vector<512x400xi32>
      %eq3A_67 = arith.cmpi eq, %eq3A, %eq3A_66 : vector<512x400xi32>
      %convert_element_type3A = arith.extui %eq3A_67 : vector<512x400xi1> to vector<512x400xi32>
      %convert_element_type3A_68 = arith.sitofp %convert_element_type3A : vector<512x400xi32> to vector<512x400xf32>
      %get3A_69 = arith.constant 0 : index
      %get3A_70 = arith.constant 0 : index
      %get3A_71 = vector.load %arg12[%get3A_69, %get3A_70] : memref<400x136xf32, #tpu.memory_space<vmem>>, vector<400x136xf32>
      %dot_general3A_72 = arith.constant dense<0.000000e+00> : vector<400x136xf32>
      %dot_general3A_73 = tpu.matmul %convert_element_type3A_68, %concatenate3A, %dot_general3A_72 {dimension_numbers = #tpu.dot_dimension_numbers<[0], [0], [1], [1], [0, 1, 1, 1], [], []>, transpose_lhs_hint = false} : vector<512x400xf32>, vector<512x136xf32>, vector<400x136xf32> -> vector<400x136xf32>
      %add3A_74 = arith.addf %get3A_71, %dot_general3A_73 : vector<400x136xf32>
      %swap3A_75 = arith.constant 0 : index
      %swap3A_76 = arith.constant 0 : index
      %swap3A_77 = vector.load %arg12[%swap3A_75, %swap3A_76] : memref<400x136xf32, #tpu.memory_space<vmem>>, vector<400x136xf32>
      tpu.vector_store %arg12[%swap3A_75, %swap3A_76], %add3A_74 {strides = array<i32>} : memref<400x136xf32, #tpu.memory_space<vmem>>, vector<400x136xf32>,
      %while3A_78 = arith.constant 0 : i32
      scf.yield %while3A_78 : i32
    }
    %while3A_16 = arith.constant 1 : i32
    %while3A_17 = scf.for %while3A_46 = %while3A_13 to %while3A_9 step %while3A_16 iter_args(%while3A_47 = %while3A_15) -> (i32)  : i32 {
      %mul3A_48 = arith.constant 512 : i32
      %mul3A_49 = arith.muli %while3A_46, %mul3A_48 : i32
      %add3A_50 = arith.addi %get3A_4, %mul3A_49 : i32
      %dma_start3A = arith.constant 0 : i32
      %dma_start3A_51 = tpu.memref_slice %arg3[%add3A_50, %dma_start3A] : memref<160520x128xf32, #tpu.memory_space<any>> -> memref<512x128xf32, #tpu.memory_space<any>>
      tpu.enqueue_dma source(%dma_start3A_51 : memref<512x128xf32, #tpu.memory_space<any>>) target(%arg10 : memref<512x128xf32, #tpu.memory_space<vmem>>) target_semaphore(%arg13 : memref<!tpu.dma_semaphore, #tpu.memory_space<semaphore_mem>>)
      %dma_start3A_52 = arith.constant 0 : i32
      %dma_start3A_53 = tpu.memref_slice %arg4[%add3A_50, %dma_start3A_52] : memref<160520x1xi32, #tpu.memory_space<any>> -> memref<512x1xi32, #tpu.memory_space<any>>
      tpu.enqueue_dma source(%dma_start3A_53 : memref<512x1xi32, #tpu.memory_space<any>>) target(%arg11 : memref<512x1xi32, #tpu.memory_space<vmem>>) target_semaphore(%arg14 : memref<!tpu.dma_semaphore, #tpu.memory_space<semaphore_mem>>)
      %dma_wait3A = arith.constant 0 : i32
      %dma_wait3A_54 = tpu.memref_slice %arg3[%add3A_50, %dma_wait3A] : memref<160520x128xf32, #tpu.memory_space<any>> -> memref<512x128xf32, #tpu.memory_space<any>>
      tpu.wait_dma2 semaphore(%arg13 : memref<!tpu.dma_semaphore, #tpu.memory_space<semaphore_mem>>) src(%dma_wait3A_54 : memref<512x128xf32, #tpu.memory_space<any>>) dst(%arg10 : memref<512x128xf32, #tpu.memory_space<vmem>>)
      %dma_wait3A_55 = arith.constant 0 : i32
      %dma_wait3A_56 = tpu.memref_slice %arg4[%add3A_50, %dma_wait3A_55] : memref<160520x1xi32, #tpu.memory_space<any>> -> memref<512x1xi32, #tpu.memory_space<any>>
      tpu.wait_dma2 semaphore(%arg14 : memref<!tpu.dma_semaphore, #tpu.memory_space<semaphore_mem>>) src(%dma_wait3A_56 : memref<512x1xi32, #tpu.memory_space<any>>) dst(%arg11 : memref<512x1xi32, #tpu.memory_space<vmem>>)
      %get3A_57 = arith.constant 0 : index
      %get3A_58 = arith.constant 0 : index
      %get3A_59 = vector.load %arg10[%get3A_57, %get3A_58] : memref<512x128xf32, #tpu.memory_space<vmem>>, vector<512x128xf32>
      %broadcast_in_dim3A_60 = arith.constant 1.000000e+00 : f32
      %broadcast_in_dim3A_61 = vector.broadcast %broadcast_in_dim3A_60 : f32 to vector<512x8xf32>
      %concatenate3A = tpu.concatenate %get3A_59, %broadcast_in_dim3A_61 in 1 : vector<512x128xf32>, vector<512x8xf32> -> vector<512x136xf32>
      %get3A_62 = arith.constant 0 : index
      %get3A_63 = arith.constant 0 : index
      %get3A_64 = vector.load %arg11[%get3A_62, %get3A_63] : memref<512x1xi32, #tpu.memory_space<vmem>>, vector<512x1xi32>
      %sub3A = vector.broadcast %mul3A_3 : i32 to vector<512x1xi32>
      %sub3A_65 = arith.subi %get3A_64, %sub3A : vector<512x1xi32>
      %iota3A = tpu.iota {dimensions = array<i32: 1>} : vector<1x400xi32>
      %eq3A = vector.broadcast %sub3A_65 : vector<512x1xi32> to vector<512x400xi32>
      %eq3A_66 = vector.broadcast %iota3A : vector<1x400xi32> to vector<512x400xi32>
      %eq3A_67 = arith.cmpi eq, %eq3A, %eq3A_66 : vector<512x400xi32>
      %convert_element_type3A = arith.extui %eq3A_67 : vector<512x400xi1> to vector<512x400xi32>
      %convert_element_type3A_68 = arith.sitofp %convert_element_type3A : vector<512x400xi32> to vector<512x400xf32>
      %get3A_69 = arith.constant 0 : index
      %get3A_70 = arith.constant 0 : index
      %get3A_71 = vector.load %arg12[%get3A_69, %get3A_70] : memref<400x136xf32, #tpu.memory_space<vmem>>, vector<400x136xf32>
      %dot_general3A_72 = arith.constant dense<0.000000e+00> : vector<400x136xf32>
      %dot_general3A_73 = tpu.matmul %convert_element_type3A_68, %concatenate3A, %dot_general3A_72 {dimension_numbers = #tpu.dot_dimension_numbers<[0], [0], [1], [1], [0, 1, 1, 1], [], []>, transpose_lhs_hint = false} : vector<512x400xf32>, vector<512x136xf32>, vector<400x136xf32> -> vector<400x136xf32>
      %add3A_74 = arith.addf %get3A_71, %dot_general3A_73 : vector<400x136xf32>
      %swap3A_75 = arith.constant 0 : index
      %swap3A_76 = arith.constant 0 : index
      %swap3A_77 = vector.load %arg12[%swap3A_75, %swap3A_76] : memref<400x136xf32, #tpu.memory_space<vmem>>, vector<400x136xf32>
      tpu.vector_store %arg12[%swap3A_75, %swap3A_76], %add3A_74 {strides = array<i32>} : memref<400x136xf32, #tpu.memory_space<vmem>>, vector<400x136xf32>,
      %while3A_78 = arith.constant 0 : i32
      scf.yield %while3A_78 : i32
    }
    %get3A_18 = arith.constant 0 : index
    %get3A_19 = arith.constant 0 : index
    %get3A_20 = vector.load %arg12[%get3A_18, %get3A_19] : memref<400x136xf32, #tpu.memory_space<vmem>>, vector<400x128xf32>
    %get3A_21 = arith.constant 0 : index
    %get3A_22 = arith.constant 128 : index
    %get3A_23 = vector.load %arg12[%get3A_21, %get3A_22] : memref<400x136xf32, #tpu.memory_space<vmem>>, vector<400x1xf32>
    %jit3A = arith.constant 1.000000e+00 : f32
    %max3A = vector.broadcast %jit3A : f32 to vector<400x1xf32>
    %max3A_24 = arith.maximumf %max3A, %get3A_23 : vector<400x1xf32>
    %get3A_25 = arith.constant 0 : index
    %get3A_26 = arith.constant 0 : index
    %get3A_27 = vector.load %arg5[%get3A_25, %get3A_26] : memref<400x128xf32, #tpu.memory_space<vmem>>, vector<400x128xf32>
    %get3A_28 = arith.constant 0 : index
    %get3A_29 = arith.constant 0 : index
    %get3A_30 = vector.load %arg6[%get3A_28, %get3A_29] : memref<128x128xf32, #tpu.memory_space<vmem>>, vector<128x128xf32>
    %dot_general3A = arith.constant dense<0.000000e+00> : vector<400x128xf32>
    %dot_general3A_31 = tpu.matmul %get3A_27, %get3A_30, %dot_general3A {dimension_numbers = #tpu.dot_dimension_numbers<[1], [0], [0], [1], [0, 0, 1, 1], [], []>, transpose_lhs_hint = false} : vector<400x128xf32>, vector<128x128xf32>, vector<400x128xf32> -> vector<400x128xf32>
    %div3A = vector.broadcast %max3A_24 : vector<400x1xf32> to vector<400x128xf32>
    %div3A_32 = arith.divf %get3A_20, %div3A : vector<400x128xf32>
    %get3A_33 = arith.constant 0 : index
    %get3A_34 = arith.constant 0 : index
    %get3A_35 = vector.load %arg7[%get3A_33, %get3A_34] : memref<128x128xf32, #tpu.memory_space<vmem>>, vector<128x128xf32>
    %dot_general3A_36 = arith.constant dense<0.000000e+00> : vector<400x128xf32>
    %dot_general3A_37 = tpu.matmul %div3A_32, %get3A_35, %dot_general3A_36 {dimension_numbers = #tpu.dot_dimension_numbers<[1], [0], [0], [1], [0, 0, 1, 1], [], []>, transpose_lhs_hint = false} : vector<400x128xf32>, vector<128x128xf32>, vector<400x128xf32> -> vector<400x128xf32>
    %add3A = arith.addf %dot_general3A_31, %dot_general3A_37 : vector<400x128xf32>
    %get3A_38 = arith.constant 0 : index
    %get3A_39 = arith.constant 0 : index
    %get3A_40 = vector.load %arg8[%get3A_38, %get3A_39] : memref<1x128xf32, #tpu.memory_space<vmem>>, vector<1x128xf32>
    %add3A_41 = vector.broadcast %get3A_40 : vector<1x128xf32> to vector<400x128xf32>
    %add3A_42 = arith.addf %add3A, %add3A_41 : vector<400x128xf32>
    %swap3A_43 = arith.constant 0 : index
    %swap3A_44 = arith.constant 0 : index
    %swap3A_45 = vector.load %arg9[%swap3A_43, %swap3A_44] : memref<400x128xf32, #tpu.memory_space<vmem>>, vector<400x128xf32>
    tpu.vector_store %arg9[%swap3A_43, %swap3A_44], %add3A_42 {strides = array<i32>} : memref<400x128xf32, #tpu.memory_space<vmem>>, vector<400x128xf32>,
    return
  }
  func.func @transform_2(%arg0: i32, %arg1: memref<125xi32, #tpu.memory_space<smem>>, %arg2: memref<125xi32, #tpu.memory_space<smem>>) -> (i32, i32) {
    %c0_i32 = arith.constant 0 : i32
    %c0_i32_0 = arith.constant 0 : i32
    return %arg0, %c0_i32 : i32, i32
  }
  func.func @transform_3(%arg0: i32, %arg1: memref<125xi32, #tpu.memory_space<smem>>, %arg2: memref<125xi32, #tpu.memory_space<smem>>) -> (i32, i32) {
    %c0_i32 = arith.constant 0 : i32
    %c0_i32_0 = arith.constant 0 : i32
    %c0_i32_1 = arith.constant 0 : i32
    return %c0_i32, %c0_i32_0 : i32, i32
  }
  func.func @transform_4(%arg0: i32, %arg1: memref<125xi32, #tpu.memory_space<smem>>, %arg2: memref<125xi32, #tpu.memory_space<smem>>) -> (i32, i32) {
    %c0_i32 = arith.constant 0 : i32
    %c0_i32_0 = arith.constant 0 : i32
    %c0_i32_1 = arith.constant 0 : i32
    return %c0_i32, %c0_i32_0 : i32, i32
  }
  func.func @transform_5(%arg0: i32, %arg1: memref<125xi32, #tpu.memory_space<smem>>, %arg2: memref<125xi32, #tpu.memory_space<smem>>) -> (i32, i32) {
    %c0_i32 = arith.constant 0 : i32
    %c0_i32_0 = arith.constant 0 : i32
    %c0_i32_1 = arith.constant 0 : i32
    return %c0_i32, %c0_i32_0 : i32, i32
  }
  func.func @transform_6(%arg0: i32, %arg1: memref<125xi32, #tpu.memory_space<smem>>, %arg2: memref<125xi32, #tpu.memory_space<smem>>) -> (i32, i32) {
    %c0_i32 = arith.constant 0 : i32
    %c0_i32_0 = arith.constant 0 : i32
    return %arg0, %c0_i32 : i32, i32
  }
}

module attributes {stable_mosaic.version = 14 : i64} {
  func.func @_table_kernel(%arg0: i32, %arg1: memref<1000x128xf32, #tpu.memory_space<vmem>>, %arg2: memref<1000x2xf32, #tpu.memory_space<vmem>>, %arg3: memref<128x8xf32, #tpu.memory_space<vmem>>, %arg4: memref<1000x128xf32, #tpu.memory_space<vmem>>) attributes {dimension_semantics = [#tpu.dimension_semantics<arbitrary>], iteration_bounds = array<i64: 50>, scalar_prefetch = 0 : i64, scratch_operands = 0 : i64, tpu.core_type = #tpu.core_type<tc>, window_params = [{transform_indices = @transform_0, window_bounds = array<i64: 1000, 128>}, {transform_indices = @transform_1, window_bounds = array<i64: 1000, 2>}, {pipeline_mode = #tpu.pipeline_mode<synchronous>, transform_indices = @transform_2, window_bounds = array<i64: 128, 8>}, {transform_indices = @transform_3, window_bounds = array<i64: 1000, 128>}]} {
    %get3A = arith.constant 0 : index
    %get3A_0 = arith.constant 0 : index
    %get3A_1 = vector.load %arg1[%get3A, %get3A_0] : memref<1000x128xf32, #tpu.memory_space<vmem>>, vector<1000x128xf32>
    %get3A_2 = arith.constant 0 : index
    %get3A_3 = arith.constant 0 : index
    %get3A_4 = vector.load %arg3[%get3A_2, %get3A_3] : memref<128x8xf32, #tpu.memory_space<vmem>>, vector<128x8xf32>
    %dot_general3A = arith.constant dense<0.000000e+00> : vector<1000x8xf32>
    %dot_general3A_5 = tpu.matmul %get3A_1, %get3A_4, %dot_general3A {dimension_numbers = #tpu.dot_dimension_numbers<[1], [0], [0], [1], [0, 0, 1, 1], [], []>, transpose_lhs_hint = false} : vector<1000x128xf32>, vector<128x8xf32>, vector<1000x8xf32> -> vector<1000x8xf32>
    %slice3A = vector.extract_strided_slice %dot_general3A_5 {offsets = [0, 0], sizes = [1000, 4], strides = [1, 1]} : vector<1000x8xf32> to vector<1000x4xf32>
    %get3A_6 = arith.constant 0 : index
    %get3A_7 = arith.constant 0 : index
    %get3A_8 = vector.load %arg2[%get3A_6, %get3A_7] : memref<1000x2xf32, #tpu.memory_space<vmem>>, vector<1000x2xf32>
    %broadcast_in_dim3A = arith.constant 0.000000e+00 : f32
    %broadcast_in_dim3A_9 = vector.broadcast %broadcast_in_dim3A : f32 to vector<1000x122xf32>
    %concatenate3A = tpu.concatenate %slice3A, %get3A_8, %broadcast_in_dim3A_9 in 1 : vector<1000x4xf32>, vector<1000x2xf32>, vector<1000x122xf32> -> vector<1000x128xf32>
    %swap3A = arith.constant 0 : index
    %swap3A_10 = arith.constant 0 : index
    %swap3A_11 = vector.load %arg4[%swap3A, %swap3A_10] : memref<1000x128xf32, #tpu.memory_space<vmem>>, vector<1000x128xf32>
    tpu.vector_store %arg4[%swap3A, %swap3A_10], %concatenate3A {strides = array<i32>} : memref<1000x128xf32, #tpu.memory_space<vmem>>, vector<1000x128xf32>,
    return
  }
  func.func @transform_0(%arg0: i32) -> (i32, i32) {
    %c0_i32 = arith.constant 0 : i32
    %c0_i32_0 = arith.constant 0 : i32
    return %arg0, %c0_i32 : i32, i32
  }
  func.func @transform_1(%arg0: i32) -> (i32, i32) {
    %c0_i32 = arith.constant 0 : i32
    %c0_i32_0 = arith.constant 0 : i32
    return %arg0, %c0_i32 : i32, i32
  }
  func.func @transform_2(%arg0: i32) -> (i32, i32) {
    %c0_i32 = arith.constant 0 : i32
    %c0_i32_0 = arith.constant 0 : i32
    %c0_i32_1 = arith.constant 0 : i32
    return %c0_i32, %c0_i32_0 : i32, i32
  }
  func.func @transform_3(%arg0: i32) -> (i32, i32) {
    %c0_i32 = arith.constant 0 : i32
    %c0_i32_0 = arith.constant 0 : i32
    return %arg0, %c0_i32 : i32, i32
  }
}

module attributes {stable_mosaic.version = 14 : i64} {
  func.func @_readout_kernel(%arg0: i32, %arg1: memref<1024x128xf32, #tpu.memory_space<vmem>>, %arg2: memref<1024x128xf32, #tpu.memory_space<vmem>>, %arg3: memref<1x1xf32, #tpu.memory_space<vmem>>, %arg4: memref<1x1xf32, #tpu.memory_space<vmem>>, %arg5: memref<1024x16xf32, #tpu.memory_space<vmem>>) attributes {dimension_semantics = [#tpu.dimension_semantics<arbitrary>], iteration_bounds = array<i64: 200>, scalar_prefetch = 0 : i64, scratch_operands = 0 : i64, tpu.core_type = #tpu.core_type<tc>, window_params = [{transform_indices = @transform_0, window_bounds = array<i64: 1024, 128>}, {transform_indices = @transform_1, window_bounds = array<i64: 1024, 128>}, {pipeline_mode = #tpu.pipeline_mode<synchronous>, transform_indices = @transform_2, window_bounds = array<i64: 1, 1>}, {pipeline_mode = #tpu.pipeline_mode<synchronous>, transform_indices = @transform_3, window_bounds = array<i64: 1, 1>}, {transform_indices = @transform_4, window_bounds = array<i64: 1024, 16>}]} {
    %get3A = arith.constant 0 : index
    %get3A_0 = arith.constant 0 : index
    %get3A_1 = vector.load %arg1[%get3A, %get3A_0] : memref<1024x128xf32, #tpu.memory_space<vmem>>, vector<1024x128xf32>
    %get3A_2 = arith.constant 0 : index
    %get3A_3 = arith.constant 0 : index
    %get3A_4 = vector.load %arg2[%get3A_2, %get3A_3] : memref<1024x128xf32, #tpu.memory_space<vmem>>, vector<1024x128xf32>
    %slice3A = vector.extract_strided_slice %get3A_1 {offsets = [0, 0], sizes = [1024, 1], strides = [1, 1]} : vector<1024x128xf32> to vector<1024x1xf32>
    %slice3A_5 = vector.extract_strided_slice %get3A_4 {offsets = [0, 1], sizes = [1024, 1], strides = [1, 1]} : vector<1024x128xf32> to vector<1024x1xf32>
    %add3A = arith.addf %slice3A, %slice3A_5 : vector<1024x1xf32>
    %get3A_6 = arith.constant 0 : index
    %get3A_7 = arith.constant 0 : index
    %get3A_8 = vector.load %arg3[%get3A_6, %get3A_7] : memref<1x1xf32, #tpu.memory_space<vmem>>, vector<1x1xf32>
    %get3A_9 = vector.extract %get3A_8[0, 0] : f32 from vector<1x1xf32>
    %add3A_10 = vector.broadcast %get3A_9 : f32 to vector<1024x1xf32>
    %add3A_11 = arith.addf %add3A, %add3A_10 : vector<1024x1xf32>
    %tanh3A = math.tanh %add3A_11 : vector<1024x1xf32>
    %mul3A = arith.constant 1.500000e+01 : f32
    %mul3A_12 = vector.broadcast %mul3A : f32 to vector<1024x1xf32>
    %mul3A_13 = arith.mulf %mul3A_12, %tanh3A : vector<1024x1xf32>
    %add3A_14 = arith.constant -2.000000e+00 : f32
    %add3A_15 = vector.broadcast %add3A_14 : f32 to vector<1024x1xf32>
    %add3A_16 = arith.addf %add3A_15, %mul3A_13 : vector<1024x1xf32>
    %exp3A = math.exp %add3A_16 : vector<1024x1xf32>
    %slice3A_17 = vector.extract_strided_slice %get3A_1 {offsets = [0, 2], sizes = [1024, 1], strides = [1, 1]} : vector<1024x128xf32> to vector<1024x1xf32>
    %slice3A_18 = vector.extract_strided_slice %get3A_4 {offsets = [0, 3], sizes = [1024, 1], strides = [1, 1]} : vector<1024x128xf32> to vector<1024x1xf32>
    %add3A_19 = arith.addf %slice3A_17, %slice3A_18 : vector<1024x1xf32>
    %get3A_20 = arith.constant 0 : index
    %get3A_21 = arith.constant 0 : index
    %get3A_22 = vector.load %arg4[%get3A_20, %get3A_21] : memref<1x1xf32, #tpu.memory_space<vmem>>, vector<1x1xf32>
    %get3A_23 = vector.extract %get3A_22[0, 0] : f32 from vector<1x1xf32>
    %add3A_24 = vector.broadcast %get3A_23 : f32 to vector<1024x1xf32>
    %add3A_25 = arith.addf %add3A_19, %add3A_24 : vector<1024x1xf32>
    %tanh3A_26 = math.tanh %add3A_25 : vector<1024x1xf32>
    %mul3A_27 = arith.constant 4.000000e+00 : f32
    %mul3A_28 = vector.broadcast %mul3A_27 : f32 to vector<1024x1xf32>
    %mul3A_29 = arith.mulf %tanh3A_26, %mul3A_28 : vector<1024x1xf32>
    %slice3A_30 = vector.extract_strided_slice %get3A_1 {offsets = [0, 4], sizes = [1024, 1], strides = [1, 1]} : vector<1024x128xf32> to vector<1024x1xf32>
    %slice3A_31 = vector.extract_strided_slice %get3A_4 {offsets = [0, 4], sizes = [1024, 1], strides = [1, 1]} : vector<1024x128xf32> to vector<1024x1xf32>
    %add3A_32 = arith.addf %slice3A_30, %slice3A_31 : vector<1024x1xf32>
    %mul3A_33 = arith.constant 5.000000e-01 : f32
    %mul3A_34 = vector.broadcast %mul3A_33 : f32 to vector<1024x1xf32>
    %mul3A_35 = arith.mulf %add3A_32, %mul3A_34 : vector<1024x1xf32>
    %slice3A_36 = vector.extract_strided_slice %get3A_1 {offsets = [0, 5], sizes = [1024, 1], strides = [1, 1]} : vector<1024x128xf32> to vector<1024x1xf32>
    %slice3A_37 = vector.extract_strided_slice %get3A_4 {offsets = [0, 5], sizes = [1024, 1], strides = [1, 1]} : vector<1024x128xf32> to vector<1024x1xf32>
    %add3A_38 = arith.addf %slice3A_36, %slice3A_37 : vector<1024x1xf32>
    %mul3A_39 = arith.constant 5.000000e-01 : f32
    %mul3A_40 = vector.broadcast %mul3A_39 : f32 to vector<1024x1xf32>
    %mul3A_41 = arith.mulf %add3A_38, %mul3A_40 : vector<1024x1xf32>
    %mul3A_42 = arith.constant 3.14159274 : f32
    %mul3A_43 = vector.broadcast %mul3A_42 : f32 to vector<1024x1xf32>
    %mul3A_44 = arith.mulf %mul3A_29, %mul3A_43 : vector<1024x1xf32>
    %cos3A = math.cos %mul3A_44 : vector<1024x1xf32>
    %add3A_45 = arith.constant 9.99999974E-5 : f32
    %add3A_46 = vector.broadcast %add3A_45 : f32 to vector<1024x1xf32>
    %add3A_47 = arith.addf %cos3A, %add3A_46 : vector<1024x1xf32>
    %div3A = arith.divf %mul3A_35, %add3A_47 : vector<1024x1xf32>
    %abs3A = math.absf %div3A : vector<1024x1xf32>
    %mul3A_48 = arith.constant 3.14159274 : f32
    %mul3A_49 = vector.broadcast %mul3A_48 : f32 to vector<1024x1xf32>
    %mul3A_50 = arith.mulf %mul3A_29, %mul3A_49 : vector<1024x1xf32>
    %sin3A = math.sin %mul3A_50 : vector<1024x1xf32>
    %add3A_51 = arith.constant 9.99999974E-5 : f32
    %add3A_52 = vector.broadcast %add3A_51 : f32 to vector<1024x1xf32>
    %add3A_53 = arith.addf %sin3A, %add3A_52 : vector<1024x1xf32>
    %div3A_54 = arith.divf %mul3A_41, %add3A_53 : vector<1024x1xf32>
    %abs3A_55 = math.absf %div3A_54 : vector<1024x1xf32>
    %min3A = arith.minimumf %abs3A, %abs3A_55 : vector<1024x1xf32>
    %add3A_56 = arith.addf %exp3A, %min3A : vector<1024x1xf32>
    %broadcast_in_dim3A = arith.constant 0.000000e+00 : f32
    %broadcast_in_dim3A_57 = vector.broadcast %broadcast_in_dim3A : f32 to vector<1024x14xf32>
    %concatenate3A = tpu.concatenate %add3A_56, %mul3A_29, %broadcast_in_dim3A_57 in 1 : vector<1024x1xf32>, vector<1024x1xf32>, vector<1024x14xf32> -> vector<1024x16xf32>
    %swap3A = arith.constant 0 : index
    %swap3A_58 = arith.constant 0 : index
    %swap3A_59 = vector.load %arg5[%swap3A, %swap3A_58] : memref<1024x16xf32, #tpu.memory_space<vmem>>, vector<1024x16xf32>
    tpu.vector_store %arg5[%swap3A, %swap3A_58], %concatenate3A {strides = array<i32>} : memref<1024x16xf32, #tpu.memory_space<vmem>>, vector<1024x16xf32>,
    return
  }
  func.func @transform_0(%arg0: i32) -> (i32, i32) {
    %c0_i32 = arith.constant 0 : i32
    %c0_i32_0 = arith.constant 0 : i32
    return %arg0, %c0_i32 : i32, i32
  }
  func.func @transform_1(%arg0: i32) -> (i32, i32) {
    %c0_i32 = arith.constant 0 : i32
    %c0_i32_0 = arith.constant 0 : i32
    return %arg0, %c0_i32 : i32, i32
  }
  func.func @transform_2(%arg0: i32) -> (i32, i32) {
    %c0_i32 = arith.constant 0 : i32
    %c0_i32_0 = arith.constant 0 : i32
    %c0_i32_1 = arith.constant 0 : i32
    return %c0_i32, %c0_i32_0 : i32, i32
  }
  func.func @transform_3(%arg0: i32) -> (i32, i32) {
    %c0_i32 = arith.constant 0 : i32
    %c0_i32_0 = arith.constant 0 : i32
    %c0_i32_1 = arith.constant 0 : i32
    return %c0_i32, %c0_i32_0 : i32, i32
  }
  func.func @transform_4(%arg0: i32) -> (i32, i32) {
    %c0_i32 = arith.constant 0 : i32
    %c0_i32_0 = arith.constant 0 : i32
    return %arg0, %c0_i32 : i32, i32
  }
}

</mosaic_0001>

<sc_bundles>
// kernel: gather_offload_async_start
scs
__scs_entry_jumppad:
0x0: {  	(pc) =	sbr.rel $0x88, $3  }
0x1: {  	(tag) =	ssettag $0x0;
	lr =	simm.s32 $0x1  }
0x2: {  	[smem:$0x3F88] =	sst lr;
	_ =	strace $0xD0000000  }
0x3: {  	_ = 	snop  }
0x4: {  	_ = 	snop  }
0x5: {  	_ = 	snop  }
0x6: {  	_ = 	snop  }
0x7: {  	_ = 	snop  }
__scs_overlays_trampoline_lowered:
0x8: {  	[smem:$0x3F97] =	sst s0  }
0x9: {  	[smem:$0x3F98] =	sst s1  }
0xa: {  	[smem:$0x3F99] =	sst s2  }
0xb: {  	[smem:$0x3F9A] =	sst s3  }
0xc: {  	[smem:$0x3F9B] =	sst s4  }
0xd: {  	[smem:$0x3F9C] =	sst s5  }
0xe: {  	[smem:$0x3F9D] =	sst s6  }
0xf: {  	[smem:$0x3F9E] =	sst s7  }
0x10: {  	[smem:$0x3F9F] =	sst s8  }
0x11: {  	[smem:$0x3FA0] =	sst s9;
	s0 =	simm.s32 @!p0 $0x0  }
0x12: {  	s1 =	sld [smem:$0x3F86];
	s0 =	simm.s32 @p0 $0x1  }
0x13: {  	[smem:$0x3FA1] =	sst s0;
	s0 =	simm.s32 @!p1 $0x0  }
0x14: {  	s2 =	sld [smem:$0x3F85];
	s0 =	simm.s32 @p1 $0x1  }
0x15: {  	[smem:$0x3FA2] =	sst s0;
	s0 =	simm.s32 @!p2 $0x0  }
0x16: {  	s3 =	sld [smem:$0x3FDB];
	s0 =	simm.s32 @p2 $0x1  }
0x17: {  	s4 =	simm.s32 $0x1BF5;
	[smem:$0x3FA4] =	sst s0  }
0x18: {  	s0 =	sld [smem:$0x3F87];
	_ =	swait.ge [sflag:s4], $0x0  }
0x19: {  	s7 =	sld [smem:$0x3F88]  }
0x1a: {  	s8 =	sadd.s32 $0xFFFFE003, lr  }
0x1b: {  	s9 =	sadd.s32 $0xFFFFFEF7, lr;
	s5 =	simm.s32 $0xFFFFFFFF;
	p2 =	slt.u32 s8, $0xFFFFF086  }
0x1c: {  	p1 =	slt.u32 s9, $0xF7A;
	s5 =	simm.s32 @!p2 $0x0  }
0x1d: {  	s5 =	simm.s32 @p1 $0x1;
	p0 =	seq.s32 s7, s2  }
0x1e: {  	s7 =	smul.u32 @!p0 $0xF7A, s2;
	p2 =	seq.s32 @!p0 s5, $0x0  }
0x1f: {  	s9 =	smul.u32 $0xF7A, s1;
	s8 =	simm.s32 @!p0 $0x1BF5;
	p2 =	por !p2, p0  }
0x20: {  	[sflag:s8] =	ssyncset.s32 @!p0 $0xFFFFF086;
	s6 =	sadd.s32 @!p0 s3, s7;
	s7 =	simm.s32 @!p0 $0x108  }
0x21: {  	s3 =	sadd.s32 s3, s9;
	s6 =	sadd.s32 @!p0 $0x88, s6;
	s7 =	simm.s32 @p2 $0x1082  }
0x22: {  	[simem:s7], [sflag:s8] =	dma.local @!p0 [hbm:s6], $0xF7A  }
0x23: {  	s9 =	sor.u32 $0xD0000000, s2;
	s6 =	simm.s32 $0x108;
	_ =	swait.ge @!p0 [sflag:s8], $0x0  }
0x24: {  	s3 =	sadd.s32 $0x88, s3;
	s6 =	simm.s32 @!p1 $0x1082;
	[sflag:s4] =	ssyncset.s32 $0xFFFFF086  }
0x25: {  	[simem:s6], [sflag:s4] =	dma.local [hbm:s3], $0xF7A  }
0x26: {  	[smem:$0x3F88] =	sst s1;
	(tag) =	ssettag s2;
	_ =	strace s9  }
0x27: {  	s1 =	sld [smem:$0x3F98]  }
0x28: {  	s2 =	sld [smem:$0x3F99]  }
0x29: {  	s4 =	sld [smem:$0x3F9B]  }
0x2a: {  	p0 =	seq.s32 s5, $0x0;
	s5 =	sld [smem:$0x3F9C]  }
0x2b: {  	s6 =	sld [smem:$0x3F9D]  }
0x2c: {  	s7 =	sld [smem:$0x3F9E]  }
0x2d: {  	s3 =	simm.s32 $0x108;
	s8 =	sld [smem:$0x3F9F]  }
0x2e: {  	s3 =	simm.s32 @!p0 $0x1082;
	s9 =	sld [smem:$0x3FA0]  }
0x2f: {  	lr =	sadd.s32 s0, s3;
	s0 =	sld [smem:$0x3F97]  }
0x30: {  	s3 =	sld [smem:$0x3F9A]  }
0x31: {  	[smem:$0x3FA3] =	sst s10  }
0x32: {  	s10 =	sld [smem:$0x3FA1];
	_ =	sdelay $0x3  }
0x33: {  	p0 =	seq.s32 s10, $0x1;
	s10 =	sld [smem:$0x3FA3];
	_ =	sdelay $0x3  }
0x34: {  	[smem:$0x3FA3] =	sst s10  }
0x35: {  	s10 =	sld [smem:$0x3FA2];
	_ =	sdelay $0x3  }
0x36: {  	p1 =	seq.s32 s10, $0x1;
	s10 =	sld [smem:$0x3FA3];
	_ =	sdelay $0x3  }
0x37: {  	[smem:$0x3FA3] =	sst s10  }
0x38: {  	s10 =	sld [smem:$0x3FA4]  }
0x39: {  	_ = 	snop;
	(pc) =	sbr.ind lr, $3  }
0x3a: {  	_ = 	snop  }
0x3b: {  	_ = 	snop  }
0x3c: {  	p2 =	seq.s32 s10, $0x1;
	s10 =	sld [smem:$0x3FA3]  }
0x3d: {  	_ =	shalt  }
0x3e: {  	_ =	shalt  }
0x3f: {  	_ =	shalt  }
0x40: {  	_ =	shalt  }
0x41: {  	_ =	shalt  }
0x42: {  	_ =	shalt  }
0x43: {  	_ =	shalt  }
0x44: {  	_ =	shalt  }
0x45: {  	_ =	shalt  }
0x46: {  	_ =	shalt  }
0x47: {  	_ =	shalt  }
0x48: {  	_ =	shalt  }
0x49: {  	_ =	shalt  }
0x4a: {  	_ =	shalt  }
0x4b: {  	_ =	shalt  }
0x4c: {  	_ =	shalt  }
0x4d: {  	_ =	shalt  }
0x4e: {  	_ =	shalt  }
0x4f: {  	_ =	shalt  }
0x50: {  	_ =	shalt  }
0x51: {  	_ =	shalt  }
0x52: {  	_ =	shalt  }
0x53: {  	_ =	shalt  }
0x54: {  	_ =	shalt  }
0x55: {  	_ =	shalt  }
0x56: {  	_ =	shalt  }
0x57: {  	_ =	shalt  }
0x58: {  	_ =	shalt  }
0x59: {  	_ =	shalt  }
0x5a: {  	_ =	shalt  }
0x5b: {  	_ =	shalt  }
0x5c: {  	_ =	shalt  }
0x5d: {  	_ =	shalt  }
0x5e: {  	_ =	shalt  }
0x5f: {  	_ =	shalt  }
0x60: {  	_ =	shalt  }
0x61: {  	_ =	shalt  }
0x62: {  	_ =	shalt  }
0x63: {  	_ =	shalt  }
0x64: {  	_ =	shalt  }
0x65: {  	_ =	shalt  }
0x66: {  	_ =	shalt  }
0x67: {  	_ =	shalt  }
0x68: {  	_ =	shalt  }
0x69: {  	_ =	shalt  }
0x6a: {  	_ =	shalt  }
0x6b: {  	_ =	shalt  }
0x6c: {  	_ =	shalt  }
0x6d: {  	_ =	shalt  }
0x6e: {  	_ =	shalt  }
0x6f: {  	_ =	shalt  }
0x70: {  	_ =	shalt  }
0x71: {  	_ =	shalt  }
0x72: {  	_ =	shalt  }
0x73: {  	_ =	shalt  }
0x74: {  	_ =	shalt  }
0x75: {  	_ =	shalt  }
0x76: {  	_ =	shalt  }
0x77: {  	_ =	shalt  }
0x78: {  	_ =	shalt  }
0x79: {  	_ =	shalt  }
0x7a: {  	_ =	shalt  }
0x7b: {  	_ =	shalt  }
0x7c: {  	_ =	shalt  }
0x7d: {  	_ =	shalt  }
0x7e: {  	_ =	shalt  }
0x7f: {  	_ =	shalt  }
0x80: {  	_ =	shalt  }
0x81: {  	_ =	shalt  }
0x82: {  	_ =	shalt  }
0x83: {  	_ =	shalt  }
0x84: {  	_ =	shalt  }
0x85: {  	_ =	shalt  }
0x86: {  	_ =	shalt  }
0x87: {  	_ =	shalt  }
.Lfunc_end0:
.L_simem_size_0:
called_computation_lowered:
.L_overlay_start_0:
0x88: {  	s2 =	sld [smem:$0x3FD9]  }
0x89: {  	s3 =	sld [smem:$0x3FFE];
	_ =	sdelay $0x1  }
0x8a: {  	s1 =	srdreg.scid  }
0x8b: {  	s0 =	sand.u32 $0x1, s1  }
0x8c: {  	s14 =	sshll.u32 s0, $0xA;
	s2 =	sadd.s32 s3, s2  }
0x8d: {  	s2 =	sadd.s32 s2, s14  }
0x8e: {  	[smem:$0x3FAF] =	sst s2  }
0x8f: {  	_ = 	snop  }
0x90: {  	s2 =	sld [smem:$0x3FD0];
	_ =	sdelay $0x2  }
0x91: {  	s4 =	simm.s32 $0xB;
	s5 =	simm.s32 $0x10;
	s15 =	sld [smem:$0x3FB3]  }
0x92: {  	[smem:s5], [sflag:s4] =	dma.local [hbm:s2], $0x1  }
0x93: {  	_ =	swait.eq [sflag:s4], $0x1  }
0x94: {  	[sflag:s4] =	ssyncset.done $0x0  }
0x95: {  	[sflag:s4] =	ssyncadd.s32 $0xFFFFFFFF  }
0x96: {  	s16 =	sld [smem:$0x10];
	(tm) =	ssettm $0x1  }
0x97: {  	s17 =	sld [smem:$0x3FFB];
	_ =	sdelay $0x3  }
0x98: {  	_ =	strace s17  }
0x99: {  	s4 =	sld [smem:$0x3FFC];
	_ =	sdelay $0x3  }
0x9a: {  	_ =	strace s4  }
0x9b: {  	s4 =	sld [smem:$0x3FFD];
	_ =	sdelay $0x3  }
0x9c: {  	_ =	strace s4  }
0x9d: {  	_ =	strace $0x8FFFFFFF  }
0x9e: {  	s18 =	sld [smem:$0x3FDB];
	_ =	sdelay $0x1  }
0x9f: {  	s19 =	simm.s32 $_scs_section_size  }
0xa0: {  	s6 =	simm.s32 $_size__tile_overlayer_lowered;
	s7 =	simm.s32 $_tile_overlayer_lowered  }
0xa1: {  	s22 =	simm.s32 $0x1BFF;
	s21 =	sshll.u32 s7, $0x1;
	s4 =	sadd.s32 s19, s18  }
0xa2: {  	s8 =	simm.s32 $0x0;
	s20 =	sshll.u32 s6, $0x1;
	s6 =	sadd.s32 s21, s4  }
0xa3: {  	[timem:s8], [sflag:s22] =	dma.local [hbm:s6], s20  }
0xa4: {  	_ =	swait.ge [sflag:s22], s20  }
0xa5: {  	s5 =	ssub.s32 $0x0, s20;
	[sflag:s22] =	ssyncset.done $0x0  }
0xa6: {  	[sflag:s22] =	ssyncadd.s32 s5;
	_ =	sdelay $0x1  }
0xa7: {  	s23 =	simm.s32 $0x1B8B  }
0xa8: {  	_ =	swait.ge [sflag:s23], $0x1  }
0xa9: {  	[sflag:s23] =	ssyncset.done $0x0  }
0xaa: {  	s25 =	simm.s32 $0x1B8E;
	s24 =	sld [smem:$0x3FFE];
	[sflag:s23] =	ssyncadd.s32 $0xFFFFFFFF  }
0xab: {  	s26 =	simm.s32 $execute0_lowered;
	[smem:$0x3FD2] =	sst s25  }
0xac: {  	s6 =	sshll.u32 s26, $0x1;
	_ =	strace $0x80000049;
	[dreg:$0x1] =	wrdreg $0xFFFFFFFF  }
0xad: {  	s28 =	simm.s32 $_size_execute0_lowered;
	s4 =	sadd.s32 s4, s6;
	[dreg:$0x0] =	wrdreg $0x0  }
0xae: {  	s6 =	sshll.u32 s28, $0x1;
	[dreg:$0x2] =	wrdreg s4  }
0xaf: {  	[dreg:$0x3] =	wrdreg s6  }
0xb0: {  	[dreg:$0x4] =	wrdreg $0xC0  }
0xb1: {  	_ =	task [dreg:s8], $0x5FFFF  }
0xb2: {  	[dreg:$0x1] =	wrdreg $0xFFFFFFFF  }
0xb3: {  	[dreg:$0x0] =	wrdreg $0x60  }
0xb4: {  	[dreg:$0x2] =	wrdreg s15  }
0xb5: {  	[dreg:$0x3] =	wrdreg s16  }
0xb6: {  	[dreg:$0x4] =	wrdreg s24  }
0xb7: {  	[dreg:$0x5] =	wrdreg $0x9  }
0xb8: {  	_ =	task.clear_ibuf [dreg:s8], $0x6FFFF;
	_ =	strace $0x90000049  }
0xb9: {  	s29 =	simm.s32 $0x9;
	_ =	strace $0x8000004B  }
0xba: {  	_ =	swait.ge [sflag:s29], $0x1  }
0xbb: {  	[sflag:s29] =	ssyncadd.s32 $0xFFFFFFFF  }
0xbc: {  	_ =	strace $0x9000004B  }
0xbd: {  	_ =	sfence  }
0xbe: {  	s30 =	sld [smem:$0x0];
	_ =	sdelay $0x2  }
0xbf: {  	s31 =	sshll.u32 s1, $0xD;
	s1 =	sshrl.u32 s1, $0x2  }
0xc0: {  	s3 =	sand.u32 $0x4000, s31;
	s1 =	sadd.s32 s1, s30  }
0xc1: {  	s0 =	sor.u32 s3, s0;
	s1 =	sshll.u32 s1, $0x11  }
0xc2: {  	s0 =	sor.u32 s1, s0  }
0xc3: {  	s0 =	sadd.s32 $0x8F2B, s0  }
0xc4: {  	[sflag:s0] =	ssyncadd.remote.s32 $0x1  }
0xc5: {  	_ =	sfence.sel $0xFFFF  }
0xc6: {  	[dreg:$0x0] =	wrdreg $0xFFFFFFFF;
	(pc) =	sbr.abs _section_cstart, $3  }
0xc7: {  	[dreg:$0x1] =	wrdreg $0xFFFFFFFF  }
0xc8: {  	_ =	task.clear_ibuf [dreg:s8], $0x2FFFF;
	_ =	strace $0x9FFFFFFF  }
0xc9: {  	(tm) =	ssettm $0x7FFFFFFF  }
tec
execute0_lowered:
.L_overlay_start_1:
0x0: {  	(tag) =	ssettag $0x1  }
0x1: {  	s2 =	rddreg [dreg:$0x0]  }
0x2: {  	s3 =	rddreg [dreg:$0x1]  }
0x3: {  	s8 =	rddreg [dreg:$0x2];
	s1 =	stileid.u32  }
0x4: {  	s4 =	srdreg.scid;
	s0 =	rddreg [dreg:$0x3];
	_ =	strace $0x8000004A  }
0x5: {  	s7 =	simm.s32 $0x1;
	s9 =	simm.s32 $0x1;
	s10 =	simm.s32 $0x3  }
0x6: {  	s13 =	simm.s32 $0x0;
	s5 =	sand.u32 $0x1, s4;
	s6 =	sshll.u32 s1, $0x1  }
0x7: {  	s12 =	simm.s32 $0x0;
	s4 =	simm.s32 $0x1;
	s5 =	sor.u32 s6, s5  }
.Ltmp0:
0x8: {  	[sflag:s4] =	ssyncpa.u1 $0x0;
	p0 =	slt.u32 s5, $0x9;
	(pc) =	sbr.rel .LBB2_1-.Ltmp0, $4  }
0x9: {  	s6 =	simm.s32 $0x2;
	s7 =	simm.s32 @!p0 $0x0;
	p0 =	sne.s32 s5, $0x8  }
0xa: {  	[sflag:s6] =	ssyncpa.u1 $0x0;
	s5 =	smul.u32 $0xFA0, s5;
	s9 =	simm.s32 @!p0 $0x0  }
0xb: {  	s8 =	sadd.s32 $0x32000, s8;
	[sflag:s10] =	ssyncpa.u1 $0x0;
	s7 =	sadd.s32 s9, s7  }
0xc: {  	vm0 =	vmmov $0xffff;
	s10 =	simm.s32 $0x0;
	s11 =	smov.u32 s5;
	s9 =	sadd.s32 $0x1, s7  }
.LBB2_4:
0xd: {  	v2 =	vnsel vm1, $0x0, v2  }
0xe: {  	vm1 =	vgt.s32 v0, $0x0;
	v2 =	vmin.u32 v2, $0x270FF  }
0xf: {  	v0 =	vnsel vm1, $0x0, v0  }
0x10: {  	v0 =	vmin.u32 v0, $0x270FF  }
0x11: {  	[tilespmem:s18], [sflag:$0x1] =	stream.indirect_vreg.gather [hbm4b:s2+s10], $0x1, v1, vm0, $0x4038;
	[tilespmem:$0x3E80] =	vst v63  }
0x12: {  	(ifvalue) =	ssetifvalue $0x7FFFFFFF  }
0x13: {  	[tilespmem:s15], [sflag:$0x1] =	stream.indirect_vreg.gather [hbm4b:s2+s10], $0x1, v2, vm0, $0x4038;
	[tilespmem:$0x3E80] =	vst v63  }
0x14: {  	s29 =	sadd.s32 $0x10, s15;
	(ifvalue) =	ssetifvalue $0x7FFFFFFF  }
0x15: {  	[tilespmem:s29], [sflag:$0x1] =	stream.indirect_vreg.gather [hbm4b:s2+s10], $0x1, v0, vm0, $0x4038;
	[tilespmem:$0x3E80] =	vst v63  }
0x16: {  	_ =	swait.ge [sflag:s4], $0xFA0  }
0x17: {  	s30 =	sshrl.u32 s13, $0x3;
	[sflag:s4] =	ssyncset.done $0x0  }
0x18: {  	s31 =	sand.u32 $0x7, s13;
	s15 =	sadd.s32 s8, s30;
	[sflag:s4] =	ssyncadd.s32 $0xFFFFF060  }
0x19: {  	[hbm4b:s15+s31] =	stream.linear.scatter [tilespmem:s14], [sflag:$0x3], $0xFA0, $0x38;
	[tilespmem:$0x3E80] =	vst v63  }
.LBB2_5:
0x1a: {  	s15 =	sadd.s32 $0x1F400, s11  }
0x1b: {  	p1 =	sgt.s32 s15, $0x270FF  }
0x1c: {  	s15 =	smov.u32 @p1 s5;
	p1 =	sne.s32 s12, s9  }
.Ltmp1:
0x1d: {  	p0 =	slt.u32 s12, $0x2;
	(pc) =	sbr.rel @!p1 .LBB2_6-.Ltmp1, $4  }
0x1e: {  	s14 =	simm.s32 @!p0 $0x3  }
0x1f: {  	_ =	swait.ge @!p0 [sflag:s14], $0xFA0  }
0x20: {  	s16 =	sadd.s32 $0x1, s12;
	s13 =	smov.u32 s11;
	[sflag:s14] =	ssyncset.done @!p0 $0x0  }
0x21: {  	s12 =	smov.u32 s16;
	s11 =	smov.u32 s15;
	[sflag:s14] =	ssyncadd.s32 @!p0 $0xFFFFF060  }
.LBB2_1:
0x22: {  	p0 =	sge.u32 s12, s7  }
0x23: {  	s14 =	sxor.u32 @!p0 $0x1, s12  }
0x24: {  	s14 =	smul.u32 @!p0 $0x3E80, s14  }
0x25: {  	s31 =	sadd.s32 $0xFFFFFFFF, s12;
	s15 =	sshrl.u32 @!p0 s11, $0x3  }
0x26: {  	s16 =	sand.u32 @!p0 $0x7, s11;
	s15 =	sadd.s32 @!p0 s3, s15;
	s14 =	sshra.s32 @!p0 s14, $0x2  }
0x27: {  	[tilespmem:s14], [sflag:$0x2] =	stream.linear.gather @!p0 [hbm4b:s15+s16], $0xFA0, $0x38;
	[tilespmem:$0x3E80] =	vst v63  }
0x28: {  	p0 =	sge.u32 s31, s7  }
.Ltmp2:
0x29: {  	_ = 	snop;
	(pc) =	sbr.rel @p0 .LBB2_5-.Ltmp2, $1  }
0x2a: {  	_ =	sdelay $0x3  }
0x2b: {  	s14 =	sand.u32 $0x1, s12  }
0x2c: {  	_ =	swait.ge [sflag:s6], $0xFA0;
	p0 =	seq.s32 s14, $0x1;
	s14 =	simm.s32 $0xFA0  }
0x2d: {  	[sflag:s6] =	ssyncset.done $0x0;
	s14 =	simm.s32 @!p0 $0x0  }
0x2e: {  	[sflag:s6] =	ssyncadd.s32 $0xFFFFF060;
	(ifvalue) =	ssetifvalue $0x7FFFFFFF;
	v0 =	vld.msk [tilespmem:s14+$0x0 ss:$0x1], $0xffff;
	_ =	sdelay $0x4  }
0x2f: {  	s15 =	sadd.s32 $0x10, s14;
	vm1 =	vgt.s32 v0, $0x0  }
0x30: {  	v2 =	vld.msk [tilespmem:s15+$0x0 ss:$0x1], $0xffff;
	v1 =	vnsel vm1, $0x0, v0  }
0x31: {  	v1 =	vmin.u32 v1, $0x270FF;
	_ =	sdelay $0x2  }
0x32: {  	s17 =	simm.s32 $0x20;
	s14 =	sadd.s32 $0x1F40, s14;
	s16 =	sadd.s32 $0x10, s15  }
0x33: {  	s15 =	sadd.s32 $0x10, s14;
	s18 =	smov.u32 s14;
	v0 =	vld.msk [tilespmem:s16+$0x0 ss:$0x1], $0xffff;
	vm1 =	vgt.s32 v2, $0x0;
	(ifvalue) =	ssetifvalue $0x7FFFFFFF  }
.LBB2_3:
0x34: {  	[tilespmem:s18], [sflag:$0x1] =	stream.indirect_vreg.gather [hbm4b:s2+s10], $0x1, v1, vm0, $0x4038;
	[tilespmem:$0x3E80] =	vst v63  }
0x35: {  	s17 =	sadd.s32 $0x10, s17  }
0x36: {  	v2 =	vnsel vm1, $0x0, v2;
	p0 =	slt.u32 s17, $0xF90  }
.Ltmp3:
0x37: {  	s18 =	smov.u32 s15;
	v1 =	vmin.u32 v2, $0x270FF;
	(pc) =	sbr.rel @p0 .LBB2_3-.Ltmp3, $3  }
0x38: {  	_ =	sdelay $0x1  }
0x39: {  	s16 =	sadd.s32 $0x10, s16  }
0x3a: {  	vm1 =	vgt.s32 v0, $0x0;
	s15 =	sadd.s32 $0x10, s15;
	v2 =	vmov v0;
	(ifvalue) =	ssetifvalue $0x7FFFFFFF;
	v0 =	vld.msk [tilespmem:s16+$0x0 ss:$0x1], $0xffff  }
.Ltmp4:
0x3b: {  	_ = 	snop;
	(pc) =	sbr.rel .LBB2_4-.Ltmp4, $1  }
0x3c: {  	_ =	sdelay $0x3  }
.LBB2_6:
0x3d: {  	_ =	sfence.sel $0x180000  }
0x3e: {  	s2 =	simm.s32 $0x2;
	[bflag:$0x0] =	sbarrier.arrive $0xFFFF  }
0x3f: {  	s30 =	simm.s32 $0x3;
	[sflag:s2] =	ssyncpa.u1 $0x1  }
0x40: {  	s31 =	simm.s32 $0x1;
	[sflag:s30] =	ssyncpa.u1 $0x1  }
0x41: {  	[sflag:s31] =	ssyncpa.u1 $0x1  }
0x42: {  	p0 =	sne.s32 s1, $0x0;
	_ =	strace $0x9000004A  }
0x43: {  	s0 =	sadd.s32 @!p0 $0x100000, s0;
	[bflag:$0x2] =	sbarrier.arrive $0xFFFF  }
0x44: {  	[sflag:s0] =	ssyncadd.tile.s32 @!p0 $0x1;
	_ =	shalt  }
.Lfunc_end2:
_tile_overlayer_lowered:
.L_overlay_start_2:
0x45: {  	(tag) =	ssettag $0x2  }
0x46: {  	s0 =	rddreg [dreg:$0x0];
	s2 =	stileid.u32  }
0x47: {  	s1 =	rddreg [dreg:$0x1];
	p0 =	sne.s32 s2, $0x0  }
0x48: {  	s3 =	rddreg [dreg:$0x2];
	[bflag:$0x3] =	sbarrier.arrive $0xFFFF;
	s2 =	simm.s32 @!p0 $0x1C01  }
0x49: {  	[timem:s3], [sflag:s2] =	dma.local @!p0 [hbm:s0], s1  }
0x4a: {  	s0 =	simm.s32 @!p0 $0x1  }
0x4b: {  	_ =	swait.ge @!p0 [sflag:s0], s1  }
0x4c: {  	s1 =	ssub.s32 @!p0 $0x0, s1;
	[sflag:s0] =	ssyncset.done @!p0 $0x0  }
0x4d: {  	[sflag:s0] =	ssyncadd.s32 @!p0 s1  }
0x4e: {  	[bflag:$0x3] =	sbarrier.arrive $0xFFFF  }
0x4f: {  	_ =	shalt  }

// kernel: kernel.18.cloned.1.call-start
scs
__scs_entry_jumppad:
0x0: {  	(pc) =	sbr.rel $0x88, $3  }
0x1: {  	(tag) =	ssettag $0x0;
	lr =	simm.s32 $0x1  }
0x2: {  	[smem:$0x3F88] =	sst lr;
	_ =	strace $0xD0000000  }
0x3: {  	_ = 	snop  }
0x4: {  	_ = 	snop  }
0x5: {  	_ = 	snop  }
0x6: {  	_ = 	snop  }
0x7: {  	_ = 	snop  }
__scs_overlays_trampoline_lowered:
0x8: {  	[smem:$0x3F97] =	sst s0  }
0x9: {  	[smem:$0x3F98] =	sst s1  }
0xa: {  	[smem:$0x3F99] =	sst s2  }
0xb: {  	[smem:$0x3F9A] =	sst s3  }
0xc: {  	[smem:$0x3F9B] =	sst s4  }
0xd: {  	[smem:$0x3F9C] =	sst s5  }
0xe: {  	[smem:$0x3F9D] =	sst s6  }
0xf: {  	[smem:$0x3F9E] =	sst s7  }
0x10: {  	[smem:$0x3F9F] =	sst s8  }
0x11: {  	[smem:$0x3FA0] =	sst s9;
	s0 =	simm.s32 @!p0 $0x0  }
0x12: {  	s1 =	sld [smem:$0x3F86];
	s0 =	simm.s32 @p0 $0x1  }
0x13: {  	[smem:$0x3FA1] =	sst s0;
	s0 =	simm.s32 @!p1 $0x0  }
0x14: {  	s2 =	sld [smem:$0x3F85];
	s0 =	simm.s32 @p1 $0x1  }
0x15: {  	[smem:$0x3FA2] =	sst s0;
	s0 =	simm.s32 @!p2 $0x0  }
0x16: {  	s3 =	sld [smem:$0x3FDB];
	s0 =	simm.s32 @p2 $0x1  }
0x17: {  	s4 =	simm.s32 $0x1BF5;
	[smem:$0x3FA4] =	sst s0  }
0x18: {  	s0 =	sld [smem:$0x3F87];
	_ =	swait.ge [sflag:s4], $0x0  }
0x19: {  	s7 =	sld [smem:$0x3F88]  }
0x1a: {  	s8 =	sadd.s32 $0xFFFFE003, lr  }
0x1b: {  	s9 =	sadd.s32 $0xFFFFFEF7, lr;
	s5 =	simm.s32 $0xFFFFFFFF;
	p2 =	slt.u32 s8, $0xFFFFF086  }
0x1c: {  	p1 =	slt.u32 s9, $0xF7A;
	s5 =	simm.s32 @!p2 $0x0  }
0x1d: {  	s5 =	simm.s32 @p1 $0x1;
	p0 =	seq.s32 s7, s2  }
0x1e: {  	s7 =	smul.u32 @!p0 $0xF7A, s2;
	p2 =	seq.s32 @!p0 s5, $0x0  }
0x1f: {  	s9 =	smul.u32 $0xF7A, s1;
	s8 =	simm.s32 @!p0 $0x1BF5;
	p2 =	por !p2, p0  }
0x20: {  	[sflag:s8] =	ssyncset.s32 @!p0 $0xFFFFF086;
	s6 =	sadd.s32 @!p0 s3, s7;
	s7 =	simm.s32 @!p0 $0x108  }
0x21: {  	s3 =	sadd.s32 s3, s9;
	s6 =	sadd.s32 @!p0 $0x88, s6;
	s7 =	simm.s32 @p2 $0x1082  }
0x22: {  	[simem:s7], [sflag:s8] =	dma.local @!p0 [hbm:s6], $0xF7A  }
0x23: {  	s9 =	sor.u32 $0xD0000000, s2;
	s6 =	simm.s32 $0x108;
	_ =	swait.ge @!p0 [sflag:s8], $0x0  }
0x24: {  	s3 =	sadd.s32 $0x88, s3;
	s6 =	simm.s32 @!p1 $0x1082;
	[sflag:s4] =	ssyncset.s32 $0xFFFFF086  }
0x25: {  	[simem:s6], [sflag:s4] =	dma.local [hbm:s3], $0xF7A  }
0x26: {  	[smem:$0x3F88] =	sst s1;
	(tag) =	ssettag s2;
	_ =	strace s9  }
0x27: {  	s1 =	sld [smem:$0x3F98]  }
0x28: {  	s2 =	sld [smem:$0x3F99]  }
0x29: {  	s4 =	sld [smem:$0x3F9B]  }
0x2a: {  	p0 =	seq.s32 s5, $0x0;
	s5 =	sld [smem:$0x3F9C]  }
0x2b: {  	s6 =	sld [smem:$0x3F9D]  }
0x2c: {  	s7 =	sld [smem:$0x3F9E]  }
0x2d: {  	s3 =	simm.s32 $0x108;
	s8 =	sld [smem:$0x3F9F]  }
0x2e: {  	s3 =	simm.s32 @!p0 $0x1082;
	s9 =	sld [smem:$0x3FA0]  }
0x2f: {  	lr =	sadd.s32 s0, s3;
	s0 =	sld [smem:$0x3F97]  }
0x30: {  	s3 =	sld [smem:$0x3F9A]  }
0x31: {  	[smem:$0x3FA3] =	sst s10  }
0x32: {  	s10 =	sld [smem:$0x3FA1];
	_ =	sdelay $0x3  }
0x33: {  	p0 =	seq.s32 s10, $0x1;
	s10 =	sld [smem:$0x3FA3];
	_ =	sdelay $0x3  }
0x34: {  	[smem:$0x3FA3] =	sst s10  }
0x35: {  	s10 =	sld [smem:$0x3FA2];
	_ =	sdelay $0x3  }
0x36: {  	p1 =	seq.s32 s10, $0x1;
	s10 =	sld [smem:$0x3FA3];
	_ =	sdelay $0x3  }
0x37: {  	[smem:$0x3FA3] =	sst s10  }
0x38: {  	s10 =	sld [smem:$0x3FA4]  }
0x39: {  	_ = 	snop;
	(pc) =	sbr.ind lr, $3  }
0x3a: {  	_ = 	snop  }
0x3b: {  	_ = 	snop  }
0x3c: {  	p2 =	seq.s32 s10, $0x1;
	s10 =	sld [smem:$0x3FA3]  }
0x3d: {  	_ =	shalt  }
0x3e: {  	_ =	shalt  }
0x3f: {  	_ =	shalt  }
0x40: {  	_ =	shalt  }
0x41: {  	_ =	shalt  }
0x42: {  	_ =	shalt  }
0x43: {  	_ =	shalt  }
0x44: {  	_ =	shalt  }
0x45: {  	_ =	shalt  }
0x46: {  	_ =	shalt  }
0x47: {  	_ =	shalt  }
0x48: {  	_ =	shalt  }
0x49: {  	_ =	shalt  }
0x4a: {  	_ =	shalt  }
0x4b: {  	_ =	shalt  }
0x4c: {  	_ =	shalt  }
0x4d: {  	_ =	shalt  }
0x4e: {  	_ =	shalt  }
0x4f: {  	_ =	shalt  }
0x50: {  	_ =	shalt  }
0x51: {  	_ =	shalt  }
0x52: {  	_ =	shalt  }
0x53: {  	_ =	shalt  }
0x54: {  	_ =	shalt  }
0x55: {  	_ =	shalt  }
0x56: {  	_ =	shalt  }
0x57: {  	_ =	shalt  }
0x58: {  	_ =	shalt  }
0x59: {  	_ =	shalt  }
0x5a: {  	_ =	shalt  }
0x5b: {  	_ =	shalt  }
0x5c: {  	_ =	shalt  }
0x5d: {  	_ =	shalt  }
0x5e: {  	_ =	shalt  }
0x5f: {  	_ =	shalt  }
0x60: {  	_ =	shalt  }
0x61: {  	_ =	shalt  }
0x62: {  	_ =	shalt  }
0x63: {  	_ =	shalt  }
0x64: {  	_ =	shalt  }
0x65: {  	_ =	shalt  }
0x66: {  	_ =	shalt  }
0x67: {  	_ =	shalt  }
0x68: {  	_ =	shalt  }
0x69: {  	_ =	shalt  }
0x6a: {  	_ =	shalt  }
0x6b: {  	_ =	shalt  }
0x6c: {  	_ =	shalt  }
0x6d: {  	_ =	shalt  }
0x6e: {  	_ =	shalt  }
0x6f: {  	_ =	shalt  }
0x70: {  	_ =	shalt  }
0x71: {  	_ =	shalt  }
0x72: {  	_ =	shalt  }
0x73: {  	_ =	shalt  }
0x74: {  	_ =	shalt  }
0x75: {  	_ =	shalt  }
0x76: {  	_ =	shalt  }
0x77: {  	_ =	shalt  }
0x78: {  	_ =	shalt  }
0x79: {  	_ =	shalt  }
0x7a: {  	_ =	shalt  }
0x7b: {  	_ =	shalt  }
0x7c: {  	_ =	shalt  }
0x7d: {  	_ =	shalt  }
0x7e: {  	_ =	shalt  }
0x7f: {  	_ =	shalt  }
0x80: {  	_ =	shalt  }
0x81: {  	_ =	shalt  }
0x82: {  	_ =	shalt  }
0x83: {  	_ =	shalt  }
0x84: {  	_ =	shalt  }
0x85: {  	_ =	shalt  }
0x86: {  	_ =	shalt  }
0x87: {  	_ =	shalt  }
.Lfunc_end0:
.L_simem_size_0:
called_computation.1_lowered:
.L_overlay_start_0:
0x88: {  	s2 =	sld [smem:$0x3FD9]  }
0x89: {  	s3 =	sld [smem:$0x3FFE];
	_ =	sdelay $0x1  }
0x8a: {  	s1 =	srdreg.scid  }
0x8b: {  	s0 =	sand.u32 $0x1, s1  }
0x8c: {  	s17 =	sshll.u32 s0, $0xA;
	s2 =	sadd.s32 s3, s2  }
0x8d: {  	s2 =	sadd.s32 s2, s17  }
0x8e: {  	[smem:$0x3FAF] =	sst s2  }
0x8f: {  	_ = 	snop  }
0x90: {  	s2 =	sld [smem:$0x3FB3];
	(tm) =	ssettm $0x1  }
0x91: {  	s18 =	sld [smem:$0x3FFB];
	_ =	sdelay $0x3  }
0x92: {  	_ =	strace s18  }
0x93: {  	s3 =	sld [smem:$0x3FFC];
	_ =	sdelay $0x3  }
0x94: {  	_ =	strace s3  }
0x95: {  	s3 =	sld [smem:$0x3FFD];
	_ =	sdelay $0x3  }
0x96: {  	_ =	strace s3  }
0x97: {  	_ =	strace $0x8FFFFFFF  }
0x98: {  	s19 =	sld [smem:$0x3FDB];
	_ =	sdelay $0x1  }
0x99: {  	s4 =	simm.s32 $_scs_section_size  }
0x9a: {  	s5 =	simm.s32 $_size__tile_overlayer_lowered;
	s6 =	simm.s32 $_tile_overlayer_lowered  }
0x9b: {  	s22 =	simm.s32 $0x1BFF;
	s21 =	sshll.u32 s6, $0x1;
	s3 =	sadd.s32 s4, s19  }
0x9c: {  	s7 =	simm.s32 $0x0;
	s20 =	sshll.u32 s5, $0x1;
	s5 =	sadd.s32 s21, s3  }
0x9d: {  	[timem:s7], [sflag:s22] =	dma.local [hbm:s5], s20  }
0x9e: {  	_ =	swait.ge [sflag:s22], s20  }
0x9f: {  	s4 =	ssub.s32 $0x0, s20;
	[sflag:s22] =	ssyncset.done $0x0  }
0xa0: {  	[sflag:s22] =	ssyncadd.s32 s4;
	_ =	sdelay $0x1  }
0xa1: {  	s23 =	simm.s32 $0x1B8B  }
0xa2: {  	_ =	swait.ge [sflag:s23], $0x1  }
0xa3: {  	[sflag:s23] =	ssyncset.done $0x0  }
0xa4: {  	s25 =	simm.s32 $0x1B8E;
	s24 =	sld [smem:$0x3FFE];
	[sflag:s23] =	ssyncadd.s32 $0xFFFFFFFF  }
0xa5: {  	s26 =	simm.s32 $execute0_lowered;
	[smem:$0x3FD2] =	sst s25  }
0xa6: {  	s5 =	sshll.u32 s26, $0x1;
	_ =	strace $0x80000046;
	[dreg:$0x1] =	wrdreg $0xFFFFFFFF  }
0xa7: {  	s28 =	simm.s32 $_size_execute0_lowered;
	s3 =	sadd.s32 s3, s5;
	[dreg:$0x0] =	wrdreg $0x0  }
0xa8: {  	s5 =	sshll.u32 s28, $0x1;
	[dreg:$0x2] =	wrdreg s3  }
0xa9: {  	[dreg:$0x3] =	wrdreg s5  }
0xaa: {  	[dreg:$0x4] =	wrdreg $0xC0  }
0xab: {  	_ =	task [dreg:s7], $0x5FFFF  }
0xac: {  	[dreg:$0x1] =	wrdreg $0xFFFFFFFF  }
0xad: {  	[dreg:$0x0] =	wrdreg $0x60  }
0xae: {  	[dreg:$0x2] =	wrdreg s24  }
0xaf: {  	[dreg:$0x3] =	wrdreg s2  }
0xb0: {  	[dreg:$0x4] =	wrdreg $0x9  }
0xb1: {  	_ =	task.clear_ibuf [dreg:s7], $0x5FFFF;
	_ =	strace $0x90000046  }
0xb2: {  	s29 =	simm.s32 $0x9;
	_ =	strace $0x80000048  }
0xb3: {  	_ =	swait.ge [sflag:s29], $0x1  }
0xb4: {  	[sflag:s29] =	ssyncadd.s32 $0xFFFFFFFF  }
0xb5: {  	_ =	strace $0x90000048  }
0xb6: {  	_ =	sfence  }
0xb7: {  	s30 =	sld [smem:$0x0];
	_ =	sdelay $0x2  }
0xb8: {  	s31 =	sshll.u32 s1, $0xD;
	s1 =	sshrl.u32 s1, $0x2  }
0xb9: {  	s3 =	sand.u32 $0x4000, s31;
	s1 =	sadd.s32 s1, s30  }
0xba: {  	s0 =	sor.u32 s3, s0;
	s1 =	sshll.u32 s1, $0x11  }
0xbb: {  	s0 =	sor.u32 s1, s0  }
0xbc: {  	s0 =	sadd.s32 $0x8F2B, s0  }
0xbd: {  	[sflag:s0] =	ssyncadd.remote.s32 $0x1  }
0xbe: {  	_ =	sfence.sel $0xFFFF  }
0xbf: {  	[dreg:$0x0] =	wrdreg $0xFFFFFFFF;
	(pc) =	sbr.abs _section_cstart, $3  }
0xc0: {  	[dreg:$0x1] =	wrdreg $0xFFFFFFFF  }
0xc1: {  	_ =	task.clear_ibuf [dreg:s7], $0x2FFFF;
	_ =	strace $0x9FFFFFFF  }
0xc2: {  	(tm) =	ssettm $0x7FFFFFFF  }
0xc3: {  	_ =	shalt  }
tec
execute0_lowered:
.L_overlay_start_1:
0x0: {  	(tag) =	ssettag $0x1  }
0x1: {  	s1 =	srdreg.scid;
	s0 =	stileid.u32  }
0x2: {  	s17 =	sand.u32 $0x1, s1;
	s26 =	sshll.u32 s0, $0x1  }
0x3: {  	s9 =	rddreg [dreg:$0x0];
	s10 =	sor.u32 s17, s26  }
0x4: {  	s16 =	rddreg [dreg:$0x1];
	s18 =	smul.u32 $0x1388, s10  }
0x5: {  	s2 =	simm.s32 $0x0;
	s1 =	rddreg [dreg:$0x2]  }
0x6: {  	[smem:$0x7FF] =	sst s2;
	s3 =	sshrl.u32 s18, $0x3  }
0x7: {  	_ =	strace $0x80000047;
	s4 =	sadd.s32 s16, s3;
	s3 =	simm.s32 $0x2  }
0x8: {  	[tilespmem:s2], [sflag:$0x2] =	stream.linear.gather [hbm4b:s4+s2], $0x3E8, $0x38;
	[tilespmem:$0x1F800] =	vst v63  }
0x9: {  	_ =	swait.ge [sflag:s3], $0x3E8  }
0xa: {  	s6 =	simm.s32 $0x3E8;
	s7 =	simm.s32 $0x400;
	[sflag:s3] =	ssyncset.done $0x0  }
0xb: {  	s8 =	simm.s32 $0x1;
	s5 =	sadd.s32 $0xCA600, s9;
	[sflag:s3] =	ssyncadd.s32 $0xFFFFFC18  }
0xc: {  	[tilespmem:s7], [sflag:$0x1] =	stream.indirect.gather [hbm4b:s5+s6], $0x80, s2, s6, $0xb8;
	[tilespmem:$0x1F800] =	vst v63  }
0xd: {  	s10 =	smul.u32 $0x13880, s10;
	_ =	swait.ge [sflag:s8], $0x1F400  }
0xe: {  	s19 =	sadd.s32 $0x18DC00, s9;
	[sflag:s8] =	ssyncset.done $0x0  }
0xf: {  	s9 =	sadd.s32 s19, s10;
	[sflag:s8] =	ssyncadd.s32 $0xFFFE0C00  }
0x10: {  	[hbm4b:s9+s2] =	stream.linear.scatter [tilespmem:s7], [sflag:$0x2], $0x1F400, $0x38;
	[tilespmem:$0x1F800] =	vst v63  }
0x11: {  	s11 =	sadd.s32 $0x3E8, s18;
	_ =	swait.ge [sflag:s3], $0x1F400  }
0x12: {  	s28 =	sshrl.u32 s11, $0x3;
	[sflag:s3] =	ssyncset.done $0x0  }
0x13: {  	s10 =	sadd.s32 s16, s28;
	[sflag:s3] =	ssyncadd.s32 $0xFFFE0C00  }
0x14: {  	[tilespmem:s2], [sflag:$0x2] =	stream.linear.gather [hbm4b:s10+s2], $0x3E8, $0x38;
	[tilespmem:$0x1F800] =	vst v63  }
0x15: {  	_ =	swait.ge [sflag:s3], $0x3E8  }
0x16: {  	[sflag:s3] =	ssyncset.done $0x0  }
0x17: {  	[sflag:s3] =	ssyncadd.s32 $0xFFFFFC18  }
0x18: {  	[tilespmem:s7], [sflag:$0x1] =	stream.indirect.gather [hbm4b:s5+s6], $0x80, s2, s6, $0xb8;
	[tilespmem:$0x1F800] =	vst v63  }
0x19: {  	_ =	swait.ge [sflag:s8], $0x1F400  }
0x1a: {  	s11 =	sshll.u32 s11, $0x4;
	[sflag:s8] =	ssyncset.done $0x0  }
0x1b: {  	s11 =	sadd.s32 s19, s11;
	[sflag:s8] =	ssyncadd.s32 $0xFFFE0C00  }
0x1c: {  	[hbm4b:s11+s2] =	stream.linear.scatter [tilespmem:s7], [sflag:$0x2], $0x1F400, $0x38;
	[tilespmem:$0x1F800] =	vst v63  }
0x1d: {  	s13 =	sadd.s32 $0x7D0, s18;
	_ =	swait.ge [sflag:s3], $0x1F400  }
0x1e: {  	s12 =	sshrl.u32 s13, $0x3;
	[sflag:s3] =	ssyncset.done $0x0  }
0x1f: {  	s12 =	sadd.s32 s16, s12;
	[sflag:s3] =	ssyncadd.s32 $0xFFFE0C00  }
0x20: {  	[tilespmem:s2], [sflag:$0x2] =	stream.linear.gather [hbm4b:s12+s2], $0x3E8, $0x38;
	[tilespmem:$0x1F800] =	vst v63  }
0x21: {  	_ =	swait.ge [sflag:s3], $0x3E8  }
0x22: {  	[sflag:s3] =	ssyncset.done $0x0  }
0x23: {  	[sflag:s3] =	ssyncadd.s32 $0xFFFFFC18  }
0x24: {  	[tilespmem:s7], [sflag:$0x1] =	stream.indirect.gather [hbm4b:s5+s6], $0x80, s2, s6, $0xb8;
	[tilespmem:$0x1F800] =	vst v63  }
0x25: {  	_ =	swait.ge [sflag:s8], $0x1F400  }
0x26: {  	s13 =	sshll.u32 s13, $0x4;
	[sflag:s8] =	ssyncset.done $0x0  }
0x27: {  	s13 =	sadd.s32 s19, s13;
	[sflag:s8] =	ssyncadd.s32 $0xFFFE0C00  }
0x28: {  	[hbm4b:s13+s2] =	stream.linear.scatter [tilespmem:s7], [sflag:$0x2], $0x1F400, $0x38;
	[tilespmem:$0x1F800] =	vst v63  }
0x29: {  	s15 =	sadd.s32 $0xBB8, s18;
	_ =	swait.ge [sflag:s3], $0x1F400  }
0x2a: {  	s14 =	sshrl.u32 s15, $0x3;
	[sflag:s3] =	ssyncset.done $0x0  }
0x2b: {  	s14 =	sadd.s32 s16, s14;
	[sflag:s3] =	ssyncadd.s32 $0xFFFE0C00  }
0x2c: {  	[tilespmem:s2], [sflag:$0x2] =	stream.linear.gather [hbm4b:s14+s2], $0x3E8, $0x38;
	[tilespmem:$0x1F800] =	vst v63  }
0x2d: {  	_ =	swait.ge [sflag:s3], $0x3E8  }
0x2e: {  	[sflag:s3] =	ssyncset.done $0x0  }
0x2f: {  	[sflag:s3] =	ssyncadd.s32 $0xFFFFFC18  }
0x30: {  	[tilespmem:s7], [sflag:$0x1] =	stream.indirect.gather [hbm4b:s5+s6], $0x80, s2, s6, $0xb8;
	[tilespmem:$0x1F800] =	vst v63  }
0x31: {  	_ =	swait.ge [sflag:s8], $0x1F400  }
0x32: {  	s15 =	sshll.u32 s15, $0x4;
	[sflag:s8] =	ssyncset.done $0x0  }
0x33: {  	s15 =	sadd.s32 s19, s15;
	[sflag:s8] =	ssyncadd.s32 $0xFFFE0C00  }
0x34: {  	[hbm4b:s15+s2] =	stream.linear.scatter [tilespmem:s7], [sflag:$0x2], $0x1F400, $0x38;
	[tilespmem:$0x1F800] =	vst v63  }
0x35: {  	s18 =	sadd.s32 $0xFA0, s18;
	_ =	swait.ge [sflag:s3], $0x1F400  }
0x36: {  	s20 =	sshrl.u32 s18, $0x3;
	[sflag:s3] =	ssyncset.done $0x0  }
0x37: {  	s17 =	ssub.s32 $0x2, s17;
	s16 =	sadd.s32 s16, s20;
	[sflag:s3] =	ssyncadd.s32 $0xFFFE0C00  }
0x38: {  	[tilespmem:s2], [sflag:$0x2] =	stream.linear.gather [hbm4b:s16+s2], $0x3E8, $0x38;
	[tilespmem:$0x1F800] =	vst v63  }
0x39: {  	s29 =	sshrl.u32 s17, $0x1;
	_ =	swait.ge [sflag:s3], $0x3E8  }
0x3a: {  	s20 =	ssub.s32 s17, s29;
	[sflag:s3] =	ssyncset.done $0x0  }
0x3b: {  	s31 =	smax.u32 s20, $0x1;
	[sflag:s3] =	ssyncadd.s32 $0xFFFFFC18  }
0x3c: {  	[tilespmem:s7], [sflag:$0x1] =	stream.indirect.gather [hbm4b:s5+s6], $0x80, s2, s6, $0xb8;
	[tilespmem:$0x1F800] =	vst v63  }
0x3d: {  	p0 =	sne.s32 s31, $0x1;
	_ =	swait.ge [sflag:s8], $0x1F400  }
.Ltmp0:
0x3e: {  	s30 =	sshll.u32 s18, $0x4;
	[sflag:s8] =	ssyncset.done $0x0;
	(pc) =	sbr.rel @!p0 .LBB2_2-.Ltmp0, $4  }
0x3f: {  	s17 =	sadd.s32 s19, s30;
	[sflag:s8] =	ssyncadd.s32 $0xFFFE0C00  }
0x40: {  	[hbm4b:s17+s2] =	stream.linear.scatter [tilespmem:s7], [sflag:$0x2], $0x1F400, $0x38;
	[tilespmem:$0x1F800] =	vst v63  }
0x41: {  	_ =	swait.ge [sflag:s3], $0x1F400  }
0x42: {  	s18 =	sadd.s32 $0xFFFFFFFF, s31;
	[sflag:s3] =	ssyncset.done $0x0  }
.LBB2_1:
0x43: {  	p0 =	sne.s32 s18, $0x1;
	s18 =	sadd.s32 $0xFFFFFFFF, s18;
	[sflag:s3] =	ssyncadd.s32 $0xFFFE0C00  }
0x44: {  	[tilespmem:s2], [sflag:$0x2] =	stream.linear.gather [hbm4b:s4+s2], $0x3E8, $0x38;
	[tilespmem:$0x1F800] =	vst v63  }
0x45: {  	_ =	swait.ge [sflag:s3], $0x3E8  }
0x46: {  	[sflag:s3] =	ssyncset.done $0x0  }
0x47: {  	[sflag:s3] =	ssyncadd.s32 $0xFFFFFC18  }
0x48: {  	[tilespmem:s7], [sflag:$0x1] =	stream.indirect.gather [hbm4b:s5+s6], $0x80, s2, s6, $0xb8;
	[tilespmem:$0x1F800] =	vst v63  }
0x49: {  	_ =	swait.ge [sflag:s8], $0x1F400  }
0x4a: {  	[sflag:s8] =	ssyncset.done $0x0  }
0x4b: {  	[sflag:s8] =	ssyncadd.s32 $0xFFFE0C00  }
0x4c: {  	[hbm4b:s9+s2] =	stream.linear.scatter [tilespmem:s7], [sflag:$0x2], $0x1F400, $0x38;
	[tilespmem:$0x1F800] =	vst v63  }
0x4d: {  	_ =	swait.ge [sflag:s3], $0x1F400  }
0x4e: {  	[sflag:s3] =	ssyncset.done $0x0  }
0x4f: {  	[sflag:s3] =	ssyncadd.s32 $0xFFFE0C00  }
0x50: {  	[tilespmem:s2], [sflag:$0x2] =	stream.linear.gather [hbm4b:s10+s2], $0x3E8, $0x38;
	[tilespmem:$0x1F800] =	vst v63  }
0x51: {  	_ =	swait.ge [sflag:s3], $0x3E8  }
0x52: {  	[sflag:s3] =	ssyncset.done $0x0  }
0x53: {  	[sflag:s3] =	ssyncadd.s32 $0xFFFFFC18  }
0x54: {  	[tilespmem:s7], [sflag:$0x1] =	stream.indirect.gather [hbm4b:s5+s6], $0x80, s2, s6, $0xb8;
	[tilespmem:$0x1F800] =	vst v63  }
0x55: {  	_ =	swait.ge [sflag:s8], $0x1F400  }
0x56: {  	[sflag:s8] =	ssyncset.done $0x0  }
0x57: {  	[sflag:s8] =	ssyncadd.s32 $0xFFFE0C00  }
0x58: {  	[hbm4b:s11+s2] =	stream.linear.scatter [tilespmem:s7], [sflag:$0x2], $0x1F400, $0x38;
	[tilespmem:$0x1F800] =	vst v63  }
0x59: {  	_ =	swait.ge [sflag:s3], $0x1F400  }
0x5a: {  	[sflag:s3] =	ssyncset.done $0x0  }
0x5b: {  	[sflag:s3] =	ssyncadd.s32 $0xFFFE0C00  }
0x5c: {  	[tilespmem:s2], [sflag:$0x2] =	stream.linear.gather [hbm4b:s12+s2], $0x3E8, $0x38;
	[tilespmem:$0x1F800] =	vst v63  }
0x5d: {  	_ =	swait.ge [sflag:s3], $0x3E8  }
0x5e: {  	[sflag:s3] =	ssyncset.done $0x0  }
0x5f: {  	[sflag:s3] =	ssyncadd.s32 $0xFFFFFC18  }
0x60: {  	[tilespmem:s7], [sflag:$0x1] =	stream.indirect.gather [hbm4b:s5+s6], $0x80, s2, s6, $0xb8;
	[tilespmem:$0x1F800] =	vst v63  }
0x61: {  	_ =	swait.ge [sflag:s8], $0x1F400  }
0x62: {  	[sflag:s8] =	ssyncset.done $0x0  }
0x63: {  	[sflag:s8] =	ssyncadd.s32 $0xFFFE0C00  }
0x64: {  	[hbm4b:s13+s2] =	stream.linear.scatter [tilespmem:s7], [sflag:$0x2], $0x1F400, $0x38;
	[tilespmem:$0x1F800] =	vst v63  }
0x65: {  	_ =	swait.ge [sflag:s3], $0x1F400  }
0x66: {  	[sflag:s3] =	ssyncset.done $0x0  }
0x67: {  	[sflag:s3] =	ssyncadd.s32 $0xFFFE0C00  }
0x68: {  	[tilespmem:s2], [sflag:$0x2] =	stream.linear.gather [hbm4b:s14+s2], $0x3E8, $0x38;
	[tilespmem:$0x1F800] =	vst v63  }
0x69: {  	_ =	swait.ge [sflag:s3], $0x3E8  }
0x6a: {  	[sflag:s3] =	ssyncset.done $0x0  }
0x6b: {  	[sflag:s3] =	ssyncadd.s32 $0xFFFFFC18  }
0x6c: {  	[tilespmem:s7], [sflag:$0x1] =	stream.indirect.gather [hbm4b:s5+s6], $0x80, s2, s6, $0xb8;
	[tilespmem:$0x1F800] =	vst v63  }
0x6d: {  	_ =	swait.ge [sflag:s8], $0x1F400  }
0x6e: {  	[sflag:s8] =	ssyncset.done $0x0  }
0x6f: {  	[sflag:s8] =	ssyncadd.s32 $0xFFFE0C00  }
0x70: {  	[hbm4b:s15+s2] =	stream.linear.scatter [tilespmem:s7], [sflag:$0x2], $0x1F400, $0x38;
	[tilespmem:$0x1F800] =	vst v63  }
0x71: {  	_ =	swait.ge [sflag:s3], $0x1F400  }
0x72: {  	[sflag:s3] =	ssyncset.done $0x0  }
0x73: {  	[sflag:s3] =	ssyncadd.s32 $0xFFFE0C00  }
0x74: {  	[tilespmem:s2], [sflag:$0x2] =	stream.linear.gather [hbm4b:s16+s2], $0x3E8, $0x38;
	[tilespmem:$0x1F800] =	vst v63  }
0x75: {  	_ =	swait.ge [sflag:s3], $0x3E8  }
0x76: {  	[sflag:s3] =	ssyncset.done $0x0  }
0x77: {  	[sflag:s3] =	ssyncadd.s32 $0xFFFFFC18  }
0x78: {  	[tilespmem:s7], [sflag:$0x1] =	stream.indirect.gather [hbm4b:s5+s6], $0x80, s2, s6, $0xb8;
	[tilespmem:$0x1F800] =	vst v63  }
0x79: {  	_ =	swait.ge [sflag:s8], $0x1F400  }
.Ltmp1:
0x7a: {  	[sflag:s8] =	ssyncset.done $0x0;
	(pc) =	sbr.rel @p0 .LBB2_1-.Ltmp1, $4  }
0x7b: {  	[sflag:s8] =	ssyncadd.s32 $0xFFFE0C00  }
0x7c: {  	[hbm4b:s17+s2] =	stream.linear.scatter [tilespmem:s7], [sflag:$0x2], $0x1F400, $0x38;
	[tilespmem:$0x1F800] =	vst v63  }
0x7d: {  	_ =	swait.ge [sflag:s3], $0x1F400  }
0x7e: {  	[sflag:s3] =	ssyncset.done $0x0  }
.LBB2_2:
0x7f: {  	[sflag:s3] =	ssyncadd.s32 $0xFFFE0C00  }
0x80: {  	_ =	sfence.sel $0x180000  }
0x81: {  	[bflag:$0x0] =	sbarrier.arrive $0xFFFF  }
0x82: {  	p0 =	sne.s32 s0, $0x0;
	_ =	strace $0x90000047  }
0x83: {  	s0 =	sadd.s32 @!p0 $0x100000, s1;
	[bflag:$0x2] =	sbarrier.arrive $0xFFFF  }
0x84: {  	[sflag:s0] =	ssyncadd.tile.s32 @!p0 $0x1;
	_ =	shalt  }
.Lfunc_end2:
_tile_overlayer_lowered:
.L_overlay_start_2:
0x85: {  	(tag) =	ssettag $0x2  }
0x86: {  	s0 =	rddreg [dreg:$0x0];
	s2 =	stileid.u32  }
0x87: {  	s1 =	rddreg [dreg:$0x1];
	p0 =	sne.s32 s2, $0x0  }
0x88: {  	s3 =	rddreg [dreg:$0x2];
	[bflag:$0x3] =	sbarrier.arrive $0xFFFF;
	s2 =	simm.s32 @!p0 $0x1C02  }
0x89: {  	[timem:s3], [sflag:s2] =	dma.local @!p0 [hbm:s0], s1  }
0x8a: {  	s0 =	simm.s32 @!p0 $0x2  }
0x8b: {  	_ =	swait.ge @!p0 [sflag:s0], s1  }
0x8c: {  	s1 =	ssub.s32 @!p0 $0x0, s1;
	[sflag:s0] =	ssyncset.done @!p0 $0x0  }
0x8d: {  	[sflag:s0] =	ssyncadd.s32 @!p0 s1  }
0x8e: {  	[bflag:$0x3] =	sbarrier.arrive $0xFFFF  }
0x8f: {  	_ =	shalt  }

// kernel: kernel.21.cloned.1.call-start
scs
__scs_entry_jumppad:
0x0: {  	(pc) =	sbr.rel $0x88, $3  }
0x1: {  	(tag) =	ssettag $0x0;
	lr =	simm.s32 $0x1  }
0x2: {  	[smem:$0x3F88] =	sst lr;
	_ =	strace $0xD0000000  }
0x3: {  	_ = 	snop  }
0x4: {  	_ = 	snop  }
0x5: {  	_ = 	snop  }
0x6: {  	_ = 	snop  }
0x7: {  	_ = 	snop  }
__scs_overlays_trampoline_lowered:
0x8: {  	[smem:$0x3F97] =	sst s0  }
0x9: {  	[smem:$0x3F98] =	sst s1  }
0xa: {  	[smem:$0x3F99] =	sst s2  }
0xb: {  	[smem:$0x3F9A] =	sst s3  }
0xc: {  	[smem:$0x3F9B] =	sst s4  }
0xd: {  	[smem:$0x3F9C] =	sst s5  }
0xe: {  	[smem:$0x3F9D] =	sst s6  }
0xf: {  	[smem:$0x3F9E] =	sst s7  }
0x10: {  	[smem:$0x3F9F] =	sst s8  }
0x11: {  	[smem:$0x3FA0] =	sst s9;
	s0 =	simm.s32 @!p0 $0x0  }
0x12: {  	s1 =	sld [smem:$0x3F86];
	s0 =	simm.s32 @p0 $0x1  }
0x13: {  	[smem:$0x3FA1] =	sst s0;
	s0 =	simm.s32 @!p1 $0x0  }
0x14: {  	s2 =	sld [smem:$0x3F85];
	s0 =	simm.s32 @p1 $0x1  }
0x15: {  	[smem:$0x3FA2] =	sst s0;
	s0 =	simm.s32 @!p2 $0x0  }
0x16: {  	s3 =	sld [smem:$0x3FDB];
	s0 =	simm.s32 @p2 $0x1  }
0x17: {  	s4 =	simm.s32 $0x1BF5;
	[smem:$0x3FA4] =	sst s0  }
0x18: {  	s0 =	sld [smem:$0x3F87];
	_ =	swait.ge [sflag:s4], $0x0  }
0x19: {  	s7 =	sld [smem:$0x3F88]  }
0x1a: {  	s8 =	sadd.s32 $0xFFFFE003, lr  }
0x1b: {  	s9 =	sadd.s32 $0xFFFFFEF7, lr;
	s5 =	simm.s32 $0xFFFFFFFF;
	p2 =	slt.u32 s8, $0xFFFFF086  }
0x1c: {  	p1 =	slt.u32 s9, $0xF7A;
	s5 =	simm.s32 @!p2 $0x0  }
0x1d: {  	s5 =	simm.s32 @p1 $0x1;
	p0 =	seq.s32 s7, s2  }
0x1e: {  	s7 =	smul.u32 @!p0 $0xF7A, s2;
	p2 =	seq.s32 @!p0 s5, $0x0  }
0x1f: {  	s9 =	smul.u32 $0xF7A, s1;
	s8 =	simm.s32 @!p0 $0x1BF5;
	p2 =	por !p2, p0  }
0x20: {  	[sflag:s8] =	ssyncset.s32 @!p0 $0xFFFFF086;
	s6 =	sadd.s32 @!p0 s3, s7;
	s7 =	simm.s32 @!p0 $0x108  }
0x21: {  	s3 =	sadd.s32 s3, s9;
	s6 =	sadd.s32 @!p0 $0x88, s6;
	s7 =	simm.s32 @p2 $0x1082  }
0x22: {  	[simem:s7], [sflag:s8] =	dma.local @!p0 [hbm:s6], $0xF7A  }
0x23: {  	s9 =	sor.u32 $0xD0000000, s2;
	s6 =	simm.s32 $0x108;
	_ =	swait.ge @!p0 [sflag:s8], $0x0  }
0x24: {  	s3 =	sadd.s32 $0x88, s3;
	s6 =	simm.s32 @!p1 $0x1082;
	[sflag:s4] =	ssyncset.s32 $0xFFFFF086  }
0x25: {  	[simem:s6], [sflag:s4] =	dma.local [hbm:s3], $0xF7A  }
0x26: {  	[smem:$0x3F88] =	sst s1;
	(tag) =	ssettag s2;
	_ =	strace s9  }
0x27: {  	s1 =	sld [smem:$0x3F98]  }
0x28: {  	s2 =	sld [smem:$0x3F99]  }
0x29: {  	s4 =	sld [smem:$0x3F9B]  }
0x2a: {  	p0 =	seq.s32 s5, $0x0;
	s5 =	sld [smem:$0x3F9C]  }
0x2b: {  	s6 =	sld [smem:$0x3F9D]  }
0x2c: {  	s7 =	sld [smem:$0x3F9E]  }
0x2d: {  	s3 =	simm.s32 $0x108;
	s8 =	sld [smem:$0x3F9F]  }
0x2e: {  	s3 =	simm.s32 @!p0 $0x1082;
	s9 =	sld [smem:$0x3FA0]  }
0x2f: {  	lr =	sadd.s32 s0, s3;
	s0 =	sld [smem:$0x3F97]  }
0x30: {  	s3 =	sld [smem:$0x3F9A]  }
0x31: {  	[smem:$0x3FA3] =	sst s10  }
0x32: {  	s10 =	sld [smem:$0x3FA1];
	_ =	sdelay $0x3  }
0x33: {  	p0 =	seq.s32 s10, $0x1;
	s10 =	sld [smem:$0x3FA3];
	_ =	sdelay $0x3  }
0x34: {  	[smem:$0x3FA3] =	sst s10  }
0x35: {  	s10 =	sld [smem:$0x3FA2];
	_ =	sdelay $0x3  }
0x36: {  	p1 =	seq.s32 s10, $0x1;
	s10 =	sld [smem:$0x3FA3];
	_ =	sdelay $0x3  }
0x37: {  	[smem:$0x3FA3] =	sst s10  }
0x38: {  	s10 =	sld [smem:$0x3FA4]  }
0x39: {  	_ = 	snop;
	(pc) =	sbr.ind lr, $3  }
0x3a: {  	_ = 	snop  }
0x3b: {  	_ = 	snop  }
0x3c: {  	p2 =	seq.s32 s10, $0x1;
	s10 =	sld [smem:$0x3FA3]  }
0x3d: {  	_ =	shalt  }
0x3e: {  	_ =	shalt  }
0x3f: {  	_ =	shalt  }
0x40: {  	_ =	shalt  }
0x41: {  	_ =	shalt  }
0x42: {  	_ =	shalt  }
0x43: {  	_ =	shalt  }
0x44: {  	_ =	shalt  }
0x45: {  	_ =	shalt  }
0x46: {  	_ =	shalt  }
0x47: {  	_ =	shalt  }
0x48: {  	_ =	shalt  }
0x49: {  	_ =	shalt  }
0x4a: {  	_ =	shalt  }
0x4b: {  	_ =	shalt  }
0x4c: {  	_ =	shalt  }
0x4d: {  	_ =	shalt  }
0x4e: {  	_ =	shalt  }
0x4f: {  	_ =	shalt  }
0x50: {  	_ =	shalt  }
0x51: {  	_ =	shalt  }
0x52: {  	_ =	shalt  }
0x53: {  	_ =	shalt  }
0x54: {  	_ =	shalt  }
0x55: {  	_ =	shalt  }
0x56: {  	_ =	shalt  }
0x57: {  	_ =	shalt  }
0x58: {  	_ =	shalt  }
0x59: {  	_ =	shalt  }
0x5a: {  	_ =	shalt  }
0x5b: {  	_ =	shalt  }
0x5c: {  	_ =	shalt  }
0x5d: {  	_ =	shalt  }
0x5e: {  	_ =	shalt  }
0x5f: {  	_ =	shalt  }
0x60: {  	_ =	shalt  }
0x61: {  	_ =	shalt  }
0x62: {  	_ =	shalt  }
0x63: {  	_ =	shalt  }
0x64: {  	_ =	shalt  }
0x65: {  	_ =	shalt  }
0x66: {  	_ =	shalt  }
0x67: {  	_ =	shalt  }
0x68: {  	_ =	shalt  }
0x69: {  	_ =	shalt  }
0x6a: {  	_ =	shalt  }
0x6b: {  	_ =	shalt  }
0x6c: {  	_ =	shalt  }
0x6d: {  	_ =	shalt  }
0x6e: {  	_ =	shalt  }
0x6f: {  	_ =	shalt  }
0x70: {  	_ =	shalt  }
0x71: {  	_ =	shalt  }
0x72: {  	_ =	shalt  }
0x73: {  	_ =	shalt  }
0x74: {  	_ =	shalt  }
0x75: {  	_ =	shalt  }
0x76: {  	_ =	shalt  }
0x77: {  	_ =	shalt  }
0x78: {  	_ =	shalt  }
0x79: {  	_ =	shalt  }
0x7a: {  	_ =	shalt  }
0x7b: {  	_ =	shalt  }
0x7c: {  	_ =	shalt  }
0x7d: {  	_ =	shalt  }
0x7e: {  	_ =	shalt  }
0x7f: {  	_ =	shalt  }
0x80: {  	_ =	shalt  }
0x81: {  	_ =	shalt  }
0x82: {  	_ =	shalt  }
0x83: {  	_ =	shalt  }
0x84: {  	_ =	shalt  }
0x85: {  	_ =	shalt  }
0x86: {  	_ =	shalt  }
0x87: {  	_ =	shalt  }
.Lfunc_end0:
.L_simem_size_0:
called_computation.2_lowered:
.L_overlay_start_0:
0x88: {  	s2 =	sld [smem:$0x3FD9]  }
0x89: {  	s3 =	sld [smem:$0x3FFE];
	_ =	sdelay $0x1  }
0x8a: {  	s1 =	srdreg.scid  }
0x8b: {  	s0 =	sand.u32 $0x1, s1  }
0x8c: {  	s15 =	sshll.u32 s0, $0xA;
	s2 =	sadd.s32 s3, s2  }
0x8d: {  	s2 =	sadd.s32 s2, s15  }
0x8e: {  	[smem:$0x3FAF] =	sst s2  }
0x8f: {  	_ = 	snop  }
0x90: {  	s2 =	sld [smem:$0x3FD0];
	_ =	sdelay $0x2  }
0x91: {  	s16 =	simm.s32 $0xB;
	s4 =	simm.s32 $0x10  }
0x92: {  	[smem:s4], [sflag:s16] =	dma.local [hbm:s2], $0x1  }
0x93: {  	_ =	swait.eq [sflag:s16], $0x1  }
0x94: {  	[sflag:s16] =	ssyncset.done $0x0  }
0x95: {  	[sflag:s16] =	ssyncadd.s32 $0xFFFFFFFF  }
0x96: {  	s17 =	sld [smem:$0x11];
	(tm) =	ssettm $0x1  }
0x97: {  	s18 =	sld [smem:$0x3FFB];
	_ =	sdelay $0x3  }
0x98: {  	_ =	strace s18  }
0x99: {  	s2 =	sld [smem:$0x3FFC];
	_ =	sdelay $0x3  }
0x9a: {  	_ =	strace s2  }
0x9b: {  	s2 =	sld [smem:$0x3FFD];
	_ =	sdelay $0x3  }
0x9c: {  	_ =	strace s2  }
0x9d: {  	_ =	strace $0x8FFFFFFF  }
0x9e: {  	s19 =	sld [smem:$0x3FDB];
	_ =	sdelay $0x1  }
0x9f: {  	s20 =	simm.s32 $_scs_section_size  }
0xa0: {  	s5 =	simm.s32 $_size__tile_overlayer_lowered;
	s6 =	simm.s32 $_tile_overlayer_lowered  }
0xa1: {  	s7 =	simm.s32 $0x1BFF;
	s21 =	sshll.u32 s6, $0x1;
	s4 =	sadd.s32 s20, s19  }
0xa2: {  	s22 =	simm.s32 $0x0;
	s5 =	sshll.u32 s5, $0x1;
	s6 =	sadd.s32 s21, s4  }
0xa3: {  	[timem:s22], [sflag:s7] =	dma.local [hbm:s6], s5  }
0xa4: {  	_ =	swait.ge [sflag:s7], s5  }
0xa5: {  	s5 =	ssub.s32 $0x0, s5;
	[sflag:s7] =	ssyncset.done $0x0  }
0xa6: {  	[sflag:s7] =	ssyncadd.s32 s5;
	_ =	sdelay $0x1  }
0xa7: {  	s23 =	simm.s32 $0x1B8B  }
0xa8: {  	_ =	swait.ge [sflag:s23], $0x1  }
0xa9: {  	[sflag:s23] =	ssyncset.done $0x0  }
0xaa: {  	[sflag:s23] =	ssyncadd.s32 $0xFFFFFFFF  }
0xab: {  	s5 =	sld [smem:$0x0]  }
0xac: {  	s6 =	sand.u32 $0xFFFFFFFE, s1  }
0xad: {  	p0 =	sne.s32 s1, s6  }
0xae: {  	s6 =	sshll.u32 @p0 s6, $0xE  }
0xaf: {  	s6 =	sadd.s32 @p0 $0x11B8D, s6;
	s7 =	sshll.u32 @p0 s5, $0x11  }
0xb0: {  	s6 =	sor.u32 @p0 s7, s6  }
0xb1: {  	[sflag:s6] =	ssyncadd.remote.s32 @p0 $0x1;
	_ =	sdelay $0x1  }
0xb2: {  	s6 =	simm.s32 @p0 $0x1B8D  }
0xb3: {  	_ =	swait.eq @p0 [sflag:s6], $0x1  }
0xb4: {  	[sflag:s6] =	ssyncadd.s32 @p0 $0xFFFFFFFF  }
0xb5: {  	s7 =	sshll.u32 @!p0 s1, $0xE  }
0xb6: {  	s7 =	sor.u32 @!p0 $0x4000, s7;
	s6 =	simm.s32 @!p0 $0x1B8D  }
0xb7: {  	s5 =	sshll.u32 @!p0 s5, $0x11;
	s7 =	sadd.s32 @!p0 $0x11B8D, s7;
	_ =	swait.eq @!p0 [sflag:s6], $0x1  }
0xb8: {  	s5 =	sor.u32 @!p0 s5, s7;
	[sflag:s6] =	ssyncadd.s32 @!p0 $0xFFFFFFFF  }
0xb9: {  	s25 =	simm.s32 $0x1B8E;
	s24 =	sld [smem:$0x3FFE];
	[sflag:s5] =	ssyncadd.remote.s32 @!p0 $0x1  }
0xba: {  	s26 =	simm.s32 $execute0_lowered;
	[smem:$0x3FD2] =	sst s25  }
0xbb: {  	s6 =	sshll.u32 s26, $0x1;
	_ =	strace $0x8000004C;
	[dreg:$0x1] =	wrdreg $0xFFFFFFFF  }
0xbc: {  	s28 =	simm.s32 $_size_execute0_lowered;
	s4 =	sadd.s32 s4, s6;
	[dreg:$0x0] =	wrdreg $0x0  }
0xbd: {  	s6 =	sshll.u32 s28, $0x1;
	[dreg:$0x2] =	wrdreg s4  }
0xbe: {  	[dreg:$0x3] =	wrdreg s6  }
0xbf: {  	[dreg:$0x4] =	wrdreg $0xC0  }
0xc0: {  	_ =	task [dreg:s22], $0x5FFFF  }
0xc1: {  	[dreg:$0x1] =	wrdreg $0xFFFFFFFF  }
0xc2: {  	[dreg:$0x0] =	wrdreg $0x60  }
0xc3: {  	[dreg:$0x2] =	wrdreg s24  }
0xc4: {  	[dreg:$0x3] =	wrdreg s17  }
0xc5: {  	[dreg:$0x4] =	wrdreg $0xA  }
0xc6: {  	_ =	task.clear_ibuf [dreg:s22], $0x5FFFF;
	_ =	strace $0x9000004C  }
0xc7: {  	s29 =	simm.s32 $0xA;
	_ =	strace $0x8000004E  }
0xc8: {  	_ =	swait.ge [sflag:s29], $0x1  }
0xc9: {  	[sflag:s29] =	ssyncadd.s32 $0xFFFFFFFF  }
0xca: {  	_ =	strace $0x9000004E  }
0xcb: {  	_ =	sfence  }
0xcc: {  	s30 =	sld [smem:$0x0];
	_ =	sdelay $0x2  }
0xcd: {  	s31 =	sshll.u32 s1, $0xD;
	s1 =	sshrl.u32 s1, $0x2  }
0xce: {  	s4 =	sand.u32 $0x4000, s31;
	s1 =	sadd.s32 s1, s30  }
0xcf: {  	s0 =	sor.u32 s4, s0;
	s1 =	sshll.u32 s1, $0x11  }
0xd0: {  	s0 =	sor.u32 s1, s0  }
0xd1: {  	s0 =	sadd.s32 $0x8F2B, s0  }
0xd2: {  	[sflag:s0] =	ssyncadd.remote.s32 $0x1  }
0xd3: {  	_ =	sfence.sel $0xFFFF  }
0xd4: {  	[dreg:$0x0] =	wrdreg $0xFFFFFFFF;
	(pc) =	sbr.abs _section_cstart, $3  }
0xd5: {  	[dreg:$0x1] =	wrdreg $0xFFFFFFFF  }
0xd6: {  	_ =	task.clear_ibuf [dreg:s22], $0x2FFFF;
	_ =	strace $0x9FFFFFFF  }
0xd7: {  	(tm) =	ssettm $0x7FFFFFFF  }
tec
execute0_lowered:
.L_overlay_start_1:
0x0: {  	(tag) =	ssettag $0x1  }
0x1: {  	s1 =	srdreg.scid;
	s0 =	stileid.u32  }
0x2: {  	s17 =	sand.u32 $0x1, s1;
	s26 =	sshll.u32 s0, $0x1  }
0x3: {  	s9 =	rddreg [dreg:$0x0];
	s10 =	sor.u32 s17, s26  }
0x4: {  	s16 =	rddreg [dreg:$0x1];
	s18 =	smul.u32 $0x1388, s10  }
0x5: {  	s2 =	simm.s32 $0x0;
	s1 =	rddreg [dreg:$0x2]  }
0x6: {  	[smem:$0x7FF] =	sst s2;
	s3 =	sshrl.u32 s18, $0x3  }
0x7: {  	_ =	strace $0x8000004D;
	s4 =	sadd.s32 s16, s3;
	s3 =	simm.s32 $0x2  }
0x8: {  	[tilespmem:s2], [sflag:$0x2] =	stream.linear.gather [hbm4b:s4+s2], $0x3E8, $0x38;
	[tilespmem:$0x1F800] =	vst v63  }
0x9: {  	_ =	swait.ge [sflag:s3], $0x3E8  }
0xa: {  	s6 =	simm.s32 $0x3E8;
	s7 =	simm.s32 $0x400;
	[sflag:s3] =	ssyncset.done $0x0  }
0xb: {  	s8 =	simm.s32 $0x1;
	s5 =	sadd.s32 $0x18DC00, s9;
	[sflag:s3] =	ssyncadd.s32 $0xFFFFFC18  }
0xc: {  	[tilespmem:s7], [sflag:$0x1] =	stream.indirect.gather [hbm4b:s5+s6], $0x80, s2, s6, $0xb8;
	[tilespmem:$0x1F800] =	vst v63  }
0xd: {  	s10 =	smul.u32 $0x13880, s10;
	_ =	swait.ge [sflag:s8], $0x1F400  }
0xe: {  	s19 =	sadd.s32 $0x3FEC00, s9;
	[sflag:s8] =	ssyncset.done $0x0  }
0xf: {  	s9 =	sadd.s32 s19, s10;
	[sflag:s8] =	ssyncadd.s32 $0xFFFE0C00  }
0x10: {  	[hbm4b:s9+s2] =	stream.linear.scatter [tilespmem:s7], [sflag:$0x2], $0x1F400, $0x38;
	[tilespmem:$0x1F800] =	vst v63  }
0x11: {  	s11 =	sadd.s32 $0x3E8, s18;
	_ =	swait.ge [sflag:s3], $0x1F400  }
0x12: {  	s28 =	sshrl.u32 s11, $0x3;
	[sflag:s3] =	ssyncset.done $0x0  }
0x13: {  	s10 =	sadd.s32 s16, s28;
	[sflag:s3] =	ssyncadd.s32 $0xFFFE0C00  }
0x14: {  	[tilespmem:s2], [sflag:$0x2] =	stream.linear.gather [hbm4b:s10+s2], $0x3E8, $0x38;
	[tilespmem:$0x1F800] =	vst v63  }
0x15: {  	_ =	swait.ge [sflag:s3], $0x3E8  }
0x16: {  	[sflag:s3] =	ssyncset.done $0x0  }
0x17: {  	[sflag:s3] =	ssyncadd.s32 $0xFFFFFC18  }
0x18: {  	[tilespmem:s7], [sflag:$0x1] =	stream.indirect.gather [hbm4b:s5+s6], $0x80, s2, s6, $0xb8;
	[tilespmem:$0x1F800] =	vst v63  }
0x19: {  	_ =	swait.ge [sflag:s8], $0x1F400  }
0x1a: {  	s11 =	sshll.u32 s11, $0x4;
	[sflag:s8] =	ssyncset.done $0x0  }
0x1b: {  	s11 =	sadd.s32 s19, s11;
	[sflag:s8] =	ssyncadd.s32 $0xFFFE0C00  }
0x1c: {  	[hbm4b:s11+s2] =	stream.linear.scatter [tilespmem:s7], [sflag:$0x2], $0x1F400, $0x38;
	[tilespmem:$0x1F800] =	vst v63  }
0x1d: {  	s13 =	sadd.s32 $0x7D0, s18;
	_ =	swait.ge [sflag:s3], $0x1F400  }
0x1e: {  	s12 =	sshrl.u32 s13, $0x3;
	[sflag:s3] =	ssyncset.done $0x0  }
0x1f: {  	s12 =	sadd.s32 s16, s12;
	[sflag:s3] =	ssyncadd.s32 $0xFFFE0C00  }
0x20: {  	[tilespmem:s2], [sflag:$0x2] =	stream.linear.gather [hbm4b:s12+s2], $0x3E8, $0x38;
	[tilespmem:$0x1F800] =	vst v63  }
0x21: {  	_ =	swait.ge [sflag:s3], $0x3E8  }
0x22: {  	[sflag:s3] =	ssyncset.done $0x0  }
0x23: {  	[sflag:s3] =	ssyncadd.s32 $0xFFFFFC18  }
0x24: {  	[tilespmem:s7], [sflag:$0x1] =	stream.indirect.gather [hbm4b:s5+s6], $0x80, s2, s6, $0xb8;
	[tilespmem:$0x1F800] =	vst v63  }
0x25: {  	_ =	swait.ge [sflag:s8], $0x1F400  }
0x26: {  	s13 =	sshll.u32 s13, $0x4;
	[sflag:s8] =	ssyncset.done $0x0  }
0x27: {  	s13 =	sadd.s32 s19, s13;
	[sflag:s8] =	ssyncadd.s32 $0xFFFE0C00  }
0x28: {  	[hbm4b:s13+s2] =	stream.linear.scatter [tilespmem:s7], [sflag:$0x2], $0x1F400, $0x38;
	[tilespmem:$0x1F800] =	vst v63  }
0x29: {  	s15 =	sadd.s32 $0xBB8, s18;
	_ =	swait.ge [sflag:s3], $0x1F400  }
0x2a: {  	s14 =	sshrl.u32 s15, $0x3;
	[sflag:s3] =	ssyncset.done $0x0  }
0x2b: {  	s14 =	sadd.s32 s16, s14;
	[sflag:s3] =	ssyncadd.s32 $0xFFFE0C00  }
0x2c: {  	[tilespmem:s2], [sflag:$0x2] =	stream.linear.gather [hbm4b:s14+s2], $0x3E8, $0x38;
	[tilespmem:$0x1F800] =	vst v63  }
0x2d: {  	_ =	swait.ge [sflag:s3], $0x3E8  }
0x2e: {  	[sflag:s3] =	ssyncset.done $0x0  }
0x2f: {  	[sflag:s3] =	ssyncadd.s32 $0xFFFFFC18  }
0x30: {  	[tilespmem:s7], [sflag:$0x1] =	stream.indirect.gather [hbm4b:s5+s6], $0x80, s2, s6, $0xb8;
	[tilespmem:$0x1F800] =	vst v63  }
0x31: {  	_ =	swait.ge [sflag:s8], $0x1F400  }
0x32: {  	s15 =	sshll.u32 s15, $0x4;
	[sflag:s8] =	ssyncset.done $0x0  }
0x33: {  	s15 =	sadd.s32 s19, s15;
	[sflag:s8] =	ssyncadd.s32 $0xFFFE0C00  }
0x34: {  	[hbm4b:s15+s2] =	stream.linear.scatter [tilespmem:s7], [sflag:$0x2], $0x1F400, $0x38;
	[tilespmem:$0x1F800] =	vst v63  }
0x35: {  	s18 =	sadd.s32 $0xFA0, s18;
	_ =	swait.ge [sflag:s3], $0x1F400  }
0x36: {  	s20 =	sshrl.u32 s18, $0x3;
	[sflag:s3] =	ssyncset.done $0x0  }
0x37: {  	s17 =	ssub.s32 $0x2, s17;
	s16 =	sadd.s32 s16, s20;
	[sflag:s3] =	ssyncadd.s32 $0xFFFE0C00  }
0x38: {  	[tilespmem:s2], [sflag:$0x2] =	stream.linear.gather [hbm4b:s16+s2], $0x3E8, $0x38;
	[tilespmem:$0x1F800] =	vst v63  }
0x39: {  	s29 =	sshrl.u32 s17, $0x1;
	_ =	swait.ge [sflag:s3], $0x3E8  }
0x3a: {  	s20 =	ssub.s32 s17, s29;
	[sflag:s3] =	ssyncset.done $0x0  }
0x3b: {  	s31 =	smax.u32 s20, $0x1;
	[sflag:s3] =	ssyncadd.s32 $0xFFFFFC18  }
0x3c: {  	[tilespmem:s7], [sflag:$0x1] =	stream.indirect.gather [hbm4b:s5+s6], $0x80, s2, s6, $0xb8;
	[tilespmem:$0x1F800] =	vst v63  }
0x3d: {  	p0 =	sne.s32 s31, $0x1;
	_ =	swait.ge [sflag:s8], $0x1F400  }
.Ltmp0:
0x3e: {  	s30 =	sshll.u32 s18, $0x4;
	[sflag:s8] =	ssyncset.done $0x0;
	(pc) =	sbr.rel @!p0 .LBB2_2-.Ltmp0, $4  }
0x3f: {  	s17 =	sadd.s32 s19, s30;
	[sflag:s8] =	ssyncadd.s32 $0xFFFE0C00  }
0x40: {  	[hbm4b:s17+s2] =	stream.linear.scatter [tilespmem:s7], [sflag:$0x2], $0x1F400, $0x38;
	[tilespmem:$0x1F800] =	vst v63  }
0x41: {  	_ =	swait.ge [sflag:s3], $0x1F400  }
0x42: {  	s18 =	sadd.s32 $0xFFFFFFFF, s31;
	[sflag:s3] =	ssyncset.done $0x0  }
.LBB2_1:
0x43: {  	p0 =	sne.s32 s18, $0x1;
	s18 =	sadd.s32 $0xFFFFFFFF, s18;
	[sflag:s3] =	ssyncadd.s32 $0xFFFE0C00  }
0x44: {  	[tilespmem:s2], [sflag:$0x2] =	stream.linear.gather [hbm4b:s4+s2], $0x3E8, $0x38;
	[tilespmem:$0x1F800] =	vst v63  }
0x45: {  	_ =	swait.ge [sflag:s3], $0x3E8  }
0x46: {  	[sflag:s3] =	ssyncset.done $0x0  }
0x47: {  	[sflag:s3] =	ssyncadd.s32 $0xFFFFFC18  }
0x48: {  	[tilespmem:s7], [sflag:$0x1] =	stream.indirect.gather [hbm4b:s5+s6], $0x80, s2, s6, $0xb8;
	[tilespmem:$0x1F800] =	vst v63  }
0x49: {  	_ =	swait.ge [sflag:s8], $0x1F400  }
0x4a: {  	[sflag:s8] =	ssyncset.done $0x0  }
0x4b: {  	[sflag:s8] =	ssyncadd.s32 $0xFFFE0C00  }
0x4c: {  	[hbm4b:s9+s2] =	stream.linear.scatter [tilespmem:s7], [sflag:$0x2], $0x1F400, $0x38;
	[tilespmem:$0x1F800] =	vst v63  }
0x4d: {  	_ =	swait.ge [sflag:s3], $0x1F400  }
0x4e: {  	[sflag:s3] =	ssyncset.done $0x0  }
0x4f: {  	[sflag:s3] =	ssyncadd.s32 $0xFFFE0C00  }
0x50: {  	[tilespmem:s2], [sflag:$0x2] =	stream.linear.gather [hbm4b:s10+s2], $0x3E8, $0x38;
	[tilespmem:$0x1F800] =	vst v63  }
0x51: {  	_ =	swait.ge [sflag:s3], $0x3E8  }
0x52: {  	[sflag:s3] =	ssyncset.done $0x0  }
0x53: {  	[sflag:s3] =	ssyncadd.s32 $0xFFFFFC18  }
0x54: {  	[tilespmem:s7], [sflag:$0x1] =	stream.indirect.gather [hbm4b:s5+s6], $0x80, s2, s6, $0xb8;
	[tilespmem:$0x1F800] =	vst v63  }
0x55: {  	_ =	swait.ge [sflag:s8], $0x1F400  }
0x56: {  	[sflag:s8] =	ssyncset.done $0x0  }
0x57: {  	[sflag:s8] =	ssyncadd.s32 $0xFFFE0C00  }
0x58: {  	[hbm4b:s11+s2] =	stream.linear.scatter [tilespmem:s7], [sflag:$0x2], $0x1F400, $0x38;
	[tilespmem:$0x1F800] =	vst v63  }
0x59: {  	_ =	swait.ge [sflag:s3], $0x1F400  }
0x5a: {  	[sflag:s3] =	ssyncset.done $0x0  }
0x5b: {  	[sflag:s3] =	ssyncadd.s32 $0xFFFE0C00  }
0x5c: {  	[tilespmem:s2], [sflag:$0x2] =	stream.linear.gather [hbm4b:s12+s2], $0x3E8, $0x38;
	[tilespmem:$0x1F800] =	vst v63  }
0x5d: {  	_ =	swait.ge [sflag:s3], $0x3E8  }
0x5e: {  	[sflag:s3] =	ssyncset.done $0x0  }
0x5f: {  	[sflag:s3] =	ssyncadd.s32 $0xFFFFFC18  }
0x60: {  	[tilespmem:s7], [sflag:$0x1] =	stream.indirect.gather [hbm4b:s5+s6], $0x80, s2, s6, $0xb8;
	[tilespmem:$0x1F800] =	vst v63  }
0x61: {  	_ =	swait.ge [sflag:s8], $0x1F400  }
0x62: {  	[sflag:s8] =	ssyncset.done $0x0  }
0x63: {  	[sflag:s8] =	ssyncadd.s32 $0xFFFE0C00  }
0x64: {  	[hbm4b:s13+s2] =	stream.linear.scatter [tilespmem:s7], [sflag:$0x2], $0x1F400, $0x38;
	[tilespmem:$0x1F800] =	vst v63  }
0x65: {  	_ =	swait.ge [sflag:s3], $0x1F400  }
0x66: {  	[sflag:s3] =	ssyncset.done $0x0  }
0x67: {  	[sflag:s3] =	ssyncadd.s32 $0xFFFE0C00  }
0x68: {  	[tilespmem:s2], [sflag:$0x2] =	stream.linear.gather [hbm4b:s14+s2], $0x3E8, $0x38;
	[tilespmem:$0x1F800] =	vst v63  }
0x69: {  	_ =	swait.ge [sflag:s3], $0x3E8  }
0x6a: {  	[sflag:s3] =	ssyncset.done $0x0  }
0x6b: {  	[sflag:s3] =	ssyncadd.s32 $0xFFFFFC18  }
0x6c: {  	[tilespmem:s7], [sflag:$0x1] =	stream.indirect.gather [hbm4b:s5+s6], $0x80, s2, s6, $0xb8;
	[tilespmem:$0x1F800] =	vst v63  }
0x6d: {  	_ =	swait.ge [sflag:s8], $0x1F400  }
0x6e: {  	[sflag:s8] =	ssyncset.done $0x0  }
0x6f: {  	[sflag:s8] =	ssyncadd.s32 $0xFFFE0C00  }
0x70: {  	[hbm4b:s15+s2] =	stream.linear.scatter [tilespmem:s7], [sflag:$0x2], $0x1F400, $0x38;
	[tilespmem:$0x1F800] =	vst v63  }
0x71: {  	_ =	swait.ge [sflag:s3], $0x1F400  }
0x72: {  	[sflag:s3] =	ssyncset.done $0x0  }
0x73: {  	[sflag:s3] =	ssyncadd.s32 $0xFFFE0C00  }
0x74: {  	[tilespmem:s2], [sflag:$0x2] =	stream.linear.gather [hbm4b:s16+s2], $0x3E8, $0x38;
	[tilespmem:$0x1F800] =	vst v63  }
0x75: {  	_ =	swait.ge [sflag:s3], $0x3E8  }
0x76: {  	[sflag:s3] =	ssyncset.done $0x0  }
0x77: {  	[sflag:s3] =	ssyncadd.s32 $0xFFFFFC18  }
0x78: {  	[tilespmem:s7], [sflag:$0x1] =	stream.indirect.gather [hbm4b:s5+s6], $0x80, s2, s6, $0xb8;
	[tilespmem:$0x1F800] =	vst v63  }
0x79: {  	_ =	swait.ge [sflag:s8], $0x1F400  }
.Ltmp1:
0x7a: {  	[sflag:s8] =	ssyncset.done $0x0;
	(pc) =	sbr.rel @p0 .LBB2_1-.Ltmp1, $4  }
0x7b: {  	[sflag:s8] =	ssyncadd.s32 $0xFFFE0C00  }
0x7c: {  	[hbm4b:s17+s2] =	stream.linear.scatter [tilespmem:s7], [sflag:$0x2], $0x1F400, $0x38;
	[tilespmem:$0x1F800] =	vst v63  }
0x7d: {  	_ =	swait.ge [sflag:s3], $0x1F400  }
0x7e: {  	[sflag:s3] =	ssyncset.done $0x0  }
.LBB2_2:
0x7f: {  	[sflag:s3] =	ssyncadd.s32 $0xFFFE0C00  }
0x80: {  	_ =	sfence.sel $0x180000  }
0x81: {  	[bflag:$0x0] =	sbarrier.arrive $0xFFFF  }
0x82: {  	p0 =	sne.s32 s0, $0x0;
	_ =	strace $0x9000004D  }
0x83: {  	s0 =	sadd.s32 @!p0 $0x100000, s1;
	[bflag:$0x2] =	sbarrier.arrive $0xFFFF  }
0x84: {  	[sflag:s0] =	ssyncadd.tile.s32 @!p0 $0x1;
	_ =	shalt  }
.Lfunc_end2:
_tile_overlayer_lowered:
.L_overlay_start_2:
0x85: {  	(tag) =	ssettag $0x2  }
0x86: {  	s0 =	rddreg [dreg:$0x0];
	s2 =	stileid.u32  }
0x87: {  	s1 =	rddreg [dreg:$0x1];
	p0 =	sne.s32 s2, $0x0  }
0x88: {  	s3 =	rddreg [dreg:$0x2];
	[bflag:$0x3] =	sbarrier.arrive $0xFFFF;
	s2 =	simm.s32 @!p0 $0x1C02  }
0x89: {  	[timem:s3], [sflag:s2] =	dma.local @!p0 [hbm:s0], s1  }
0x8a: {  	s0 =	simm.s32 @!p0 $0x2  }
0x8b: {  	_ =	swait.ge @!p0 [sflag:s0], s1  }
0x8c: {  	s1 =	ssub.s32 @!p0 $0x0, s1;
	[sflag:s0] =	ssyncset.done @!p0 $0x0  }
0x8d: {  	[sflag:s0] =	ssyncadd.s32 @!p0 s1  }
0x8e: {  	[bflag:$0x3] =	sbarrier.arrive $0xFFFF  }
0x8f: {  	_ =	shalt  }

// kernel: kernel.24.cloned.1.call-start
scs
__scs_entry_jumppad:
0x0: {  	(pc) =	sbr.rel $0x88, $3  }
0x1: {  	(tag) =	ssettag $0x0;
	lr =	simm.s32 $0x1  }
0x2: {  	[smem:$0x3F88] =	sst lr;
	_ =	strace $0xD0000000  }
0x3: {  	_ = 	snop  }
0x4: {  	_ = 	snop  }
0x5: {  	_ = 	snop  }
0x6: {  	_ = 	snop  }
0x7: {  	_ = 	snop  }
__scs_overlays_trampoline_lowered:
0x8: {  	[smem:$0x3F97] =	sst s0  }
0x9: {  	[smem:$0x3F98] =	sst s1  }
0xa: {  	[smem:$0x3F99] =	sst s2  }
0xb: {  	[smem:$0x3F9A] =	sst s3  }
0xc: {  	[smem:$0x3F9B] =	sst s4  }
0xd: {  	[smem:$0x3F9C] =	sst s5  }
0xe: {  	[smem:$0x3F9D] =	sst s6  }
0xf: {  	[smem:$0x3F9E] =	sst s7  }
0x10: {  	[smem:$0x3F9F] =	sst s8  }
0x11: {  	[smem:$0x3FA0] =	sst s9;
	s0 =	simm.s32 @!p0 $0x0  }
0x12: {  	s1 =	sld [smem:$0x3F86];
	s0 =	simm.s32 @p0 $0x1  }
0x13: {  	[smem:$0x3FA1] =	sst s0;
	s0 =	simm.s32 @!p1 $0x0  }
0x14: {  	s2 =	sld [smem:$0x3F85];
	s0 =	simm.s32 @p1 $0x1  }
0x15: {  	[smem:$0x3FA2] =	sst s0;
	s0 =	simm.s32 @!p2 $0x0  }
0x16: {  	s3 =	sld [smem:$0x3FDB];
	s0 =	simm.s32 @p2 $0x1  }
0x17: {  	s4 =	simm.s32 $0x1BF5;
	[smem:$0x3FA4] =	sst s0  }
0x18: {  	s0 =	sld [smem:$0x3F87];
	_ =	swait.ge [sflag:s4], $0x0  }
0x19: {  	s7 =	sld [smem:$0x3F88]  }
0x1a: {  	s8 =	sadd.s32 $0xFFFFE003, lr  }
0x1b: {  	s9 =	sadd.s32 $0xFFFFFEF7, lr;
	s5 =	simm.s32 $0xFFFFFFFF;
	p2 =	slt.u32 s8, $0xFFFFF086  }
0x1c: {  	p1 =	slt.u32 s9, $0xF7A;
	s5 =	simm.s32 @!p2 $0x0  }
0x1d: {  	s5 =	simm.s32 @p1 $0x1;
	p0 =	seq.s32 s7, s2  }
0x1e: {  	s7 =	smul.u32 @!p0 $0xF7A, s2;
	p2 =	seq.s32 @!p0 s5, $0x0  }
0x1f: {  	s9 =	smul.u32 $0xF7A, s1;
	s8 =	simm.s32 @!p0 $0x1BF5;
	p2 =	por !p2, p0  }
0x20: {  	[sflag:s8] =	ssyncset.s32 @!p0 $0xFFFFF086;
	s6 =	sadd.s32 @!p0 s3, s7;
	s7 =	simm.s32 @!p0 $0x108  }
0x21: {  	s3 =	sadd.s32 s3, s9;
	s6 =	sadd.s32 @!p0 $0x88, s6;
	s7 =	simm.s32 @p2 $0x1082  }
0x22: {  	[simem:s7], [sflag:s8] =	dma.local @!p0 [hbm:s6], $0xF7A  }
0x23: {  	s9 =	sor.u32 $0xD0000000, s2;
	s6 =	simm.s32 $0x108;
	_ =	swait.ge @!p0 [sflag:s8], $0x0  }
0x24: {  	s3 =	sadd.s32 $0x88, s3;
	s6 =	simm.s32 @!p1 $0x1082;
	[sflag:s4] =	ssyncset.s32 $0xFFFFF086  }
0x25: {  	[simem:s6], [sflag:s4] =	dma.local [hbm:s3], $0xF7A  }
0x26: {  	[smem:$0x3F88] =	sst s1;
	(tag) =	ssettag s2;
	_ =	strace s9  }
0x27: {  	s1 =	sld [smem:$0x3F98]  }
0x28: {  	s2 =	sld [smem:$0x3F99]  }
0x29: {  	s4 =	sld [smem:$0x3F9B]  }
0x2a: {  	p0 =	seq.s32 s5, $0x0;
	s5 =	sld [smem:$0x3F9C]  }
0x2b: {  	s6 =	sld [smem:$0x3F9D]  }
0x2c: {  	s7 =	sld [smem:$0x3F9E]  }
0x2d: {  	s3 =	simm.s32 $0x108;
	s8 =	sld [smem:$0x3F9F]  }
0x2e: {  	s3 =	simm.s32 @!p0 $0x1082;
	s9 =	sld [smem:$0x3FA0]  }
0x2f: {  	lr =	sadd.s32 s0, s3;
	s0 =	sld [smem:$0x3F97]  }
0x30: {  	s3 =	sld [smem:$0x3F9A]  }
0x31: {  	[smem:$0x3FA3] =	sst s10  }
0x32: {  	s10 =	sld [smem:$0x3FA1];
	_ =	sdelay $0x3  }
0x33: {  	p0 =	seq.s32 s10, $0x1;
	s10 =	sld [smem:$0x3FA3];
	_ =	sdelay $0x3  }
0x34: {  	[smem:$0x3FA3] =	sst s10  }
0x35: {  	s10 =	sld [smem:$0x3FA2];
	_ =	sdelay $0x3  }
0x36: {  	p1 =	seq.s32 s10, $0x1;
	s10 =	sld [smem:$0x3FA3];
	_ =	sdelay $0x3  }
0x37: {  	[smem:$0x3FA3] =	sst s10  }
0x38: {  	s10 =	sld [smem:$0x3FA4]  }
0x39: {  	_ = 	snop;
	(pc) =	sbr.ind lr, $3  }
0x3a: {  	_ = 	snop  }
0x3b: {  	_ = 	snop  }
0x3c: {  	p2 =	seq.s32 s10, $0x1;
	s10 =	sld [smem:$0x3FA3]  }
0x3d: {  	_ =	shalt  }
0x3e: {  	_ =	shalt  }
0x3f: {  	_ =	shalt  }
0x40: {  	_ =	shalt  }
0x41: {  	_ =	shalt  }
0x42: {  	_ =	shalt  }
0x43: {  	_ =	shalt  }
0x44: {  	_ =	shalt  }
0x45: {  	_ =	shalt  }
0x46: {  	_ =	shalt  }
0x47: {  	_ =	shalt  }
0x48: {  	_ =	shalt  }
0x49: {  	_ =	shalt  }
0x4a: {  	_ =	shalt  }
0x4b: {  	_ =	shalt  }
0x4c: {  	_ =	shalt  }
0x4d: {  	_ =	shalt  }
0x4e: {  	_ =	shalt  }
0x4f: {  	_ =	shalt  }
0x50: {  	_ =	shalt  }
0x51: {  	_ =	shalt  }
0x52: {  	_ =	shalt  }
0x53: {  	_ =	shalt  }
0x54: {  	_ =	shalt  }
0x55: {  	_ =	shalt  }
0x56: {  	_ =	shalt  }
0x57: {  	_ =	shalt  }
0x58: {  	_ =	shalt  }
0x59: {  	_ =	shalt  }
0x5a: {  	_ =	shalt  }
0x5b: {  	_ =	shalt  }
0x5c: {  	_ =	shalt  }
0x5d: {  	_ =	shalt  }
0x5e: {  	_ =	shalt  }
0x5f: {  	_ =	shalt  }
0x60: {  	_ =	shalt  }
0x61: {  	_ =	shalt  }
0x62: {  	_ =	shalt  }
0x63: {  	_ =	shalt  }
0x64: {  	_ =	shalt  }
0x65: {  	_ =	shalt  }
0x66: {  	_ =	shalt  }
0x67: {  	_ =	shalt  }
0x68: {  	_ =	shalt  }
0x69: {  	_ =	shalt  }
0x6a: {  	_ =	shalt  }
0x6b: {  	_ =	shalt  }
0x6c: {  	_ =	shalt  }
0x6d: {  	_ =	shalt  }
0x6e: {  	_ =	shalt  }
0x6f: {  	_ =	shalt  }
0x70: {  	_ =	shalt  }
0x71: {  	_ =	shalt  }
0x72: {  	_ =	shalt  }
0x73: {  	_ =	shalt  }
0x74: {  	_ =	shalt  }
0x75: {  	_ =	shalt  }
0x76: {  	_ =	shalt  }
0x77: {  	_ =	shalt  }
0x78: {  	_ =	shalt  }
0x79: {  	_ =	shalt  }
0x7a: {  	_ =	shalt  }
0x7b: {  	_ =	shalt  }
0x7c: {  	_ =	shalt  }
0x7d: {  	_ =	shalt  }
0x7e: {  	_ =	shalt  }
0x7f: {  	_ =	shalt  }
0x80: {  	_ =	shalt  }
0x81: {  	_ =	shalt  }
0x82: {  	_ =	shalt  }
0x83: {  	_ =	shalt  }
0x84: {  	_ =	shalt  }
0x85: {  	_ =	shalt  }
0x86: {  	_ =	shalt  }
0x87: {  	_ =	shalt  }
.Lfunc_end0:
.L_simem_size_0:
called_computation.3_lowered:
.L_overlay_start_0:
0x88: {  	s2 =	sld [smem:$0x3FD9]  }
0x89: {  	s3 =	sld [smem:$0x3FFE];
	_ =	sdelay $0x1  }
0x8a: {  	s1 =	srdreg.scid  }
0x8b: {  	s0 =	sand.u32 $0x1, s1  }
0x8c: {  	s17 =	sshll.u32 s0, $0xA;
	s2 =	sadd.s32 s3, s2  }
0x8d: {  	s2 =	sadd.s32 s2, s17  }
0x8e: {  	[smem:$0x3FAF] =	sst s2  }
0x8f: {  	_ = 	snop  }
0x90: {  	s2 =	sld [smem:$0x3FB3];
	(tm) =	ssettm $0x1  }
0x91: {  	s18 =	sld [smem:$0x3FFB];
	_ =	sdelay $0x3  }
0x92: {  	_ =	strace s18  }
0x93: {  	s3 =	sld [smem:$0x3FFC];
	_ =	sdelay $0x3  }
0x94: {  	_ =	strace s3  }
0x95: {  	s3 =	sld [smem:$0x3FFD];
	_ =	sdelay $0x3  }
0x96: {  	_ =	strace s3  }
0x97: {  	_ =	strace $0x8FFFFFFF  }
0x98: {  	s19 =	sld [smem:$0x3FDB];
	_ =	sdelay $0x1  }
0x99: {  	s4 =	simm.s32 $_scs_section_size  }
0x9a: {  	s5 =	simm.s32 $_size__tile_overlayer_lowered;
	s6 =	simm.s32 $_tile_overlayer_lowered  }
0x9b: {  	s22 =	simm.s32 $0x1BFF;
	s21 =	sshll.u32 s6, $0x1;
	s3 =	sadd.s32 s4, s19  }
0x9c: {  	s7 =	simm.s32 $0x0;
	s20 =	sshll.u32 s5, $0x1;
	s5 =	sadd.s32 s21, s3  }
0x9d: {  	[timem:s7], [sflag:s22] =	dma.local [hbm:s5], s20  }
0x9e: {  	_ =	swait.ge [sflag:s22], s20  }
0x9f: {  	s4 =	ssub.s32 $0x0, s20;
	[sflag:s22] =	ssyncset.done $0x0  }
0xa0: {  	[sflag:s22] =	ssyncadd.s32 s4;
	_ =	sdelay $0x1  }
0xa1: {  	s23 =	simm.s32 $0x1B8B  }
0xa2: {  	_ =	swait.ge [sflag:s23], $0x1  }
0xa3: {  	[sflag:s23] =	ssyncset.done $0x0  }
0xa4: {  	s25 =	simm.s32 $0x1B8E;
	s24 =	sld [smem:$0x3FFE];
	[sflag:s23] =	ssyncadd.s32 $0xFFFFFFFF  }
0xa5: {  	s26 =	simm.s32 $execute0_lowered;
	[smem:$0x3FD2] =	sst s25  }
0xa6: {  	s5 =	sshll.u32 s26, $0x1;
	_ =	strace $0x8000004F;
	[dreg:$0x1] =	wrdreg $0xFFFFFFFF  }
0xa7: {  	s28 =	simm.s32 $_size_execute0_lowered;
	s3 =	sadd.s32 s3, s5;
	[dreg:$0x0] =	wrdreg $0x0  }
0xa8: {  	s5 =	sshll.u32 s28, $0x1;
	[dreg:$0x2] =	wrdreg s3  }
0xa9: {  	[dreg:$0x3] =	wrdreg s5  }
0xaa: {  	[dreg:$0x4] =	wrdreg $0xC0  }
0xab: {  	_ =	task [dreg:s7], $0x5FFFF  }
0xac: {  	[dreg:$0x1] =	wrdreg $0xFFFFFFFF  }
0xad: {  	[dreg:$0x0] =	wrdreg $0x60  }
0xae: {  	[dreg:$0x2] =	wrdreg s24  }
0xaf: {  	[dreg:$0x3] =	wrdreg s2  }
0xb0: {  	[dreg:$0x4] =	wrdreg $0x9  }
0xb1: {  	_ =	task.clear_ibuf [dreg:s7], $0x5FFFF;
	_ =	strace $0x9000004F  }
0xb2: {  	s29 =	simm.s32 $0x9;
	_ =	strace $0x80000051  }
0xb3: {  	_ =	swait.ge [sflag:s29], $0x1  }
0xb4: {  	[sflag:s29] =	ssyncadd.s32 $0xFFFFFFFF  }
0xb5: {  	_ =	strace $0x90000051  }
0xb6: {  	_ =	sfence  }
0xb7: {  	s30 =	sld [smem:$0x0];
	_ =	sdelay $0x2  }
0xb8: {  	s31 =	sshll.u32 s1, $0xD;
	s1 =	sshrl.u32 s1, $0x2  }
0xb9: {  	s3 =	sand.u32 $0x4000, s31;
	s1 =	sadd.s32 s1, s30  }
0xba: {  	s0 =	sor.u32 s3, s0;
	s1 =	sshll.u32 s1, $0x11  }
0xbb: {  	s0 =	sor.u32 s1, s0  }
0xbc: {  	s0 =	sadd.s32 $0x8F2B, s0  }
0xbd: {  	[sflag:s0] =	ssyncadd.remote.s32 $0x1  }
0xbe: {  	_ =	sfence.sel $0xFFFF  }
0xbf: {  	[dreg:$0x0] =	wrdreg $0xFFFFFFFF;
	(pc) =	sbr.abs _section_cstart, $3  }
0xc0: {  	[dreg:$0x1] =	wrdreg $0xFFFFFFFF  }
0xc1: {  	_ =	task.clear_ibuf [dreg:s7], $0x2FFFF;
	_ =	strace $0x9FFFFFFF  }
0xc2: {  	(tm) =	ssettm $0x7FFFFFFF  }
0xc3: {  	_ =	shalt  }
tec
execute0_lowered:
.L_overlay_start_1:
0x0: {  	(tag) =	ssettag $0x1  }
0x1: {  	s1 =	srdreg.scid;
	s0 =	stileid.u32  }
0x2: {  	s17 =	sand.u32 $0x1, s1;
	s26 =	sshll.u32 s0, $0x1  }
0x3: {  	s9 =	rddreg [dreg:$0x0];
	s10 =	sor.u32 s17, s26  }
0x4: {  	s16 =	rddreg [dreg:$0x1];
	s18 =	smul.u32 $0x1388, s10  }
0x5: {  	s2 =	simm.s32 $0x0;
	s1 =	rddreg [dreg:$0x2]  }
0x6: {  	[smem:$0x7FF] =	sst s2;
	s3 =	sshrl.u32 s18, $0x3  }
0x7: {  	_ =	strace $0x80000050;
	s4 =	sadd.s32 s16, s3;
	s3 =	simm.s32 $0x2  }
0x8: {  	[tilespmem:s2], [sflag:$0x2] =	stream.linear.gather [hbm4b:s4+s2], $0x3E8, $0x38;
	[tilespmem:$0x1F800] =	vst v63  }
0x9: {  	_ =	swait.ge [sflag:s3], $0x3E8  }
0xa: {  	s6 =	simm.s32 $0x3E8;
	s7 =	simm.s32 $0x400;
	[sflag:s3] =	ssyncset.done $0x0  }
0xb: {  	s8 =	simm.s32 $0x1;
	s5 =	sadd.s32 $0x18DC00, s9;
	[sflag:s3] =	ssyncadd.s32 $0xFFFFFC18  }
0xc: {  	[tilespmem:s7], [sflag:$0x1] =	stream.indirect.gather [hbm4b:s5+s6], $0x80, s2, s6, $0xb8;
	[tilespmem:$0x1F800] =	vst v63  }
0xd: {  	s10 =	smul.u32 $0x13880, s10;
	_ =	swait.ge [sflag:s8], $0x1F400  }
0xe: {  	s19 =	sadd.s32 $0x251200, s9;
	[sflag:s8] =	ssyncset.done $0x0  }
0xf: {  	s9 =	sadd.s32 s19, s10;
	[sflag:s8] =	ssyncadd.s32 $0xFFFE0C00  }
0x10: {  	[hbm4b:s9+s2] =	stream.linear.scatter [tilespmem:s7], [sflag:$0x2], $0x1F400, $0x38;
	[tilespmem:$0x1F800] =	vst v63  }
0x11: {  	s11 =	sadd.s32 $0x3E8, s18;
	_ =	swait.ge [sflag:s3], $0x1F400  }
0x12: {  	s28 =	sshrl.u32 s11, $0x3;
	[sflag:s3] =	ssyncset.done $0x0  }
0x13: {  	s10 =	sadd.s32 s16, s28;
	[sflag:s3] =	ssyncadd.s32 $0xFFFE0C00  }
0x14: {  	[tilespmem:s2], [sflag:$0x2] =	stream.linear.gather [hbm4b:s10+s2], $0x3E8, $0x38;
	[tilespmem:$0x1F800] =	vst v63  }
0x15: {  	_ =	swait.ge [sflag:s3], $0x3E8  }
0x16: {  	[sflag:s3] =	ssyncset.done $0x0  }
0x17: {  	[sflag:s3] =	ssyncadd.s32 $0xFFFFFC18  }
0x18: {  	[tilespmem:s7], [sflag:$0x1] =	stream.indirect.gather [hbm4b:s5+s6], $0x80, s2, s6, $0xb8;
	[tilespmem:$0x1F800] =	vst v63  }
0x19: {  	_ =	swait.ge [sflag:s8], $0x1F400  }
0x1a: {  	s11 =	sshll.u32 s11, $0x4;
	[sflag:s8] =	ssyncset.done $0x0  }
0x1b: {  	s11 =	sadd.s32 s19, s11;
	[sflag:s8] =	ssyncadd.s32 $0xFFFE0C00  }
0x1c: {  	[hbm4b:s11+s2] =	stream.linear.scatter [tilespmem:s7], [sflag:$0x2], $0x1F400, $0x38;
	[tilespmem:$0x1F800] =	vst v63  }
0x1d: {  	s13 =	sadd.s32 $0x7D0, s18;
	_ =	swait.ge [sflag:s3], $0x1F400  }
0x1e: {  	s12 =	sshrl.u32 s13, $0x3;
	[sflag:s3] =	ssyncset.done $0x0  }
0x1f: {  	s12 =	sadd.s32 s16, s12;
	[sflag:s3] =	ssyncadd.s32 $0xFFFE0C00  }
0x20: {  	[tilespmem:s2], [sflag:$0x2] =	stream.linear.gather [hbm4b:s12+s2], $0x3E8, $0x38;
	[tilespmem:$0x1F800] =	vst v63  }
0x21: {  	_ =	swait.ge [sflag:s3], $0x3E8  }
0x22: {  	[sflag:s3] =	ssyncset.done $0x0  }
0x23: {  	[sflag:s3] =	ssyncadd.s32 $0xFFFFFC18  }
0x24: {  	[tilespmem:s7], [sflag:$0x1] =	stream.indirect.gather [hbm4b:s5+s6], $0x80, s2, s6, $0xb8;
	[tilespmem:$0x1F800] =	vst v63  }
0x25: {  	_ =	swait.ge [sflag:s8], $0x1F400  }
0x26: {  	s13 =	sshll.u32 s13, $0x4;
	[sflag:s8] =	ssyncset.done $0x0  }
0x27: {  	s13 =	sadd.s32 s19, s13;
	[sflag:s8] =	ssyncadd.s32 $0xFFFE0C00  }
0x28: {  	[hbm4b:s13+s2] =	stream.linear.scatter [tilespmem:s7], [sflag:$0x2], $0x1F400, $0x38;
	[tilespmem:$0x1F800] =	vst v63  }
0x29: {  	s15 =	sadd.s32 $0xBB8, s18;
	_ =	swait.ge [sflag:s3], $0x1F400  }
0x2a: {  	s14 =	sshrl.u32 s15, $0x3;
	[sflag:s3] =	ssyncset.done $0x0  }
0x2b: {  	s14 =	sadd.s32 s16, s14;
	[sflag:s3] =	ssyncadd.s32 $0xFFFE0C00  }
0x2c: {  	[tilespmem:s2], [sflag:$0x2] =	stream.linear.gather [hbm4b:s14+s2], $0x3E8, $0x38;
	[tilespmem:$0x1F800] =	vst v63  }
0x2d: {  	_ =	swait.ge [sflag:s3], $0x3E8  }
0x2e: {  	[sflag:s3] =	ssyncset.done $0x0  }
0x2f: {  	[sflag:s3] =	ssyncadd.s32 $0xFFFFFC18  }
0x30: {  	[tilespmem:s7], [sflag:$0x1] =	stream.indirect.gather [hbm4b:s5+s6], $0x80, s2, s6, $0xb8;
	[tilespmem:$0x1F800] =	vst v63  }
0x31: {  	_ =	swait.ge [sflag:s8], $0x1F400  }
0x32: {  	s15 =	sshll.u32 s15, $0x4;
	[sflag:s8] =	ssyncset.done $0x0  }
0x33: {  	s15 =	sadd.s32 s19, s15;
	[sflag:s8] =	ssyncadd.s32 $0xFFFE0C00  }
0x34: {  	[hbm4b:s15+s2] =	stream.linear.scatter [tilespmem:s7], [sflag:$0x2], $0x1F400, $0x38;
	[tilespmem:$0x1F800] =	vst v63  }
0x35: {  	s18 =	sadd.s32 $0xFA0, s18;
	_ =	swait.ge [sflag:s3], $0x1F400  }
0x36: {  	s20 =	sshrl.u32 s18, $0x3;
	[sflag:s3] =	ssyncset.done $0x0  }
0x37: {  	s17 =	ssub.s32 $0x2, s17;
	s16 =	sadd.s32 s16, s20;
	[sflag:s3] =	ssyncadd.s32 $0xFFFE0C00  }
0x38: {  	[tilespmem:s2], [sflag:$0x2] =	stream.linear.gather [hbm4b:s16+s2], $0x3E8, $0x38;
	[tilespmem:$0x1F800] =	vst v63  }
0x39: {  	s29 =	sshrl.u32 s17, $0x1;
	_ =	swait.ge [sflag:s3], $0x3E8  }
0x3a: {  	s20 =	ssub.s32 s17, s29;
	[sflag:s3] =	ssyncset.done $0x0  }
0x3b: {  	s31 =	smax.u32 s20, $0x1;
	[sflag:s3] =	ssyncadd.s32 $0xFFFFFC18  }
0x3c: {  	[tilespmem:s7], [sflag:$0x1] =	stream.indirect.gather [hbm4b:s5+s6], $0x80, s2, s6, $0xb8;
	[tilespmem:$0x1F800] =	vst v63  }
0x3d: {  	p0 =	sne.s32 s31, $0x1;
	_ =	swait.ge [sflag:s8], $0x1F400  }
.Ltmp0:
0x3e: {  	s30 =	sshll.u32 s18, $0x4;
	[sflag:s8] =	ssyncset.done $0x0;
	(pc) =	sbr.rel @!p0 .LBB2_2-.Ltmp0, $4  }
0x3f: {  	s17 =	sadd.s32 s19, s30;
	[sflag:s8] =	ssyncadd.s32 $0xFFFE0C00  }
0x40: {  	[hbm4b:s17+s2] =	stream.linear.scatter [tilespmem:s7], [sflag:$0x2], $0x1F400, $0x38;
	[tilespmem:$0x1F800] =	vst v63  }
0x41: {  	_ =	swait.ge [sflag:s3], $0x1F400  }
0x42: {  	s18 =	sadd.s32 $0xFFFFFFFF, s31;
	[sflag:s3] =	ssyncset.done $0x0  }
.LBB2_1:
0x43: {  	p0 =	sne.s32 s18, $0x1;
	s18 =	sadd.s32 $0xFFFFFFFF, s18;
	[sflag:s3] =	ssyncadd.s32 $0xFFFE0C00  }
0x44: {  	[tilespmem:s2], [sflag:$0x2] =	stream.linear.gather [hbm4b:s4+s2], $0x3E8, $0x38;
	[tilespmem:$0x1F800] =	vst v63  }
0x45: {  	_ =	swait.ge [sflag:s3], $0x3E8  }
0x46: {  	[sflag:s3] =	ssyncset.done $0x0  }
0x47: {  	[sflag:s3] =	ssyncadd.s32 $0xFFFFFC18  }
0x48: {  	[tilespmem:s7], [sflag:$0x1] =	stream.indirect.gather [hbm4b:s5+s6], $0x80, s2, s6, $0xb8;
	[tilespmem:$0x1F800] =	vst v63  }
0x49: {  	_ =	swait.ge [sflag:s8], $0x1F400  }
0x4a: {  	[sflag:s8] =	ssyncset.done $0x0  }
0x4b: {  	[sflag:s8] =	ssyncadd.s32 $0xFFFE0C00  }
0x4c: {  	[hbm4b:s9+s2] =	stream.linear.scatter [tilespmem:s7], [sflag:$0x2], $0x1F400, $0x38;
	[tilespmem:$0x1F800] =	vst v63  }
0x4d: {  	_ =	swait.ge [sflag:s3], $0x1F400  }
0x4e: {  	[sflag:s3] =	ssyncset.done $0x0  }
0x4f: {  	[sflag:s3] =	ssyncadd.s32 $0xFFFE0C00  }
0x50: {  	[tilespmem:s2], [sflag:$0x2] =	stream.linear.gather [hbm4b:s10+s2], $0x3E8, $0x38;
	[tilespmem:$0x1F800] =	vst v63  }
0x51: {  	_ =	swait.ge [sflag:s3], $0x3E8  }
0x52: {  	[sflag:s3] =	ssyncset.done $0x0  }
0x53: {  	[sflag:s3] =	ssyncadd.s32 $0xFFFFFC18  }
0x54: {  	[tilespmem:s7], [sflag:$0x1] =	stream.indirect.gather [hbm4b:s5+s6], $0x80, s2, s6, $0xb8;
	[tilespmem:$0x1F800] =	vst v63  }
0x55: {  	_ =	swait.ge [sflag:s8], $0x1F400  }
0x56: {  	[sflag:s8] =	ssyncset.done $0x0  }
0x57: {  	[sflag:s8] =	ssyncadd.s32 $0xFFFE0C00  }
0x58: {  	[hbm4b:s11+s2] =	stream.linear.scatter [tilespmem:s7], [sflag:$0x2], $0x1F400, $0x38;
	[tilespmem:$0x1F800] =	vst v63  }
0x59: {  	_ =	swait.ge [sflag:s3], $0x1F400  }
0x5a: {  	[sflag:s3] =	ssyncset.done $0x0  }
0x5b: {  	[sflag:s3] =	ssyncadd.s32 $0xFFFE0C00  }
0x5c: {  	[tilespmem:s2], [sflag:$0x2] =	stream.linear.gather [hbm4b:s12+s2], $0x3E8, $0x38;
	[tilespmem:$0x1F800] =	vst v63  }
0x5d: {  	_ =	swait.ge [sflag:s3], $0x3E8  }
0x5e: {  	[sflag:s3] =	ssyncset.done $0x0  }
0x5f: {  	[sflag:s3] =	ssyncadd.s32 $0xFFFFFC18  }
0x60: {  	[tilespmem:s7], [sflag:$0x1] =	stream.indirect.gather [hbm4b:s5+s6], $0x80, s2, s6, $0xb8;
	[tilespmem:$0x1F800] =	vst v63  }
0x61: {  	_ =	swait.ge [sflag:s8], $0x1F400  }
0x62: {  	[sflag:s8] =	ssyncset.done $0x0  }
0x63: {  	[sflag:s8] =	ssyncadd.s32 $0xFFFE0C00  }
0x64: {  	[hbm4b:s13+s2] =	stream.linear.scatter [tilespmem:s7], [sflag:$0x2], $0x1F400, $0x38;
	[tilespmem:$0x1F800] =	vst v63  }
0x65: {  	_ =	swait.ge [sflag:s3], $0x1F400  }
0x66: {  	[sflag:s3] =	ssyncset.done $0x0  }
0x67: {  	[sflag:s3] =	ssyncadd.s32 $0xFFFE0C00  }
0x68: {  	[tilespmem:s2], [sflag:$0x2] =	stream.linear.gather [hbm4b:s14+s2], $0x3E8, $0x38;
	[tilespmem:$0x1F800] =	vst v63  }
0x69: {  	_ =	swait.ge [sflag:s3], $0x3E8  }
0x6a: {  	[sflag:s3] =	ssyncset.done $0x0  }
0x6b: {  	[sflag:s3] =	ssyncadd.s32 $0xFFFFFC18  }
0x6c: {  	[tilespmem:s7], [sflag:$0x1] =	stream.indirect.gather [hbm4b:s5+s6], $0x80, s2, s6, $0xb8;
	[tilespmem:$0x1F800] =	vst v63  }
0x6d: {  	_ =	swait.ge [sflag:s8], $0x1F400  }
0x6e: {  	[sflag:s8] =	ssyncset.done $0x0  }
0x6f: {  	[sflag:s8] =	ssyncadd.s32 $0xFFFE0C00  }
0x70: {  	[hbm4b:s15+s2] =	stream.linear.scatter [tilespmem:s7], [sflag:$0x2], $0x1F400, $0x38;
	[tilespmem:$0x1F800] =	vst v63  }
0x71: {  	_ =	swait.ge [sflag:s3], $0x1F400  }
0x72: {  	[sflag:s3] =	ssyncset.done $0x0  }
0x73: {  	[sflag:s3] =	ssyncadd.s32 $0xFFFE0C00  }
0x74: {  	[tilespmem:s2], [sflag:$0x2] =	stream.linear.gather [hbm4b:s16+s2], $0x3E8, $0x38;
	[tilespmem:$0x1F800] =	vst v63  }
0x75: {  	_ =	swait.ge [sflag:s3], $0x3E8  }
0x76: {  	[sflag:s3] =	ssyncset.done $0x0  }
0x77: {  	[sflag:s3] =	ssyncadd.s32 $0xFFFFFC18  }
0x78: {  	[tilespmem:s7], [sflag:$0x1] =	stream.indirect.gather [hbm4b:s5+s6], $0x80, s2, s6, $0xb8;
	[tilespmem:$0x1F800] =	vst v63  }
0x79: {  	_ =	swait.ge [sflag:s8], $0x1F400  }
.Ltmp1:
0x7a: {  	[sflag:s8] =	ssyncset.done $0x0;
	(pc) =	sbr.rel @p0 .LBB2_1-.Ltmp1, $4  }
0x7b: {  	[sflag:s8] =	ssyncadd.s32 $0xFFFE0C00  }
0x7c: {  	[hbm4b:s17+s2] =	stream.linear.scatter [tilespmem:s7], [sflag:$0x2], $0x1F400, $0x38;
	[tilespmem:$0x1F800] =	vst v63  }
0x7d: {  	_ =	swait.ge [sflag:s3], $0x1F400  }
0x7e: {  	[sflag:s3] =	ssyncset.done $0x0  }
.LBB2_2:
0x7f: {  	[sflag:s3] =	ssyncadd.s32 $0xFFFE0C00  }
0x80: {  	_ =	sfence.sel $0x180000  }
0x81: {  	[bflag:$0x0] =	sbarrier.arrive $0xFFFF  }
0x82: {  	p0 =	sne.s32 s0, $0x0;
	_ =	strace $0x90000050  }
0x83: {  	s0 =	sadd.s32 @!p0 $0x100000, s1;
	[bflag:$0x2] =	sbarrier.arrive $0xFFFF  }
0x84: {  	[sflag:s0] =	ssyncadd.tile.s32 @!p0 $0x1;
	_ =	shalt  }
.Lfunc_end2:
_tile_overlayer_lowered:
.L_overlay_start_2:
0x85: {  	(tag) =	ssettag $0x2  }
0x86: {  	s0 =	rddreg [dreg:$0x0];
	s2 =	stileid.u32  }
0x87: {  	s1 =	rddreg [dreg:$0x1];
	p0 =	sne.s32 s2, $0x0  }
0x88: {  	s3 =	rddreg [dreg:$0x2];
	[bflag:$0x3] =	sbarrier.arrive $0xFFFF;
	s2 =	simm.s32 @!p0 $0x1C02  }
0x89: {  	[timem:s3], [sflag:s2] =	dma.local @!p0 [hbm:s0], s1  }
0x8a: {  	s0 =	simm.s32 @!p0 $0x2  }
0x8b: {  	_ =	swait.ge @!p0 [sflag:s0], s1  }
0x8c: {  	s1 =	ssub.s32 @!p0 $0x0, s1;
	[sflag:s0] =	ssyncset.done @!p0 $0x0  }
0x8d: {  	[sflag:s0] =	ssyncadd.s32 @!p0 s1  }
0x8e: {  	[bflag:$0x3] =	sbarrier.arrive $0xFFFF  }
0x8f: {  	_ =	shalt  }

// kernel: kernel.27.cloned.1.call-start
scs
__scs_entry_jumppad:
0x0: {  	(pc) =	sbr.rel $0x88, $3  }
0x1: {  	(tag) =	ssettag $0x0;
	lr =	simm.s32 $0x1  }
0x2: {  	[smem:$0x3F88] =	sst lr;
	_ =	strace $0xD0000000  }
0x3: {  	_ = 	snop  }
0x4: {  	_ = 	snop  }
0x5: {  	_ = 	snop  }
0x6: {  	_ = 	snop  }
0x7: {  	_ = 	snop  }
__scs_overlays_trampoline_lowered:
0x8: {  	[smem:$0x3F97] =	sst s0  }
0x9: {  	[smem:$0x3F98] =	sst s1  }
0xa: {  	[smem:$0x3F99] =	sst s2  }
0xb: {  	[smem:$0x3F9A] =	sst s3  }
0xc: {  	[smem:$0x3F9B] =	sst s4  }
0xd: {  	[smem:$0x3F9C] =	sst s5  }
0xe: {  	[smem:$0x3F9D] =	sst s6  }
0xf: {  	[smem:$0x3F9E] =	sst s7  }
0x10: {  	[smem:$0x3F9F] =	sst s8  }
0x11: {  	[smem:$0x3FA0] =	sst s9;
	s0 =	simm.s32 @!p0 $0x0  }
0x12: {  	s1 =	sld [smem:$0x3F86];
	s0 =	simm.s32 @p0 $0x1  }
0x13: {  	[smem:$0x3FA1] =	sst s0;
	s0 =	simm.s32 @!p1 $0x0  }
0x14: {  	s2 =	sld [smem:$0x3F85];
	s0 =	simm.s32 @p1 $0x1  }
0x15: {  	[smem:$0x3FA2] =	sst s0;
	s0 =	simm.s32 @!p2 $0x0  }
0x16: {  	s3 =	sld [smem:$0x3FDB];
	s0 =	simm.s32 @p2 $0x1  }
0x17: {  	s4 =	simm.s32 $0x1BF5;
	[smem:$0x3FA4] =	sst s0  }
0x18: {  	s0 =	sld [smem:$0x3F87];
	_ =	swait.ge [sflag:s4], $0x0  }
0x19: {  	s7 =	sld [smem:$0x3F88]  }
0x1a: {  	s8 =	sadd.s32 $0xFFFFE003, lr  }
0x1b: {  	s9 =	sadd.s32 $0xFFFFFEF7, lr;
	s5 =	simm.s32 $0xFFFFFFFF;
	p2 =	slt.u32 s8, $0xFFFFF086  }
0x1c: {  	p1 =	slt.u32 s9, $0xF7A;
	s5 =	simm.s32 @!p2 $0x0  }
0x1d: {  	s5 =	simm.s32 @p1 $0x1;
	p0 =	seq.s32 s7, s2  }
0x1e: {  	s7 =	smul.u32 @!p0 $0xF7A, s2;
	p2 =	seq.s32 @!p0 s5, $0x0  }
0x1f: {  	s9 =	smul.u32 $0xF7A, s1;
	s8 =	simm.s32 @!p0 $0x1BF5;
	p2 =	por !p2, p0  }
0x20: {  	[sflag:s8] =	ssyncset.s32 @!p0 $0xFFFFF086;
	s6 =	sadd.s32 @!p0 s3, s7;
	s7 =	simm.s32 @!p0 $0x108  }
0x21: {  	s3 =	sadd.s32 s3, s9;
	s6 =	sadd.s32 @!p0 $0x88, s6;
	s7 =	simm.s32 @p2 $0x1082  }
0x22: {  	[simem:s7], [sflag:s8] =	dma.local @!p0 [hbm:s6], $0xF7A  }
0x23: {  	s9 =	sor.u32 $0xD0000000, s2;
	s6 =	simm.s32 $0x108;
	_ =	swait.ge @!p0 [sflag:s8], $0x0  }
0x24: {  	s3 =	sadd.s32 $0x88, s3;
	s6 =	simm.s32 @!p1 $0x1082;
	[sflag:s4] =	ssyncset.s32 $0xFFFFF086  }
0x25: {  	[simem:s6], [sflag:s4] =	dma.local [hbm:s3], $0xF7A  }
0x26: {  	[smem:$0x3F88] =	sst s1;
	(tag) =	ssettag s2;
	_ =	strace s9  }
0x27: {  	s1 =	sld [smem:$0x3F98]  }
0x28: {  	s2 =	sld [smem:$0x3F99]  }
0x29: {  	s4 =	sld [smem:$0x3F9B]  }
0x2a: {  	p0 =	seq.s32 s5, $0x0;
	s5 =	sld [smem:$0x3F9C]  }
0x2b: {  	s6 =	sld [smem:$0x3F9D]  }
0x2c: {  	s7 =	sld [smem:$0x3F9E]  }
0x2d: {  	s3 =	simm.s32 $0x108;
	s8 =	sld [smem:$0x3F9F]  }
0x2e: {  	s3 =	simm.s32 @!p0 $0x1082;
	s9 =	sld [smem:$0x3FA0]  }
0x2f: {  	lr =	sadd.s32 s0, s3;
	s0 =	sld [smem:$0x3F97]  }
0x30: {  	s3 =	sld [smem:$0x3F9A]  }
0x31: {  	[smem:$0x3FA3] =	sst s10  }
0x32: {  	s10 =	sld [smem:$0x3FA1];
	_ =	sdelay $0x3  }
0x33: {  	p0 =	seq.s32 s10, $0x1;
	s10 =	sld [smem:$0x3FA3];
	_ =	sdelay $0x3  }
0x34: {  	[smem:$0x3FA3] =	sst s10  }
0x35: {  	s10 =	sld [smem:$0x3FA2];
	_ =	sdelay $0x3  }
0x36: {  	p1 =	seq.s32 s10, $0x1;
	s10 =	sld [smem:$0x3FA3];
	_ =	sdelay $0x3  }
0x37: {  	[smem:$0x3FA3] =	sst s10  }
0x38: {  	s10 =	sld [smem:$0x3FA4]  }
0x39: {  	_ = 	snop;
	(pc) =	sbr.ind lr, $3  }
0x3a: {  	_ = 	snop  }
0x3b: {  	_ = 	snop  }
0x3c: {  	p2 =	seq.s32 s10, $0x1;
	s10 =	sld [smem:$0x3FA3]  }
0x3d: {  	_ =	shalt  }
0x3e: {  	_ =	shalt  }
0x3f: {  	_ =	shalt  }
0x40: {  	_ =	shalt  }
0x41: {  	_ =	shalt  }
0x42: {  	_ =	shalt  }
0x43: {  	_ =	shalt  }
0x44: {  	_ =	shalt  }
0x45: {  	_ =	shalt  }
0x46: {  	_ =	shalt  }
0x47: {  	_ =	shalt  }
0x48: {  	_ =	shalt  }
0x49: {  	_ =	shalt  }
0x4a: {  	_ =	shalt  }
0x4b: {  	_ =	shalt  }
0x4c: {  	_ =	shalt  }
0x4d: {  	_ =	shalt  }
0x4e: {  	_ =	shalt  }
0x4f: {  	_ =	shalt  }
0x50: {  	_ =	shalt  }
0x51: {  	_ =	shalt  }
0x52: {  	_ =	shalt  }
0x53: {  	_ =	shalt  }
0x54: {  	_ =	shalt  }
0x55: {  	_ =	shalt  }
0x56: {  	_ =	shalt  }
0x57: {  	_ =	shalt  }
0x58: {  	_ =	shalt  }
0x59: {  	_ =	shalt  }
0x5a: {  	_ =	shalt  }
0x5b: {  	_ =	shalt  }
0x5c: {  	_ =	shalt  }
0x5d: {  	_ =	shalt  }
0x5e: {  	_ =	shalt  }
0x5f: {  	_ =	shalt  }
0x60: {  	_ =	shalt  }
0x61: {  	_ =	shalt  }
0x62: {  	_ =	shalt  }
0x63: {  	_ =	shalt  }
0x64: {  	_ =	shalt  }
0x65: {  	_ =	shalt  }
0x66: {  	_ =	shalt  }
0x67: {  	_ =	shalt  }
0x68: {  	_ =	shalt  }
0x69: {  	_ =	shalt  }
0x6a: {  	_ =	shalt  }
0x6b: {  	_ =	shalt  }
0x6c: {  	_ =	shalt  }
0x6d: {  	_ =	shalt  }
0x6e: {  	_ =	shalt  }
0x6f: {  	_ =	shalt  }
0x70: {  	_ =	shalt  }
0x71: {  	_ =	shalt  }
0x72: {  	_ =	shalt  }
0x73: {  	_ =	shalt  }
0x74: {  	_ =	shalt  }
0x75: {  	_ =	shalt  }
0x76: {  	_ =	shalt  }
0x77: {  	_ =	shalt  }
0x78: {  	_ =	shalt  }
0x79: {  	_ =	shalt  }
0x7a: {  	_ =	shalt  }
0x7b: {  	_ =	shalt  }
0x7c: {  	_ =	shalt  }
0x7d: {  	_ =	shalt  }
0x7e: {  	_ =	shalt  }
0x7f: {  	_ =	shalt  }
0x80: {  	_ =	shalt  }
0x81: {  	_ =	shalt  }
0x82: {  	_ =	shalt  }
0x83: {  	_ =	shalt  }
0x84: {  	_ =	shalt  }
0x85: {  	_ =	shalt  }
0x86: {  	_ =	shalt  }
0x87: {  	_ =	shalt  }
.Lfunc_end0:
.L_simem_size_0:
called_computation.4_lowered:
.L_overlay_start_0:
0x88: {  	s2 =	sld [smem:$0x3FD9]  }
0x89: {  	s3 =	sld [smem:$0x3FFE];
	_ =	sdelay $0x1  }
0x8a: {  	s1 =	srdreg.scid  }
0x8b: {  	s0 =	sand.u32 $0x1, s1  }
0x8c: {  	s14 =	sshll.u32 s0, $0xA;
	s2 =	sadd.s32 s3, s2  }
0x8d: {  	s2 =	sadd.s32 s2, s14  }
0x8e: {  	[smem:$0x3FAF] =	sst s2  }
0x8f: {  	_ = 	snop  }
0x90: {  	s2 =	sld [smem:$0x3FD0];
	_ =	sdelay $0x2  }
0x91: {  	s15 =	simm.s32 $0xB;
	s4 =	simm.s32 $0x10  }
0x92: {  	[smem:s4], [sflag:s15] =	dma.local [hbm:s2], $0x1  }
0x93: {  	_ =	swait.eq [sflag:s15], $0x1  }
0x94: {  	[sflag:s15] =	ssyncset.done $0x0  }
0x95: {  	[sflag:s15] =	ssyncadd.s32 $0xFFFFFFFF  }
0x96: {  	s16 =	sld [smem:$0x11];
	(tm) =	ssettm $0x1  }
0x97: {  	s17 =	sld [smem:$0x3FFB];
	_ =	sdelay $0x3  }
0x98: {  	_ =	strace s17  }
0x99: {  	s3 =	sld [smem:$0x3FFC];
	_ =	sdelay $0x3  }
0x9a: {  	_ =	strace s3  }
0x9b: {  	s3 =	sld [smem:$0x3FFD];
	_ =	sdelay $0x3  }
0x9c: {  	_ =	strace s3  }
0x9d: {  	_ =	strace $0x8FFFFFFF  }
0x9e: {  	s18 =	sld [smem:$0x3FDB];
	_ =	sdelay $0x1  }
0x9f: {  	s19 =	simm.s32 $_scs_section_size  }
0xa0: {  	s5 =	simm.s32 $_size__tile_overlayer_lowered;
	s6 =	simm.s32 $_tile_overlayer_lowered  }
0xa1: {  	s22 =	simm.s32 $0x1BFF;
	s21 =	sshll.u32 s6, $0x1;
	s3 =	sadd.s32 s19, s18  }
0xa2: {  	s7 =	simm.s32 $0x0;
	s20 =	sshll.u32 s5, $0x1;
	s5 =	sadd.s32 s21, s3  }
0xa3: {  	[timem:s7], [sflag:s22] =	dma.local [hbm:s5], s20  }
0xa4: {  	_ =	swait.ge [sflag:s22], s20  }
0xa5: {  	s4 =	ssub.s32 $0x0, s20;
	[sflag:s22] =	ssyncset.done $0x0  }
0xa6: {  	[sflag:s22] =	ssyncadd.s32 s4;
	_ =	sdelay $0x1  }
0xa7: {  	s23 =	simm.s32 $0x1B8B  }
0xa8: {  	_ =	swait.ge [sflag:s23], $0x1  }
0xa9: {  	[sflag:s23] =	ssyncset.done $0x0  }
0xaa: {  	s25 =	simm.s32 $0x1B8E;
	s24 =	sld [smem:$0x3FFE];
	[sflag:s23] =	ssyncadd.s32 $0xFFFFFFFF  }
0xab: {  	s26 =	simm.s32 $execute0_lowered;
	[smem:$0x3FD2] =	sst s25  }
0xac: {  	s5 =	sshll.u32 s26, $0x1;
	_ =	strace $0x80000052;
	[dreg:$0x1] =	wrdreg $0xFFFFFFFF  }
0xad: {  	s28 =	simm.s32 $_size_execute0_lowered;
	s3 =	sadd.s32 s3, s5;
	[dreg:$0x0] =	wrdreg $0x0  }
0xae: {  	s5 =	sshll.u32 s28, $0x1;
	[dreg:$0x2] =	wrdreg s3  }
0xaf: {  	[dreg:$0x3] =	wrdreg s5  }
0xb0: {  	[dreg:$0x4] =	wrdreg $0xC0  }
0xb1: {  	_ =	task [dreg:s7], $0x5FFFF  }
0xb2: {  	[dreg:$0x1] =	wrdreg $0xFFFFFFFF  }
0xb3: {  	[dreg:$0x0] =	wrdreg $0x60  }
0xb4: {  	[dreg:$0x2] =	wrdreg s24  }
0xb5: {  	[dreg:$0x3] =	wrdreg s16  }
0xb6: {  	[dreg:$0x4] =	wrdreg $0x9  }
0xb7: {  	_ =	task.clear_ibuf [dreg:s7], $0x5FFFF;
	_ =	strace $0x90000052  }
0xb8: {  	s29 =	simm.s32 $0x9;
	_ =	strace $0x80000054  }
0xb9: {  	_ =	swait.ge [sflag:s29], $0x1  }
0xba: {  	[sflag:s29] =	ssyncadd.s32 $0xFFFFFFFF  }
0xbb: {  	_ =	strace $0x90000054  }
0xbc: {  	_ =	sfence  }
0xbd: {  	s30 =	sld [smem:$0x0];
	_ =	sdelay $0x2  }
0xbe: {  	s31 =	sshll.u32 s1, $0xD;
	s1 =	sshrl.u32 s1, $0x2  }
0xbf: {  	s3 =	sand.u32 $0x4000, s31;
	s1 =	sadd.s32 s1, s30  }
0xc0: {  	s0 =	sor.u32 s3, s0;
	s1 =	sshll.u32 s1, $0x11  }
0xc1: {  	s0 =	sor.u32 s1, s0  }
0xc2: {  	s0 =	sadd.s32 $0x8F2B, s0  }
0xc3: {  	[sflag:s0] =	ssyncadd.remote.s32 $0x1  }
0xc4: {  	_ =	sfence.sel $0xFFFF  }
0xc5: {  	[dreg:$0x0] =	wrdreg $0xFFFFFFFF;
	(pc) =	sbr.abs _section_cstart, $3  }
0xc6: {  	[dreg:$0x1] =	wrdreg $0xFFFFFFFF  }
0xc7: {  	_ =	task.clear_ibuf [dreg:s7], $0x2FFFF;
	_ =	strace $0x9FFFFFFF  }
0xc8: {  	(tm) =	ssettm $0x7FFFFFFF  }
0xc9: {  	_ =	shalt  }
tec
execute0_lowered:
.L_overlay_start_1:
0x0: {  	(tag) =	ssettag $0x1  }
0x1: {  	s1 =	srdreg.scid;
	s0 =	stileid.u32  }
0x2: {  	s17 =	sand.u32 $0x1, s1;
	s26 =	sshll.u32 s0, $0x1  }
0x3: {  	s9 =	rddreg [dreg:$0x0];
	s10 =	sor.u32 s17, s26  }
0x4: {  	s16 =	rddreg [dreg:$0x1];
	s18 =	smul.u32 $0x1388, s10  }
0x5: {  	s2 =	simm.s32 $0x0;
	s1 =	rddreg [dreg:$0x2]  }
0x6: {  	[smem:$0x7FF] =	sst s2;
	s3 =	sshrl.u32 s18, $0x3  }
0x7: {  	_ =	strace $0x80000053;
	s4 =	sadd.s32 s16, s3;
	s3 =	simm.s32 $0x2  }
0x8: {  	[tilespmem:s2], [sflag:$0x2] =	stream.linear.gather [hbm4b:s4+s2], $0x3E8, $0x38;
	[tilespmem:$0x1F800] =	vst v63  }
0x9: {  	_ =	swait.ge [sflag:s3], $0x3E8  }
0xa: {  	s6 =	simm.s32 $0x3E8;
	s7 =	simm.s32 $0x400;
	[sflag:s3] =	ssyncset.done $0x0  }
0xb: {  	s8 =	simm.s32 $0x1;
	s5 =	sadd.s32 $0x251200, s9;
	[sflag:s3] =	ssyncadd.s32 $0xFFFFFC18  }
0xc: {  	[tilespmem:s7], [sflag:$0x1] =	stream.indirect.gather [hbm4b:s5+s6], $0x80, s2, s6, $0xb8;
	[tilespmem:$0x1F800] =	vst v63  }
0xd: {  	s10 =	smul.u32 $0x13880, s10;
	_ =	swait.ge [sflag:s8], $0x1F400  }
0xe: {  	s19 =	sadd.s32 $0x4C2200, s9;
	[sflag:s8] =	ssyncset.done $0x0  }
0xf: {  	s9 =	sadd.s32 s19, s10;
	[sflag:s8] =	ssyncadd.s32 $0xFFFE0C00  }
0x10: {  	[hbm4b:s9+s2] =	stream.linear.scatter [tilespmem:s7], [sflag:$0x2], $0x1F400, $0x38;
	[tilespmem:$0x1F800] =	vst v63  }
0x11: {  	s11 =	sadd.s32 $0x3E8, s18;
	_ =	swait.ge [sflag:s3], $0x1F400  }
0x12: {  	s28 =	sshrl.u32 s11, $0x3;
	[sflag:s3] =	ssyncset.done $0x0  }
0x13: {  	s10 =	sadd.s32 s16, s28;
	[sflag:s3] =	ssyncadd.s32 $0xFFFE0C00  }
0x14: {  	[tilespmem:s2], [sflag:$0x2] =	stream.linear.gather [hbm4b:s10+s2], $0x3E8, $0x38;
	[tilespmem:$0x1F800] =	vst v63  }
0x15: {  	_ =	swait.ge [sflag:s3], $0x3E8  }
0x16: {  	[sflag:s3] =	ssyncset.done $0x0  }
0x17: {  	[sflag:s3] =	ssyncadd.s32 $0xFFFFFC18  }
0x18: {  	[tilespmem:s7], [sflag:$0x1] =	stream.indirect.gather [hbm4b:s5+s6], $0x80, s2, s6, $0xb8;
	[tilespmem:$0x1F800] =	vst v63  }
0x19: {  	_ =	swait.ge [sflag:s8], $0x1F400  }
0x1a: {  	s11 =	sshll.u32 s11, $0x4;
	[sflag:s8] =	ssyncset.done $0x0  }
0x1b: {  	s11 =	sadd.s32 s19, s11;
	[sflag:s8] =	ssyncadd.s32 $0xFFFE0C00  }
0x1c: {  	[hbm4b:s11+s2] =	stream.linear.scatter [tilespmem:s7], [sflag:$0x2], $0x1F400, $0x38;
	[tilespmem:$0x1F800] =	vst v63  }
0x1d: {  	s13 =	sadd.s32 $0x7D0, s18;
	_ =	swait.ge [sflag:s3], $0x1F400  }
0x1e: {  	s12 =	sshrl.u32 s13, $0x3;
	[sflag:s3] =	ssyncset.done $0x0  }
0x1f: {  	s12 =	sadd.s32 s16, s12;
	[sflag:s3] =	ssyncadd.s32 $0xFFFE0C00  }
0x20: {  	[tilespmem:s2], [sflag:$0x2] =	stream.linear.gather [hbm4b:s12+s2], $0x3E8, $0x38;
	[tilespmem:$0x1F800] =	vst v63  }
0x21: {  	_ =	swait.ge [sflag:s3], $0x3E8  }
0x22: {  	[sflag:s3] =	ssyncset.done $0x0  }
0x23: {  	[sflag:s3] =	ssyncadd.s32 $0xFFFFFC18  }
0x24: {  	[tilespmem:s7], [sflag:$0x1] =	stream.indirect.gather [hbm4b:s5+s6], $0x80, s2, s6, $0xb8;
	[tilespmem:$0x1F800] =	vst v63  }
0x25: {  	_ =	swait.ge [sflag:s8], $0x1F400  }
0x26: {  	s13 =	sshll.u32 s13, $0x4;
	[sflag:s8] =	ssyncset.done $0x0  }
0x27: {  	s13 =	sadd.s32 s19, s13;
	[sflag:s8] =	ssyncadd.s32 $0xFFFE0C00  }
0x28: {  	[hbm4b:s13+s2] =	stream.linear.scatter [tilespmem:s7], [sflag:$0x2], $0x1F400, $0x38;
	[tilespmem:$0x1F800] =	vst v63  }
0x29: {  	s15 =	sadd.s32 $0xBB8, s18;
	_ =	swait.ge [sflag:s3], $0x1F400  }
0x2a: {  	s14 =	sshrl.u32 s15, $0x3;
	[sflag:s3] =	ssyncset.done $0x0  }
0x2b: {  	s14 =	sadd.s32 s16, s14;
	[sflag:s3] =	ssyncadd.s32 $0xFFFE0C00  }
0x2c: {  	[tilespmem:s2], [sflag:$0x2] =	stream.linear.gather [hbm4b:s14+s2], $0x3E8, $0x38;
	[tilespmem:$0x1F800] =	vst v63  }
0x2d: {  	_ =	swait.ge [sflag:s3], $0x3E8  }
0x2e: {  	[sflag:s3] =	ssyncset.done $0x0  }
0x2f: {  	[sflag:s3] =	ssyncadd.s32 $0xFFFFFC18  }
0x30: {  	[tilespmem:s7], [sflag:$0x1] =	stream.indirect.gather [hbm4b:s5+s6], $0x80, s2, s6, $0xb8;
	[tilespmem:$0x1F800] =	vst v63  }
0x31: {  	_ =	swait.ge [sflag:s8], $0x1F400  }
0x32: {  	s15 =	sshll.u32 s15, $0x4;
	[sflag:s8] =	ssyncset.done $0x0  }
0x33: {  	s15 =	sadd.s32 s19, s15;
	[sflag:s8] =	ssyncadd.s32 $0xFFFE0C00  }
0x34: {  	[hbm4b:s15+s2] =	stream.linear.scatter [tilespmem:s7], [sflag:$0x2], $0x1F400, $0x38;
	[tilespmem:$0x1F800] =	vst v63  }
0x35: {  	s18 =	sadd.s32 $0xFA0, s18;
	_ =	swait.ge [sflag:s3], $0x1F400  }
0x36: {  	s20 =	sshrl.u32 s18, $0x3;
	[sflag:s3] =	ssyncset.done $0x0  }
0x37: {  	s17 =	ssub.s32 $0x2, s17;
	s16 =	sadd.s32 s16, s20;
	[sflag:s3] =	ssyncadd.s32 $0xFFFE0C00  }
0x38: {  	[tilespmem:s2], [sflag:$0x2] =	stream.linear.gather [hbm4b:s16+s2], $0x3E8, $0x38;
	[tilespmem:$0x1F800] =	vst v63  }
0x39: {  	s29 =	sshrl.u32 s17, $0x1;
	_ =	swait.ge [sflag:s3], $0x3E8  }
0x3a: {  	s20 =	ssub.s32 s17, s29;
	[sflag:s3] =	ssyncset.done $0x0  }
0x3b: {  	s31 =	smax.u32 s20, $0x1;
	[sflag:s3] =	ssyncadd.s32 $0xFFFFFC18  }
0x3c: {  	[tilespmem:s7], [sflag:$0x1] =	stream.indirect.gather [hbm4b:s5+s6], $0x80, s2, s6, $0xb8;
	[tilespmem:$0x1F800] =	vst v63  }
0x3d: {  	p0 =	sne.s32 s31, $0x1;
	_ =	swait.ge [sflag:s8], $0x1F400  }
.Ltmp0:
0x3e: {  	s30 =	sshll.u32 s18, $0x4;
	[sflag:s8] =	ssyncset.done $0x0;
	(pc) =	sbr.rel @!p0 .LBB2_2-.Ltmp0, $4  }
0x3f: {  	s17 =	sadd.s32 s19, s30;
	[sflag:s8] =	ssyncadd.s32 $0xFFFE0C00  }
0x40: {  	[hbm4b:s17+s2] =	stream.linear.scatter [tilespmem:s7], [sflag:$0x2], $0x1F400, $0x38;
	[tilespmem:$0x1F800] =	vst v63  }
0x41: {  	_ =	swait.ge [sflag:s3], $0x1F400  }
0x42: {  	s18 =	sadd.s32 $0xFFFFFFFF, s31;
	[sflag:s3] =	ssyncset.done $0x0  }
.LBB2_1:
0x43: {  	p0 =	sne.s32 s18, $0x1;
	s18 =	sadd.s32 $0xFFFFFFFF, s18;
	[sflag:s3] =	ssyncadd.s32 $0xFFFE0C00  }
0x44: {  	[tilespmem:s2], [sflag:$0x2] =	stream.linear.gather [hbm4b:s4+s2], $0x3E8, $0x38;
	[tilespmem:$0x1F800] =	vst v63  }
0x45: {  	_ =	swait.ge [sflag:s3], $0x3E8  }
0x46: {  	[sflag:s3] =	ssyncset.done $0x0  }
0x47: {  	[sflag:s3] =	ssyncadd.s32 $0xFFFFFC18  }
0x48: {  	[tilespmem:s7], [sflag:$0x1] =	stream.indirect.gather [hbm4b:s5+s6], $0x80, s2, s6, $0xb8;
	[tilespmem:$0x1F800] =	vst v63  }
0x49: {  	_ =	swait.ge [sflag:s8], $0x1F400  }
0x4a: {  	[sflag:s8] =	ssyncset.done $0x0  }
0x4b: {  	[sflag:s8] =	ssyncadd.s32 $0xFFFE0C00  }
0x4c: {  	[hbm4b:s9+s2] =	stream.linear.scatter [tilespmem:s7], [sflag:$0x2], $0x1F400, $0x38;
	[tilespmem:$0x1F800] =	vst v63  }
0x4d: {  	_ =	swait.ge [sflag:s3], $0x1F400  }
0x4e: {  	[sflag:s3] =	ssyncset.done $0x0  }
0x4f: {  	[sflag:s3] =	ssyncadd.s32 $0xFFFE0C00  }
0x50: {  	[tilespmem:s2], [sflag:$0x2] =	stream.linear.gather [hbm4b:s10+s2], $0x3E8, $0x38;
	[tilespmem:$0x1F800] =	vst v63  }
0x51: {  	_ =	swait.ge [sflag:s3], $0x3E8  }
0x52: {  	[sflag:s3] =	ssyncset.done $0x0  }
0x53: {  	[sflag:s3] =	ssyncadd.s32 $0xFFFFFC18  }
0x54: {  	[tilespmem:s7], [sflag:$0x1] =	stream.indirect.gather [hbm4b:s5+s6], $0x80, s2, s6, $0xb8;
	[tilespmem:$0x1F800] =	vst v63  }
0x55: {  	_ =	swait.ge [sflag:s8], $0x1F400  }
0x56: {  	[sflag:s8] =	ssyncset.done $0x0  }
0x57: {  	[sflag:s8] =	ssyncadd.s32 $0xFFFE0C00  }
0x58: {  	[hbm4b:s11+s2] =	stream.linear.scatter [tilespmem:s7], [sflag:$0x2], $0x1F400, $0x38;
	[tilespmem:$0x1F800] =	vst v63  }
0x59: {  	_ =	swait.ge [sflag:s3], $0x1F400  }
0x5a: {  	[sflag:s3] =	ssyncset.done $0x0  }
0x5b: {  	[sflag:s3] =	ssyncadd.s32 $0xFFFE0C00  }
0x5c: {  	[tilespmem:s2], [sflag:$0x2] =	stream.linear.gather [hbm4b:s12+s2], $0x3E8, $0x38;
	[tilespmem:$0x1F800] =	vst v63  }
0x5d: {  	_ =	swait.ge [sflag:s3], $0x3E8  }
0x5e: {  	[sflag:s3] =	ssyncset.done $0x0  }
0x5f: {  	[sflag:s3] =	ssyncadd.s32 $0xFFFFFC18  }
0x60: {  	[tilespmem:s7], [sflag:$0x1] =	stream.indirect.gather [hbm4b:s5+s6], $0x80, s2, s6, $0xb8;
	[tilespmem:$0x1F800] =	vst v63  }
0x61: {  	_ =	swait.ge [sflag:s8], $0x1F400  }
0x62: {  	[sflag:s8] =	ssyncset.done $0x0  }
0x63: {  	[sflag:s8] =	ssyncadd.s32 $0xFFFE0C00  }
0x64: {  	[hbm4b:s13+s2] =	stream.linear.scatter [tilespmem:s7], [sflag:$0x2], $0x1F400, $0x38;
	[tilespmem:$0x1F800] =	vst v63  }
0x65: {  	_ =	swait.ge [sflag:s3], $0x1F400  }
0x66: {  	[sflag:s3] =	ssyncset.done $0x0  }
0x67: {  	[sflag:s3] =	ssyncadd.s32 $0xFFFE0C00  }
0x68: {  	[tilespmem:s2], [sflag:$0x2] =	stream.linear.gather [hbm4b:s14+s2], $0x3E8, $0x38;
	[tilespmem:$0x1F800] =	vst v63  }
0x69: {  	_ =	swait.ge [sflag:s3], $0x3E8  }
0x6a: {  	[sflag:s3] =	ssyncset.done $0x0  }
0x6b: {  	[sflag:s3] =	ssyncadd.s32 $0xFFFFFC18  }
0x6c: {  	[tilespmem:s7], [sflag:$0x1] =	stream.indirect.gather [hbm4b:s5+s6], $0x80, s2, s6, $0xb8;
	[tilespmem:$0x1F800] =	vst v63  }
0x6d: {  	_ =	swait.ge [sflag:s8], $0x1F400  }
0x6e: {  	[sflag:s8] =	ssyncset.done $0x0  }
0x6f: {  	[sflag:s8] =	ssyncadd.s32 $0xFFFE0C00  }
0x70: {  	[hbm4b:s15+s2] =	stream.linear.scatter [tilespmem:s7], [sflag:$0x2], $0x1F400, $0x38;
	[tilespmem:$0x1F800] =	vst v63  }
0x71: {  	_ =	swait.ge [sflag:s3], $0x1F400  }
0x72: {  	[sflag:s3] =	ssyncset.done $0x0  }
0x73: {  	[sflag:s3] =	ssyncadd.s32 $0xFFFE0C00  }
0x74: {  	[tilespmem:s2], [sflag:$0x2] =	stream.linear.gather [hbm4b:s16+s2], $0x3E8, $0x38;
	[tilespmem:$0x1F800] =	vst v63  }
0x75: {  	_ =	swait.ge [sflag:s3], $0x3E8  }
0x76: {  	[sflag:s3] =	ssyncset.done $0x0  }
0x77: {  	[sflag:s3] =	ssyncadd.s32 $0xFFFFFC18  }
0x78: {  	[tilespmem:s7], [sflag:$0x1] =	stream.indirect.gather [hbm4b:s5+s6], $0x80, s2, s6, $0xb8;
	[tilespmem:$0x1F800] =	vst v63  }
0x79: {  	_ =	swait.ge [sflag:s8], $0x1F400  }
.Ltmp1:
0x7a: {  	[sflag:s8] =	ssyncset.done $0x0;
	(pc) =	sbr.rel @p0 .LBB2_1-.Ltmp1, $4  }
0x7b: {  	[sflag:s8] =	ssyncadd.s32 $0xFFFE0C00  }
0x7c: {  	[hbm4b:s17+s2] =	stream.linear.scatter [tilespmem:s7], [sflag:$0x2], $0x1F400, $0x38;
	[tilespmem:$0x1F800] =	vst v63  }
0x7d: {  	_ =	swait.ge [sflag:s3], $0x1F400  }
0x7e: {  	[sflag:s3] =	ssyncset.done $0x0  }
.LBB2_2:
0x7f: {  	[sflag:s3] =	ssyncadd.s32 $0xFFFE0C00  }
0x80: {  	_ =	sfence.sel $0x180000  }
0x81: {  	[bflag:$0x0] =	sbarrier.arrive $0xFFFF  }
0x82: {  	p0 =	sne.s32 s0, $0x0;
	_ =	strace $0x90000053  }
0x83: {  	s0 =	sadd.s32 @!p0 $0x100000, s1;
	[bflag:$0x2] =	sbarrier.arrive $0xFFFF  }
0x84: {  	[sflag:s0] =	ssyncadd.tile.s32 @!p0 $0x1;
	_ =	shalt  }
.Lfunc_end2:
_tile_overlayer_lowered:
.L_overlay_start_2:
0x85: {  	(tag) =	ssettag $0x2  }
0x86: {  	s0 =	rddreg [dreg:$0x0];
	s2 =	stileid.u32  }
0x87: {  	s1 =	rddreg [dreg:$0x1];
	p0 =	sne.s32 s2, $0x0  }
0x88: {  	s3 =	rddreg [dreg:$0x2];
	[bflag:$0x3] =	sbarrier.arrive $0xFFFF;
	s2 =	simm.s32 @!p0 $0x1C02  }
0x89: {  	[timem:s3], [sflag:s2] =	dma.local @!p0 [hbm:s0], s1  }
0x8a: {  	s0 =	simm.s32 @!p0 $0x2  }
0x8b: {  	_ =	swait.ge @!p0 [sflag:s0], s1  }
0x8c: {  	s1 =	ssub.s32 @!p0 $0x0, s1;
	[sflag:s0] =	ssyncset.done @!p0 $0x0  }
0x8d: {  	[sflag:s0] =	ssyncadd.s32 @!p0 s1  }
0x8e: {  	[bflag:$0x3] =	sbarrier.arrive $0xFFFF  }
0x8f: {  	_ =	shalt  }

// kernel: kernel.30.cloned.1.call-start
scs
__scs_entry_jumppad:
0x0: {  	(pc) =	sbr.rel $0x88, $3  }
0x1: {  	(tag) =	ssettag $0x0;
	lr =	simm.s32 $0x1  }
0x2: {  	[smem:$0x3F88] =	sst lr;
	_ =	strace $0xD0000000  }
0x3: {  	_ = 	snop  }
0x4: {  	_ = 	snop  }
0x5: {  	_ = 	snop  }
0x6: {  	_ = 	snop  }
0x7: {  	_ = 	snop  }
__scs_overlays_trampoline_lowered:
0x8: {  	[smem:$0x3F97] =	sst s0  }
0x9: {  	[smem:$0x3F98] =	sst s1  }
0xa: {  	[smem:$0x3F99] =	sst s2  }
0xb: {  	[smem:$0x3F9A] =	sst s3  }
0xc: {  	[smem:$0x3F9B] =	sst s4  }
0xd: {  	[smem:$0x3F9C] =	sst s5  }
0xe: {  	[smem:$0x3F9D] =	sst s6  }
0xf: {  	[smem:$0x3F9E] =	sst s7  }
0x10: {  	[smem:$0x3F9F] =	sst s8  }
0x11: {  	[smem:$0x3FA0] =	sst s9;
	s0 =	simm.s32 @!p0 $0x0  }
0x12: {  	s1 =	sld [smem:$0x3F86];
	s0 =	simm.s32 @p0 $0x1  }
0x13: {  	[smem:$0x3FA1] =	sst s0;
	s0 =	simm.s32 @!p1 $0x0  }
0x14: {  	s2 =	sld [smem:$0x3F85];
	s0 =	simm.s32 @p1 $0x1  }
0x15: {  	[smem:$0x3FA2] =	sst s0;
	s0 =	simm.s32 @!p2 $0x0  }
0x16: {  	s3 =	sld [smem:$0x3FDB];
	s0 =	simm.s32 @p2 $0x1  }
0x17: {  	s4 =	simm.s32 $0x1BF5;
	[smem:$0x3FA4] =	sst s0  }
0x18: {  	s0 =	sld [smem:$0x3F87];
	_ =	swait.ge [sflag:s4], $0x0  }
0x19: {  	s7 =	sld [smem:$0x3F88]  }
0x1a: {  	s8 =	sadd.s32 $0xFFFFE003, lr  }
0x1b: {  	s9 =	sadd.s32 $0xFFFFFEF7, lr;
	s5 =	simm.s32 $0xFFFFFFFF;
	p2 =	slt.u32 s8, $0xFFFFF086  }
0x1c: {  	p1 =	slt.u32 s9, $0xF7A;
	s5 =	simm.s32 @!p2 $0x0  }
0x1d: {  	s5 =	simm.s32 @p1 $0x1;
	p0 =	seq.s32 s7, s2  }
0x1e: {  	s7 =	smul.u32 @!p0 $0xF7A, s2;
	p2 =	seq.s32 @!p0 s5, $0x0  }
0x1f: {  	s9 =	smul.u32 $0xF7A, s1;
	s8 =	simm.s32 @!p0 $0x1BF5;
	p2 =	por !p2, p0  }
0x20: {  	[sflag:s8] =	ssyncset.s32 @!p0 $0xFFFFF086;
	s6 =	sadd.s32 @!p0 s3, s7;
	s7 =	simm.s32 @!p0 $0x108  }
0x21: {  	s3 =	sadd.s32 s3, s9;
	s6 =	sadd.s32 @!p0 $0x88, s6;
	s7 =	simm.s32 @p2 $0x1082  }
0x22: {  	[simem:s7], [sflag:s8] =	dma.local @!p0 [hbm:s6], $0xF7A  }
0x23: {  	s9 =	sor.u32 $0xD0000000, s2;
	s6 =	simm.s32 $0x108;
	_ =	swait.ge @!p0 [sflag:s8], $0x0  }
0x24: {  	s3 =	sadd.s32 $0x88, s3;
	s6 =	simm.s32 @!p1 $0x1082;
	[sflag:s4] =	ssyncset.s32 $0xFFFFF086  }
0x25: {  	[simem:s6], [sflag:s4] =	dma.local [hbm:s3], $0xF7A  }
0x26: {  	[smem:$0x3F88] =	sst s1;
	(tag) =	ssettag s2;
	_ =	strace s9  }
0x27: {  	s1 =	sld [smem:$0x3F98]  }
0x28: {  	s2 =	sld [smem:$0x3F99]  }
0x29: {  	s4 =	sld [smem:$0x3F9B]  }
0x2a: {  	p0 =	seq.s32 s5, $0x0;
	s5 =	sld [smem:$0x3F9C]  }
0x2b: {  	s6 =	sld [smem:$0x3F9D]  }
0x2c: {  	s7 =	sld [smem:$0x3F9E]  }
0x2d: {  	s3 =	simm.s32 $0x108;
	s8 =	sld [smem:$0x3F9F]  }
0x2e: {  	s3 =	simm.s32 @!p0 $0x1082;
	s9 =	sld [smem:$0x3FA0]  }
0x2f: {  	lr =	sadd.s32 s0, s3;
	s0 =	sld [smem:$0x3F97]  }
0x30: {  	s3 =	sld [smem:$0x3F9A]  }
0x31: {  	[smem:$0x3FA3] =	sst s10  }
0x32: {  	s10 =	sld [smem:$0x3FA1];
	_ =	sdelay $0x3  }
0x33: {  	p0 =	seq.s32 s10, $0x1;
	s10 =	sld [smem:$0x3FA3];
	_ =	sdelay $0x3  }
0x34: {  	[smem:$0x3FA3] =	sst s10  }
0x35: {  	s10 =	sld [smem:$0x3FA2];
	_ =	sdelay $0x3  }
0x36: {  	p1 =	seq.s32 s10, $0x1;
	s10 =	sld [smem:$0x3FA3];
	_ =	sdelay $0x3  }
0x37: {  	[smem:$0x3FA3] =	sst s10  }
0x38: {  	s10 =	sld [smem:$0x3FA4]  }
0x39: {  	_ = 	snop;
	(pc) =	sbr.ind lr, $3  }
0x3a: {  	_ = 	snop  }
0x3b: {  	_ = 	snop  }
0x3c: {  	p2 =	seq.s32 s10, $0x1;
	s10 =	sld [smem:$0x3FA3]  }
0x3d: {  	_ =	shalt  }
0x3e: {  	_ =	shalt  }
0x3f: {  	_ =	shalt  }
0x40: {  	_ =	shalt  }
0x41: {  	_ =	shalt  }
0x42: {  	_ =	shalt  }
0x43: {  	_ =	shalt  }
0x44: {  	_ =	shalt  }
0x45: {  	_ =	shalt  }
0x46: {  	_ =	shalt  }
0x47: {  	_ =	shalt  }
0x48: {  	_ =	shalt  }
0x49: {  	_ =	shalt  }
0x4a: {  	_ =	shalt  }
0x4b: {  	_ =	shalt  }
0x4c: {  	_ =	shalt  }
0x4d: {  	_ =	shalt  }
0x4e: {  	_ =	shalt  }
0x4f: {  	_ =	shalt  }
0x50: {  	_ =	shalt  }
0x51: {  	_ =	shalt  }
0x52: {  	_ =	shalt  }
0x53: {  	_ =	shalt  }
0x54: {  	_ =	shalt  }
0x55: {  	_ =	shalt  }
0x56: {  	_ =	shalt  }
0x57: {  	_ =	shalt  }
0x58: {  	_ =	shalt  }
0x59: {  	_ =	shalt  }
0x5a: {  	_ =	shalt  }
0x5b: {  	_ =	shalt  }
0x5c: {  	_ =	shalt  }
0x5d: {  	_ =	shalt  }
0x5e: {  	_ =	shalt  }
0x5f: {  	_ =	shalt  }
0x60: {  	_ =	shalt  }
0x61: {  	_ =	shalt  }
0x62: {  	_ =	shalt  }
0x63: {  	_ =	shalt  }
0x64: {  	_ =	shalt  }
0x65: {  	_ =	shalt  }
0x66: {  	_ =	shalt  }
0x67: {  	_ =	shalt  }
0x68: {  	_ =	shalt  }
0x69: {  	_ =	shalt  }
0x6a: {  	_ =	shalt  }
0x6b: {  	_ =	shalt  }
0x6c: {  	_ =	shalt  }
0x6d: {  	_ =	shalt  }
0x6e: {  	_ =	shalt  }
0x6f: {  	_ =	shalt  }
0x70: {  	_ =	shalt  }
0x71: {  	_ =	shalt  }
0x72: {  	_ =	shalt  }
0x73: {  	_ =	shalt  }
0x74: {  	_ =	shalt  }
0x75: {  	_ =	shalt  }
0x76: {  	_ =	shalt  }
0x77: {  	_ =	shalt  }
0x78: {  	_ =	shalt  }
0x79: {  	_ =	shalt  }
0x7a: {  	_ =	shalt  }
0x7b: {  	_ =	shalt  }
0x7c: {  	_ =	shalt  }
0x7d: {  	_ =	shalt  }
0x7e: {  	_ =	shalt  }
0x7f: {  	_ =	shalt  }
0x80: {  	_ =	shalt  }
0x81: {  	_ =	shalt  }
0x82: {  	_ =	shalt  }
0x83: {  	_ =	shalt  }
0x84: {  	_ =	shalt  }
0x85: {  	_ =	shalt  }
0x86: {  	_ =	shalt  }
0x87: {  	_ =	shalt  }
.Lfunc_end0:
.L_simem_size_0:
called_computation.5_lowered:
.L_overlay_start_0:
0x88: {  	s2 =	sld [smem:$0x3FD9]  }
0x89: {  	s3 =	sld [smem:$0x3FFE];
	_ =	sdelay $0x1  }
0x8a: {  	s1 =	srdreg.scid  }
0x8b: {  	s0 =	sand.u32 $0x1, s1  }
0x8c: {  	s16 =	sshll.u32 s0, $0xA;
	s2 =	sadd.s32 s3, s2  }
0x8d: {  	s2 =	sadd.s32 s2, s16  }
0x8e: {  	[smem:$0x3FAF] =	sst s2  }
0x8f: {  	_ = 	snop  }
0x90: {  	(tm) =	ssettm $0x1  }
0x91: {  	s17 =	sld [smem:$0x3FFB];
	_ =	sdelay $0x3  }
0x92: {  	_ =	strace s17  }
0x93: {  	s2 =	sld [smem:$0x3FFC];
	_ =	sdelay $0x3  }
0x94: {  	_ =	strace s2  }
0x95: {  	s2 =	sld [smem:$0x3FFD];
	_ =	sdelay $0x3  }
0x96: {  	_ =	strace s2  }
0x97: {  	_ =	strace $0x8FFFFFFF  }
0x98: {  	s18 =	sld [smem:$0x3FDB];
	_ =	sdelay $0x1  }
0x99: {  	s19 =	simm.s32 $_scs_section_size  }
0x9a: {  	s4 =	simm.s32 $_size__tile_overlayer_lowered;
	s5 =	simm.s32 $_tile_overlayer_lowered  }
0x9b: {  	s22 =	simm.s32 $0x1BFF;
	s21 =	sshll.u32 s5, $0x1;
	s2 =	sadd.s32 s19, s18  }
0x9c: {  	s6 =	simm.s32 $0x0;
	s20 =	sshll.u32 s4, $0x1;
	s4 =	sadd.s32 s21, s2  }
0x9d: {  	[timem:s6], [sflag:s22] =	dma.local [hbm:s4], s20  }
0x9e: {  	_ =	swait.ge [sflag:s22], s20  }
0x9f: {  	s3 =	ssub.s32 $0x0, s20;
	[sflag:s22] =	ssyncset.done $0x0  }
0xa0: {  	[sflag:s22] =	ssyncadd.s32 s3;
	_ =	sdelay $0x1  }
0xa1: {  	s23 =	simm.s32 $0x1B8B  }
0xa2: {  	_ =	swait.ge [sflag:s23], $0x1  }
0xa3: {  	[sflag:s23] =	ssyncset.done $0x0  }
0xa4: {  	s25 =	simm.s32 $0x1B8E;
	s24 =	sld [smem:$0x3FFE];
	[sflag:s23] =	ssyncadd.s32 $0xFFFFFFFF  }
0xa5: {  	s26 =	simm.s32 $execute0_lowered;
	[smem:$0x3FD2] =	sst s25  }
0xa6: {  	s4 =	sshll.u32 s26, $0x1;
	_ =	strace $0x80000055;
	[dreg:$0x1] =	wrdreg $0xFFFFFFFF  }
0xa7: {  	s28 =	simm.s32 $_size_execute0_lowered;
	s2 =	sadd.s32 s2, s4;
	[dreg:$0x0] =	wrdreg $0x0  }
0xa8: {  	s4 =	sshll.u32 s28, $0x1;
	[dreg:$0x2] =	wrdreg s2  }
0xa9: {  	[dreg:$0x3] =	wrdreg s4  }
0xaa: {  	[dreg:$0x4] =	wrdreg $0xC0  }
0xab: {  	_ =	task [dreg:s6], $0x5FFFF  }
0xac: {  	[dreg:$0x1] =	wrdreg $0xFFFFFFFF  }
0xad: {  	[dreg:$0x0] =	wrdreg $0x60  }
0xae: {  	[dreg:$0x2] =	wrdreg s24  }
0xaf: {  	[dreg:$0x3] =	wrdreg $0x9  }
0xb0: {  	_ =	task.clear_ibuf [dreg:s6], $0x4FFFF;
	_ =	strace $0x90000055  }
0xb1: {  	s29 =	simm.s32 $0x9;
	_ =	strace $0x80000057  }
0xb2: {  	_ =	swait.ge [sflag:s29], $0x1  }
0xb3: {  	[sflag:s29] =	ssyncadd.s32 $0xFFFFFFFF  }
0xb4: {  	_ =	strace $0x90000057  }
0xb5: {  	_ =	sfence  }
0xb6: {  	s30 =	sld [smem:$0x0];
	_ =	sdelay $0x2  }
0xb7: {  	s31 =	sshll.u32 s1, $0xD;
	s1 =	sshrl.u32 s1, $0x2  }
0xb8: {  	s3 =	sand.u32 $0x4000, s31;
	s1 =	sadd.s32 s1, s30  }
0xb9: {  	s0 =	sor.u32 s3, s0;
	s1 =	sshll.u32 s1, $0x11  }
0xba: {  	s0 =	sor.u32 s1, s0  }
0xbb: {  	s0 =	sadd.s32 $0x8F2B, s0  }
0xbc: {  	[sflag:s0] =	ssyncadd.remote.s32 $0x1  }
0xbd: {  	_ =	sfence.sel $0xFFFF  }
0xbe: {  	[dreg:$0x0] =	wrdreg $0xFFFFFFFF;
	(pc) =	sbr.abs _section_cstart, $3  }
0xbf: {  	[dreg:$0x1] =	wrdreg $0xFFFFFFFF  }
0xc0: {  	_ =	task.clear_ibuf [dreg:s6], $0x2FFFF;
	_ =	strace $0x9FFFFFFF  }
0xc1: {  	(tm) =	ssettm $0x7FFFFFFF  }
tec
execute0_lowered:
.L_overlay_start_1:
0x0: {  	(tag) =	ssettag $0x1  }
0x1: {  	s1 =	srdreg.scid;
	s0 =	stileid.u32  }
0x2: {  	s23 =	sand.u32 $0x1, s1;
	s26 =	sshll.u32 s0, $0x1  }
0x3: {  	s9 =	sor.u32 s23, s26  }
0x4: {  	s10 =	rddreg [dreg:$0x0];
	s24 =	smul.u32 $0x1900, s9  }
0x5: {  	s2 =	simm.s32 $0x0;
	s1 =	rddreg [dreg:$0x1]  }
0x6: {  	[smem:$0x7FF] =	sst s2;
	s22 =	sadd.s32 $0xCF800, s10;
	s3 =	sshrl.u32 s24, $0x3  }
0x7: {  	_ =	strace $0x80000056;
	s4 =	sadd.s32 s22, s3;
	s3 =	simm.s32 $0x2  }
0x8: {  	[tilespmem:s2], [sflag:$0x2] =	stream.linear.gather [hbm4b:s4+s2], $0x320, $0x38;
	[tilespmem:$0x19380] =	vst v63  }
0x9: {  	_ =	swait.ge [sflag:s3], $0x320  }
0xa: {  	s6 =	simm.s32 $0x320;
	s7 =	simm.s32 $0x380;
	[sflag:s3] =	ssyncset.done $0x0  }
0xb: {  	s8 =	simm.s32 $0x1;
	s5 =	sadd.s32 $0xD5C00, s10;
	[sflag:s3] =	ssyncadd.s32 $0xFFFFFCE0  }
0xc: {  	[tilespmem:s7], [sflag:$0x1] =	stream.indirect.gather [hbm4b:s5+s6], $0x80, s2, s6, $0xb8;
	[tilespmem:$0x19380] =	vst v63  }
0xd: {  	s9 =	smul.u32 $0x19000, s9;
	_ =	swait.ge [sflag:s8], $0x19000  }
0xe: {  	s25 =	sadd.s32 $0x199200, s10;
	[sflag:s8] =	ssyncset.done $0x0  }
0xf: {  	s9 =	sadd.s32 s25, s9;
	[sflag:s8] =	ssyncadd.s32 $0xFFFE7000  }
0x10: {  	[hbm4b:s9+s2] =	stream.linear.scatter [tilespmem:s7], [sflag:$0x2], $0x19000, $0x38;
	[tilespmem:$0x19380] =	vst v63  }
0x11: {  	s11 =	sadd.s32 $0x320, s24;
	_ =	swait.ge [sflag:s3], $0x19000  }
0x12: {  	s28 =	sshrl.u32 s11, $0x3;
	[sflag:s3] =	ssyncset.done $0x0  }
0x13: {  	s10 =	sadd.s32 s22, s28;
	[sflag:s3] =	ssyncadd.s32 $0xFFFE7000  }
0x14: {  	[tilespmem:s2], [sflag:$0x2] =	stream.linear.gather [hbm4b:s10+s2], $0x320, $0x38;
	[tilespmem:$0x19380] =	vst v63  }
0x15: {  	_ =	swait.ge [sflag:s3], $0x320  }
0x16: {  	[sflag:s3] =	ssyncset.done $0x0  }
0x17: {  	[sflag:s3] =	ssyncadd.s32 $0xFFFFFCE0  }
0x18: {  	[tilespmem:s7], [sflag:$0x1] =	stream.indirect.gather [hbm4b:s5+s6], $0x80, s2, s6, $0xb8;
	[tilespmem:$0x19380] =	vst v63  }
0x19: {  	_ =	swait.ge [sflag:s8], $0x19000  }
0x1a: {  	s11 =	sshll.u32 s11, $0x4;
	[sflag:s8] =	ssyncset.done $0x0  }
0x1b: {  	s11 =	sadd.s32 s25, s11;
	[sflag:s8] =	ssyncadd.s32 $0xFFFE7000  }
0x1c: {  	[hbm4b:s11+s2] =	stream.linear.scatter [tilespmem:s7], [sflag:$0x2], $0x19000, $0x38;
	[tilespmem:$0x19380] =	vst v63  }
0x1d: {  	s13 =	sadd.s32 $0x640, s24;
	_ =	swait.ge [sflag:s3], $0x19000  }
0x1e: {  	s12 =	sshrl.u32 s13, $0x3;
	[sflag:s3] =	ssyncset.done $0x0  }
0x1f: {  	s12 =	sadd.s32 s22, s12;
	[sflag:s3] =	ssyncadd.s32 $0xFFFE7000  }
0x20: {  	[tilespmem:s2], [sflag:$0x2] =	stream.linear.gather [hbm4b:s12+s2], $0x320, $0x38;
	[tilespmem:$0x19380] =	vst v63  }
0x21: {  	_ =	swait.ge [sflag:s3], $0x320  }
0x22: {  	[sflag:s3] =	ssyncset.done $0x0  }
0x23: {  	[sflag:s3] =	ssyncadd.s32 $0xFFFFFCE0  }
0x24: {  	[tilespmem:s7], [sflag:$0x1] =	stream.indirect.gather [hbm4b:s5+s6], $0x80, s2, s6, $0xb8;
	[tilespmem:$0x19380] =	vst v63  }
0x25: {  	_ =	swait.ge [sflag:s8], $0x19000  }
0x26: {  	s13 =	sshll.u32 s13, $0x4;
	[sflag:s8] =	ssyncset.done $0x0  }
0x27: {  	s13 =	sadd.s32 s25, s13;
	[sflag:s8] =	ssyncadd.s32 $0xFFFE7000  }
0x28: {  	[hbm4b:s13+s2] =	stream.linear.scatter [tilespmem:s7], [sflag:$0x2], $0x19000, $0x38;
	[tilespmem:$0x19380] =	vst v63  }
0x29: {  	s15 =	sadd.s32 $0x960, s24;
	_ =	swait.ge [sflag:s3], $0x19000  }
0x2a: {  	s14 =	sshrl.u32 s15, $0x3;
	[sflag:s3] =	ssyncset.done $0x0  }
0x2b: {  	s14 =	sadd.s32 s22, s14;
	[sflag:s3] =	ssyncadd.s32 $0xFFFE7000  }
0x2c: {  	[tilespmem:s2], [sflag:$0x2] =	stream.linear.gather [hbm4b:s14+s2], $0x320, $0x38;
	[tilespmem:$0x19380] =	vst v63  }
0x2d: {  	_ =	swait.ge [sflag:s3], $0x320  }
0x2e: {  	[sflag:s3] =	ssyncset.done $0x0  }
0x2f: {  	[sflag:s3] =	ssyncadd.s32 $0xFFFFFCE0  }
0x30: {  	[tilespmem:s7], [sflag:$0x1] =	stream.indirect.gather [hbm4b:s5+s6], $0x80, s2, s6, $0xb8;
	[tilespmem:$0x19380] =	vst v63  }
0x31: {  	_ =	swait.ge [sflag:s8], $0x19000  }
0x32: {  	s15 =	sshll.u32 s15, $0x4;
	[sflag:s8] =	ssyncset.done $0x0  }
0x33: {  	s15 =	sadd.s32 s25, s15;
	[sflag:s8] =	ssyncadd.s32 $0xFFFE7000  }
0x34: {  	[hbm4b:s15+s2] =	stream.linear.scatter [tilespmem:s7], [sflag:$0x2], $0x19000, $0x38;
	[tilespmem:$0x19380] =	vst v63  }
0x35: {  	s17 =	sadd.s32 $0xC80, s24;
	_ =	swait.ge [sflag:s3], $0x19000  }
0x36: {  	s16 =	sshrl.u32 s17, $0x3;
	[sflag:s3] =	ssyncset.done $0x0  }
0x37: {  	s16 =	sadd.s32 s22, s16;
	[sflag:s3] =	ssyncadd.s32 $0xFFFE7000  }
0x38: {  	[tilespmem:s2], [sflag:$0x2] =	stream.linear.gather [hbm4b:s16+s2], $0x320, $0x38;
	[tilespmem:$0x19380] =	vst v63  }
0x39: {  	_ =	swait.ge [sflag:s3], $0x320  }
0x3a: {  	[sflag:s3] =	ssyncset.done $0x0  }
0x3b: {  	[sflag:s3] =	ssyncadd.s32 $0xFFFFFCE0  }
0x3c: {  	[tilespmem:s7], [sflag:$0x1] =	stream.indirect.gather [hbm4b:s5+s6], $0x80, s2, s6, $0xb8;
	[tilespmem:$0x19380] =	vst v63  }
0x3d: {  	_ =	swait.ge [sflag:s8], $0x19000  }
0x3e: {  	s17 =	sshll.u32 s17, $0x4;
	[sflag:s8] =	ssyncset.done $0x0  }
0x3f: {  	s17 =	sadd.s32 s25, s17;
	[sflag:s8] =	ssyncadd.s32 $0xFFFE7000  }
0x40: {  	[hbm4b:s17+s2] =	stream.linear.scatter [tilespmem:s7], [sflag:$0x2], $0x19000, $0x38;
	[tilespmem:$0x19380] =	vst v63  }
0x41: {  	s19 =	sadd.s32 $0xFA0, s24;
	_ =	swait.ge [sflag:s3], $0x19000  }
0x42: {  	s18 =	sshrl.u32 s19, $0x3;
	[sflag:s3] =	ssyncset.done $0x0  }
0x43: {  	s18 =	sadd.s32 s22, s18;
	[sflag:s3] =	ssyncadd.s32 $0xFFFE7000  }
0x44: {  	[tilespmem:s2], [sflag:$0x2] =	stream.linear.gather [hbm4b:s18+s2], $0x320, $0x38;
	[tilespmem:$0x19380] =	vst v63  }
0x45: {  	_ =	swait.ge [sflag:s3], $0x320  }
0x46: {  	[sflag:s3] =	ssyncset.done $0x0  }
0x47: {  	[sflag:s3] =	ssyncadd.s32 $0xFFFFFCE0  }
0x48: {  	[tilespmem:s7], [sflag:$0x1] =	stream.indirect.gather [hbm4b:s5+s6], $0x80, s2, s6, $0xb8;
	[tilespmem:$0x19380] =	vst v63  }
0x49: {  	_ =	swait.ge [sflag:s8], $0x19000  }
0x4a: {  	s19 =	sshll.u32 s19, $0x4;
	[sflag:s8] =	ssyncset.done $0x0  }
0x4b: {  	s19 =	sadd.s32 s25, s19;
	[sflag:s8] =	ssyncadd.s32 $0xFFFE7000  }
0x4c: {  	[hbm4b:s19+s2] =	stream.linear.scatter [tilespmem:s7], [sflag:$0x2], $0x19000, $0x38;
	[tilespmem:$0x19380] =	vst v63  }
0x4d: {  	s21 =	sadd.s32 $0x12C0, s24;
	_ =	swait.ge [sflag:s3], $0x19000  }
0x4e: {  	s20 =	sshrl.u32 s21, $0x3;
	[sflag:s3] =	ssyncset.done $0x0  }
0x4f: {  	s20 =	sadd.s32 s22, s20;
	[sflag:s3] =	ssyncadd.s32 $0xFFFE7000  }
0x50: {  	[tilespmem:s2], [sflag:$0x2] =	stream.linear.gather [hbm4b:s20+s2], $0x320, $0x38;
	[tilespmem:$0x19380] =	vst v63  }
0x51: {  	_ =	swait.ge [sflag:s3], $0x320  }
0x52: {  	[sflag:s3] =	ssyncset.done $0x0  }
0x53: {  	[sflag:s3] =	ssyncadd.s32 $0xFFFFFCE0  }
0x54: {  	[tilespmem:s7], [sflag:$0x1] =	stream.indirect.gather [hbm4b:s5+s6], $0x80, s2, s6, $0xb8;
	[tilespmem:$0x19380] =	vst v63  }
0x55: {  	_ =	swait.ge [sflag:s8], $0x19000  }
0x56: {  	s21 =	sshll.u32 s21, $0x4;
	[sflag:s8] =	ssyncset.done $0x0  }
0x57: {  	s21 =	sadd.s32 s25, s21;
	[sflag:s8] =	ssyncadd.s32 $0xFFFE7000  }
0x58: {  	[hbm4b:s21+s2] =	stream.linear.scatter [tilespmem:s7], [sflag:$0x2], $0x19000, $0x38;
	[tilespmem:$0x19380] =	vst v63  }
0x59: {  	s24 =	sadd.s32 $0x15E0, s24;
	_ =	swait.ge [sflag:s3], $0x19000  }
0x5a: {  	s26 =	sshrl.u32 s24, $0x3;
	[sflag:s3] =	ssyncset.done $0x0  }
0x5b: {  	s23 =	ssub.s32 $0x2, s23;
	s22 =	sadd.s32 s22, s26;
	[sflag:s3] =	ssyncadd.s32 $0xFFFE7000  }
0x5c: {  	[tilespmem:s2], [sflag:$0x2] =	stream.linear.gather [hbm4b:s22+s2], $0x320, $0x38;
	[tilespmem:$0x19380] =	vst v63  }
0x5d: {  	s29 =	sshrl.u32 s23, $0x1;
	_ =	swait.ge [sflag:s3], $0x320  }
0x5e: {  	s26 =	ssub.s32 s23, s29;
	[sflag:s3] =	ssyncset.done $0x0  }
0x5f: {  	s31 =	smax.u32 s26, $0x1;
	[sflag:s3] =	ssyncadd.s32 $0xFFFFFCE0  }
0x60: {  	[tilespmem:s7], [sflag:$0x1] =	stream.indirect.gather [hbm4b:s5+s6], $0x80, s2, s6, $0xb8;
	[tilespmem:$0x19380] =	vst v63  }
0x61: {  	p0 =	sne.s32 s31, $0x1;
	_ =	swait.ge [sflag:s8], $0x19000  }
.Ltmp0:
0x62: {  	s30 =	sshll.u32 s24, $0x4;
	[sflag:s8] =	ssyncset.done $0x0;
	(pc) =	sbr.rel @!p0 .LBB2_2-.Ltmp0, $4  }
0x63: {  	s23 =	sadd.s32 s25, s30;
	[sflag:s8] =	ssyncadd.s32 $0xFFFE7000  }
0x64: {  	[hbm4b:s23+s2] =	stream.linear.scatter [tilespmem:s7], [sflag:$0x2], $0x19000, $0x38;
	[tilespmem:$0x19380] =	vst v63  }
0x65: {  	_ =	swait.ge [sflag:s3], $0x19000  }
0x66: {  	s24 =	sadd.s32 $0xFFFFFFFF, s31;
	[sflag:s3] =	ssyncset.done $0x0  }
.LBB2_1:
0x67: {  	p0 =	sne.s32 s24, $0x1;
	s24 =	sadd.s32 $0xFFFFFFFF, s24;
	[sflag:s3] =	ssyncadd.s32 $0xFFFE7000  }
0x68: {  	[tilespmem:s2], [sflag:$0x2] =	stream.linear.gather [hbm4b:s4+s2], $0x320, $0x38;
	[tilespmem:$0x19380] =	vst v63  }
0x69: {  	_ =	swait.ge [sflag:s3], $0x320  }
0x6a: {  	[sflag:s3] =	ssyncset.done $0x0  }
0x6b: {  	[sflag:s3] =	ssyncadd.s32 $0xFFFFFCE0  }
0x6c: {  	[tilespmem:s7], [sflag:$0x1] =	stream.indirect.gather [hbm4b:s5+s6], $0x80, s2, s6, $0xb8;
	[tilespmem:$0x19380] =	vst v63  }
0x6d: {  	_ =	swait.ge [sflag:s8], $0x19000  }
0x6e: {  	[sflag:s8] =	ssyncset.done $0x0  }
0x6f: {  	[sflag:s8] =	ssyncadd.s32 $0xFFFE7000  }
0x70: {  	[hbm4b:s9+s2] =	stream.linear.scatter [tilespmem:s7], [sflag:$0x2], $0x19000, $0x38;
	[tilespmem:$0x19380] =	vst v63  }
0x71: {  	_ =	swait.ge [sflag:s3], $0x19000  }
0x72: {  	[sflag:s3] =	ssyncset.done $0x0  }
0x73: {  	[sflag:s3] =	ssyncadd.s32 $0xFFFE7000  }
0x74: {  	[tilespmem:s2], [sflag:$0x2] =	stream.linear.gather [hbm4b:s10+s2], $0x320, $0x38;
	[tilespmem:$0x19380] =	vst v63  }
0x75: {  	_ =	swait.ge [sflag:s3], $0x320  }
0x76: {  	[sflag:s3] =	ssyncset.done $0x0  }
0x77: {  	[sflag:s3] =	ssyncadd.s32 $0xFFFFFCE0  }
0x78: {  	[tilespmem:s7], [sflag:$0x1] =	stream.indirect.gather [hbm4b:s5+s6], $0x80, s2, s6, $0xb8;
	[tilespmem:$0x19380] =	vst v63  }
0x79: {  	_ =	swait.ge [sflag:s8], $0x19000  }
0x7a: {  	[sflag:s8] =	ssyncset.done $0x0  }
0x7b: {  	[sflag:s8] =	ssyncadd.s32 $0xFFFE7000  }
0x7c: {  	[hbm4b:s11+s2] =	stream.linear.scatter [tilespmem:s7], [sflag:$0x2], $0x19000, $0x38;
	[tilespmem:$0x19380] =	vst v63  }
0x7d: {  	_ =	swait.ge [sflag:s3], $0x19000  }
0x7e: {  	[sflag:s3] =	ssyncset.done $0x0  }
0x7f: {  	[sflag:s3] =	ssyncadd.s32 $0xFFFE7000  }
0x80: {  	[tilespmem:s2], [sflag:$0x2] =	stream.linear.gather [hbm4b:s12+s2], $0x320, $0x38;
	[tilespmem:$0x19380] =	vst v63  }
0x81: {  	_ =	swait.ge [sflag:s3], $0x320  }
0x82: {  	[sflag:s3] =	ssyncset.done $0x0  }
0x83: {  	[sflag:s3] =	ssyncadd.s32 $0xFFFFFCE0  }
0x84: {  	[tilespmem:s7], [sflag:$0x1] =	stream.indirect.gather [hbm4b:s5+s6], $0x80, s2, s6, $0xb8;
	[tilespmem:$0x19380] =	vst v63  }
0x85: {  	_ =	swait.ge [sflag:s8], $0x19000  }
0x86: {  	[sflag:s8] =	ssyncset.done $0x0  }
0x87: {  	[sflag:s8] =	ssyncadd.s32 $0xFFFE7000  }
0x88: {  	[hbm4b:s13+s2] =	stream.linear.scatter [tilespmem:s7], [sflag:$0x2], $0x19000, $0x38;
	[tilespmem:$0x19380] =	vst v63  }
0x89: {  	_ =	swait.ge [sflag:s3], $0x19000  }
0x8a: {  	[sflag:s3] =	ssyncset.done $0x0  }
0x8b: {  	[sflag:s3] =	ssyncadd.s32 $0xFFFE7000  }
0x8c: {  	[tilespmem:s2], [sflag:$0x2] =	stream.linear.gather [hbm4b:s14+s2], $0x320, $0x38;
	[tilespmem:$0x19380] =	vst v63  }
0x8d: {  	_ =	swait.ge [sflag:s3], $0x320  }
0x8e: {  	[sflag:s3] =	ssyncset.done $0x0  }
0x8f: {  	[sflag:s3] =	ssyncadd.s32 $0xFFFFFCE0  }
0x90: {  	[tilespmem:s7], [sflag:$0x1] =	stream.indirect.gather [hbm4b:s5+s6], $0x80, s2, s6, $0xb8;
	[tilespmem:$0x19380] =	vst v63  }
0x91: {  	_ =	swait.ge [sflag:s8], $0x19000  }
0x92: {  	[sflag:s8] =	ssyncset.done $0x0  }
0x93: {  	[sflag:s8] =	ssyncadd.s32 $0xFFFE7000  }
0x94: {  	[hbm4b:s15+s2] =	stream.linear.scatter [tilespmem:s7], [sflag:$0x2], $0x19000, $0x38;
	[tilespmem:$0x19380] =	vst v63  }
0x95: {  	_ =	swait.ge [sflag:s3], $0x19000  }
0x96: {  	[sflag:s3] =	ssyncset.done $0x0  }
0x97: {  	[sflag:s3] =	ssyncadd.s32 $0xFFFE7000  }
0x98: {  	[tilespmem:s2], [sflag:$0x2] =	stream.linear.gather [hbm4b:s16+s2], $0x320, $0x38;
	[tilespmem:$0x19380] =	vst v63  }
0x99: {  	_ =	swait.ge [sflag:s3], $0x320  }
0x9a: {  	[sflag:s3] =	ssyncset.done $0x0  }
0x9b: {  	[sflag:s3] =	ssyncadd.s32 $0xFFFFFCE0  }
0x9c: {  	[tilespmem:s7], [sflag:$0x1] =	stream.indirect.gather [hbm4b:s5+s6], $0x80, s2, s6, $0xb8;
	[tilespmem:$0x19380] =	vst v63  }
0x9d: {  	_ =	swait.ge [sflag:s8], $0x19000  }
0x9e: {  	[sflag:s8] =	ssyncset.done $0x0  }
0x9f: {  	[sflag:s8] =	ssyncadd.s32 $0xFFFE7000  }
0xa0: {  	[hbm4b:s17+s2] =	stream.linear.scatter [tilespmem:s7], [sflag:$0x2], $0x19000, $0x38;
	[tilespmem:$0x19380] =	vst v63  }
0xa1: {  	_ =	swait.ge [sflag:s3], $0x19000  }
0xa2: {  	[sflag:s3] =	ssyncset.done $0x0  }
0xa3: {  	[sflag:s3] =	ssyncadd.s32 $0xFFFE7000  }
0xa4: {  	[tilespmem:s2], [sflag:$0x2] =	stream.linear.gather [hbm4b:s18+s2], $0x320, $0x38;
	[tilespmem:$0x19380] =	vst v63  }
0xa5: {  	_ =	swait.ge [sflag:s3], $0x320  }
0xa6: {  	[sflag:s3] =	ssyncset.done $0x0  }
0xa7: {  	[sflag:s3] =	ssyncadd.s32 $0xFFFFFCE0  }
0xa8: {  	[tilespmem:s7], [sflag:$0x1] =	stream.indirect.gather [hbm4b:s5+s6], $0x80, s2, s6, $0xb8;
	[tilespmem:$0x19380] =	vst v63  }
0xa9: {  	_ =	swait.ge [sflag:s8], $0x19000  }
0xaa: {  	[sflag:s8] =	ssyncset.done $0x0  }
0xab: {  	[sflag:s8] =	ssyncadd.s32 $0xFFFE7000  }
0xac: {  	[hbm4b:s19+s2] =	stream.linear.scatter [tilespmem:s7], [sflag:$0x2], $0x19000, $0x38;
	[tilespmem:$0x19380] =	vst v63  }
0xad: {  	_ =	swait.ge [sflag:s3], $0x19000  }
0xae: {  	[sflag:s3] =	ssyncset.done $0x0  }
0xaf: {  	[sflag:s3] =	ssyncadd.s32 $0xFFFE7000  }
0xb0: {  	[tilespmem:s2], [sflag:$0x2] =	stream.linear.gather [hbm4b:s20+s2], $0x320, $0x38;
	[tilespmem:$0x19380] =	vst v63  }
0xb1: {  	_ =	swait.ge [sflag:s3], $0x320  }
0xb2: {  	[sflag:s3] =	ssyncset.done $0x0  }
0xb3: {  	[sflag:s3] =	ssyncadd.s32 $0xFFFFFCE0  }
0xb4: {  	[tilespmem:s7], [sflag:$0x1] =	stream.indirect.gather [hbm4b:s5+s6], $0x80, s2, s6, $0xb8;
	[tilespmem:$0x19380] =	vst v63  }
0xb5: {  	_ =	swait.ge [sflag:s8], $0x19000  }
0xb6: {  	[sflag:s8] =	ssyncset.done $0x0  }
0xb7: {  	[sflag:s8] =	ssyncadd.s32 $0xFFFE7000  }
0xb8: {  	[hbm4b:s21+s2] =	stream.linear.scatter [tilespmem:s7], [sflag:$0x2], $0x19000, $0x38;
	[tilespmem:$0x19380] =	vst v63  }
0xb9: {  	_ =	swait.ge [sflag:s3], $0x19000  }
0xba: {  	[sflag:s3] =	ssyncset.done $0x0  }
0xbb: {  	[sflag:s3] =	ssyncadd.s32 $0xFFFE7000  }
0xbc: {  	[tilespmem:s2], [sflag:$0x2] =	stream.linear.gather [hbm4b:s22+s2], $0x320, $0x38;
	[tilespmem:$0x19380] =	vst v63  }
0xbd: {  	_ =	swait.ge [sflag:s3], $0x320  }
0xbe: {  	[sflag:s3] =	ssyncset.done $0x0  }
0xbf: {  	[sflag:s3] =	ssyncadd.s32 $0xFFFFFCE0  }
0xc0: {  	[tilespmem:s7], [sflag:$0x1] =	stream.indirect.gather [hbm4b:s5+s6], $0x80, s2, s6, $0xb8;
	[tilespmem:$0x19380] =	vst v63  }
0xc1: {  	_ =	swait.ge [sflag:s8], $0x19000  }
.Ltmp1:
0xc2: {  	[sflag:s8] =	ssyncset.done $0x0;
	(pc) =	sbr.rel @p0 .LBB2_1-.Ltmp1, $4  }
0xc3: {  	[sflag:s8] =	ssyncadd.s32 $0xFFFE7000  }
0xc4: {  	[hbm4b:s23+s2] =	stream.linear.scatter [tilespmem:s7], [sflag:$0x2], $0x19000, $0x38;
	[tilespmem:$0x19380] =	vst v63  }
0xc5: {  	_ =	swait.ge [sflag:s3], $0x19000  }
0xc6: {  	[sflag:s3] =	ssyncset.done $0x0  }
.LBB2_2:
0xc7: {  	[sflag:s3] =	ssyncadd.s32 $0xFFFE7000  }
0xc8: {  	_ =	sfence.sel $0x180000  }
0xc9: {  	[bflag:$0x0] =	sbarrier.arrive $0xFFFF  }
0xca: {  	p0 =	sne.s32 s0, $0x0;
	_ =	strace $0x90000056  }
0xcb: {  	s0 =	sadd.s32 @!p0 $0x100000, s1;
	[bflag:$0x2] =	sbarrier.arrive $0xFFFF  }
0xcc: {  	[sflag:s0] =	ssyncadd.tile.s32 @!p0 $0x1;
	_ =	shalt  }
.Lfunc_end2:
_tile_overlayer_lowered:
.L_overlay_start_2:
0xcd: {  	(tag) =	ssettag $0x2  }
0xce: {  	s0 =	rddreg [dreg:$0x0];
	s2 =	stileid.u32  }
0xcf: {  	s1 =	rddreg [dreg:$0x1];
	p0 =	sne.s32 s2, $0x0  }
0xd0: {  	s3 =	rddreg [dreg:$0x2];
	[bflag:$0x3] =	sbarrier.arrive $0xFFFF;
	s2 =	simm.s32 @!p0 $0x1C02  }
0xd1: {  	[timem:s3], [sflag:s2] =	dma.local @!p0 [hbm:s0], s1  }
0xd2: {  	s0 =	simm.s32 @!p0 $0x2  }
0xd3: {  	_ =	swait.ge @!p0 [sflag:s0], s1  }
0xd4: {  	s1 =	ssub.s32 @!p0 $0x0, s1;
	[sflag:s0] =	ssyncset.done @!p0 $0x0  }
0xd5: {  	[sflag:s0] =	ssyncadd.s32 @!p0 s1  }
0xd6: {  	[bflag:$0x3] =	sbarrier.arrive $0xFFFF  }
0xd7: {  	_ =	shalt  }

// kernel: kernel.33.cloned.1.call-start
scs
__scs_entry_jumppad:
0x0: {  	(pc) =	sbr.rel $0x88, $3  }
0x1: {  	(tag) =	ssettag $0x0;
	lr =	simm.s32 $0x1  }
0x2: {  	[smem:$0x3F88] =	sst lr;
	_ =	strace $0xD0000000  }
0x3: {  	_ = 	snop  }
0x4: {  	_ = 	snop  }
0x5: {  	_ = 	snop  }
0x6: {  	_ = 	snop  }
0x7: {  	_ = 	snop  }
__scs_overlays_trampoline_lowered:
0x8: {  	[smem:$0x3F97] =	sst s0  }
0x9: {  	[smem:$0x3F98] =	sst s1  }
0xa: {  	[smem:$0x3F99] =	sst s2  }
0xb: {  	[smem:$0x3F9A] =	sst s3  }
0xc: {  	[smem:$0x3F9B] =	sst s4  }
0xd: {  	[smem:$0x3F9C] =	sst s5  }
0xe: {  	[smem:$0x3F9D] =	sst s6  }
0xf: {  	[smem:$0x3F9E] =	sst s7  }
0x10: {  	[smem:$0x3F9F] =	sst s8  }
0x11: {  	[smem:$0x3FA0] =	sst s9;
	s0 =	simm.s32 @!p0 $0x0  }
0x12: {  	s1 =	sld [smem:$0x3F86];
	s0 =	simm.s32 @p0 $0x1  }
0x13: {  	[smem:$0x3FA1] =	sst s0;
	s0 =	simm.s32 @!p1 $0x0  }
0x14: {  	s2 =	sld [smem:$0x3F85];
	s0 =	simm.s32 @p1 $0x1  }
0x15: {  	[smem:$0x3FA2] =	sst s0;
	s0 =	simm.s32 @!p2 $0x0  }
0x16: {  	s3 =	sld [smem:$0x3FDB];
	s0 =	simm.s32 @p2 $0x1  }
0x17: {  	s4 =	simm.s32 $0x1BF5;
	[smem:$0x3FA4] =	sst s0  }
0x18: {  	s0 =	sld [smem:$0x3F87];
	_ =	swait.ge [sflag:s4], $0x0  }
0x19: {  	s7 =	sld [smem:$0x3F88]  }
0x1a: {  	s8 =	sadd.s32 $0xFFFFE003, lr  }
0x1b: {  	s9 =	sadd.s32 $0xFFFFFEF7, lr;
	s5 =	simm.s32 $0xFFFFFFFF;
	p2 =	slt.u32 s8, $0xFFFFF086  }
0x1c: {  	p1 =	slt.u32 s9, $0xF7A;
	s5 =	simm.s32 @!p2 $0x0  }
0x1d: {  	s5 =	simm.s32 @p1 $0x1;
	p0 =	seq.s32 s7, s2  }
0x1e: {  	s7 =	smul.u32 @!p0 $0xF7A, s2;
	p2 =	seq.s32 @!p0 s5, $0x0  }
0x1f: {  	s9 =	smul.u32 $0xF7A, s1;
	s8 =	simm.s32 @!p0 $0x1BF5;
	p2 =	por !p2, p0  }
0x20: {  	[sflag:s8] =	ssyncset.s32 @!p0 $0xFFFFF086;
	s6 =	sadd.s32 @!p0 s3, s7;
	s7 =	simm.s32 @!p0 $0x108  }
0x21: {  	s3 =	sadd.s32 s3, s9;
	s6 =	sadd.s32 @!p0 $0x88, s6;
	s7 =	simm.s32 @p2 $0x1082  }
0x22: {  	[simem:s7], [sflag:s8] =	dma.local @!p0 [hbm:s6], $0xF7A  }
0x23: {  	s9 =	sor.u32 $0xD0000000, s2;
	s6 =	simm.s32 $0x108;
	_ =	swait.ge @!p0 [sflag:s8], $0x0  }
0x24: {  	s3 =	sadd.s32 $0x88, s3;
	s6 =	simm.s32 @!p1 $0x1082;
	[sflag:s4] =	ssyncset.s32 $0xFFFFF086  }
0x25: {  	[simem:s6], [sflag:s4] =	dma.local [hbm:s3], $0xF7A  }
0x26: {  	[smem:$0x3F88] =	sst s1;
	(tag) =	ssettag s2;
	_ =	strace s9  }
0x27: {  	s1 =	sld [smem:$0x3F98]  }
0x28: {  	s2 =	sld [smem:$0x3F99]  }
0x29: {  	s4 =	sld [smem:$0x3F9B]  }
0x2a: {  	p0 =	seq.s32 s5, $0x0;
	s5 =	sld [smem:$0x3F9C]  }
0x2b: {  	s6 =	sld [smem:$0x3F9D]  }
0x2c: {  	s7 =	sld [smem:$0x3F9E]  }
0x2d: {  	s3 =	simm.s32 $0x108;
	s8 =	sld [smem:$0x3F9F]  }
0x2e: {  	s3 =	simm.s32 @!p0 $0x1082;
	s9 =	sld [smem:$0x3FA0]  }
0x2f: {  	lr =	sadd.s32 s0, s3;
	s0 =	sld [smem:$0x3F97]  }
0x30: {  	s3 =	sld [smem:$0x3F9A]  }
0x31: {  	[smem:$0x3FA3] =	sst s10  }
0x32: {  	s10 =	sld [smem:$0x3FA1];
	_ =	sdelay $0x3  }
0x33: {  	p0 =	seq.s32 s10, $0x1;
	s10 =	sld [smem:$0x3FA3];
	_ =	sdelay $0x3  }
0x34: {  	[smem:$0x3FA3] =	sst s10  }
0x35: {  	s10 =	sld [smem:$0x3FA2];
	_ =	sdelay $0x3  }
0x36: {  	p1 =	seq.s32 s10, $0x1;
	s10 =	sld [smem:$0x3FA3];
	_ =	sdelay $0x3  }
0x37: {  	[smem:$0x3FA3] =	sst s10  }
0x38: {  	s10 =	sld [smem:$0x3FA4]  }
0x39: {  	_ = 	snop;
	(pc) =	sbr.ind lr, $3  }
0x3a: {  	_ = 	snop  }
0x3b: {  	_ = 	snop  }
0x3c: {  	p2 =	seq.s32 s10, $0x1;
	s10 =	sld [smem:$0x3FA3]  }
0x3d: {  	_ =	shalt  }
0x3e: {  	_ =	shalt  }
0x3f: {  	_ =	shalt  }
0x40: {  	_ =	shalt  }
0x41: {  	_ =	shalt  }
0x42: {  	_ =	shalt  }
0x43: {  	_ =	shalt  }
0x44: {  	_ =	shalt  }
0x45: {  	_ =	shalt  }
0x46: {  	_ =	shalt  }
0x47: {  	_ =	shalt  }
0x48: {  	_ =	shalt  }
0x49: {  	_ =	shalt  }
0x4a: {  	_ =	shalt  }
0x4b: {  	_ =	shalt  }
0x4c: {  	_ =	shalt  }
0x4d: {  	_ =	shalt  }
0x4e: {  	_ =	shalt  }
0x4f: {  	_ =	shalt  }
0x50: {  	_ =	shalt  }
0x51: {  	_ =	shalt  }
0x52: {  	_ =	shalt  }
0x53: {  	_ =	shalt  }
0x54: {  	_ =	shalt  }
0x55: {  	_ =	shalt  }
0x56: {  	_ =	shalt  }
0x57: {  	_ =	shalt  }
0x58: {  	_ =	shalt  }
0x59: {  	_ =	shalt  }
0x5a: {  	_ =	shalt  }
0x5b: {  	_ =	shalt  }
0x5c: {  	_ =	shalt  }
0x5d: {  	_ =	shalt  }
0x5e: {  	_ =	shalt  }
0x5f: {  	_ =	shalt  }
0x60: {  	_ =	shalt  }
0x61: {  	_ =	shalt  }
0x62: {  	_ =	shalt  }
0x63: {  	_ =	shalt  }
0x64: {  	_ =	shalt  }
0x65: {  	_ =	shalt  }
0x66: {  	_ =	shalt  }
0x67: {  	_ =	shalt  }
0x68: {  	_ =	shalt  }
0x69: {  	_ =	shalt  }
0x6a: {  	_ =	shalt  }
0x6b: {  	_ =	shalt  }
0x6c: {  	_ =	shalt  }
0x6d: {  	_ =	shalt  }
0x6e: {  	_ =	shalt  }
0x6f: {  	_ =	shalt  }
0x70: {  	_ =	shalt  }
0x71: {  	_ =	shalt  }
0x72: {  	_ =	shalt  }
0x73: {  	_ =	shalt  }
0x74: {  	_ =	shalt  }
0x75: {  	_ =	shalt  }
0x76: {  	_ =	shalt  }
0x77: {  	_ =	shalt  }
0x78: {  	_ =	shalt  }
0x79: {  	_ =	shalt  }
0x7a: {  	_ =	shalt  }
0x7b: {  	_ =	shalt  }
0x7c: {  	_ =	shalt  }
0x7d: {  	_ =	shalt  }
0x7e: {  	_ =	shalt  }
0x7f: {  	_ =	shalt  }
0x80: {  	_ =	shalt  }
0x81: {  	_ =	shalt  }
0x82: {  	_ =	shalt  }
0x83: {  	_ =	shalt  }
0x84: {  	_ =	shalt  }
0x85: {  	_ =	shalt  }
0x86: {  	_ =	shalt  }
0x87: {  	_ =	shalt  }
.Lfunc_end0:
.L_simem_size_0:
called_computation.6_lowered:
.L_overlay_start_0:
0x88: {  	s2 =	sld [smem:$0x3FD9]  }
0x89: {  	s3 =	sld [smem:$0x3FFE];
	_ =	sdelay $0x1  }
0x8a: {  	s1 =	srdreg.scid  }
0x8b: {  	s0 =	sand.u32 $0x1, s1  }
0x8c: {  	s17 =	sshll.u32 s0, $0xA;
	s2 =	sadd.s32 s3, s2  }
0x8d: {  	s2 =	sadd.s32 s2, s17  }
0x8e: {  	[smem:$0x3FAF] =	sst s2  }
0x8f: {  	_ = 	snop  }
0x90: {  	(tm) =	ssettm $0x1  }
0x91: {  	s18 =	sld [smem:$0x3FFB];
	_ =	sdelay $0x3  }
0x92: {  	_ =	strace s18  }
0x93: {  	s2 =	sld [smem:$0x3FFC];
	_ =	sdelay $0x3  }
0x94: {  	_ =	strace s2  }
0x95: {  	s2 =	sld [smem:$0x3FFD];
	_ =	sdelay $0x3  }
0x96: {  	_ =	strace s2  }
0x97: {  	_ =	strace $0x8FFFFFFF  }
0x98: {  	s19 =	sld [smem:$0x3FDB];
	_ =	sdelay $0x1  }
0x99: {  	s20 =	simm.s32 $_scs_section_size  }
0x9a: {  	s4 =	simm.s32 $_size__tile_overlayer_lowered;
	s5 =	simm.s32 $_tile_overlayer_lowered  }
0x9b: {  	s6 =	simm.s32 $0x1BFF;
	s21 =	sshll.u32 s5, $0x1;
	s3 =	sadd.s32 s20, s19  }
0x9c: {  	s22 =	simm.s32 $0x0;
	s4 =	sshll.u32 s4, $0x1;
	s5 =	sadd.s32 s21, s3  }
0x9d: {  	[timem:s22], [sflag:s6] =	dma.local [hbm:s5], s4  }
0x9e: {  	_ =	swait.ge [sflag:s6], s4  }
0x9f: {  	s4 =	ssub.s32 $0x0, s4;
	[sflag:s6] =	ssyncset.done $0x0  }
0xa0: {  	[sflag:s6] =	ssyncadd.s32 s4;
	_ =	sdelay $0x1  }
0xa1: {  	s23 =	simm.s32 $0x1B8B  }
0xa2: {  	_ =	swait.ge [sflag:s23], $0x1  }
0xa3: {  	[sflag:s23] =	ssyncset.done $0x0  }
0xa4: {  	[sflag:s23] =	ssyncadd.s32 $0xFFFFFFFF  }
0xa5: {  	s4 =	sld [smem:$0x0]  }
0xa6: {  	s5 =	sand.u32 $0xFFFFFFFE, s1  }
0xa7: {  	p0 =	sne.s32 s1, s5  }
0xa8: {  	s5 =	sshll.u32 @p0 s5, $0xE  }
0xa9: {  	s5 =	sadd.s32 @p0 $0x11B8D, s5;
	s6 =	sshll.u32 @p0 s4, $0x11  }
0xaa: {  	s5 =	sor.u32 @p0 s6, s5  }
0xab: {  	[sflag:s5] =	ssyncadd.remote.s32 @p0 $0x1;
	_ =	sdelay $0x1  }
0xac: {  	s5 =	simm.s32 @p0 $0x1B8D  }
0xad: {  	_ =	swait.eq @p0 [sflag:s5], $0x1  }
0xae: {  	[sflag:s5] =	ssyncadd.s32 @p0 $0xFFFFFFFF  }
0xaf: {  	s6 =	sshll.u32 @!p0 s1, $0xE  }
0xb0: {  	s6 =	sor.u32 @!p0 $0x4000, s6;
	s5 =	simm.s32 @!p0 $0x1B8D  }
0xb1: {  	s4 =	sshll.u32 @!p0 s4, $0x11;
	s6 =	sadd.s32 @!p0 $0x11B8D, s6;
	_ =	swait.eq @!p0 [sflag:s5], $0x1  }
0xb2: {  	s4 =	sor.u32 @!p0 s4, s6;
	[sflag:s5] =	ssyncadd.s32 @!p0 $0xFFFFFFFF  }
0xb3: {  	s25 =	simm.s32 $0x1B8E;
	s24 =	sld [smem:$0x3FFE];
	[sflag:s4] =	ssyncadd.remote.s32 @!p0 $0x1  }
0xb4: {  	s26 =	simm.s32 $execute0_lowered;
	[smem:$0x3FD2] =	sst s25  }
0xb5: {  	s5 =	sshll.u32 s26, $0x1;
	_ =	strace $0x80000058;
	[dreg:$0x1] =	wrdreg $0xFFFFFFFF  }
0xb6: {  	s28 =	simm.s32 $_size_execute0_lowered;
	s3 =	sadd.s32 s3, s5;
	[dreg:$0x0] =	wrdreg $0x0  }
0xb7: {  	s5 =	sshll.u32 s28, $0x1;
	[dreg:$0x2] =	wrdreg s3  }
0xb8: {  	[dreg:$0x3] =	wrdreg s5  }
0xb9: {  	[dreg:$0x4] =	wrdreg $0xC0  }
0xba: {  	_ =	task [dreg:s22], $0x5FFFF  }
0xbb: {  	[dreg:$0x1] =	wrdreg $0xFFFFFFFF  }
0xbc: {  	[dreg:$0x0] =	wrdreg $0x60  }
0xbd: {  	[dreg:$0x2] =	wrdreg s24  }
0xbe: {  	[dreg:$0x3] =	wrdreg $0xA  }
0xbf: {  	_ =	task.clear_ibuf [dreg:s22], $0x4FFFF;
	_ =	strace $0x90000058  }
0xc0: {  	s29 =	simm.s32 $0xA;
	_ =	strace $0x8000005A  }
0xc1: {  	_ =	swait.ge [sflag:s29], $0x1  }
0xc2: {  	[sflag:s29] =	ssyncadd.s32 $0xFFFFFFFF  }
0xc3: {  	_ =	strace $0x9000005A  }
0xc4: {  	_ =	sfence  }
0xc5: {  	s30 =	sld [smem:$0x0];
	_ =	sdelay $0x2  }
0xc6: {  	s31 =	sshll.u32 s1, $0xD;
	s1 =	sshrl.u32 s1, $0x2  }
0xc7: {  	s4 =	sand.u32 $0x4000, s31;
	s1 =	sadd.s32 s1, s30  }
0xc8: {  	s0 =	sor.u32 s4, s0;
	s1 =	sshll.u32 s1, $0x11  }
0xc9: {  	s0 =	sor.u32 s1, s0  }
0xca: {  	s0 =	sadd.s32 $0x8F2B, s0  }
0xcb: {  	[sflag:s0] =	ssyncadd.remote.s32 $0x1  }
0xcc: {  	_ =	sfence.sel $0xFFFF  }
0xcd: {  	[dreg:$0x0] =	wrdreg $0xFFFFFFFF;
	(pc) =	sbr.abs _section_cstart, $3  }
0xce: {  	[dreg:$0x1] =	wrdreg $0xFFFFFFFF  }
0xcf: {  	_ =	task.clear_ibuf [dreg:s22], $0x2FFFF;
	_ =	strace $0x9FFFFFFF  }
0xd0: {  	(tm) =	ssettm $0x7FFFFFFF  }
0xd1: {  	_ =	shalt  }
tec
execute0_lowered:
.L_overlay_start_1:
0x0: {  	(tag) =	ssettag $0x1  }
0x1: {  	s1 =	srdreg.scid;
	s0 =	stileid.u32  }
0x2: {  	s23 =	sand.u32 $0x1, s1;
	s26 =	sshll.u32 s0, $0x1  }
0x3: {  	s9 =	sor.u32 s23, s26  }
0x4: {  	s10 =	rddreg [dreg:$0x0];
	s24 =	smul.u32 $0x1900, s9  }
0x5: {  	s2 =	simm.s32 $0x0;
	s1 =	rddreg [dreg:$0x1]  }
0x6: {  	[smem:$0x7FF] =	sst s2;
	s22 =	sadd.s32 $0x7000, s10;
	s3 =	sshrl.u32 s24, $0x3  }
0x7: {  	_ =	strace $0x80000059;
	s4 =	sadd.s32 s22, s3;
	s3 =	simm.s32 $0x2  }
0x8: {  	[tilespmem:s2], [sflag:$0x2] =	stream.linear.gather [hbm4b:s4+s2], $0x320, $0x38;
	[tilespmem:$0x19380] =	vst v63  }
0x9: {  	_ =	swait.ge [sflag:s3], $0x320  }
0xa: {  	s6 =	simm.s32 $0x320;
	s7 =	simm.s32 $0x380;
	[sflag:s3] =	ssyncset.done $0x0  }
0xb: {  	s8 =	simm.s32 $0x1;
	s5 =	sadd.s32 $0xD5C00, s10;
	[sflag:s3] =	ssyncadd.s32 $0xFFFFFCE0  }
0xc: {  	[tilespmem:s7], [sflag:$0x1] =	stream.indirect.gather [hbm4b:s5+s6], $0x80, s2, s6, $0xb8;
	[tilespmem:$0x19380] =	vst v63  }
0xd: {  	s9 =	smul.u32 $0x19000, s9;
	_ =	swait.ge [sflag:s8], $0x19000  }
0xe: {  	s25 =	sadd.s32 $0x4B9200, s10;
	[sflag:s8] =	ssyncset.done $0x0  }
0xf: {  	s9 =	sadd.s32 s25, s9;
	[sflag:s8] =	ssyncadd.s32 $0xFFFE7000  }
0x10: {  	[hbm4b:s9+s2] =	stream.linear.scatter [tilespmem:s7], [sflag:$0x2], $0x19000, $0x38;
	[tilespmem:$0x19380] =	vst v63  }
0x11: {  	s11 =	sadd.s32 $0x320, s24;
	_ =	swait.ge [sflag:s3], $0x19000  }
0x12: {  	s28 =	sshrl.u32 s11, $0x3;
	[sflag:s3] =	ssyncset.done $0x0  }
0x13: {  	s10 =	sadd.s32 s22, s28;
	[sflag:s3] =	ssyncadd.s32 $0xFFFE7000  }
0x14: {  	[tilespmem:s2], [sflag:$0x2] =	stream.linear.gather [hbm4b:s10+s2], $0x320, $0x38;
	[tilespmem:$0x19380] =	vst v63  }
0x15: {  	_ =	swait.ge [sflag:s3], $0x320  }
0x16: {  	[sflag:s3] =	ssyncset.done $0x0  }
0x17: {  	[sflag:s3] =	ssyncadd.s32 $0xFFFFFCE0  }
0x18: {  	[tilespmem:s7], [sflag:$0x1] =	stream.indirect.gather [hbm4b:s5+s6], $0x80, s2, s6, $0xb8;
	[tilespmem:$0x19380] =	vst v63  }
0x19: {  	_ =	swait.ge [sflag:s8], $0x19000  }
0x1a: {  	s11 =	sshll.u32 s11, $0x4;
	[sflag:s8] =	ssyncset.done $0x0  }
0x1b: {  	s11 =	sadd.s32 s25, s11;
	[sflag:s8] =	ssyncadd.s32 $0xFFFE7000  }
0x1c: {  	[hbm4b:s11+s2] =	stream.linear.scatter [tilespmem:s7], [sflag:$0x2], $0x19000, $0x38;
	[tilespmem:$0x19380] =	vst v63  }
0x1d: {  	s13 =	sadd.s32 $0x640, s24;
	_ =	swait.ge [sflag:s3], $0x19000  }
0x1e: {  	s12 =	sshrl.u32 s13, $0x3;
	[sflag:s3] =	ssyncset.done $0x0  }
0x1f: {  	s12 =	sadd.s32 s22, s12;
	[sflag:s3] =	ssyncadd.s32 $0xFFFE7000  }
0x20: {  	[tilespmem:s2], [sflag:$0x2] =	stream.linear.gather [hbm4b:s12+s2], $0x320, $0x38;
	[tilespmem:$0x19380] =	vst v63  }
0x21: {  	_ =	swait.ge [sflag:s3], $0x320  }
0x22: {  	[sflag:s3] =	ssyncset.done $0x0  }
0x23: {  	[sflag:s3] =	ssyncadd.s32 $0xFFFFFCE0  }
0x24: {  	[tilespmem:s7], [sflag:$0x1] =	stream.indirect.gather [hbm4b:s5+s6], $0x80, s2, s6, $0xb8;
	[tilespmem:$0x19380] =	vst v63  }
0x25: {  	_ =	swait.ge [sflag:s8], $0x19000  }
0x26: {  	s13 =	sshll.u32 s13, $0x4;
	[sflag:s8] =	ssyncset.done $0x0  }
0x27: {  	s13 =	sadd.s32 s25, s13;
	[sflag:s8] =	ssyncadd.s32 $0xFFFE7000  }
0x28: {  	[hbm4b:s13+s2] =	stream.linear.scatter [tilespmem:s7], [sflag:$0x2], $0x19000, $0x38;
	[tilespmem:$0x19380] =	vst v63  }
0x29: {  	s15 =	sadd.s32 $0x960, s24;
	_ =	swait.ge [sflag:s3], $0x19000  }
0x2a: {  	s14 =	sshrl.u32 s15, $0x3;
	[sflag:s3] =	ssyncset.done $0x0  }
0x2b: {  	s14 =	sadd.s32 s22, s14;
	[sflag:s3] =	ssyncadd.s32 $0xFFFE7000  }
0x2c: {  	[tilespmem:s2], [sflag:$0x2] =	stream.linear.gather [hbm4b:s14+s2], $0x320, $0x38;
	[tilespmem:$0x19380] =	vst v63  }
0x2d: {  	_ =	swait.ge [sflag:s3], $0x320  }
0x2e: {  	[sflag:s3] =	ssyncset.done $0x0  }
0x2f: {  	[sflag:s3] =	ssyncadd.s32 $0xFFFFFCE0  }
0x30: {  	[tilespmem:s7], [sflag:$0x1] =	stream.indirect.gather [hbm4b:s5+s6], $0x80, s2, s6, $0xb8;
	[tilespmem:$0x19380] =	vst v63  }
0x31: {  	_ =	swait.ge [sflag:s8], $0x19000  }
0x32: {  	s15 =	sshll.u32 s15, $0x4;
	[sflag:s8] =	ssyncset.done $0x0  }
0x33: {  	s15 =	sadd.s32 s25, s15;
	[sflag:s8] =	ssyncadd.s32 $0xFFFE7000  }
0x34: {  	[hbm4b:s15+s2] =	stream.linear.scatter [tilespmem:s7], [sflag:$0x2], $0x19000, $0x38;
	[tilespmem:$0x19380] =	vst v63  }
0x35: {  	s17 =	sadd.s32 $0xC80, s24;
	_ =	swait.ge [sflag:s3], $0x19000  }
0x36: {  	s16 =	sshrl.u32 s17, $0x3;
	[sflag:s3] =	ssyncset.done $0x0  }
0x37: {  	s16 =	sadd.s32 s22, s16;
	[sflag:s3] =	ssyncadd.s32 $0xFFFE7000  }
0x38: {  	[tilespmem:s2], [sflag:$0x2] =	stream.linear.gather [hbm4b:s16+s2], $0x320, $0x38;
	[tilespmem:$0x19380] =	vst v63  }
0x39: {  	_ =	swait.ge [sflag:s3], $0x320  }
0x3a: {  	[sflag:s3] =	ssyncset.done $0x0  }
0x3b: {  	[sflag:s3] =	ssyncadd.s32 $0xFFFFFCE0  }
0x3c: {  	[tilespmem:s7], [sflag:$0x1] =	stream.indirect.gather [hbm4b:s5+s6], $0x80, s2, s6, $0xb8;
	[tilespmem:$0x19380] =	vst v63  }
0x3d: {  	_ =	swait.ge [sflag:s8], $0x19000  }
0x3e: {  	s17 =	sshll.u32 s17, $0x4;
	[sflag:s8] =	ssyncset.done $0x0  }
0x3f: {  	s17 =	sadd.s32 s25, s17;
	[sflag:s8] =	ssyncadd.s32 $0xFFFE7000  }
0x40: {  	[hbm4b:s17+s2] =	stream.linear.scatter [tilespmem:s7], [sflag:$0x2], $0x19000, $0x38;
	[tilespmem:$0x19380] =	vst v63  }
0x41: {  	s19 =	sadd.s32 $0xFA0, s24;
	_ =	swait.ge [sflag:s3], $0x19000  }
0x42: {  	s18 =	sshrl.u32 s19, $0x3;
	[sflag:s3] =	ssyncset.done $0x0  }
0x43: {  	s18 =	sadd.s32 s22, s18;
	[sflag:s3] =	ssyncadd.s32 $0xFFFE7000  }
0x44: {  	[tilespmem:s2], [sflag:$0x2] =	stream.linear.gather [hbm4b:s18+s2], $0x320, $0x38;
	[tilespmem:$0x19380] =	vst v63  }
0x45: {  	_ =	swait.ge [sflag:s3], $0x320  }
0x46: {  	[sflag:s3] =	ssyncset.done $0x0  }
0x47: {  	[sflag:s3] =	ssyncadd.s32 $0xFFFFFCE0  }
0x48: {  	[tilespmem:s7], [sflag:$0x1] =	stream.indirect.gather [hbm4b:s5+s6], $0x80, s2, s6, $0xb8;
	[tilespmem:$0x19380] =	vst v63  }
0x49: {  	_ =	swait.ge [sflag:s8], $0x19000  }
0x4a: {  	s19 =	sshll.u32 s19, $0x4;
	[sflag:s8] =	ssyncset.done $0x0  }
0x4b: {  	s19 =	sadd.s32 s25, s19;
	[sflag:s8] =	ssyncadd.s32 $0xFFFE7000  }
0x4c: {  	[hbm4b:s19+s2] =	stream.linear.scatter [tilespmem:s7], [sflag:$0x2], $0x19000, $0x38;
	[tilespmem:$0x19380] =	vst v63  }
0x4d: {  	s21 =	sadd.s32 $0x12C0, s24;
	_ =	swait.ge [sflag:s3], $0x19000  }
0x4e: {  	s20 =	sshrl.u32 s21, $0x3;
	[sflag:s3] =	ssyncset.done $0x0  }
0x4f: {  	s20 =	sadd.s32 s22, s20;
	[sflag:s3] =	ssyncadd.s32 $0xFFFE7000  }
0x50: {  	[tilespmem:s2], [sflag:$0x2] =	stream.linear.gather [hbm4b:s20+s2], $0x320, $0x38;
	[tilespmem:$0x19380] =	vst v63  }
0x51: {  	_ =	swait.ge [sflag:s3], $0x320  }
0x52: {  	[sflag:s3] =	ssyncset.done $0x0  }
0x53: {  	[sflag:s3] =	ssyncadd.s32 $0xFFFFFCE0  }
0x54: {  	[tilespmem:s7], [sflag:$0x1] =	stream.indirect.gather [hbm4b:s5+s6], $0x80, s2, s6, $0xb8;
	[tilespmem:$0x19380] =	vst v63  }
0x55: {  	_ =	swait.ge [sflag:s8], $0x19000  }
0x56: {  	s21 =	sshll.u32 s21, $0x4;
	[sflag:s8] =	ssyncset.done $0x0  }
0x57: {  	s21 =	sadd.s32 s25, s21;
	[sflag:s8] =	ssyncadd.s32 $0xFFFE7000  }
0x58: {  	[hbm4b:s21+s2] =	stream.linear.scatter [tilespmem:s7], [sflag:$0x2], $0x19000, $0x38;
	[tilespmem:$0x19380] =	vst v63  }
0x59: {  	s24 =	sadd.s32 $0x15E0, s24;
	_ =	swait.ge [sflag:s3], $0x19000  }
0x5a: {  	s26 =	sshrl.u32 s24, $0x3;
	[sflag:s3] =	ssyncset.done $0x0  }
0x5b: {  	s23 =	ssub.s32 $0x2, s23;
	s22 =	sadd.s32 s22, s26;
	[sflag:s3] =	ssyncadd.s32 $0xFFFE7000  }
0x5c: {  	[tilespmem:s2], [sflag:$0x2] =	stream.linear.gather [hbm4b:s22+s2], $0x320, $0x38;
	[tilespmem:$0x19380] =	vst v63  }
0x5d: {  	s29 =	sshrl.u32 s23, $0x1;
	_ =	swait.ge [sflag:s3], $0x320  }
0x5e: {  	s26 =	ssub.s32 s23, s29;
	[sflag:s3] =	ssyncset.done $0x0  }
0x5f: {  	s31 =	smax.u32 s26, $0x1;
	[sflag:s3] =	ssyncadd.s32 $0xFFFFFCE0  }
0x60: {  	[tilespmem:s7], [sflag:$0x1] =	stream.indirect.gather [hbm4b:s5+s6], $0x80, s2, s6, $0xb8;
	[tilespmem:$0x19380] =	vst v63  }
0x61: {  	p0 =	sne.s32 s31, $0x1;
	_ =	swait.ge [sflag:s8], $0x19000  }
.Ltmp0:
0x62: {  	s30 =	sshll.u32 s24, $0x4;
	[sflag:s8] =	ssyncset.done $0x0;
	(pc) =	sbr.rel @!p0 .LBB2_2-.Ltmp0, $4  }
0x63: {  	s23 =	sadd.s32 s25, s30;
	[sflag:s8] =	ssyncadd.s32 $0xFFFE7000  }
0x64: {  	[hbm4b:s23+s2] =	stream.linear.scatter [tilespmem:s7], [sflag:$0x2], $0x19000, $0x38;
	[tilespmem:$0x19380] =	vst v63  }
0x65: {  	_ =	swait.ge [sflag:s3], $0x19000  }
0x66: {  	s24 =	sadd.s32 $0xFFFFFFFF, s31;
	[sflag:s3] =	ssyncset.done $0x0  }
.LBB2_1:
0x67: {  	p0 =	sne.s32 s24, $0x1;
	s24 =	sadd.s32 $0xFFFFFFFF, s24;
	[sflag:s3] =	ssyncadd.s32 $0xFFFE7000  }
0x68: {  	[tilespmem:s2], [sflag:$0x2] =	stream.linear.gather [hbm4b:s4+s2], $0x320, $0x38;
	[tilespmem:$0x19380] =	vst v63  }
0x69: {  	_ =	swait.ge [sflag:s3], $0x320  }
0x6a: {  	[sflag:s3] =	ssyncset.done $0x0  }
0x6b: {  	[sflag:s3] =	ssyncadd.s32 $0xFFFFFCE0  }
0x6c: {  	[tilespmem:s7], [sflag:$0x1] =	stream.indirect.gather [hbm4b:s5+s6], $0x80, s2, s6, $0xb8;
	[tilespmem:$0x19380] =	vst v63  }
0x6d: {  	_ =	swait.ge [sflag:s8], $0x19000  }
0x6e: {  	[sflag:s8] =	ssyncset.done $0x0  }
0x6f: {  	[sflag:s8] =	ssyncadd.s32 $0xFFFE7000  }
0x70: {  	[hbm4b:s9+s2] =	stream.linear.scatter [tilespmem:s7], [sflag:$0x2], $0x19000, $0x38;
	[tilespmem:$0x19380] =	vst v63  }
0x71: {  	_ =	swait.ge [sflag:s3], $0x19000  }
0x72: {  	[sflag:s3] =	ssyncset.done $0x0  }
0x73: {  	[sflag:s3] =	ssyncadd.s32 $0xFFFE7000  }
0x74: {  	[tilespmem:s2], [sflag:$0x2] =	stream.linear.gather [hbm4b:s10+s2], $0x320, $0x38;
	[tilespmem:$0x19380] =	vst v63  }
0x75: {  	_ =	swait.ge [sflag:s3], $0x320  }
0x76: {  	[sflag:s3] =	ssyncset.done $0x0  }
0x77: {  	[sflag:s3] =	ssyncadd.s32 $0xFFFFFCE0  }
0x78: {  	[tilespmem:s7], [sflag:$0x1] =	stream.indirect.gather [hbm4b:s5+s6], $0x80, s2, s6, $0xb8;
	[tilespmem:$0x19380] =	vst v63  }
0x79: {  	_ =	swait.ge [sflag:s8], $0x19000  }
0x7a: {  	[sflag:s8] =	ssyncset.done $0x0  }
0x7b: {  	[sflag:s8] =	ssyncadd.s32 $0xFFFE7000  }
0x7c: {  	[hbm4b:s11+s2] =	stream.linear.scatter [tilespmem:s7], [sflag:$0x2], $0x19000, $0x38;
	[tilespmem:$0x19380] =	vst v63  }
0x7d: {  	_ =	swait.ge [sflag:s3], $0x19000  }
0x7e: {  	[sflag:s3] =	ssyncset.done $0x0  }
0x7f: {  	[sflag:s3] =	ssyncadd.s32 $0xFFFE7000  }
0x80: {  	[tilespmem:s2], [sflag:$0x2] =	stream.linear.gather [hbm4b:s12+s2], $0x320, $0x38;
	[tilespmem:$0x19380] =	vst v63  }
0x81: {  	_ =	swait.ge [sflag:s3], $0x320  }
0x82: {  	[sflag:s3] =	ssyncset.done $0x0  }
0x83: {  	[sflag:s3] =	ssyncadd.s32 $0xFFFFFCE0  }
0x84: {  	[tilespmem:s7], [sflag:$0x1] =	stream.indirect.gather [hbm4b:s5+s6], $0x80, s2, s6, $0xb8;
	[tilespmem:$0x19380] =	vst v63  }
0x85: {  	_ =	swait.ge [sflag:s8], $0x19000  }
0x86: {  	[sflag:s8] =	ssyncset.done $0x0  }
0x87: {  	[sflag:s8] =	ssyncadd.s32 $0xFFFE7000  }
0x88: {  	[hbm4b:s13+s2] =	stream.linear.scatter [tilespmem:s7], [sflag:$0x2], $0x19000, $0x38;
	[tilespmem:$0x19380] =	vst v63  }
0x89: {  	_ =	swait.ge [sflag:s3], $0x19000  }
0x8a: {  	[sflag:s3] =	ssyncset.done $0x0  }
0x8b: {  	[sflag:s3] =	ssyncadd.s32 $0xFFFE7000  }
0x8c: {  	[tilespmem:s2], [sflag:$0x2] =	stream.linear.gather [hbm4b:s14+s2], $0x320, $0x38;
	[tilespmem:$0x19380] =	vst v63  }
0x8d: {  	_ =	swait.ge [sflag:s3], $0x320  }
0x8e: {  	[sflag:s3] =	ssyncset.done $0x0  }
0x8f: {  	[sflag:s3] =	ssyncadd.s32 $0xFFFFFCE0  }
0x90: {  	[tilespmem:s7], [sflag:$0x1] =	stream.indirect.gather [hbm4b:s5+s6], $0x80, s2, s6, $0xb8;
	[tilespmem:$0x19380] =	vst v63  }
0x91: {  	_ =	swait.ge [sflag:s8], $0x19000  }
0x92: {  	[sflag:s8] =	ssyncset.done $0x0  }
0x93: {  	[sflag:s8] =	ssyncadd.s32 $0xFFFE7000  }
0x94: {  	[hbm4b:s15+s2] =	stream.linear.scatter [tilespmem:s7], [sflag:$0x2], $0x19000, $0x38;
	[tilespmem:$0x19380] =	vst v63  }
0x95: {  	_ =	swait.ge [sflag:s3], $0x19000  }
0x96: {  	[sflag:s3] =	ssyncset.done $0x0  }
0x97: {  	[sflag:s3] =	ssyncadd.s32 $0xFFFE7000  }
0x98: {  	[tilespmem:s2], [sflag:$0x2] =	stream.linear.gather [hbm4b:s16+s2], $0x320, $0x38;
	[tilespmem:$0x19380] =	vst v63  }
0x99: {  	_ =	swait.ge [sflag:s3], $0x320  }
0x9a: {  	[sflag:s3] =	ssyncset.done $0x0  }
0x9b: {  	[sflag:s3] =	ssyncadd.s32 $0xFFFFFCE0  }
0x9c: {  	[tilespmem:s7], [sflag:$0x1] =	stream.indirect.gather [hbm4b:s5+s6], $0x80, s2, s6, $0xb8;
	[tilespmem:$0x19380] =	vst v63  }
0x9d: {  	_ =	swait.ge [sflag:s8], $0x19000  }
0x9e: {  	[sflag:s8] =	ssyncset.done $0x0  }
0x9f: {  	[sflag:s8] =	ssyncadd.s32 $0xFFFE7000  }
0xa0: {  	[hbm4b:s17+s2] =	stream.linear.scatter [tilespmem:s7], [sflag:$0x2], $0x19000, $0x38;
	[tilespmem:$0x19380] =	vst v63  }
0xa1: {  	_ =	swait.ge [sflag:s3], $0x19000  }
0xa2: {  	[sflag:s3] =	ssyncset.done $0x0  }
0xa3: {  	[sflag:s3] =	ssyncadd.s32 $0xFFFE7000  }
0xa4: {  	[tilespmem:s2], [sflag:$0x2] =	stream.linear.gather [hbm4b:s18+s2], $0x320, $0x38;
	[tilespmem:$0x19380] =	vst v63  }
0xa5: {  	_ =	swait.ge [sflag:s3], $0x320  }
0xa6: {  	[sflag:s3] =	ssyncset.done $0x0  }
0xa7: {  	[sflag:s3] =	ssyncadd.s32 $0xFFFFFCE0  }
0xa8: {  	[tilespmem:s7], [sflag:$0x1] =	stream.indirect.gather [hbm4b:s5+s6], $0x80, s2, s6, $0xb8;
	[tilespmem:$0x19380] =	vst v63  }
0xa9: {  	_ =	swait.ge [sflag:s8], $0x19000  }
0xaa: {  	[sflag:s8] =	ssyncset.done $0x0  }
0xab: {  	[sflag:s8] =	ssyncadd.s32 $0xFFFE7000  }
0xac: {  	[hbm4b:s19+s2] =	stream.linear.scatter [tilespmem:s7], [sflag:$0x2], $0x19000, $0x38;
	[tilespmem:$0x19380] =	vst v63  }
0xad: {  	_ =	swait.ge [sflag:s3], $0x19000  }
0xae: {  	[sflag:s3] =	ssyncset.done $0x0  }
0xaf: {  	[sflag:s3] =	ssyncadd.s32 $0xFFFE7000  }
0xb0: {  	[tilespmem:s2], [sflag:$0x2] =	stream.linear.gather [hbm4b:s20+s2], $0x320, $0x38;
	[tilespmem:$0x19380] =	vst v63  }
0xb1: {  	_ =	swait.ge [sflag:s3], $0x320  }
0xb2: {  	[sflag:s3] =	ssyncset.done $0x0  }
0xb3: {  	[sflag:s3] =	ssyncadd.s32 $0xFFFFFCE0  }
0xb4: {  	[tilespmem:s7], [sflag:$0x1] =	stream.indirect.gather [hbm4b:s5+s6], $0x80, s2, s6, $0xb8;
	[tilespmem:$0x19380] =	vst v63  }
0xb5: {  	_ =	swait.ge [sflag:s8], $0x19000  }
0xb6: {  	[sflag:s8] =	ssyncset.done $0x0  }
0xb7: {  	[sflag:s8] =	ssyncadd.s32 $0xFFFE7000  }
0xb8: {  	[hbm4b:s21+s2] =	stream.linear.scatter [tilespmem:s7], [sflag:$0x2], $0x19000, $0x38;
	[tilespmem:$0x19380] =	vst v63  }
0xb9: {  	_ =	swait.ge [sflag:s3], $0x19000  }
0xba: {  	[sflag:s3] =	ssyncset.done $0x0  }
0xbb: {  	[sflag:s3] =	ssyncadd.s32 $0xFFFE7000  }
0xbc: {  	[tilespmem:s2], [sflag:$0x2] =	stream.linear.gather [hbm4b:s22+s2], $0x320, $0x38;
	[tilespmem:$0x19380] =	vst v63  }
0xbd: {  	_ =	swait.ge [sflag:s3], $0x320  }
0xbe: {  	[sflag:s3] =	ssyncset.done $0x0  }
0xbf: {  	[sflag:s3] =	ssyncadd.s32 $0xFFFFFCE0  }
0xc0: {  	[tilespmem:s7], [sflag:$0x1] =	stream.indirect.gather [hbm4b:s5+s6], $0x80, s2, s6, $0xb8;
	[tilespmem:$0x19380] =	vst v63  }
0xc1: {  	_ =	swait.ge [sflag:s8], $0x19000  }
.Ltmp1:
0xc2: {  	[sflag:s8] =	ssyncset.done $0x0;
	(pc) =	sbr.rel @p0 .LBB2_1-.Ltmp1, $4  }
0xc3: {  	[sflag:s8] =	ssyncadd.s32 $0xFFFE7000  }
0xc4: {  	[hbm4b:s23+s2] =	stream.linear.scatter [tilespmem:s7], [sflag:$0x2], $0x19000, $0x38;
	[tilespmem:$0x19380] =	vst v63  }
0xc5: {  	_ =	swait.ge [sflag:s3], $0x19000  }
0xc6: {  	[sflag:s3] =	ssyncset.done $0x0  }
.LBB2_2:
0xc7: {  	[sflag:s3] =	ssyncadd.s32 $0xFFFE7000  }
0xc8: {  	_ =	sfence.sel $0x180000  }
0xc9: {  	[bflag:$0x0] =	sbarrier.arrive $0xFFFF  }
0xca: {  	p0 =	sne.s32 s0, $0x0;
	_ =	strace $0x90000059  }
0xcb: {  	s0 =	sadd.s32 @!p0 $0x100000, s1;
	[bflag:$0x2] =	sbarrier.arrive $0xFFFF  }
0xcc: {  	[sflag:s0] =	ssyncadd.tile.s32 @!p0 $0x1;
	_ =	shalt  }
.Lfunc_end2:
_tile_overlayer_lowered:
.L_overlay_start_2:
0xcd: {  	(tag) =	ssettag $0x2  }
0xce: {  	s0 =	rddreg [dreg:$0x0];
	s2 =	stileid.u32  }
0xcf: {  	s1 =	rddreg [dreg:$0x1];
	p0 =	sne.s32 s2, $0x0  }
0xd0: {  	s3 =	rddreg [dreg:$0x2];
	[bflag:$0x3] =	sbarrier.arrive $0xFFFF;
	s2 =	simm.s32 @!p0 $0x1C02  }
0xd1: {  	[timem:s3], [sflag:s2] =	dma.local @!p0 [hbm:s0], s1  }
0xd2: {  	s0 =	simm.s32 @!p0 $0x2  }
0xd3: {  	_ =	swait.ge @!p0 [sflag:s0], s1  }
0xd4: {  	s1 =	ssub.s32 @!p0 $0x0, s1;
	[sflag:s0] =	ssyncset.done @!p0 $0x0  }
0xd5: {  	[sflag:s0] =	ssyncadd.s32 @!p0 s1  }
0xd6: {  	[bflag:$0x3] =	sbarrier.arrive $0xFFFF  }
0xd7: {  	_ =	shalt  }

</sc_bundles>
